<compile_context>
chip_gen: v7x
topology: tpu7x:2x2x1
jax: 0.10.2.dev20260603
libtpu: 0.0.44.dev20260713+nightly
codegen_flags: <defaults>
</compile_context>

<pallas_src>
import functools

import jax
import jax.numpy as jnp
import numpy as np
from jax import lax
from jax.experimental import pallas as pl
from jax.experimental.pallas import tpu as pltpu
from jax.experimental.pallas import tpu_sc as plsc

N = 50000
E = 800000
NODE_F = 4
EDGE_F = 16
HID = 128
OUT1 = 28
OUTP = 32
EPS = 1e-5

NC = 2
NS = 16
NW = NC * NS
CHUNK = 128
NCHUNKS = E // CHUNK
BASE_CH = NCHUNKS // NW
EXTRA = NCHUNKS - BASE_CH * NW
ROWS_PER_TILE = 3136
NPAD = NS * ROWS_PER_TILE

BLK_A = 8000
BLK_B = 6400
BLK_N = 5000

_f32 = jnp.float32

_XB = np.zeros((128, 16 * 128), np.float32)
for _m in range(16):
    for _i in range(NODE_F):
        _XB[8 * _m + _i, 128 * _m + 32 * _i:128 * _m + 32 * (_i + 1)] = 1.0

_GS = np.zeros((4, 128, 128), np.float32)
for _u in range(4):
    for _i2 in range(4):
        for _o in range(32):
            _GS[_u, 32 * _i2 + _o, 32 * _u + _o] = 1.0


def _moments_body(ea_ref, g_ref, s_ref, pk_ref, acc_g, acc_s):
    i = pl.program_id(0)

    @pl.when(i == 0)
    def _init():
        acc_g[...] = jnp.zeros_like(acc_g)
        acc_s[...] = jnp.zeros_like(acc_s)

    blk = ea_ref[...]
    acc_g[...] += lax.dot_general(blk, blk, (((0,), (0,)), ((), ())),
                                  preferred_element_type=_f32)
    acc_s[...] += jnp.sum(blk, axis=0, keepdims=True)
    blk3 = blk.reshape(BLK_A // 8, 8, EDGE_F)
    pk_ref[...] = jnp.concatenate(
        [blk3[:, j, :] for j in range(8)], axis=1)

    @pl.when(i == pl.num_programs(0) - 1)
    def _emit():
        g_ref[...] = acc_g[...]
        s_ref[...] = acc_s[...]


def _moments(edge_attr):
    return pl.pallas_call(
        _moments_body,
        grid=(E // BLK_A,),
        in_specs=[pl.BlockSpec((BLK_A, EDGE_F), lambda i: (i, 0))],
        out_specs=[pl.BlockSpec((EDGE_F, EDGE_F), lambda i: (0, 0)),
                   pl.BlockSpec((1, EDGE_F), lambda i: (0, 0)),
                   pl.BlockSpec((BLK_A // 8, 128), lambda i: (i, 0))],
        out_shape=[jax.ShapeDtypeStruct((EDGE_F, EDGE_F), _f32),
                   jax.ShapeDtypeStruct((1, EDGE_F), _f32),
                   jax.ShapeDtypeStruct((E // 8, 128), _f32)],
        scratch_shapes=[pltpu.VMEM((EDGE_F, EDGE_F), _f32),
                        pltpu.VMEM((1, EDGE_F), _f32)],
    )(edge_attr)


def _worker_partition(wid):
    n = BASE_CH + jnp.where(wid < EXTRA, 1, 0)
    start = wid * BASE_CH + jnp.minimum(wid, EXTRA)
    return start, n


SUP = 8


def _sc_gather(x_pad, src):
    mesh = plsc.VectorSubcoreMesh(core_axis_name="c", subcore_axis_name="s")

    @functools.partial(
        pl.kernel,
        out_type=jax.ShapeDtypeStruct((E, 8), _f32),
        mesh=mesh,
        compiler_params=pltpu.CompilerParams(use_tc_tiling_on_sc=False),
        scratch_types=[pltpu.VMEM((SUP * CHUNK,), jnp.int32),
                       pltpu.VMEM((SUP * CHUNK, 8), _f32),
                       pltpu.SemaphoreType.DMA],
    )
    def gk(x_hbm, src_hbm, out_hbm, idx_v, rows_v, sem):
        wid = lax.axis_index("s") * NC + lax.axis_index("c")
        start, n = _worker_partition(wid)

        def super_body(t, carry):
            off = (start + t * SUP) * CHUNK
            pltpu.sync_copy(src_hbm.at[pl.ds(off, SUP * CHUNK)], idx_v)
            copies = [
                pltpu.async_copy(x_hbm.at[idx_v.at[pl.ds(k * CHUNK, CHUNK)]],
                                 rows_v.at[pl.ds(k * CHUNK, CHUNK)], sem)
                for k in range(SUP)]
            for c in copies:
                c.wait()
            pltpu.sync_copy(rows_v, out_hbm.at[pl.ds(off, SUP * CHUNK)])
            return carry

        def tail_body(j, carry):
            off = (start + j) * CHUNK
            pltpu.sync_copy(src_hbm.at[pl.ds(off, CHUNK)],
                            idx_v.at[pl.ds(0, CHUNK)])
            pltpu.async_copy(x_hbm.at[idx_v.at[pl.ds(0, CHUNK)]],
                             rows_v.at[pl.ds(0, CHUNK)], sem).wait()
            pltpu.sync_copy(rows_v.at[pl.ds(0, CHUNK)],
                            out_hbm.at[pl.ds(off, CHUNK)])
            return carry

        nsup = n // SUP
        lax.fori_loop(0, nsup, super_body, 0)
        lax.fori_loop(nsup * SUP, n, tail_body, 0)

    return gk(x_pad, src)


def _edge_body(ea_ref, xj_ref, w1_ref, c1_ref, w2_ref, b2_ref, xb_ref,
               gsp_ref, msg_ref):
    h1p = jnp.maximum(
        jnp.dot(ea_ref[...], w1_ref[...], preferred_element_type=_f32)
        + c1_ref[...], 0.0)
    h1 = h1p.reshape(BLK_B, HID)
    h2 = jnp.maximum(
        jnp.dot(h1, w2_ref[...], preferred_element_type=_f32)
        + b2_ref[...], 0.0)
    xbc = jnp.dot(xj_ref[...], xb_ref[...],
                  preferred_element_type=_f32).reshape(BLK_B, 128)
    t = (xbc * h2).reshape(BLK_B // 4, 4, 128)
    msg_ref[...] = sum(
        jnp.dot(t[:, u, :], gsp_ref[u], preferred_element_type=_f32)
        for u in range(4))


def _edge_msgs(ea_packed, xj_packed, w1big, c1big, w2p, b2p, xbig, gsp):
    return pl.pallas_call(
        _edge_body,
        grid=(E // BLK_B,),
        in_specs=[pl.BlockSpec((BLK_B // 8, 128), lambda i: (i, 0)),
                  pl.BlockSpec((BLK_B // 16, 128), lambda i: (i, 0)),
                  pl.BlockSpec((HID, 8 * HID), lambda i: (0, 0)),
                  pl.BlockSpec((1, 8 * HID), lambda i: (0, 0)),
                  pl.BlockSpec((HID, HID), lambda i: (0, 0)),
                  pl.BlockSpec((1, HID), lambda i: (0, 0)),
                  pl.BlockSpec((128, 16 * 128), lambda i: (0, 0)),
                  pl.BlockSpec((4, 128, 128), lambda i: (0, 0, 0))],
        out_specs=pl.BlockSpec((BLK_B // 4, 128), lambda i: (i, 0)),
        out_shape=jax.ShapeDtypeStruct((E // 4, 128), _f32),
    )(ea_packed, xj_packed, w1big, c1big, w2p, b2p, xbig, gsp)


H_HALF = NPAD // 2
ROWS_T = H_HALF // NS
ACC_ROWS = H_HALF + NS
CH_BASE = NCHUNKS // NS
CH_EXTRA = NCHUNKS - CH_BASE * NS


def _sc_scatter(msg, dst, zrows):
    mesh = plsc.VectorSubcoreMesh(core_axis_name="c", subcore_axis_name="s")

    @functools.partial(
        pl.kernel,
        out_type=jax.ShapeDtypeStruct((NPAD, OUTP), _f32),
        mesh=mesh,
        compiler_params=pltpu.CompilerParams(use_tc_tiling_on_sc=False),
        scratch_types=[pltpu.VMEM((SUP * CHUNK,), jnp.int32),
                       pltpu.VMEM((SUP, CHUNK), jnp.int32),
                       pltpu.VMEM((SUP * CHUNK, OUTP), _f32),
                       pltpu.VMEM_SHARED((ACC_ROWS, OUTP), _f32),
                       pltpu.SemaphoreType.DMA],
    )
    def sk(msg_hbm, dst_hbm, z_hbm, out_hbm, idx_v, loc_v, rows_v,
           accum, sem):
        cid = lax.axis_index("c")
        sid = lax.axis_index("s")
        base_node = cid * H_HALF
        pltpu.sync_copy(z_hbm, accum.at[pl.ds(sid * ROWS_T, ROWS_T)])
        plsc.subcore_barrier()

        n = CH_BASE + jnp.where(sid < CH_EXTRA, 1, 0)
        start = sid * CH_BASE + jnp.minimum(sid, CH_EXTRA)

        def filter_chunk(k):
            for m in range(CHUNK // 16):
                v = idx_v[pl.ds(k * CHUNK + m * 16, 16)] - base_node
                ok = (v >= 0) & (v < H_HALF)
                loc_v[k, pl.ds(m * 16, 16)] = jnp.where(
                    ok, v, jnp.int32(H_HALF))

        def super_body(t, carry):
            off = (start + t * SUP) * CHUNK
            pltpu.sync_copy(dst_hbm.at[pl.ds(off, SUP * CHUNK)], idx_v)
            pltpu.sync_copy(msg_hbm.at[pl.ds(off, SUP * CHUNK)], rows_v)
            copies = []
            for k in range(SUP):
                filter_chunk(k)
                copies.append(pltpu.async_copy(
                    rows_v.at[pl.ds(k * CHUNK, CHUNK)],
                    accum.at[loc_v.at[k]], sem, add=True))
            for c in copies:
                c.wait()
            return carry

        def tail_body(j, carry):
            off = (start + j) * CHUNK
            pltpu.sync_copy(dst_hbm.at[pl.ds(off, CHUNK)],
                            idx_v.at[pl.ds(0, CHUNK)])
            pltpu.sync_copy(msg_hbm.at[pl.ds(off, CHUNK)],
                            rows_v.at[pl.ds(0, CHUNK)])
            filter_chunk(0)
            pltpu.sync_copy(rows_v.at[pl.ds(0, CHUNK)],
                            accum.at[loc_v.at[0]], add=True)
            return carry

        nsup = n // SUP
        lax.fori_loop(0, nsup, super_body, 0)
        lax.fori_loop(nsup * SUP, n, tail_body, 0)
        plsc.subcore_barrier()
        pltpu.sync_copy(accum.at[pl.ds(sid * ROWS_T, ROWS_T)],
                        out_hbm.at[pl.ds(base_node + sid * ROWS_T, ROWS_T)])

    return sk(msg, dst, zrows)


def _c1_body(p_ref, x_ref, r_ref, b_ref, out_ref, st_ref, acc):
    i = pl.program_id(0)

    @pl.when(i == 0)
    def _init():
        acc[...] = jnp.zeros_like(acc)

    blk = (p_ref[...]
           + jnp.dot(x_ref[...], r_ref[...], preferred_element_type=_f32)
           + b_ref[...])
    out_ref[...] = blk
    acc[0:1, :] += jnp.sum(blk, axis=0, keepdims=True)
    acc[1:2, :] += jnp.sum(blk * blk, axis=0, keepdims=True)

    @pl.when(i == pl.num_programs(0) - 1)
    def _emit():
        st_ref[...] = acc[...]


def _combine(p, x, root32, bias32):
    return pl.pallas_call(
        _c1_body,
        grid=(N // BLK_N,),
        in_specs=[pl.BlockSpec((BLK_N, OUTP), lambda i: (i, 0)),
                  pl.BlockSpec((BLK_N, NODE_F), lambda i: (i, 0)),
                  pl.BlockSpec((NODE_F, OUTP), lambda i: (0, 0)),
                  pl.BlockSpec((1, OUTP), lambda i: (0, 0))],
        out_specs=[pl.BlockSpec((BLK_N, OUTP), lambda i: (i, 0)),
                   pl.BlockSpec((2, OUTP), lambda i: (0, 0))],
        out_shape=[jax.ShapeDtypeStruct((N, OUTP), _f32),
                   jax.ShapeDtypeStruct((2, OUTP), _f32)],
        scratch_shapes=[pltpu.VMEM((2, OUTP), _f32)],
    )(p, x, root32, bias32)


def _c2_body(o_ref, inv_ref, sh_ref, y_ref):
    y_ref[...] = jnp.maximum(o_ref[...] * inv_ref[...] + sh_ref[...], 0.0)


def _epilogue(out32, inv32, sh32):
    return pl.pallas_call(
        _c2_body,
        grid=(N // BLK_N,),
        in_specs=[pl.BlockSpec((BLK_N, OUTP), lambda i: (i, 0)),
                  pl.BlockSpec((1, OUTP), lambda i: (0, 0)),
                  pl.BlockSpec((1, OUTP), lambda i: (0, 0))],
        out_specs=pl.BlockSpec((BLK_N, OUTP), lambda i: (i, 0)),
        out_shape=jax.ShapeDtypeStruct((N, OUTP), _f32),
    )(out32, inv32, sh32)


def kernel(x, edge_index, edge_attr, W1, b1, bn1_g, bn1_b, W2, b2,
           root, bias, bn_g, bn_b):
    src = edge_index[0]
    dst = edge_index[1]

    G, s, ea_packed = _moments(edge_attr)
    mu = s[0] / E
    cov = G / E - jnp.outer(mu, mu)
    var_h = jnp.sum(W1 * (cov @ W1), axis=0)
    mean_h = mu @ W1 + b1
    scale = bn1_g / jnp.sqrt(var_h + EPS)
    w1f = W1 * scale[None, :]
    c1 = (b1 - mean_h) * scale + bn1_b
    c1 = c1.reshape(1, HID)

    w2g = W2.reshape(HID, NODE_F, OUT1)
    w2p = jnp.zeros((HID, NODE_F, OUTP), _f32).at[:, :, :OUT1].set(w2g)
    w2p = w2p.reshape(HID, NODE_F * OUTP)
    b2g = b2.reshape(NODE_F, OUT1)
    b2p = jnp.zeros((NODE_F, OUTP), _f32).at[:, :OUT1].set(b2g)
    b2p = b2p.reshape(1, NODE_F * OUTP)

    x_pad = jnp.concatenate([x, jnp.zeros((N, 8 - NODE_F), _f32)], axis=1)
    x_j = _sc_gather(x_pad, src)

    xj_packed = jnp.reshape(x_j, (E // 16, 128))
    w1big = jnp.kron(jnp.eye(8, dtype=_f32), w1f)
    c1big = jnp.tile(c1, (1, 8))
    msg_packed = _edge_msgs(ea_packed, xj_packed, w1big, c1big, w2p, b2p,
                            jnp.asarray(_XB), jnp.asarray(_GS))

    msg = jnp.reshape(msg_packed, (E, OUTP))
    zrows = jnp.zeros((ROWS_T, OUTP), _f32)
    aggr = _sc_scatter(msg, dst, zrows)

    root32 = jnp.concatenate([root, jnp.eye(NODE_F, dtype=_f32)], axis=1)
    bias32 = jnp.concatenate([bias, jnp.zeros((NODE_F,), _f32)])
    bias32 = bias32.reshape(1, OUTP)
    out32, st = _combine(aggr, x, root32, bias32)

    mean = st[0] / N
    var = st[1] / N - mean * mean
    inv = jnp.concatenate([bn_g, jnp.ones((NODE_F,), _f32)])
    inv = inv / jnp.sqrt(jnp.concatenate(
        [var[:OUT1], jnp.ones((NODE_F,), _f32)]) + jnp.concatenate(
        [jnp.full((OUT1,), EPS, _f32), jnp.zeros((NODE_F,), _f32)]))
    sh = jnp.concatenate([bn_b, jnp.zeros((NODE_F,), _f32)]) - mean * inv
    sh = sh.at[OUT1:].set(0.0)

    return _epilogue(out32, inv.reshape(1, OUTP), sh.reshape(1, OUTP))

# --- scband reference (transcript-rebuilt; emitter-appended) ---
"""Pipeline reference for scband-net-variable-classes-57337813401735 (READ-ONLY COPY).

The authoritative reference and input builder live on the scoring server;
editing this copy changes nothing except your own understanding.
"""

import jax, jax.numpy as jnp
import numpy as np

N = 50000
E = 800000
NODE_F = 4
EDGE_F = 16
HID = 128
OUT1 = 28  # abstract_feature_num - 4
EPS = 1e-5


def _bn(h, g, b):
    m = jnp.mean(h, axis=0)
    v = jnp.var(h, axis=0)
    return (h - m) / jnp.sqrt(v + EPS) * g + b


def setup_inputs(seed: int = 0) -> dict:
    key = jax.random.key(seed)
    ks = jax.random.split(key, 16)
    inp = {}
    inp["x"] = jax.random.normal(ks[0], (N, NODE_F), dtype=jnp.float32)
    inp["edge_index"] = jax.random.randint(ks[1], (2, E), 0, N, dtype=jnp.int32)
    inp["edge_attr"] = jax.random.normal(ks[2], (E, EDGE_F), dtype=jnp.float32)
    # twoLayerNet1 params (edge-feature MLP producing per-edge weight matrices)
    inp["W1"] = jax.random.normal(ks[3], (EDGE_F, HID), dtype=jnp.float32) * (1.0 / np.sqrt(EDGE_F))
    inp["b1"] = jnp.zeros((HID,), dtype=jnp.float32)
    inp["bn1_g"] = jnp.ones((HID,), dtype=jnp.float32)
    inp["bn1_b"] = jnp.zeros((HID,), dtype=jnp.float32)
    inp["W2"] = jax.random.normal(ks[4], (HID, NODE_F * OUT1), dtype=jnp.float32) * (1.0 / np.sqrt(HID))
    inp["b2"] = jnp.zeros((NODE_F * OUT1,), dtype=jnp.float32)
    # NNConv root weight + bias (in=4, out=28)
    inp["root"] = jax.random.normal(ks[5], (NODE_F, OUT1), dtype=jnp.float32) * (1.0 / np.sqrt(NODE_F))
    inp["bias"] = jnp.zeros((OUT1,), dtype=jnp.float32)
    # dense1_bn params
    inp["bn_g"] = jnp.ones((OUT1,), dtype=jnp.float32)
    inp["bn_b"] = jnp.zeros((OUT1,), dtype=jnp.float32)
    return inp


def reference(x, edge_index, edge_attr, W1, b1, bn1_g, bn1_b, W2, b2, root, bias, bn_g, bn_b):
    src = edge_index[0]
    dst = edge_index[1]
    # twoLayerNet1: Linear -> BatchNorm1d (training-mode batch stats) -> relu -> Linear -> relu
    h = edge_attr @ W1 + b1
    h = _bn(h, bn1_g, bn1_b)
    h = jax.nn.relu(h)
    h = jax.nn.relu(h @ W2 + b2)
    w_e = h.reshape(E, NODE_F, OUT1)
    # NNConv message: x_j (gather at src) transformed by per-edge weight matrix
    x_j = jnp.take(x, src, axis=0)
    msg = jnp.einsum("ei,eio->eo", x_j, w_e)
    # aggregate (sum) at destination nodes
    aggr = jax.ops.segment_sum(msg, dst, num_segments=N)
    out = aggr + x @ root + bias
    # dense1_bn + relu(cat(x, x_skip))
    out = _bn(out, bn_g, bn_b)
    out = jax.nn.relu(jnp.concatenate([out, x], axis=1))
    return out

if __name__ == "__main__":
    import jax
    _d = setup_inputs()
    print(jax.jit(kernel)(*tuple(_d.values())))

</pallas_src>

<mosaic_0001>
#map = affine_map<(d0, d1) -> (0, 0)>
#map1 = affine_map<(d0, d1) -> (0)>
module attributes {stable_mosaic.version = 14 : i64} {
  func.func @sk(%arg0: i32, %arg1: i32, %arg2: memref<800000x32xf32, #tpu.memory_space<hbm>>, %arg3: memref<800000xi32, #tpu.memory_space<hbm>>, %arg4: memref<1568x32xf32, #tpu.memory_space<hbm>>, %arg5: memref<50176x32xf32, #tpu.memory_space<hbm>>, %arg6: memref<1024xi32, #tpu.memory_space<vmem>>, %arg7: memref<8x128xi32, #tpu.memory_space<vmem>>, %arg8: memref<1024x32xf32, #tpu.memory_space<vmem>>, %arg9: memref<25104x32xf32, #tpu.memory_space<vmem_shared>>, %arg10: memref<!tpu.dma_semaphore, #tpu.memory_space<semaphore_mem>>) attributes {dimension_semantics = [#tpu.dimension_semantics<core_parallel>, #tpu.dimension_semantics<subcore_parallel>], iteration_bounds = array<i64: 2, 16>, scalar_prefetch = 0 : i64, scratch_operands = 5 : i64, tpu.core_type = #tpu.core_type<sc_vector_subcore>, window_params = [{transform_indices = #map}, {transform_indices = #map1}, {transform_indices = #map}, {transform_indices = #map}]} {
    %mul3A = arith.constant 25088 : i32
    %mul3A_0 = arith.muli %arg0, %mul3A : i32
    %mul3A_1 = arith.constant 1568 : i32
    %mul3A_2 = arith.muli %arg1, %mul3A_1 : i32
    "tpu.region"() ({
      %run_scoped3A = tpu.sem_alloc : memref<!tpu.dma_semaphore, #tpu.memory_space<semaphore_mem>>
      %dma_start3A = arith.constant 0 : i32
      %dma_start3A_54 = tpu.memref_slice %arg9[%mul3A_2, %dma_start3A] : memref<25104x32xf32, #tpu.memory_space<vmem_shared>> -> memref<1568x32xf32, #tpu.memory_space<vmem_shared>>
      tpu.enqueue_dma source(%arg4 : memref<1568x32xf32, #tpu.memory_space<hbm>>) target(%dma_start3A_54 : memref<1568x32xf32, #tpu.memory_space<vmem_shared>>) target_semaphore(%run_scoped3A : memref<!tpu.dma_semaphore, #tpu.memory_space<semaphore_mem>>)
      %dma_wait3A = arith.constant 0 : i32
      %dma_wait3A_55 = tpu.memref_slice %arg9[%mul3A_2, %dma_wait3A] : memref<25104x32xf32, #tpu.memory_space<vmem_shared>> -> memref<1568x32xf32, #tpu.memory_space<vmem_shared>>
      tpu.wait_dma2 semaphore(%run_scoped3A : memref<!tpu.dma_semaphore, #tpu.memory_space<semaphore_mem>>) src(%arg4 : memref<1568x32xf32, #tpu.memory_space<hbm>>) dst(%dma_wait3A_55 : memref<1568x32xf32, #tpu.memory_space<vmem_shared>>)
      tpu.yield
    }) : () -> ()
    %barrier3A = arith.constant 0 : index
    tpu.barrier barrier_id(%barrier3A)
    %lt3A = arith.constant 10 : i32
    %lt3A_3 = arith.cmpi slt, %arg1, %lt3A : i32
    %jit3A = arith.constant 1 : i32
    %jit3A_4 = arith.constant 0 : i32
    %select_n3A = arith.select %lt3A_3, %jit3A, %jit3A_4 : i32
    %add3A = arith.constant 390 : i32
    %add3A_5 = arith.addi %add3A, %select_n3A : i32
    %mul3A_6 = arith.constant 390 : i32
    %mul3A_7 = arith.muli %arg1, %mul3A_6 : i32
    %min3A = arith.constant 10 : i32
    %min3A_8 = arith.minsi %arg1, %min3A : i32
    %add3A_9 = arith.addi %mul3A_7, %min3A_8 : i32
    %jit3A_10 = arith.constant 8 : i32
    %div3A = arith.divsi %add3A_5, %jit3A_10 : i32
    %sign3A = arith.constant 0 : i32
    %sign3A_11 = arith.cmpi sgt, %add3A_5, %sign3A : i32
    %sign3A_12 = arith.extui %sign3A_11 : i1 to i32
    %sign3A_13 = arith.constant 0 : i32
    %sign3A_14 = arith.cmpi slt, %add3A_5, %sign3A_13 : i32
    %sign3A_15 = arith.extui %sign3A_14 : i1 to i32
    %sign3A_16 = arith.subi %sign3A_12, %sign3A_15 : i32
    %sign3A_17 = arith.constant 0 : i32
    %sign3A_18 = arith.cmpi sgt, %jit3A_10, %sign3A_17 : i32
    %sign3A_19 = arith.extui %sign3A_18 : i1 to i32
    %sign3A_20 = arith.constant 0 : i32
    %sign3A_21 = arith.cmpi slt, %jit3A_10, %sign3A_20 : i32
    %sign3A_22 = arith.extui %sign3A_21 : i1 to i32
    %sign3A_23 = arith.subi %sign3A_19, %sign3A_22 : i32
    %ne3A = arith.cmpi ne, %sign3A_16, %sign3A_23 : i32
    %rem3A = arith.remsi %add3A_5, %jit3A_10 : i32
    %ne3A_24 = arith.constant 0 : i32
    %ne3A_25 = arith.cmpi ne, %rem3A, %ne3A_24 : i32
    %and3A = arith.andi %ne3A, %ne3A_25 : i1
    %sub3A = arith.constant 1 : i32
    %sub3A_26 = arith.subi %div3A, %sub3A : i32
    %select_n3A_27 = arith.select %and3A, %sub3A_26, %div3A : i32
    %while3A = arith.constant 0 : i32
    %while3A_28 = arith.constant 0 : i32
    %while3A_29 = arith.subi %select_n3A_27, %while3A_28 : i32
    %while3A_30 = arith.addi %while3A_28, %while3A_29 : i32
    %while3A_31 = arith.constant 1 : i32
    %while3A_32 = arith.divsi %while3A_29, %while3A_31 : i32
    %while3A_33 = arith.muli %while3A_32, %while3A_31 : i32
    %while3A_34 = arith.addi %while3A_28, %while3A_33 : i32
    %while3A_35 = arith.constant 1 : i32
    scf.for %while3A_54 = %while3A_28 to %while3A_34 step %while3A_35  : i32 {
      %mul3A_55 = arith.constant 8 : i32
      %mul3A_56 = arith.muli %while3A_54, %mul3A_55 : i32
      %add3A_57 = arith.addi %add3A_9, %mul3A_56 : i32
      %mul3A_58 = arith.constant 128 : i32
      %mul3A_59 = arith.muli %add3A_57, %mul3A_58 : i32
      "tpu.region"() ({
        %run_scoped3A = tpu.sem_alloc : memref<!tpu.dma_semaphore, #tpu.memory_space<semaphore_mem>>
        %dma_start3A_1558 = tpu.memref_slice %arg3[%mul3A_59] : memref<800000xi32, #tpu.memory_space<hbm>> -> memref<1024xi32, #tpu.memory_space<hbm>>
        %dma_start3A_1559 = tpu.memref_slice %arg3[%mul3A_59] : memref<800000xi32, #tpu.memory_space<hbm>> -> memref<1024xi32, #tpu.memory_space<hbm>>
        tpu.enqueue_dma source(%dma_start3A_1559 : memref<1024xi32, #tpu.memory_space<hbm>>) target(%arg6 : memref<1024xi32, #tpu.memory_space<vmem>>) target_semaphore(%run_scoped3A : memref<!tpu.dma_semaphore, #tpu.memory_space<semaphore_mem>>)
        %dma_wait3A_1560 = tpu.memref_slice %arg3[%mul3A_59] : memref<800000xi32, #tpu.memory_space<hbm>> -> memref<1024xi32, #tpu.memory_space<hbm>>
        %dma_wait3A_1561 = tpu.memref_slice %arg3[%mul3A_59] : memref<800000xi32, #tpu.memory_space<hbm>> -> memref<1024xi32, #tpu.memory_space<hbm>>
        tpu.wait_dma2 semaphore(%run_scoped3A : memref<!tpu.dma_semaphore, #tpu.memory_space<semaphore_mem>>) src(%dma_wait3A_1561 : memref<1024xi32, #tpu.memory_space<hbm>>) dst(%arg6 : memref<1024xi32, #tpu.memory_space<vmem>>)
        tpu.yield
      }) : () -> ()
      "tpu.region"() ({
        %run_scoped3A = tpu.sem_alloc : memref<!tpu.dma_semaphore, #tpu.memory_space<semaphore_mem>>
        %dma_start3A_1558 = arith.constant 0 : i32
        %dma_start3A_1559 = tpu.memref_slice %arg2[%mul3A_59, %dma_start3A_1558] : memref<800000x32xf32, #tpu.memory_space<hbm>> -> memref<1024x32xf32, #tpu.memory_space<hbm>>
        %dma_start3A_1560 = arith.constant 0 : i32
        %dma_start3A_1561 = tpu.memref_slice %arg2[%mul3A_59, %dma_start3A_1560] : memref<800000x32xf32, #tpu.memory_space<hbm>> -> memref<1024x32xf32, #tpu.memory_space<hbm>>
        tpu.enqueue_dma source(%dma_start3A_1561 : memref<1024x32xf32, #tpu.memory_space<hbm>>) target(%arg8 : memref<1024x32xf32, #tpu.memory_space<vmem>>) target_semaphore(%run_scoped3A : memref<!tpu.dma_semaphore, #tpu.memory_space<semaphore_mem>>)
        %dma_wait3A_1562 = arith.constant 0 : i32
        %dma_wait3A_1563 = tpu.memref_slice %arg2[%mul3A_59, %dma_wait3A_1562] : memref<800000x32xf32, #tpu.memory_space<hbm>> -> memref<1024x32xf32, #tpu.memory_space<hbm>>
        %dma_wait3A_1564 = arith.constant 0 : i32
        %dma_wait3A_1565 = tpu.memref_slice %arg2[%mul3A_59, %dma_wait3A_1564] : memref<800000x32xf32, #tpu.memory_space<hbm>> -> memref<1024x32xf32, #tpu.memory_space<hbm>>
        tpu.wait_dma2 semaphore(%run_scoped3A : memref<!tpu.dma_semaphore, #tpu.memory_space<semaphore_mem>>) src(%dma_wait3A_1565 : memref<1024x32xf32, #tpu.memory_space<hbm>>) dst(%arg8 : memref<1024x32xf32, #tpu.memory_space<vmem>>)
        tpu.yield
      }) : () -> ()
      %get3A = arith.constant 0 : index
      %get3A_60 = tpu.vector_load %arg6[%get3A] {strides = array<i32>} : memref<1024xi32, #tpu.memory_space<vmem>>, vector<16xi32>,
      %get3A_61 = vector.shape_cast %get3A_60 : vector<16xi32> to vector<16xi32>
      %sub3A_62 = vector.broadcast %mul3A_0 : i32 to vector<16xi32>
      %sub3A_63 = arith.subi %get3A_61, %sub3A_62 : vector<16xi32>
      %ge3A = arith.constant 0 : i32
      %ge3A_64 = vector.broadcast %ge3A : i32 to vector<16xi32>
      %ge3A_65 = arith.cmpi sge, %sub3A_63, %ge3A_64 : vector<16xi32>
      %lt3A_66 = arith.constant 25088 : i32
      %lt3A_67 = vector.broadcast %lt3A_66 : i32 to vector<16xi32>
      %lt3A_68 = arith.cmpi slt, %sub3A_63, %lt3A_67 : vector<16xi32>
      %and3A_69 = arith.andi %ge3A_65, %lt3A_68 : vector<16xi1>
      %jit3A_70 = arith.constant 25088 : i32
      %broadcast_in_dim3A = vector.broadcast %jit3A_70 : i32 to vector<16xi32>
      %select_n3A_71 = arith.select %and3A_69, %sub3A_63, %broadcast_in_dim3A : vector<16xi1>, vector<16xi32>
      %swap3A = arith.constant 0 : i32
      %swap3A_72 = arith.index_cast %swap3A : i32 to index
      %swap3A_73 = arith.constant 0 : index
      %swap3A_74 = tpu.vector_load %arg7[%swap3A_72, %swap3A_73] {strides = array<i32>} : memref<8x128xi32, #tpu.memory_space<vmem>>, vector<1x16xi32>,
      %swap3A_75 = vector.shape_cast %swap3A_74 : vector<1x16xi32> to vector<16xi32>
      %swap3A_76 = vector.shape_cast %select_n3A_71 : vector<16xi32> to vector<1x16xi32>
      tpu.vector_store %arg7[%swap3A_72, %swap3A_73], %swap3A_76 {strides = array<i32>} : memref<8x128xi32, #tpu.memory_space<vmem>>, vector<1x16xi32>,
      %get3A_77 = arith.constant 16 : index
      %get3A_78 = tpu.vector_load %arg6[%get3A_77] {strides = array<i32>} : memref<1024xi32, #tpu.memory_space<vmem>>, vector<16xi32>,
      %get3A_79 = vector.shape_cast %get3A_78 : vector<16xi32> to vector<16xi32>
      %sub3A_80 = vector.broadcast %mul3A_0 : i32 to vector<16xi32>
      %sub3A_81 = arith.subi %get3A_79, %sub3A_80 : vector<16xi32>
      %ge3A_82 = arith.constant 0 : i32
      %ge3A_83 = vector.broadcast %ge3A_82 : i32 to vector<16xi32>
      %ge3A_84 = arith.cmpi sge, %sub3A_81, %ge3A_83 : vector<16xi32>
      %lt3A_85 = arith.constant 25088 : i32
      %lt3A_86 = vector.broadcast %lt3A_85 : i32 to vector<16xi32>
      %lt3A_87 = arith.cmpi slt, %sub3A_81, %lt3A_86 : vector<16xi32>
      %and3A_88 = arith.andi %ge3A_84, %lt3A_87 : vector<16xi1>
      %jit3A_89 = arith.constant 25088 : i32
      %broadcast_in_dim3A_90 = vector.broadcast %jit3A_89 : i32 to vector<16xi32>
      %select_n3A_91 = arith.select %and3A_88, %sub3A_81, %broadcast_in_dim3A_90 : vector<16xi1>, vector<16xi32>
      %swap3A_92 = arith.constant 0 : i32
      %swap3A_93 = arith.index_cast %swap3A_92 : i32 to index
      %swap3A_94 = arith.constant 16 : index
      %swap3A_95 = tpu.vector_load %arg7[%swap3A_93, %swap3A_94] {strides = array<i32>} : memref<8x128xi32, #tpu.memory_space<vmem>>, vector<1x16xi32>,
      %swap3A_96 = vector.shape_cast %swap3A_95 : vector<1x16xi32> to vector<16xi32>
      %swap3A_97 = vector.shape_cast %select_n3A_91 : vector<16xi32> to vector<1x16xi32>
      tpu.vector_store %arg7[%swap3A_93, %swap3A_94], %swap3A_97 {strides = array<i32>} : memref<8x128xi32, #tpu.memory_space<vmem>>, vector<1x16xi32>,
      %get3A_98 = arith.constant 32 : index
      %get3A_99 = tpu.vector_load %arg6[%get3A_98] {strides = array<i32>} : memref<1024xi32, #tpu.memory_space<vmem>>, vector<16xi32>,
      %get3A_100 = vector.shape_cast %get3A_99 : vector<16xi32> to vector<16xi32>
      %sub3A_101 = vector.broadcast %mul3A_0 : i32 to vector<16xi32>
      %sub3A_102 = arith.subi %get3A_100, %sub3A_101 : vector<16xi32>
      %ge3A_103 = arith.constant 0 : i32
      %ge3A_104 = vector.broadcast %ge3A_103 : i32 to vector<16xi32>
      %ge3A_105 = arith.cmpi sge, %sub3A_102, %ge3A_104 : vector<16xi32>
      %lt3A_106 = arith.constant 25088 : i32
      %lt3A_107 = vector.broadcast %lt3A_106 : i32 to vector<16xi32>
      %lt3A_108 = arith.cmpi slt, %sub3A_102, %lt3A_107 : vector<16xi32>
      %and3A_109 = arith.andi %ge3A_105, %lt3A_108 : vector<16xi1>
      %jit3A_110 = arith.constant 25088 : i32
      %broadcast_in_dim3A_111 = vector.broadcast %jit3A_110 : i32 to vector<16xi32>
      %select_n3A_112 = arith.select %and3A_109, %sub3A_102, %broadcast_in_dim3A_111 : vector<16xi1>, vector<16xi32>
      %swap3A_113 = arith.constant 0 : i32
      %swap3A_114 = arith.index_cast %swap3A_113 : i32 to index
      %swap3A_115 = arith.constant 32 : index
      %swap3A_116 = tpu.vector_load %arg7[%swap3A_114, %swap3A_115] {strides = array<i32>} : memref<8x128xi32, #tpu.memory_space<vmem>>, vector<1x16xi32>,
      %swap3A_117 = vector.shape_cast %swap3A_116 : vector<1x16xi32> to vector<16xi32>
      %swap3A_118 = vector.shape_cast %select_n3A_112 : vector<16xi32> to vector<1x16xi32>
      tpu.vector_store %arg7[%swap3A_114, %swap3A_115], %swap3A_118 {strides = array<i32>} : memref<8x128xi32, #tpu.memory_space<vmem>>, vector<1x16xi32>,
      %get3A_119 = arith.constant 48 : index
      %get3A_120 = tpu.vector_load %arg6[%get3A_119] {strides = array<i32>} : memref<1024xi32, #tpu.memory_space<vmem>>, vector<16xi32>,
      %get3A_121 = vector.shape_cast %get3A_120 : vector<16xi32> to vector<16xi32>
      %sub3A_122 = vector.broadcast %mul3A_0 : i32 to vector<16xi32>
      %sub3A_123 = arith.subi %get3A_121, %sub3A_122 : vector<16xi32>
      %ge3A_124 = arith.constant 0 : i32
      %ge3A_125 = vector.broadcast %ge3A_124 : i32 to vector<16xi32>
      %ge3A_126 = arith.cmpi sge, %sub3A_123, %ge3A_125 : vector<16xi32>
      %lt3A_127 = arith.constant 25088 : i32
      %lt3A_128 = vector.broadcast %lt3A_127 : i32 to vector<16xi32>
      %lt3A_129 = arith.cmpi slt, %sub3A_123, %lt3A_128 : vector<16xi32>
      %and3A_130 = arith.andi %ge3A_126, %lt3A_129 : vector<16xi1>
      %jit3A_131 = arith.constant 25088 : i32
      %broadcast_in_dim3A_132 = vector.broadcast %jit3A_131 : i32 to vector<16xi32>
      %select_n3A_133 = arith.select %and3A_130, %sub3A_123, %broadcast_in_dim3A_132 : vector<16xi1>, vector<16xi32>
      %swap3A_134 = arith.constant 0 : i32
      %swap3A_135 = arith.index_cast %swap3A_134 : i32 to index
      %swap3A_136 = arith.constant 48 : index
      %swap3A_137 = tpu.vector_load %arg7[%swap3A_135, %swap3A_136] {strides = array<i32>} : memref<8x128xi32, #tpu.memory_space<vmem>>, vector<1x16xi32>,
      %swap3A_138 = vector.shape_cast %swap3A_137 : vector<1x16xi32> to vector<16xi32>
      %swap3A_139 = vector.shape_cast %select_n3A_133 : vector<16xi32> to vector<1x16xi32>
      tpu.vector_store %arg7[%swap3A_135, %swap3A_136], %swap3A_139 {strides = array<i32>} : memref<8x128xi32, #tpu.memory_space<vmem>>, vector<1x16xi32>,
      %get3A_140 = arith.constant 64 : index
      %get3A_141 = tpu.vector_load %arg6[%get3A_140] {strides = array<i32>} : memref<1024xi32, #tpu.memory_space<vmem>>, vector<16xi32>,
      %get3A_142 = vector.shape_cast %get3A_141 : vector<16xi32> to vector<16xi32>
      %sub3A_143 = vector.broadcast %mul3A_0 : i32 to vector<16xi32>
      %sub3A_144 = arith.subi %get3A_142, %sub3A_143 : vector<16xi32>
      %ge3A_145 = arith.constant 0 : i32
      %ge3A_146 = vector.broadcast %ge3A_145 : i32 to vector<16xi32>
      %ge3A_147 = arith.cmpi sge, %sub3A_144, %ge3A_146 : vector<16xi32>
      %lt3A_148 = arith.constant 25088 : i32
      %lt3A_149 = vector.broadcast %lt3A_148 : i32 to vector<16xi32>
      %lt3A_150 = arith.cmpi slt, %sub3A_144, %lt3A_149 : vector<16xi32>
      %and3A_151 = arith.andi %ge3A_147, %lt3A_150 : vector<16xi1>
      %jit3A_152 = arith.constant 25088 : i32
      %broadcast_in_dim3A_153 = vector.broadcast %jit3A_152 : i32 to vector<16xi32>
      %select_n3A_154 = arith.select %and3A_151, %sub3A_144, %broadcast_in_dim3A_153 : vector<16xi1>, vector<16xi32>
      %swap3A_155 = arith.constant 0 : i32
      %swap3A_156 = arith.index_cast %swap3A_155 : i32 to index
      %swap3A_157 = arith.constant 64 : index
      %swap3A_158 = tpu.vector_load %arg7[%swap3A_156, %swap3A_157] {strides = array<i32>} : memref<8x128xi32, #tpu.memory_space<vmem>>, vector<1x16xi32>,
      %swap3A_159 = vector.shape_cast %swap3A_158 : vector<1x16xi32> to vector<16xi32>
      %swap3A_160 = vector.shape_cast %select_n3A_154 : vector<16xi32> to vector<1x16xi32>
      tpu.vector_store %arg7[%swap3A_156, %swap3A_157], %swap3A_160 {strides = array<i32>} : memref<8x128xi32, #tpu.memory_space<vmem>>, vector<1x16xi32>,
      %get3A_161 = arith.constant 80 : index
      %get3A_162 = tpu.vector_load %arg6[%get3A_161] {strides = array<i32>} : memref<1024xi32, #tpu.memory_space<vmem>>, vector<16xi32>,
      %get3A_163 = vector.shape_cast %get3A_162 : vector<16xi32> to vector<16xi32>
      %sub3A_164 = vector.broadcast %mul3A_0 : i32 to vector<16xi32>
      %sub3A_165 = arith.subi %get3A_163, %sub3A_164 : vector<16xi32>
      %ge3A_166 = arith.constant 0 : i32
      %ge3A_167 = vector.broadcast %ge3A_166 : i32 to vector<16xi32>
      %ge3A_168 = arith.cmpi sge, %sub3A_165, %ge3A_167 : vector<16xi32>
      %lt3A_169 = arith.constant 25088 : i32
      %lt3A_170 = vector.broadcast %lt3A_169 : i32 to vector<16xi32>
      %lt3A_171 = arith.cmpi slt, %sub3A_165, %lt3A_170 : vector<16xi32>
      %and3A_172 = arith.andi %ge3A_168, %lt3A_171 : vector<16xi1>
      %jit3A_173 = arith.constant 25088 : i32
      %broadcast_in_dim3A_174 = vector.broadcast %jit3A_173 : i32 to vector<16xi32>
      %select_n3A_175 = arith.select %and3A_172, %sub3A_165, %broadcast_in_dim3A_174 : vector<16xi1>, vector<16xi32>
      %swap3A_176 = arith.constant 0 : i32
      %swap3A_177 = arith.index_cast %swap3A_176 : i32 to index
      %swap3A_178 = arith.constant 80 : index
      %swap3A_179 = tpu.vector_load %arg7[%swap3A_177, %swap3A_178] {strides = array<i32>} : memref<8x128xi32, #tpu.memory_space<vmem>>, vector<1x16xi32>,
      %swap3A_180 = vector.shape_cast %swap3A_179 : vector<1x16xi32> to vector<16xi32>
      %swap3A_181 = vector.shape_cast %select_n3A_175 : vector<16xi32> to vector<1x16xi32>
      tpu.vector_store %arg7[%swap3A_177, %swap3A_178], %swap3A_181 {strides = array<i32>} : memref<8x128xi32, #tpu.memory_space<vmem>>, vector<1x16xi32>,
      %get3A_182 = arith.constant 96 : index
      %get3A_183 = tpu.vector_load %arg6[%get3A_182] {strides = array<i32>} : memref<1024xi32, #tpu.memory_space<vmem>>, vector<16xi32>,
      %get3A_184 = vector.shape_cast %get3A_183 : vector<16xi32> to vector<16xi32>
      %sub3A_185 = vector.broadcast %mul3A_0 : i32 to vector<16xi32>
      %sub3A_186 = arith.subi %get3A_184, %sub3A_185 : vector<16xi32>
      %ge3A_187 = arith.constant 0 : i32
      %ge3A_188 = vector.broadcast %ge3A_187 : i32 to vector<16xi32>
      %ge3A_189 = arith.cmpi sge, %sub3A_186, %ge3A_188 : vector<16xi32>
      %lt3A_190 = arith.constant 25088 : i32
      %lt3A_191 = vector.broadcast %lt3A_190 : i32 to vector<16xi32>
      %lt3A_192 = arith.cmpi slt, %sub3A_186, %lt3A_191 : vector<16xi32>
      %and3A_193 = arith.andi %ge3A_189, %lt3A_192 : vector<16xi1>
      %jit3A_194 = arith.constant 25088 : i32
      %broadcast_in_dim3A_195 = vector.broadcast %jit3A_194 : i32 to vector<16xi32>
      %select_n3A_196 = arith.select %and3A_193, %sub3A_186, %broadcast_in_dim3A_195 : vector<16xi1>, vector<16xi32>
      %swap3A_197 = arith.constant 0 : i32
      %swap3A_198 = arith.index_cast %swap3A_197 : i32 to index
      %swap3A_199 = arith.constant 96 : index
      %swap3A_200 = tpu.vector_load %arg7[%swap3A_198, %swap3A_199] {strides = array<i32>} : memref<8x128xi32, #tpu.memory_space<vmem>>, vector<1x16xi32>,
      %swap3A_201 = vector.shape_cast %swap3A_200 : vector<1x16xi32> to vector<16xi32>
      %swap3A_202 = vector.shape_cast %select_n3A_196 : vector<16xi32> to vector<1x16xi32>
      tpu.vector_store %arg7[%swap3A_198, %swap3A_199], %swap3A_202 {strides = array<i32>} : memref<8x128xi32, #tpu.memory_space<vmem>>, vector<1x16xi32>,
      %get3A_203 = arith.constant 112 : index
      %get3A_204 = tpu.vector_load %arg6[%get3A_203] {strides = array<i32>} : memref<1024xi32, #tpu.memory_space<vmem>>, vector<16xi32>,
      %get3A_205 = vector.shape_cast %get3A_204 : vector<16xi32> to vector<16xi32>
      %sub3A_206 = vector.broadcast %mul3A_0 : i32 to vector<16xi32>
      %sub3A_207 = arith.subi %get3A_205, %sub3A_206 : vector<16xi32>
      %ge3A_208 = arith.constant 0 : i32
      %ge3A_209 = vector.broadcast %ge3A_208 : i32 to vector<16xi32>
      %ge3A_210 = arith.cmpi sge, %sub3A_207, %ge3A_209 : vector<16xi32>
      %lt3A_211 = arith.constant 25088 : i32
      %lt3A_212 = vector.broadcast %lt3A_211 : i32 to vector<16xi32>
      %lt3A_213 = arith.cmpi slt, %sub3A_207, %lt3A_212 : vector<16xi32>
      %and3A_214 = arith.andi %ge3A_210, %lt3A_213 : vector<16xi1>
      %jit3A_215 = arith.constant 25088 : i32
      %broadcast_in_dim3A_216 = vector.broadcast %jit3A_215 : i32 to vector<16xi32>
      %select_n3A_217 = arith.select %and3A_214, %sub3A_207, %broadcast_in_dim3A_216 : vector<16xi1>, vector<16xi32>
      %swap3A_218 = arith.constant 0 : i32
      %swap3A_219 = arith.index_cast %swap3A_218 : i32 to index
      %swap3A_220 = arith.constant 112 : index
      %swap3A_221 = tpu.vector_load %arg7[%swap3A_219, %swap3A_220] {strides = array<i32>} : memref<8x128xi32, #tpu.memory_space<vmem>>, vector<1x16xi32>,
      %swap3A_222 = vector.shape_cast %swap3A_221 : vector<1x16xi32> to vector<16xi32>
      %swap3A_223 = vector.shape_cast %select_n3A_217 : vector<16xi32> to vector<1x16xi32>
      tpu.vector_store %arg7[%swap3A_219, %swap3A_220], %swap3A_223 {strides = array<i32>} : memref<8x128xi32, #tpu.memory_space<vmem>>, vector<1x16xi32>,
      %dma_start3A = arith.constant 0 : i32
      %dma_start3A_224 = arith.constant 0 : i32
      %dma_start3A_225 = arith.constant 0 : i32
      %dma_start3A_226 = tpu.memref_slice %arg8[%dma_start3A_224, %dma_start3A_225] : memref<1024x32xf32, #tpu.memory_space<vmem>> -> memref<128x32xf32, #tpu.memory_space<vmem>>
      %dma_start3A_227 = arith.constant 0 : i32
      %dma_start3A_228 = tpu.memref_slice %arg7[%dma_start3A, %dma_start3A_227] : memref<8x128xi32, #tpu.memory_space<vmem>> -> memref<1x128xi32, #tpu.memory_space<vmem>>
      %dma_start3A_229 = tpu.memref_squeeze %dma_start3A_228 : memref<1x128xi32, #tpu.memory_space<vmem>> -> memref<128xi32, #tpu.memory_space<vmem>>
      %dma_start3A_230 = arith.constant 0 : i32
      %dma_start3A_231 = arith.constant 0 : i32
      %dma_start3A_232 = tpu.memref_slice %arg9[%dma_start3A_230, %dma_start3A_231] : memref<25104x32xf32, #tpu.memory_space<vmem_shared>> -> memref<25104x32xf32, #tpu.memory_space<vmem_shared>>
      tpu.enqueue_indirect_dma source(%dma_start3A_226 : memref<128x32xf32, #tpu.memory_space<vmem>>) target(%dma_start3A_232 : memref<25104x32xf32, #tpu.memory_space<vmem_shared>>) offsets(%dma_start3A_229 : memref<128xi32, #tpu.memory_space<vmem>>) semaphore(%arg10 : memref<!tpu.dma_semaphore, #tpu.memory_space<semaphore_mem>>) {add = true}
      %get3A_233 = arith.constant 128 : index
      %get3A_234 = tpu.vector_load %arg6[%get3A_233] {strides = array<i32>} : memref<1024xi32, #tpu.memory_space<vmem>>, vector<16xi32>,
      %get3A_235 = vector.shape_cast %get3A_234 : vector<16xi32> to vector<16xi32>
      %sub3A_236 = vector.broadcast %mul3A_0 : i32 to vector<16xi32>
      %sub3A_237 = arith.subi %get3A_235, %sub3A_236 : vector<16xi32>
      %ge3A_238 = arith.constant 0 : i32
      %ge3A_239 = vector.broadcast %ge3A_238 : i32 to vector<16xi32>
      %ge3A_240 = arith.cmpi sge, %sub3A_237, %ge3A_239 : vector<16xi32>
      %lt3A_241 = arith.constant 25088 : i32
      %lt3A_242 = vector.broadcast %lt3A_241 : i32 to vector<16xi32>
      %lt3A_243 = arith.cmpi slt, %sub3A_237, %lt3A_242 : vector<16xi32>
      %and3A_244 = arith.andi %ge3A_240, %lt3A_243 : vector<16xi1>
      %jit3A_245 = arith.constant 25088 : i32
      %broadcast_in_dim3A_246 = vector.broadcast %jit3A_245 : i32 to vector<16xi32>
      %select_n3A_247 = arith.select %and3A_244, %sub3A_237, %broadcast_in_dim3A_246 : vector<16xi1>, vector<16xi32>
      %swap3A_248 = arith.constant 1 : i32
      %swap3A_249 = arith.index_cast %swap3A_248 : i32 to index
      %swap3A_250 = arith.constant 0 : index
      %swap3A_251 = tpu.vector_load %arg7[%swap3A_249, %swap3A_250] {strides = array<i32>} : memref<8x128xi32, #tpu.memory_space<vmem>>, vector<1x16xi32>,
      %swap3A_252 = vector.shape_cast %swap3A_251 : vector<1x16xi32> to vector<16xi32>
      %swap3A_253 = vector.shape_cast %select_n3A_247 : vector<16xi32> to vector<1x16xi32>
      tpu.vector_store %arg7[%swap3A_249, %swap3A_250], %swap3A_253 {strides = array<i32>} : memref<8x128xi32, #tpu.memory_space<vmem>>, vector<1x16xi32>,
      %get3A_254 = arith.constant 144 : index
      %get3A_255 = tpu.vector_load %arg6[%get3A_254] {strides = array<i32>} : memref<1024xi32, #tpu.memory_space<vmem>>, vector<16xi32>,
      %get3A_256 = vector.shape_cast %get3A_255 : vector<16xi32> to vector<16xi32>
      %sub3A_257 = vector.broadcast %mul3A_0 : i32 to vector<16xi32>
      %sub3A_258 = arith.subi %get3A_256, %sub3A_257 : vector<16xi32>
      %ge3A_259 = arith.constant 0 : i32
      %ge3A_260 = vector.broadcast %ge3A_259 : i32 to vector<16xi32>
      %ge3A_261 = arith.cmpi sge, %sub3A_258, %ge3A_260 : vector<16xi32>
      %lt3A_262 = arith.constant 25088 : i32
      %lt3A_263 = vector.broadcast %lt3A_262 : i32 to vector<16xi32>
      %lt3A_264 = arith.cmpi slt, %sub3A_258, %lt3A_263 : vector<16xi32>
      %and3A_265 = arith.andi %ge3A_261, %lt3A_264 : vector<16xi1>
      %jit3A_266 = arith.constant 25088 : i32
      %broadcast_in_dim3A_267 = vector.broadcast %jit3A_266 : i32 to vector<16xi32>
      %select_n3A_268 = arith.select %and3A_265, %sub3A_258, %broadcast_in_dim3A_267 : vector<16xi1>, vector<16xi32>
      %swap3A_269 = arith.constant 1 : i32
      %swap3A_270 = arith.index_cast %swap3A_269 : i32 to index
      %swap3A_271 = arith.constant 16 : index
      %swap3A_272 = tpu.vector_load %arg7[%swap3A_270, %swap3A_271] {strides = array<i32>} : memref<8x128xi32, #tpu.memory_space<vmem>>, vector<1x16xi32>,
      %swap3A_273 = vector.shape_cast %swap3A_272 : vector<1x16xi32> to vector<16xi32>
      %swap3A_274 = vector.shape_cast %select_n3A_268 : vector<16xi32> to vector<1x16xi32>
      tpu.vector_store %arg7[%swap3A_270, %swap3A_271], %swap3A_274 {strides = array<i32>} : memref<8x128xi32, #tpu.memory_space<vmem>>, vector<1x16xi32>,
      %get3A_275 = arith.constant 160 : index
      %get3A_276 = tpu.vector_load %arg6[%get3A_275] {strides = array<i32>} : memref<1024xi32, #tpu.memory_space<vmem>>, vector<16xi32>,
      %get3A_277 = vector.shape_cast %get3A_276 : vector<16xi32> to vector<16xi32>
      %sub3A_278 = vector.broadcast %mul3A_0 : i32 to vector<16xi32>
      %sub3A_279 = arith.subi %get3A_277, %sub3A_278 : vector<16xi32>
      %ge3A_280 = arith.constant 0 : i32
      %ge3A_281 = vector.broadcast %ge3A_280 : i32 to vector<16xi32>
      %ge3A_282 = arith.cmpi sge, %sub3A_279, %ge3A_281 : vector<16xi32>
      %lt3A_283 = arith.constant 25088 : i32
      %lt3A_284 = vector.broadcast %lt3A_283 : i32 to vector<16xi32>
      %lt3A_285 = arith.cmpi slt, %sub3A_279, %lt3A_284 : vector<16xi32>
      %and3A_286 = arith.andi %ge3A_282, %lt3A_285 : vector<16xi1>
      %jit3A_287 = arith.constant 25088 : i32
      %broadcast_in_dim3A_288 = vector.broadcast %jit3A_287 : i32 to vector<16xi32>
      %select_n3A_289 = arith.select %and3A_286, %sub3A_279, %broadcast_in_dim3A_288 : vector<16xi1>, vector<16xi32>
      %swap3A_290 = arith.constant 1 : i32
      %swap3A_291 = arith.index_cast %swap3A_290 : i32 to index
      %swap3A_292 = arith.constant 32 : index
      %swap3A_293 = tpu.vector_load %arg7[%swap3A_291, %swap3A_292] {strides = array<i32>} : memref<8x128xi32, #tpu.memory_space<vmem>>, vector<1x16xi32>,
      %swap3A_294 = vector.shape_cast %swap3A_293 : vector<1x16xi32> to vector<16xi32>
      %swap3A_295 = vector.shape_cast %select_n3A_289 : vector<16xi32> to vector<1x16xi32>
      tpu.vector_store %arg7[%swap3A_291, %swap3A_292], %swap3A_295 {strides = array<i32>} : memref<8x128xi32, #tpu.memory_space<vmem>>, vector<1x16xi32>,
      %get3A_296 = arith.constant 176 : index
      %get3A_297 = tpu.vector_load %arg6[%get3A_296] {strides = array<i32>} : memref<1024xi32, #tpu.memory_space<vmem>>, vector<16xi32>,
      %get3A_298 = vector.shape_cast %get3A_297 : vector<16xi32> to vector<16xi32>
      %sub3A_299 = vector.broadcast %mul3A_0 : i32 to vector<16xi32>
      %sub3A_300 = arith.subi %get3A_298, %sub3A_299 : vector<16xi32>
      %ge3A_301 = arith.constant 0 : i32
      %ge3A_302 = vector.broadcast %ge3A_301 : i32 to vector<16xi32>
      %ge3A_303 = arith.cmpi sge, %sub3A_300, %ge3A_302 : vector<16xi32>
      %lt3A_304 = arith.constant 25088 : i32
      %lt3A_305 = vector.broadcast %lt3A_304 : i32 to vector<16xi32>
      %lt3A_306 = arith.cmpi slt, %sub3A_300, %lt3A_305 : vector<16xi32>
      %and3A_307 = arith.andi %ge3A_303, %lt3A_306 : vector<16xi1>
      %jit3A_308 = arith.constant 25088 : i32
      %broadcast_in_dim3A_309 = vector.broadcast %jit3A_308 : i32 to vector<16xi32>
      %select_n3A_310 = arith.select %and3A_307, %sub3A_300, %broadcast_in_dim3A_309 : vector<16xi1>, vector<16xi32>
      %swap3A_311 = arith.constant 1 : i32
      %swap3A_312 = arith.index_cast %swap3A_311 : i32 to index
      %swap3A_313 = arith.constant 48 : index
      %swap3A_314 = tpu.vector_load %arg7[%swap3A_312, %swap3A_313] {strides = array<i32>} : memref<8x128xi32, #tpu.memory_space<vmem>>, vector<1x16xi32>,
      %swap3A_315 = vector.shape_cast %swap3A_314 : vector<1x16xi32> to vector<16xi32>
      %swap3A_316 = vector.shape_cast %select_n3A_310 : vector<16xi32> to vector<1x16xi32>
      tpu.vector_store %arg7[%swap3A_312, %swap3A_313], %swap3A_316 {strides = array<i32>} : memref<8x128xi32, #tpu.memory_space<vmem>>, vector<1x16xi32>,
      %get3A_317 = arith.constant 192 : index
      %get3A_318 = tpu.vector_load %arg6[%get3A_317] {strides = array<i32>} : memref<1024xi32, #tpu.memory_space<vmem>>, vector<16xi32>,
      %get3A_319 = vector.shape_cast %get3A_318 : vector<16xi32> to vector<16xi32>
      %sub3A_320 = vector.broadcast %mul3A_0 : i32 to vector<16xi32>
      %sub3A_321 = arith.subi %get3A_319, %sub3A_320 : vector<16xi32>
      %ge3A_322 = arith.constant 0 : i32
      %ge3A_323 = vector.broadcast %ge3A_322 : i32 to vector<16xi32>
      %ge3A_324 = arith.cmpi sge, %sub3A_321, %ge3A_323 : vector<16xi32>
      %lt3A_325 = arith.constant 25088 : i32
      %lt3A_326 = vector.broadcast %lt3A_325 : i32 to vector<16xi32>
      %lt3A_327 = arith.cmpi slt, %sub3A_321, %lt3A_326 : vector<16xi32>
      %and3A_328 = arith.andi %ge3A_324, %lt3A_327 : vector<16xi1>
      %jit3A_329 = arith.constant 25088 : i32
      %broadcast_in_dim3A_330 = vector.broadcast %jit3A_329 : i32 to vector<16xi32>
      %select_n3A_331 = arith.select %and3A_328, %sub3A_321, %broadcast_in_dim3A_330 : vector<16xi1>, vector<16xi32>
      %swap3A_332 = arith.constant 1 : i32
      %swap3A_333 = arith.index_cast %swap3A_332 : i32 to index
      %swap3A_334 = arith.constant 64 : index
      %swap3A_335 = tpu.vector_load %arg7[%swap3A_333, %swap3A_334] {strides = array<i32>} : memref<8x128xi32, #tpu.memory_space<vmem>>, vector<1x16xi32>,
      %swap3A_336 = vector.shape_cast %swap3A_335 : vector<1x16xi32> to vector<16xi32>
      %swap3A_337 = vector.shape_cast %select_n3A_331 : vector<16xi32> to vector<1x16xi32>
      tpu.vector_store %arg7[%swap3A_333, %swap3A_334], %swap3A_337 {strides = array<i32>} : memref<8x128xi32, #tpu.memory_space<vmem>>, vector<1x16xi32>,
      %get3A_338 = arith.constant 208 : index
      %get3A_339 = tpu.vector_load %arg6[%get3A_338] {strides = array<i32>} : memref<1024xi32, #tpu.memory_space<vmem>>, vector<16xi32>,
      %get3A_340 = vector.shape_cast %get3A_339 : vector<16xi32> to vector<16xi32>
      %sub3A_341 = vector.broadcast %mul3A_0 : i32 to vector<16xi32>
      %sub3A_342 = arith.subi %get3A_340, %sub3A_341 : vector<16xi32>
      %ge3A_343 = arith.constant 0 : i32
      %ge3A_344 = vector.broadcast %ge3A_343 : i32 to vector<16xi32>
      %ge3A_345 = arith.cmpi sge, %sub3A_342, %ge3A_344 : vector<16xi32>
      %lt3A_346 = arith.constant 25088 : i32
      %lt3A_347 = vector.broadcast %lt3A_346 : i32 to vector<16xi32>
      %lt3A_348 = arith.cmpi slt, %sub3A_342, %lt3A_347 : vector<16xi32>
      %and3A_349 = arith.andi %ge3A_345, %lt3A_348 : vector<16xi1>
      %jit3A_350 = arith.constant 25088 : i32
      %broadcast_in_dim3A_351 = vector.broadcast %jit3A_350 : i32 to vector<16xi32>
      %select_n3A_352 = arith.select %and3A_349, %sub3A_342, %broadcast_in_dim3A_351 : vector<16xi1>, vector<16xi32>
      %swap3A_353 = arith.constant 1 : i32
      %swap3A_354 = arith.index_cast %swap3A_353 : i32 to index
      %swap3A_355 = arith.constant 80 : index
      %swap3A_356 = tpu.vector_load %arg7[%swap3A_354, %swap3A_355] {strides = array<i32>} : memref<8x128xi32, #tpu.memory_space<vmem>>, vector<1x16xi32>,
      %swap3A_357 = vector.shape_cast %swap3A_356 : vector<1x16xi32> to vector<16xi32>
      %swap3A_358 = vector.shape_cast %select_n3A_352 : vector<16xi32> to vector<1x16xi32>
      tpu.vector_store %arg7[%swap3A_354, %swap3A_355], %swap3A_358 {strides = array<i32>} : memref<8x128xi32, #tpu.memory_space<vmem>>, vector<1x16xi32>,
      %get3A_359 = arith.constant 224 : index
      %get3A_360 = tpu.vector_load %arg6[%get3A_359] {strides = array<i32>} : memref<1024xi32, #tpu.memory_space<vmem>>, vector<16xi32>,
      %get3A_361 = vector.shape_cast %get3A_360 : vector<16xi32> to vector<16xi32>
      %sub3A_362 = vector.broadcast %mul3A_0 : i32 to vector<16xi32>
      %sub3A_363 = arith.subi %get3A_361, %sub3A_362 : vector<16xi32>
      %ge3A_364 = arith.constant 0 : i32
      %ge3A_365 = vector.broadcast %ge3A_364 : i32 to vector<16xi32>
      %ge3A_366 = arith.cmpi sge, %sub3A_363, %ge3A_365 : vector<16xi32>
      %lt3A_367 = arith.constant 25088 : i32
      %lt3A_368 = vector.broadcast %lt3A_367 : i32 to vector<16xi32>
      %lt3A_369 = arith.cmpi slt, %sub3A_363, %lt3A_368 : vector<16xi32>
      %and3A_370 = arith.andi %ge3A_366, %lt3A_369 : vector<16xi1>
      %jit3A_371 = arith.constant 25088 : i32
      %broadcast_in_dim3A_372 = vector.broadcast %jit3A_371 : i32 to vector<16xi32>
      %select_n3A_373 = arith.select %and3A_370, %sub3A_363, %broadcast_in_dim3A_372 : vector<16xi1>, vector<16xi32>
      %swap3A_374 = arith.constant 1 : i32
      %swap3A_375 = arith.index_cast %swap3A_374 : i32 to index
      %swap3A_376 = arith.constant 96 : index
      %swap3A_377 = tpu.vector_load %arg7[%swap3A_375, %swap3A_376] {strides = array<i32>} : memref<8x128xi32, #tpu.memory_space<vmem>>, vector<1x16xi32>,
      %swap3A_378 = vector.shape_cast %swap3A_377 : vector<1x16xi32> to vector<16xi32>
      %swap3A_379 = vector.shape_cast %select_n3A_373 : vector<16xi32> to vector<1x16xi32>
      tpu.vector_store %arg7[%swap3A_375, %swap3A_376], %swap3A_379 {strides = array<i32>} : memref<8x128xi32, #tpu.memory_space<vmem>>, vector<1x16xi32>,
      %get3A_380 = arith.constant 240 : index
      %get3A_381 = tpu.vector_load %arg6[%get3A_380] {strides = array<i32>} : memref<1024xi32, #tpu.memory_space<vmem>>, vector<16xi32>,
      %get3A_382 = vector.shape_cast %get3A_381 : vector<16xi32> to vector<16xi32>
      %sub3A_383 = vector.broadcast %mul3A_0 : i32 to vector<16xi32>
      %sub3A_384 = arith.subi %get3A_382, %sub3A_383 : vector<16xi32>
      %ge3A_385 = arith.constant 0 : i32
      %ge3A_386 = vector.broadcast %ge3A_385 : i32 to vector<16xi32>
      %ge3A_387 = arith.cmpi sge, %sub3A_384, %ge3A_386 : vector<16xi32>
      %lt3A_388 = arith.constant 25088 : i32
      %lt3A_389 = vector.broadcast %lt3A_388 : i32 to vector<16xi32>
      %lt3A_390 = arith.cmpi slt, %sub3A_384, %lt3A_389 : vector<16xi32>
      %and3A_391 = arith.andi %ge3A_387, %lt3A_390 : vector<16xi1>
      %jit3A_392 = arith.constant 25088 : i32
      %broadcast_in_dim3A_393 = vector.broadcast %jit3A_392 : i32 to vector<16xi32>
      %select_n3A_394 = arith.select %and3A_391, %sub3A_384, %broadcast_in_dim3A_393 : vector<16xi1>, vector<16xi32>
      %swap3A_395 = arith.constant 1 : i32
      %swap3A_396 = arith.index_cast %swap3A_395 : i32 to index
      %swap3A_397 = arith.constant 112 : index
      %swap3A_398 = tpu.vector_load %arg7[%swap3A_396, %swap3A_397] {strides = array<i32>} : memref<8x128xi32, #tpu.memory_space<vmem>>, vector<1x16xi32>,
      %swap3A_399 = vector.shape_cast %swap3A_398 : vector<1x16xi32> to vector<16xi32>
      %swap3A_400 = vector.shape_cast %select_n3A_394 : vector<16xi32> to vector<1x16xi32>
      tpu.vector_store %arg7[%swap3A_396, %swap3A_397], %swap3A_400 {strides = array<i32>} : memref<8x128xi32, #tpu.memory_space<vmem>>, vector<1x16xi32>,
      %dma_start3A_401 = arith.constant 1 : i32
      %dma_start3A_402 = arith.constant 128 : i32
      %dma_start3A_403 = arith.constant 0 : i32
      %dma_start3A_404 = tpu.memref_slice %arg8[%dma_start3A_402, %dma_start3A_403] : memref<1024x32xf32, #tpu.memory_space<vmem>> -> memref<128x32xf32, #tpu.memory_space<vmem>>
      %dma_start3A_405 = arith.constant 0 : i32
      %dma_start3A_406 = tpu.memref_slice %arg7[%dma_start3A_401, %dma_start3A_405] : memref<8x128xi32, #tpu.memory_space<vmem>> -> memref<1x128xi32, #tpu.memory_space<vmem>>
      %dma_start3A_407 = tpu.memref_squeeze %dma_start3A_406 : memref<1x128xi32, #tpu.memory_space<vmem>> -> memref<128xi32, #tpu.memory_space<vmem>>
      %dma_start3A_408 = arith.constant 0 : i32
      %dma_start3A_409 = arith.constant 0 : i32
      %dma_start3A_410 = tpu.memref_slice %arg9[%dma_start3A_408, %dma_start3A_409] : memref<25104x32xf32, #tpu.memory_space<vmem_shared>> -> memref<25104x32xf32, #tpu.memory_space<vmem_shared>>
      tpu.enqueue_indirect_dma source(%dma_start3A_404 : memref<128x32xf32, #tpu.memory_space<vmem>>) target(%dma_start3A_410 : memref<25104x32xf32, #tpu.memory_space<vmem_shared>>) offsets(%dma_start3A_407 : memref<128xi32, #tpu.memory_space<vmem>>) semaphore(%arg10 : memref<!tpu.dma_semaphore, #tpu.memory_space<semaphore_mem>>) {add = true}
      %get3A_411 = arith.constant 256 : index
      %get3A_412 = tpu.vector_load %arg6[%get3A_411] {strides = array<i32>} : memref<1024xi32, #tpu.memory_space<vmem>>, vector<16xi32>,
      %get3A_413 = vector.shape_cast %get3A_412 : vector<16xi32> to vector<16xi32>
      %sub3A_414 = vector.broadcast %mul3A_0 : i32 to vector<16xi32>
      %sub3A_415 = arith.subi %get3A_413, %sub3A_414 : vector<16xi32>
      %ge3A_416 = arith.constant 0 : i32
      %ge3A_417 = vector.broadcast %ge3A_416 : i32 to vector<16xi32>
      %ge3A_418 = arith.cmpi sge, %sub3A_415, %ge3A_417 : vector<16xi32>
      %lt3A_419 = arith.constant 25088 : i32
      %lt3A_420 = vector.broadcast %lt3A_419 : i32 to vector<16xi32>
      %lt3A_421 = arith.cmpi slt, %sub3A_415, %lt3A_420 : vector<16xi32>
      %and3A_422 = arith.andi %ge3A_418, %lt3A_421 : vector<16xi1>
      %jit3A_423 = arith.constant 25088 : i32
      %broadcast_in_dim3A_424 = vector.broadcast %jit3A_423 : i32 to vector<16xi32>
      %select_n3A_425 = arith.select %and3A_422, %sub3A_415, %broadcast_in_dim3A_424 : vector<16xi1>, vector<16xi32>
      %swap3A_426 = arith.constant 2 : i32
      %swap3A_427 = arith.index_cast %swap3A_426 : i32 to index
      %swap3A_428 = arith.constant 0 : index
      %swap3A_429 = tpu.vector_load %arg7[%swap3A_427, %swap3A_428] {strides = array<i32>} : memref<8x128xi32, #tpu.memory_space<vmem>>, vector<1x16xi32>,
      %swap3A_430 = vector.shape_cast %swap3A_429 : vector<1x16xi32> to vector<16xi32>
      %swap3A_431 = vector.shape_cast %select_n3A_425 : vector<16xi32> to vector<1x16xi32>
      tpu.vector_store %arg7[%swap3A_427, %swap3A_428], %swap3A_431 {strides = array<i32>} : memref<8x128xi32, #tpu.memory_space<vmem>>, vector<1x16xi32>,
      %get3A_432 = arith.constant 272 : index
      %get3A_433 = tpu.vector_load %arg6[%get3A_432] {strides = array<i32>} : memref<1024xi32, #tpu.memory_space<vmem>>, vector<16xi32>,
      %get3A_434 = vector.shape_cast %get3A_433 : vector<16xi32> to vector<16xi32>
      %sub3A_435 = vector.broadcast %mul3A_0 : i32 to vector<16xi32>
      %sub3A_436 = arith.subi %get3A_434, %sub3A_435 : vector<16xi32>
      %ge3A_437 = arith.constant 0 : i32
      %ge3A_438 = vector.broadcast %ge3A_437 : i32 to vector<16xi32>
      %ge3A_439 = arith.cmpi sge, %sub3A_436, %ge3A_438 : vector<16xi32>
      %lt3A_440 = arith.constant 25088 : i32
      %lt3A_441 = vector.broadcast %lt3A_440 : i32 to vector<16xi32>
      %lt3A_442 = arith.cmpi slt, %sub3A_436, %lt3A_441 : vector<16xi32>
      %and3A_443 = arith.andi %ge3A_439, %lt3A_442 : vector<16xi1>
      %jit3A_444 = arith.constant 25088 : i32
      %broadcast_in_dim3A_445 = vector.broadcast %jit3A_444 : i32 to vector<16xi32>
      %select_n3A_446 = arith.select %and3A_443, %sub3A_436, %broadcast_in_dim3A_445 : vector<16xi1>, vector<16xi32>
      %swap3A_447 = arith.constant 2 : i32
      %swap3A_448 = arith.index_cast %swap3A_447 : i32 to index
      %swap3A_449 = arith.constant 16 : index
      %swap3A_450 = tpu.vector_load %arg7[%swap3A_448, %swap3A_449] {strides = array<i32>} : memref<8x128xi32, #tpu.memory_space<vmem>>, vector<1x16xi32>,
      %swap3A_451 = vector.shape_cast %swap3A_450 : vector<1x16xi32> to vector<16xi32>
      %swap3A_452 = vector.shape_cast %select_n3A_446 : vector<16xi32> to vector<1x16xi32>
      tpu.vector_store %arg7[%swap3A_448, %swap3A_449], %swap3A_452 {strides = array<i32>} : memref<8x128xi32, #tpu.memory_space<vmem>>, vector<1x16xi32>,
      %get3A_453 = arith.constant 288 : index
      %get3A_454 = tpu.vector_load %arg6[%get3A_453] {strides = array<i32>} : memref<1024xi32, #tpu.memory_space<vmem>>, vector<16xi32>,
      %get3A_455 = vector.shape_cast %get3A_454 : vector<16xi32> to vector<16xi32>
      %sub3A_456 = vector.broadcast %mul3A_0 : i32 to vector<16xi32>
      %sub3A_457 = arith.subi %get3A_455, %sub3A_456 : vector<16xi32>
      %ge3A_458 = arith.constant 0 : i32
      %ge3A_459 = vector.broadcast %ge3A_458 : i32 to vector<16xi32>
      %ge3A_460 = arith.cmpi sge, %sub3A_457, %ge3A_459 : vector<16xi32>
      %lt3A_461 = arith.constant 25088 : i32
      %lt3A_462 = vector.broadcast %lt3A_461 : i32 to vector<16xi32>
      %lt3A_463 = arith.cmpi slt, %sub3A_457, %lt3A_462 : vector<16xi32>
      %and3A_464 = arith.andi %ge3A_460, %lt3A_463 : vector<16xi1>
      %jit3A_465 = arith.constant 25088 : i32
      %broadcast_in_dim3A_466 = vector.broadcast %jit3A_465 : i32 to vector<16xi32>
      %select_n3A_467 = arith.select %and3A_464, %sub3A_457, %broadcast_in_dim3A_466 : vector<16xi1>, vector<16xi32>
      %swap3A_468 = arith.constant 2 : i32
      %swap3A_469 = arith.index_cast %swap3A_468 : i32 to index
      %swap3A_470 = arith.constant 32 : index
      %swap3A_471 = tpu.vector_load %arg7[%swap3A_469, %swap3A_470] {strides = array<i32>} : memref<8x128xi32, #tpu.memory_space<vmem>>, vector<1x16xi32>,
      %swap3A_472 = vector.shape_cast %swap3A_471 : vector<1x16xi32> to vector<16xi32>
      %swap3A_473 = vector.shape_cast %select_n3A_467 : vector<16xi32> to vector<1x16xi32>
      tpu.vector_store %arg7[%swap3A_469, %swap3A_470], %swap3A_473 {strides = array<i32>} : memref<8x128xi32, #tpu.memory_space<vmem>>, vector<1x16xi32>,
      %get3A_474 = arith.constant 304 : index
      %get3A_475 = tpu.vector_load %arg6[%get3A_474] {strides = array<i32>} : memref<1024xi32, #tpu.memory_space<vmem>>, vector<16xi32>,
      %get3A_476 = vector.shape_cast %get3A_475 : vector<16xi32> to vector<16xi32>
      %sub3A_477 = vector.broadcast %mul3A_0 : i32 to vector<16xi32>
      %sub3A_478 = arith.subi %get3A_476, %sub3A_477 : vector<16xi32>
      %ge3A_479 = arith.constant 0 : i32
      %ge3A_480 = vector.broadcast %ge3A_479 : i32 to vector<16xi32>
      %ge3A_481 = arith.cmpi sge, %sub3A_478, %ge3A_480 : vector<16xi32>
      %lt3A_482 = arith.constant 25088 : i32
      %lt3A_483 = vector.broadcast %lt3A_482 : i32 to vector<16xi32>
      %lt3A_484 = arith.cmpi slt, %sub3A_478, %lt3A_483 : vector<16xi32>
      %and3A_485 = arith.andi %ge3A_481, %lt3A_484 : vector<16xi1>
      %jit3A_486 = arith.constant 25088 : i32
      %broadcast_in_dim3A_487 = vector.broadcast %jit3A_486 : i32 to vector<16xi32>
      %select_n3A_488 = arith.select %and3A_485, %sub3A_478, %broadcast_in_dim3A_487 : vector<16xi1>, vector<16xi32>
      %swap3A_489 = arith.constant 2 : i32
      %swap3A_490 = arith.index_cast %swap3A_489 : i32 to index
      %swap3A_491 = arith.constant 48 : index
      %swap3A_492 = tpu.vector_load %arg7[%swap3A_490, %swap3A_491] {strides = array<i32>} : memref<8x128xi32, #tpu.memory_space<vmem>>, vector<1x16xi32>,
      %swap3A_493 = vector.shape_cast %swap3A_492 : vector<1x16xi32> to vector<16xi32>
      %swap3A_494 = vector.shape_cast %select_n3A_488 : vector<16xi32> to vector<1x16xi32>
      tpu.vector_store %arg7[%swap3A_490, %swap3A_491], %swap3A_494 {strides = array<i32>} : memref<8x128xi32, #tpu.memory_space<vmem>>, vector<1x16xi32>,
      %get3A_495 = arith.constant 320 : index
      %get3A_496 = tpu.vector_load %arg6[%get3A_495] {strides = array<i32>} : memref<1024xi32, #tpu.memory_space<vmem>>, vector<16xi32>,
      %get3A_497 = vector.shape_cast %get3A_496 : vector<16xi32> to vector<16xi32>
      %sub3A_498 = vector.broadcast %mul3A_0 : i32 to vector<16xi32>
      %sub3A_499 = arith.subi %get3A_497, %sub3A_498 : vector<16xi32>
      %ge3A_500 = arith.constant 0 : i32
      %ge3A_501 = vector.broadcast %ge3A_500 : i32 to vector<16xi32>
      %ge3A_502 = arith.cmpi sge, %sub3A_499, %ge3A_501 : vector<16xi32>
      %lt3A_503 = arith.constant 25088 : i32
      %lt3A_504 = vector.broadcast %lt3A_503 : i32 to vector<16xi32>
      %lt3A_505 = arith.cmpi slt, %sub3A_499, %lt3A_504 : vector<16xi32>
      %and3A_506 = arith.andi %ge3A_502, %lt3A_505 : vector<16xi1>
      %jit3A_507 = arith.constant 25088 : i32
      %broadcast_in_dim3A_508 = vector.broadcast %jit3A_507 : i32 to vector<16xi32>
      %select_n3A_509 = arith.select %and3A_506, %sub3A_499, %broadcast_in_dim3A_508 : vector<16xi1>, vector<16xi32>
      %swap3A_510 = arith.constant 2 : i32
      %swap3A_511 = arith.index_cast %swap3A_510 : i32 to index
      %swap3A_512 = arith.constant 64 : index
      %swap3A_513 = tpu.vector_load %arg7[%swap3A_511, %swap3A_512] {strides = array<i32>} : memref<8x128xi32, #tpu.memory_space<vmem>>, vector<1x16xi32>,
      %swap3A_514 = vector.shape_cast %swap3A_513 : vector<1x16xi32> to vector<16xi32>
      %swap3A_515 = vector.shape_cast %select_n3A_509 : vector<16xi32> to vector<1x16xi32>
      tpu.vector_store %arg7[%swap3A_511, %swap3A_512], %swap3A_515 {strides = array<i32>} : memref<8x128xi32, #tpu.memory_space<vmem>>, vector<1x16xi32>,
      %get3A_516 = arith.constant 336 : index
      %get3A_517 = tpu.vector_load %arg6[%get3A_516] {strides = array<i32>} : memref<1024xi32, #tpu.memory_space<vmem>>, vector<16xi32>,
      %get3A_518 = vector.shape_cast %get3A_517 : vector<16xi32> to vector<16xi32>
      %sub3A_519 = vector.broadcast %mul3A_0 : i32 to vector<16xi32>
      %sub3A_520 = arith.subi %get3A_518, %sub3A_519 : vector<16xi32>
      %ge3A_521 = arith.constant 0 : i32
      %ge3A_522 = vector.broadcast %ge3A_521 : i32 to vector<16xi32>
      %ge3A_523 = arith.cmpi sge, %sub3A_520, %ge3A_522 : vector<16xi32>
      %lt3A_524 = arith.constant 25088 : i32
      %lt3A_525 = vector.broadcast %lt3A_524 : i32 to vector<16xi32>
      %lt3A_526 = arith.cmpi slt, %sub3A_520, %lt3A_525 : vector<16xi32>
      %and3A_527 = arith.andi %ge3A_523, %lt3A_526 : vector<16xi1>
      %jit3A_528 = arith.constant 25088 : i32
      %broadcast_in_dim3A_529 = vector.broadcast %jit3A_528 : i32 to vector<16xi32>
      %select_n3A_530 = arith.select %and3A_527, %sub3A_520, %broadcast_in_dim3A_529 : vector<16xi1>, vector<16xi32>
      %swap3A_531 = arith.constant 2 : i32
      %swap3A_532 = arith.index_cast %swap3A_531 : i32 to index
      %swap3A_533 = arith.constant 80 : index
      %swap3A_534 = tpu.vector_load %arg7[%swap3A_532, %swap3A_533] {strides = array<i32>} : memref<8x128xi32, #tpu.memory_space<vmem>>, vector<1x16xi32>,
      %swap3A_535 = vector.shape_cast %swap3A_534 : vector<1x16xi32> to vector<16xi32>
      %swap3A_536 = vector.shape_cast %select_n3A_530 : vector<16xi32> to vector<1x16xi32>
      tpu.vector_store %arg7[%swap3A_532, %swap3A_533], %swap3A_536 {strides = array<i32>} : memref<8x128xi32, #tpu.memory_space<vmem>>, vector<1x16xi32>,
      %get3A_537 = arith.constant 352 : index
      %get3A_538 = tpu.vector_load %arg6[%get3A_537] {strides = array<i32>} : memref<1024xi32, #tpu.memory_space<vmem>>, vector<16xi32>,
      %get3A_539 = vector.shape_cast %get3A_538 : vector<16xi32> to vector<16xi32>
      %sub3A_540 = vector.broadcast %mul3A_0 : i32 to vector<16xi32>
      %sub3A_541 = arith.subi %get3A_539, %sub3A_540 : vector<16xi32>
      %ge3A_542 = arith.constant 0 : i32
      %ge3A_543 = vector.broadcast %ge3A_542 : i32 to vector<16xi32>
      %ge3A_544 = arith.cmpi sge, %sub3A_541, %ge3A_543 : vector<16xi32>
      %lt3A_545 = arith.constant 25088 : i32
      %lt3A_546 = vector.broadcast %lt3A_545 : i32 to vector<16xi32>
      %lt3A_547 = arith.cmpi slt, %sub3A_541, %lt3A_546 : vector<16xi32>
      %and3A_548 = arith.andi %ge3A_544, %lt3A_547 : vector<16xi1>
      %jit3A_549 = arith.constant 25088 : i32
      %broadcast_in_dim3A_550 = vector.broadcast %jit3A_549 : i32 to vector<16xi32>
      %select_n3A_551 = arith.select %and3A_548, %sub3A_541, %broadcast_in_dim3A_550 : vector<16xi1>, vector<16xi32>
      %swap3A_552 = arith.constant 2 : i32
      %swap3A_553 = arith.index_cast %swap3A_552 : i32 to index
      %swap3A_554 = arith.constant 96 : index
      %swap3A_555 = tpu.vector_load %arg7[%swap3A_553, %swap3A_554] {strides = array<i32>} : memref<8x128xi32, #tpu.memory_space<vmem>>, vector<1x16xi32>,
      %swap3A_556 = vector.shape_cast %swap3A_555 : vector<1x16xi32> to vector<16xi32>
      %swap3A_557 = vector.shape_cast %select_n3A_551 : vector<16xi32> to vector<1x16xi32>
      tpu.vector_store %arg7[%swap3A_553, %swap3A_554], %swap3A_557 {strides = array<i32>} : memref<8x128xi32, #tpu.memory_space<vmem>>, vector<1x16xi32>,
      %get3A_558 = arith.constant 368 : index
      %get3A_559 = tpu.vector_load %arg6[%get3A_558] {strides = array<i32>} : memref<1024xi32, #tpu.memory_space<vmem>>, vector<16xi32>,
      %get3A_560 = vector.shape_cast %get3A_559 : vector<16xi32> to vector<16xi32>
      %sub3A_561 = vector.broadcast %mul3A_0 : i32 to vector<16xi32>
      %sub3A_562 = arith.subi %get3A_560, %sub3A_561 : vector<16xi32>
      %ge3A_563 = arith.constant 0 : i32
      %ge3A_564 = vector.broadcast %ge3A_563 : i32 to vector<16xi32>
      %ge3A_565 = arith.cmpi sge, %sub3A_562, %ge3A_564 : vector<16xi32>
      %lt3A_566 = arith.constant 25088 : i32
      %lt3A_567 = vector.broadcast %lt3A_566 : i32 to vector<16xi32>
      %lt3A_568 = arith.cmpi slt, %sub3A_562, %lt3A_567 : vector<16xi32>
      %and3A_569 = arith.andi %ge3A_565, %lt3A_568 : vector<16xi1>
      %jit3A_570 = arith.constant 25088 : i32
      %broadcast_in_dim3A_571 = vector.broadcast %jit3A_570 : i32 to vector<16xi32>
      %select_n3A_572 = arith.select %and3A_569, %sub3A_562, %broadcast_in_dim3A_571 : vector<16xi1>, vector<16xi32>
      %swap3A_573 = arith.constant 2 : i32
      %swap3A_574 = arith.index_cast %swap3A_573 : i32 to index
      %swap3A_575 = arith.constant 112 : index
      %swap3A_576 = tpu.vector_load %arg7[%swap3A_574, %swap3A_575] {strides = array<i32>} : memref<8x128xi32, #tpu.memory_space<vmem>>, vector<1x16xi32>,
      %swap3A_577 = vector.shape_cast %swap3A_576 : vector<1x16xi32> to vector<16xi32>
      %swap3A_578 = vector.shape_cast %select_n3A_572 : vector<16xi32> to vector<1x16xi32>
      tpu.vector_store %arg7[%swap3A_574, %swap3A_575], %swap3A_578 {strides = array<i32>} : memref<8x128xi32, #tpu.memory_space<vmem>>, vector<1x16xi32>,
      %dma_start3A_579 = arith.constant 2 : i32
      %dma_start3A_580 = arith.constant 256 : i32
      %dma_start3A_581 = arith.constant 0 : i32
      %dma_start3A_582 = tpu.memref_slice %arg8[%dma_start3A_580, %dma_start3A_581] : memref<1024x32xf32, #tpu.memory_space<vmem>> -> memref<128x32xf32, #tpu.memory_space<vmem>>
      %dma_start3A_583 = arith.constant 0 : i32
      %dma_start3A_584 = tpu.memref_slice %arg7[%dma_start3A_579, %dma_start3A_583] : memref<8x128xi32, #tpu.memory_space<vmem>> -> memref<1x128xi32, #tpu.memory_space<vmem>>
      %dma_start3A_585 = tpu.memref_squeeze %dma_start3A_584 : memref<1x128xi32, #tpu.memory_space<vmem>> -> memref<128xi32, #tpu.memory_space<vmem>>
      %dma_start3A_586 = arith.constant 0 : i32
      %dma_start3A_587 = arith.constant 0 : i32
      %dma_start3A_588 = tpu.memref_slice %arg9[%dma_start3A_586, %dma_start3A_587] : memref<25104x32xf32, #tpu.memory_space<vmem_shared>> -> memref<25104x32xf32, #tpu.memory_space<vmem_shared>>
      tpu.enqueue_indirect_dma source(%dma_start3A_582 : memref<128x32xf32, #tpu.memory_space<vmem>>) target(%dma_start3A_588 : memref<25104x32xf32, #tpu.memory_space<vmem_shared>>) offsets(%dma_start3A_585 : memref<128xi32, #tpu.memory_space<vmem>>) semaphore(%arg10 : memref<!tpu.dma_semaphore, #tpu.memory_space<semaphore_mem>>) {add = true}
      %get3A_589 = arith.constant 384 : index
      %get3A_590 = tpu.vector_load %arg6[%get3A_589] {strides = array<i32>} : memref<1024xi32, #tpu.memory_space<vmem>>, vector<16xi32>,
      %get3A_591 = vector.shape_cast %get3A_590 : vector<16xi32> to vector<16xi32>
      %sub3A_592 = vector.broadcast %mul3A_0 : i32 to vector<16xi32>
      %sub3A_593 = arith.subi %get3A_591, %sub3A_592 : vector<16xi32>
      %ge3A_594 = arith.constant 0 : i32
      %ge3A_595 = vector.broadcast %ge3A_594 : i32 to vector<16xi32>
      %ge3A_596 = arith.cmpi sge, %sub3A_593, %ge3A_595 : vector<16xi32>
      %lt3A_597 = arith.constant 25088 : i32
      %lt3A_598 = vector.broadcast %lt3A_597 : i32 to vector<16xi32>
      %lt3A_599 = arith.cmpi slt, %sub3A_593, %lt3A_598 : vector<16xi32>
      %and3A_600 = arith.andi %ge3A_596, %lt3A_599 : vector<16xi1>
      %jit3A_601 = arith.constant 25088 : i32
      %broadcast_in_dim3A_602 = vector.broadcast %jit3A_601 : i32 to vector<16xi32>
      %select_n3A_603 = arith.select %and3A_600, %sub3A_593, %broadcast_in_dim3A_602 : vector<16xi1>, vector<16xi32>
      %swap3A_604 = arith.constant 3 : i32
      %swap3A_605 = arith.index_cast %swap3A_604 : i32 to index
      %swap3A_606 = arith.constant 0 : index
      %swap3A_607 = tpu.vector_load %arg7[%swap3A_605, %swap3A_606] {strides = array<i32>} : memref<8x128xi32, #tpu.memory_space<vmem>>, vector<1x16xi32>,
      %swap3A_608 = vector.shape_cast %swap3A_607 : vector<1x16xi32> to vector<16xi32>
      %swap3A_609 = vector.shape_cast %select_n3A_603 : vector<16xi32> to vector<1x16xi32>
      tpu.vector_store %arg7[%swap3A_605, %swap3A_606], %swap3A_609 {strides = array<i32>} : memref<8x128xi32, #tpu.memory_space<vmem>>, vector<1x16xi32>,
      %get3A_610 = arith.constant 400 : index
      %get3A_611 = tpu.vector_load %arg6[%get3A_610] {strides = array<i32>} : memref<1024xi32, #tpu.memory_space<vmem>>, vector<16xi32>,
      %get3A_612 = vector.shape_cast %get3A_611 : vector<16xi32> to vector<16xi32>
      %sub3A_613 = vector.broadcast %mul3A_0 : i32 to vector<16xi32>
      %sub3A_614 = arith.subi %get3A_612, %sub3A_613 : vector<16xi32>
      %ge3A_615 = arith.constant 0 : i32
      %ge3A_616 = vector.broadcast %ge3A_615 : i32 to vector<16xi32>
      %ge3A_617 = arith.cmpi sge, %sub3A_614, %ge3A_616 : vector<16xi32>
      %lt3A_618 = arith.constant 25088 : i32
      %lt3A_619 = vector.broadcast %lt3A_618 : i32 to vector<16xi32>
      %lt3A_620 = arith.cmpi slt, %sub3A_614, %lt3A_619 : vector<16xi32>
      %and3A_621 = arith.andi %ge3A_617, %lt3A_620 : vector<16xi1>
      %jit3A_622 = arith.constant 25088 : i32
      %broadcast_in_dim3A_623 = vector.broadcast %jit3A_622 : i32 to vector<16xi32>
      %select_n3A_624 = arith.select %and3A_621, %sub3A_614, %broadcast_in_dim3A_623 : vector<16xi1>, vector<16xi32>
      %swap3A_625 = arith.constant 3 : i32
      %swap3A_626 = arith.index_cast %swap3A_625 : i32 to index
      %swap3A_627 = arith.constant 16 : index
      %swap3A_628 = tpu.vector_load %arg7[%swap3A_626, %swap3A_627] {strides = array<i32>} : memref<8x128xi32, #tpu.memory_space<vmem>>, vector<1x16xi32>,
      %swap3A_629 = vector.shape_cast %swap3A_628 : vector<1x16xi32> to vector<16xi32>
      %swap3A_630 = vector.shape_cast %select_n3A_624 : vector<16xi32> to vector<1x16xi32>
      tpu.vector_store %arg7[%swap3A_626, %swap3A_627], %swap3A_630 {strides = array<i32>} : memref<8x128xi32, #tpu.memory_space<vmem>>, vector<1x16xi32>,
      %get3A_631 = arith.constant 416 : index
      %get3A_632 = tpu.vector_load %arg6[%get3A_631] {strides = array<i32>} : memref<1024xi32, #tpu.memory_space<vmem>>, vector<16xi32>,
      %get3A_633 = vector.shape_cast %get3A_632 : vector<16xi32> to vector<16xi32>
      %sub3A_634 = vector.broadcast %mul3A_0 : i32 to vector<16xi32>
      %sub3A_635 = arith.subi %get3A_633, %sub3A_634 : vector<16xi32>
      %ge3A_636 = arith.constant 0 : i32
      %ge3A_637 = vector.broadcast %ge3A_636 : i32 to vector<16xi32>
      %ge3A_638 = arith.cmpi sge, %sub3A_635, %ge3A_637 : vector<16xi32>
      %lt3A_639 = arith.constant 25088 : i32
      %lt3A_640 = vector.broadcast %lt3A_639 : i32 to vector<16xi32>
      %lt3A_641 = arith.cmpi slt, %sub3A_635, %lt3A_640 : vector<16xi32>
      %and3A_642 = arith.andi %ge3A_638, %lt3A_641 : vector<16xi1>
      %jit3A_643 = arith.constant 25088 : i32
      %broadcast_in_dim3A_644 = vector.broadcast %jit3A_643 : i32 to vector<16xi32>
      %select_n3A_645 = arith.select %and3A_642, %sub3A_635, %broadcast_in_dim3A_644 : vector<16xi1>, vector<16xi32>
      %swap3A_646 = arith.constant 3 : i32
      %swap3A_647 = arith.index_cast %swap3A_646 : i32 to index
      %swap3A_648 = arith.constant 32 : index
      %swap3A_649 = tpu.vector_load %arg7[%swap3A_647, %swap3A_648] {strides = array<i32>} : memref<8x128xi32, #tpu.memory_space<vmem>>, vector<1x16xi32>,
      %swap3A_650 = vector.shape_cast %swap3A_649 : vector<1x16xi32> to vector<16xi32>
      %swap3A_651 = vector.shape_cast %select_n3A_645 : vector<16xi32> to vector<1x16xi32>
      tpu.vector_store %arg7[%swap3A_647, %swap3A_648], %swap3A_651 {strides = array<i32>} : memref<8x128xi32, #tpu.memory_space<vmem>>, vector<1x16xi32>,
      %get3A_652 = arith.constant 432 : index
      %get3A_653 = tpu.vector_load %arg6[%get3A_652] {strides = array<i32>} : memref<1024xi32, #tpu.memory_space<vmem>>, vector<16xi32>,
      %get3A_654 = vector.shape_cast %get3A_653 : vector<16xi32> to vector<16xi32>
      %sub3A_655 = vector.broadcast %mul3A_0 : i32 to vector<16xi32>
      %sub3A_656 = arith.subi %get3A_654, %sub3A_655 : vector<16xi32>
      %ge3A_657 = arith.constant 0 : i32
      %ge3A_658 = vector.broadcast %ge3A_657 : i32 to vector<16xi32>
      %ge3A_659 = arith.cmpi sge, %sub3A_656, %ge3A_658 : vector<16xi32>
      %lt3A_660 = arith.constant 25088 : i32
      %lt3A_661 = vector.broadcast %lt3A_660 : i32 to vector<16xi32>
      %lt3A_662 = arith.cmpi slt, %sub3A_656, %lt3A_661 : vector<16xi32>
      %and3A_663 = arith.andi %ge3A_659, %lt3A_662 : vector<16xi1>
      %jit3A_664 = arith.constant 25088 : i32
      %broadcast_in_dim3A_665 = vector.broadcast %jit3A_664 : i32 to vector<16xi32>
      %select_n3A_666 = arith.select %and3A_663, %sub3A_656, %broadcast_in_dim3A_665 : vector<16xi1>, vector<16xi32>
      %swap3A_667 = arith.constant 3 : i32
      %swap3A_668 = arith.index_cast %swap3A_667 : i32 to index
      %swap3A_669 = arith.constant 48 : index
      %swap3A_670 = tpu.vector_load %arg7[%swap3A_668, %swap3A_669] {strides = array<i32>} : memref<8x128xi32, #tpu.memory_space<vmem>>, vector<1x16xi32>,
      %swap3A_671 = vector.shape_cast %swap3A_670 : vector<1x16xi32> to vector<16xi32>
      %swap3A_672 = vector.shape_cast %select_n3A_666 : vector<16xi32> to vector<1x16xi32>
      tpu.vector_store %arg7[%swap3A_668, %swap3A_669], %swap3A_672 {strides = array<i32>} : memref<8x128xi32, #tpu.memory_space<vmem>>, vector<1x16xi32>,
      %get3A_673 = arith.constant 448 : index
      %get3A_674 = tpu.vector_load %arg6[%get3A_673] {strides = array<i32>} : memref<1024xi32, #tpu.memory_space<vmem>>, vector<16xi32>,
      %get3A_675 = vector.shape_cast %get3A_674 : vector<16xi32> to vector<16xi32>
      %sub3A_676 = vector.broadcast %mul3A_0 : i32 to vector<16xi32>
      %sub3A_677 = arith.subi %get3A_675, %sub3A_676 : vector<16xi32>
      %ge3A_678 = arith.constant 0 : i32
      %ge3A_679 = vector.broadcast %ge3A_678 : i32 to vector<16xi32>
      %ge3A_680 = arith.cmpi sge, %sub3A_677, %ge3A_679 : vector<16xi32>
      %lt3A_681 = arith.constant 25088 : i32
      %lt3A_682 = vector.broadcast %lt3A_681 : i32 to vector<16xi32>
      %lt3A_683 = arith.cmpi slt, %sub3A_677, %lt3A_682 : vector<16xi32>
      %and3A_684 = arith.andi %ge3A_680, %lt3A_683 : vector<16xi1>
      %jit3A_685 = arith.constant 25088 : i32
      %broadcast_in_dim3A_686 = vector.broadcast %jit3A_685 : i32 to vector<16xi32>
      %select_n3A_687 = arith.select %and3A_684, %sub3A_677, %broadcast_in_dim3A_686 : vector<16xi1>, vector<16xi32>
      %swap3A_688 = arith.constant 3 : i32
      %swap3A_689 = arith.index_cast %swap3A_688 : i32 to index
      %swap3A_690 = arith.constant 64 : index
      %swap3A_691 = tpu.vector_load %arg7[%swap3A_689, %swap3A_690] {strides = array<i32>} : memref<8x128xi32, #tpu.memory_space<vmem>>, vector<1x16xi32>,
      %swap3A_692 = vector.shape_cast %swap3A_691 : vector<1x16xi32> to vector<16xi32>
      %swap3A_693 = vector.shape_cast %select_n3A_687 : vector<16xi32> to vector<1x16xi32>
      tpu.vector_store %arg7[%swap3A_689, %swap3A_690], %swap3A_693 {strides = array<i32>} : memref<8x128xi32, #tpu.memory_space<vmem>>, vector<1x16xi32>,
      %get3A_694 = arith.constant 464 : index
      %get3A_695 = tpu.vector_load %arg6[%get3A_694] {strides = array<i32>} : memref<1024xi32, #tpu.memory_space<vmem>>, vector<16xi32>,
      %get3A_696 = vector.shape_cast %get3A_695 : vector<16xi32> to vector<16xi32>
      %sub3A_697 = vector.broadcast %mul3A_0 : i32 to vector<16xi32>
      %sub3A_698 = arith.subi %get3A_696, %sub3A_697 : vector<16xi32>
      %ge3A_699 = arith.constant 0 : i32
      %ge3A_700 = vector.broadcast %ge3A_699 : i32 to vector<16xi32>
      %ge3A_701 = arith.cmpi sge, %sub3A_698, %ge3A_700 : vector<16xi32>
      %lt3A_702 = arith.constant 25088 : i32
      %lt3A_703 = vector.broadcast %lt3A_702 : i32 to vector<16xi32>
      %lt3A_704 = arith.cmpi slt, %sub3A_698, %lt3A_703 : vector<16xi32>
      %and3A_705 = arith.andi %ge3A_701, %lt3A_704 : vector<16xi1>
      %jit3A_706 = arith.constant 25088 : i32
      %broadcast_in_dim3A_707 = vector.broadcast %jit3A_706 : i32 to vector<16xi32>
      %select_n3A_708 = arith.select %and3A_705, %sub3A_698, %broadcast_in_dim3A_707 : vector<16xi1>, vector<16xi32>
      %swap3A_709 = arith.constant 3 : i32
      %swap3A_710 = arith.index_cast %swap3A_709 : i32 to index
      %swap3A_711 = arith.constant 80 : index
      %swap3A_712 = tpu.vector_load %arg7[%swap3A_710, %swap3A_711] {strides = array<i32>} : memref<8x128xi32, #tpu.memory_space<vmem>>, vector<1x16xi32>,
      %swap3A_713 = vector.shape_cast %swap3A_712 : vector<1x16xi32> to vector<16xi32>
      %swap3A_714 = vector.shape_cast %select_n3A_708 : vector<16xi32> to vector<1x16xi32>
      tpu.vector_store %arg7[%swap3A_710, %swap3A_711], %swap3A_714 {strides = array<i32>} : memref<8x128xi32, #tpu.memory_space<vmem>>, vector<1x16xi32>,
      %get3A_715 = arith.constant 480 : index
      %get3A_716 = tpu.vector_load %arg6[%get3A_715] {strides = array<i32>} : memref<1024xi32, #tpu.memory_space<vmem>>, vector<16xi32>,
      %get3A_717 = vector.shape_cast %get3A_716 : vector<16xi32> to vector<16xi32>
      %sub3A_718 = vector.broadcast %mul3A_0 : i32 to vector<16xi32>
      %sub3A_719 = arith.subi %get3A_717, %sub3A_718 : vector<16xi32>
      %ge3A_720 = arith.constant 0 : i32
      %ge3A_721 = vector.broadcast %ge3A_720 : i32 to vector<16xi32>
      %ge3A_722 = arith.cmpi sge, %sub3A_719, %ge3A_721 : vector<16xi32>
      %lt3A_723 = arith.constant 25088 : i32
      %lt3A_724 = vector.broadcast %lt3A_723 : i32 to vector<16xi32>
      %lt3A_725 = arith.cmpi slt, %sub3A_719, %lt3A_724 : vector<16xi32>
      %and3A_726 = arith.andi %ge3A_722, %lt3A_725 : vector<16xi1>
      %jit3A_727 = arith.constant 25088 : i32
      %broadcast_in_dim3A_728 = vector.broadcast %jit3A_727 : i32 to vector<16xi32>
      %select_n3A_729 = arith.select %and3A_726, %sub3A_719, %broadcast_in_dim3A_728 : vector<16xi1>, vector<16xi32>
      %swap3A_730 = arith.constant 3 : i32
      %swap3A_731 = arith.index_cast %swap3A_730 : i32 to index
      %swap3A_732 = arith.constant 96 : index
      %swap3A_733 = tpu.vector_load %arg7[%swap3A_731, %swap3A_732] {strides = array<i32>} : memref<8x128xi32, #tpu.memory_space<vmem>>, vector<1x16xi32>,
      %swap3A_734 = vector.shape_cast %swap3A_733 : vector<1x16xi32> to vector<16xi32>
      %swap3A_735 = vector.shape_cast %select_n3A_729 : vector<16xi32> to vector<1x16xi32>
      tpu.vector_store %arg7[%swap3A_731, %swap3A_732], %swap3A_735 {strides = array<i32>} : memref<8x128xi32, #tpu.memory_space<vmem>>, vector<1x16xi32>,
      %get3A_736 = arith.constant 496 : index
      %get3A_737 = tpu.vector_load %arg6[%get3A_736] {strides = array<i32>} : memref<1024xi32, #tpu.memory_space<vmem>>, vector<16xi32>,
      %get3A_738 = vector.shape_cast %get3A_737 : vector<16xi32> to vector<16xi32>
      %sub3A_739 = vector.broadcast %mul3A_0 : i32 to vector<16xi32>
      %sub3A_740 = arith.subi %get3A_738, %sub3A_739 : vector<16xi32>
      %ge3A_741 = arith.constant 0 : i32
      %ge3A_742 = vector.broadcast %ge3A_741 : i32 to vector<16xi32>
      %ge3A_743 = arith.cmpi sge, %sub3A_740, %ge3A_742 : vector<16xi32>
      %lt3A_744 = arith.constant 25088 : i32
      %lt3A_745 = vector.broadcast %lt3A_744 : i32 to vector<16xi32>
      %lt3A_746 = arith.cmpi slt, %sub3A_740, %lt3A_745 : vector<16xi32>
      %and3A_747 = arith.andi %ge3A_743, %lt3A_746 : vector<16xi1>
      %jit3A_748 = arith.constant 25088 : i32
      %broadcast_in_dim3A_749 = vector.broadcast %jit3A_748 : i32 to vector<16xi32>
      %select_n3A_750 = arith.select %and3A_747, %sub3A_740, %broadcast_in_dim3A_749 : vector<16xi1>, vector<16xi32>
      %swap3A_751 = arith.constant 3 : i32
      %swap3A_752 = arith.index_cast %swap3A_751 : i32 to index
      %swap3A_753 = arith.constant 112 : index
      %swap3A_754 = tpu.vector_load %arg7[%swap3A_752, %swap3A_753] {strides = array<i32>} : memref<8x128xi32, #tpu.memory_space<vmem>>, vector<1x16xi32>,
      %swap3A_755 = vector.shape_cast %swap3A_754 : vector<1x16xi32> to vector<16xi32>
      %swap3A_756 = vector.shape_cast %select_n3A_750 : vector<16xi32> to vector<1x16xi32>
      tpu.vector_store %arg7[%swap3A_752, %swap3A_753], %swap3A_756 {strides = array<i32>} : memref<8x128xi32, #tpu.memory_space<vmem>>, vector<1x16xi32>,
      %dma_start3A_757 = arith.constant 3 : i32
      %dma_start3A_758 = arith.constant 384 : i32
      %dma_start3A_759 = arith.constant 0 : i32
      %dma_start3A_760 = tpu.memref_slice %arg8[%dma_start3A_758, %dma_start3A_759] : memref<1024x32xf32, #tpu.memory_space<vmem>> -> memref<128x32xf32, #tpu.memory_space<vmem>>
      %dma_start3A_761 = arith.constant 0 : i32
      %dma_start3A_762 = tpu.memref_slice %arg7[%dma_start3A_757, %dma_start3A_761] : memref<8x128xi32, #tpu.memory_space<vmem>> -> memref<1x128xi32, #tpu.memory_space<vmem>>
      %dma_start3A_763 = tpu.memref_squeeze %dma_start3A_762 : memref<1x128xi32, #tpu.memory_space<vmem>> -> memref<128xi32, #tpu.memory_space<vmem>>
      %dma_start3A_764 = arith.constant 0 : i32
      %dma_start3A_765 = arith.constant 0 : i32
      %dma_start3A_766 = tpu.memref_slice %arg9[%dma_start3A_764, %dma_start3A_765] : memref<25104x32xf32, #tpu.memory_space<vmem_shared>> -> memref<25104x32xf32, #tpu.memory_space<vmem_shared>>
      tpu.enqueue_indirect_dma source(%dma_start3A_760 : memref<128x32xf32, #tpu.memory_space<vmem>>) target(%dma_start3A_766 : memref<25104x32xf32, #tpu.memory_space<vmem_shared>>) offsets(%dma_start3A_763 : memref<128xi32, #tpu.memory_space<vmem>>) semaphore(%arg10 : memref<!tpu.dma_semaphore, #tpu.memory_space<semaphore_mem>>) {add = true}
      %get3A_767 = arith.constant 512 : index
      %get3A_768 = tpu.vector_load %arg6[%get3A_767] {strides = array<i32>} : memref<1024xi32, #tpu.memory_space<vmem>>, vector<16xi32>,
      %get3A_769 = vector.shape_cast %get3A_768 : vector<16xi32> to vector<16xi32>
      %sub3A_770 = vector.broadcast %mul3A_0 : i32 to vector<16xi32>
      %sub3A_771 = arith.subi %get3A_769, %sub3A_770 : vector<16xi32>
      %ge3A_772 = arith.constant 0 : i32
      %ge3A_773 = vector.broadcast %ge3A_772 : i32 to vector<16xi32>
      %ge3A_774 = arith.cmpi sge, %sub3A_771, %ge3A_773 : vector<16xi32>
      %lt3A_775 = arith.constant 25088 : i32
      %lt3A_776 = vector.broadcast %lt3A_775 : i32 to vector<16xi32>
      %lt3A_777 = arith.cmpi slt, %sub3A_771, %lt3A_776 : vector<16xi32>
      %and3A_778 = arith.andi %ge3A_774, %lt3A_777 : vector<16xi1>
      %jit3A_779 = arith.constant 25088 : i32
      %broadcast_in_dim3A_780 = vector.broadcast %jit3A_779 : i32 to vector<16xi32>
      %select_n3A_781 = arith.select %and3A_778, %sub3A_771, %broadcast_in_dim3A_780 : vector<16xi1>, vector<16xi32>
      %swap3A_782 = arith.constant 4 : i32
      %swap3A_783 = arith.index_cast %swap3A_782 : i32 to index
      %swap3A_784 = arith.constant 0 : index
      %swap3A_785 = tpu.vector_load %arg7[%swap3A_783, %swap3A_784] {strides = array<i32>} : memref<8x128xi32, #tpu.memory_space<vmem>>, vector<1x16xi32>,
      %swap3A_786 = vector.shape_cast %swap3A_785 : vector<1x16xi32> to vector<16xi32>
      %swap3A_787 = vector.shape_cast %select_n3A_781 : vector<16xi32> to vector<1x16xi32>
      tpu.vector_store %arg7[%swap3A_783, %swap3A_784], %swap3A_787 {strides = array<i32>} : memref<8x128xi32, #tpu.memory_space<vmem>>, vector<1x16xi32>,
      %get3A_788 = arith.constant 528 : index
      %get3A_789 = tpu.vector_load %arg6[%get3A_788] {strides = array<i32>} : memref<1024xi32, #tpu.memory_space<vmem>>, vector<16xi32>,
      %get3A_790 = vector.shape_cast %get3A_789 : vector<16xi32> to vector<16xi32>
      %sub3A_791 = vector.broadcast %mul3A_0 : i32 to vector<16xi32>
      %sub3A_792 = arith.subi %get3A_790, %sub3A_791 : vector<16xi32>
      %ge3A_793 = arith.constant 0 : i32
      %ge3A_794 = vector.broadcast %ge3A_793 : i32 to vector<16xi32>
      %ge3A_795 = arith.cmpi sge, %sub3A_792, %ge3A_794 : vector<16xi32>
      %lt3A_796 = arith.constant 25088 : i32
      %lt3A_797 = vector.broadcast %lt3A_796 : i32 to vector<16xi32>
      %lt3A_798 = arith.cmpi slt, %sub3A_792, %lt3A_797 : vector<16xi32>
      %and3A_799 = arith.andi %ge3A_795, %lt3A_798 : vector<16xi1>
      %jit3A_800 = arith.constant 25088 : i32
      %broadcast_in_dim3A_801 = vector.broadcast %jit3A_800 : i32 to vector<16xi32>
      %select_n3A_802 = arith.select %and3A_799, %sub3A_792, %broadcast_in_dim3A_801 : vector<16xi1>, vector<16xi32>
      %swap3A_803 = arith.constant 4 : i32
      %swap3A_804 = arith.index_cast %swap3A_803 : i32 to index
      %swap3A_805 = arith.constant 16 : index
      %swap3A_806 = tpu.vector_load %arg7[%swap3A_804, %swap3A_805] {strides = array<i32>} : memref<8x128xi32, #tpu.memory_space<vmem>>, vector<1x16xi32>,
      %swap3A_807 = vector.shape_cast %swap3A_806 : vector<1x16xi32> to vector<16xi32>
      %swap3A_808 = vector.shape_cast %select_n3A_802 : vector<16xi32> to vector<1x16xi32>
      tpu.vector_store %arg7[%swap3A_804, %swap3A_805], %swap3A_808 {strides = array<i32>} : memref<8x128xi32, #tpu.memory_space<vmem>>, vector<1x16xi32>,
      %get3A_809 = arith.constant 544 : index
      %get3A_810 = tpu.vector_load %arg6[%get3A_809] {strides = array<i32>} : memref<1024xi32, #tpu.memory_space<vmem>>, vector<16xi32>,
      %get3A_811 = vector.shape_cast %get3A_810 : vector<16xi32> to vector<16xi32>
      %sub3A_812 = vector.broadcast %mul3A_0 : i32 to vector<16xi32>
      %sub3A_813 = arith.subi %get3A_811, %sub3A_812 : vector<16xi32>
      %ge3A_814 = arith.constant 0 : i32
      %ge3A_815 = vector.broadcast %ge3A_814 : i32 to vector<16xi32>
      %ge3A_816 = arith.cmpi sge, %sub3A_813, %ge3A_815 : vector<16xi32>
      %lt3A_817 = arith.constant 25088 : i32
      %lt3A_818 = vector.broadcast %lt3A_817 : i32 to vector<16xi32>
      %lt3A_819 = arith.cmpi slt, %sub3A_813, %lt3A_818 : vector<16xi32>
      %and3A_820 = arith.andi %ge3A_816, %lt3A_819 : vector<16xi1>
      %jit3A_821 = arith.constant 25088 : i32
      %broadcast_in_dim3A_822 = vector.broadcast %jit3A_821 : i32 to vector<16xi32>
      %select_n3A_823 = arith.select %and3A_820, %sub3A_813, %broadcast_in_dim3A_822 : vector<16xi1>, vector<16xi32>
      %swap3A_824 = arith.constant 4 : i32
      %swap3A_825 = arith.index_cast %swap3A_824 : i32 to index
      %swap3A_826 = arith.constant 32 : index
      %swap3A_827 = tpu.vector_load %arg7[%swap3A_825, %swap3A_826] {strides = array<i32>} : memref<8x128xi32, #tpu.memory_space<vmem>>, vector<1x16xi32>,
      %swap3A_828 = vector.shape_cast %swap3A_827 : vector<1x16xi32> to vector<16xi32>
      %swap3A_829 = vector.shape_cast %select_n3A_823 : vector<16xi32> to vector<1x16xi32>
      tpu.vector_store %arg7[%swap3A_825, %swap3A_826], %swap3A_829 {strides = array<i32>} : memref<8x128xi32, #tpu.memory_space<vmem>>, vector<1x16xi32>,
      %get3A_830 = arith.constant 560 : index
      %get3A_831 = tpu.vector_load %arg6[%get3A_830] {strides = array<i32>} : memref<1024xi32, #tpu.memory_space<vmem>>, vector<16xi32>,
      %get3A_832 = vector.shape_cast %get3A_831 : vector<16xi32> to vector<16xi32>
      %sub3A_833 = vector.broadcast %mul3A_0 : i32 to vector<16xi32>
      %sub3A_834 = arith.subi %get3A_832, %sub3A_833 : vector<16xi32>
      %ge3A_835 = arith.constant 0 : i32
      %ge3A_836 = vector.broadcast %ge3A_835 : i32 to vector<16xi32>
      %ge3A_837 = arith.cmpi sge, %sub3A_834, %ge3A_836 : vector<16xi32>
      %lt3A_838 = arith.constant 25088 : i32
      %lt3A_839 = vector.broadcast %lt3A_838 : i32 to vector<16xi32>
      %lt3A_840 = arith.cmpi slt, %sub3A_834, %lt3A_839 : vector<16xi32>
      %and3A_841 = arith.andi %ge3A_837, %lt3A_840 : vector<16xi1>
      %jit3A_842 = arith.constant 25088 : i32
      %broadcast_in_dim3A_843 = vector.broadcast %jit3A_842 : i32 to vector<16xi32>
      %select_n3A_844 = arith.select %and3A_841, %sub3A_834, %broadcast_in_dim3A_843 : vector<16xi1>, vector<16xi32>
      %swap3A_845 = arith.constant 4 : i32
      %swap3A_846 = arith.index_cast %swap3A_845 : i32 to index
      %swap3A_847 = arith.constant 48 : index
      %swap3A_848 = tpu.vector_load %arg7[%swap3A_846, %swap3A_847] {strides = array<i32>} : memref<8x128xi32, #tpu.memory_space<vmem>>, vector<1x16xi32>,
      %swap3A_849 = vector.shape_cast %swap3A_848 : vector<1x16xi32> to vector<16xi32>
      %swap3A_850 = vector.shape_cast %select_n3A_844 : vector<16xi32> to vector<1x16xi32>
      tpu.vector_store %arg7[%swap3A_846, %swap3A_847], %swap3A_850 {strides = array<i32>} : memref<8x128xi32, #tpu.memory_space<vmem>>, vector<1x16xi32>,
      %get3A_851 = arith.constant 576 : index
      %get3A_852 = tpu.vector_load %arg6[%get3A_851] {strides = array<i32>} : memref<1024xi32, #tpu.memory_space<vmem>>, vector<16xi32>,
      %get3A_853 = vector.shape_cast %get3A_852 : vector<16xi32> to vector<16xi32>
      %sub3A_854 = vector.broadcast %mul3A_0 : i32 to vector<16xi32>
      %sub3A_855 = arith.subi %get3A_853, %sub3A_854 : vector<16xi32>
      %ge3A_856 = arith.constant 0 : i32
      %ge3A_857 = vector.broadcast %ge3A_856 : i32 to vector<16xi32>
      %ge3A_858 = arith.cmpi sge, %sub3A_855, %ge3A_857 : vector<16xi32>
      %lt3A_859 = arith.constant 25088 : i32
      %lt3A_860 = vector.broadcast %lt3A_859 : i32 to vector<16xi32>
      %lt3A_861 = arith.cmpi slt, %sub3A_855, %lt3A_860 : vector<16xi32>
      %and3A_862 = arith.andi %ge3A_858, %lt3A_861 : vector<16xi1>
      %jit3A_863 = arith.constant 25088 : i32
      %broadcast_in_dim3A_864 = vector.broadcast %jit3A_863 : i32 to vector<16xi32>
      %select_n3A_865 = arith.select %and3A_862, %sub3A_855, %broadcast_in_dim3A_864 : vector<16xi1>, vector<16xi32>
      %swap3A_866 = arith.constant 4 : i32
      %swap3A_867 = arith.index_cast %swap3A_866 : i32 to index
      %swap3A_868 = arith.constant 64 : index
      %swap3A_869 = tpu.vector_load %arg7[%swap3A_867, %swap3A_868] {strides = array<i32>} : memref<8x128xi32, #tpu.memory_space<vmem>>, vector<1x16xi32>,
      %swap3A_870 = vector.shape_cast %swap3A_869 : vector<1x16xi32> to vector<16xi32>
      %swap3A_871 = vector.shape_cast %select_n3A_865 : vector<16xi32> to vector<1x16xi32>
      tpu.vector_store %arg7[%swap3A_867, %swap3A_868], %swap3A_871 {strides = array<i32>} : memref<8x128xi32, #tpu.memory_space<vmem>>, vector<1x16xi32>,
      %get3A_872 = arith.constant 592 : index
      %get3A_873 = tpu.vector_load %arg6[%get3A_872] {strides = array<i32>} : memref<1024xi32, #tpu.memory_space<vmem>>, vector<16xi32>,
      %get3A_874 = vector.shape_cast %get3A_873 : vector<16xi32> to vector<16xi32>
      %sub3A_875 = vector.broadcast %mul3A_0 : i32 to vector<16xi32>
      %sub3A_876 = arith.subi %get3A_874, %sub3A_875 : vector<16xi32>
      %ge3A_877 = arith.constant 0 : i32
      %ge3A_878 = vector.broadcast %ge3A_877 : i32 to vector<16xi32>
      %ge3A_879 = arith.cmpi sge, %sub3A_876, %ge3A_878 : vector<16xi32>
      %lt3A_880 = arith.constant 25088 : i32
      %lt3A_881 = vector.broadcast %lt3A_880 : i32 to vector<16xi32>
      %lt3A_882 = arith.cmpi slt, %sub3A_876, %lt3A_881 : vector<16xi32>
      %and3A_883 = arith.andi %ge3A_879, %lt3A_882 : vector<16xi1>
      %jit3A_884 = arith.constant 25088 : i32
      %broadcast_in_dim3A_885 = vector.broadcast %jit3A_884 : i32 to vector<16xi32>
      %select_n3A_886 = arith.select %and3A_883, %sub3A_876, %broadcast_in_dim3A_885 : vector<16xi1>, vector<16xi32>
      %swap3A_887 = arith.constant 4 : i32
      %swap3A_888 = arith.index_cast %swap3A_887 : i32 to index
      %swap3A_889 = arith.constant 80 : index
      %swap3A_890 = tpu.vector_load %arg7[%swap3A_888, %swap3A_889] {strides = array<i32>} : memref<8x128xi32, #tpu.memory_space<vmem>>, vector<1x16xi32>,
      %swap3A_891 = vector.shape_cast %swap3A_890 : vector<1x16xi32> to vector<16xi32>
      %swap3A_892 = vector.shape_cast %select_n3A_886 : vector<16xi32> to vector<1x16xi32>
      tpu.vector_store %arg7[%swap3A_888, %swap3A_889], %swap3A_892 {strides = array<i32>} : memref<8x128xi32, #tpu.memory_space<vmem>>, vector<1x16xi32>,
      %get3A_893 = arith.constant 608 : index
      %get3A_894 = tpu.vector_load %arg6[%get3A_893] {strides = array<i32>} : memref<1024xi32, #tpu.memory_space<vmem>>, vector<16xi32>,
      %get3A_895 = vector.shape_cast %get3A_894 : vector<16xi32> to vector<16xi32>
      %sub3A_896 = vector.broadcast %mul3A_0 : i32 to vector<16xi32>
      %sub3A_897 = arith.subi %get3A_895, %sub3A_896 : vector<16xi32>
      %ge3A_898 = arith.constant 0 : i32
      %ge3A_899 = vector.broadcast %ge3A_898 : i32 to vector<16xi32>
      %ge3A_900 = arith.cmpi sge, %sub3A_897, %ge3A_899 : vector<16xi32>
      %lt3A_901 = arith.constant 25088 : i32
      %lt3A_902 = vector.broadcast %lt3A_901 : i32 to vector<16xi32>
      %lt3A_903 = arith.cmpi slt, %sub3A_897, %lt3A_902 : vector<16xi32>
      %and3A_904 = arith.andi %ge3A_900, %lt3A_903 : vector<16xi1>
      %jit3A_905 = arith.constant 25088 : i32
      %broadcast_in_dim3A_906 = vector.broadcast %jit3A_905 : i32 to vector<16xi32>
      %select_n3A_907 = arith.select %and3A_904, %sub3A_897, %broadcast_in_dim3A_906 : vector<16xi1>, vector<16xi32>
      %swap3A_908 = arith.constant 4 : i32
      %swap3A_909 = arith.index_cast %swap3A_908 : i32 to index
      %swap3A_910 = arith.constant 96 : index
      %swap3A_911 = tpu.vector_load %arg7[%swap3A_909, %swap3A_910] {strides = array<i32>} : memref<8x128xi32, #tpu.memory_space<vmem>>, vector<1x16xi32>,
      %swap3A_912 = vector.shape_cast %swap3A_911 : vector<1x16xi32> to vector<16xi32>
      %swap3A_913 = vector.shape_cast %select_n3A_907 : vector<16xi32> to vector<1x16xi32>
      tpu.vector_store %arg7[%swap3A_909, %swap3A_910], %swap3A_913 {strides = array<i32>} : memref<8x128xi32, #tpu.memory_space<vmem>>, vector<1x16xi32>,
      %get3A_914 = arith.constant 624 : index
      %get3A_915 = tpu.vector_load %arg6[%get3A_914] {strides = array<i32>} : memref<1024xi32, #tpu.memory_space<vmem>>, vector<16xi32>,
      %get3A_916 = vector.shape_cast %get3A_915 : vector<16xi32> to vector<16xi32>
      %sub3A_917 = vector.broadcast %mul3A_0 : i32 to vector<16xi32>
      %sub3A_918 = arith.subi %get3A_916, %sub3A_917 : vector<16xi32>
      %ge3A_919 = arith.constant 0 : i32
      %ge3A_920 = vector.broadcast %ge3A_919 : i32 to vector<16xi32>
      %ge3A_921 = arith.cmpi sge, %sub3A_918, %ge3A_920 : vector<16xi32>
      %lt3A_922 = arith.constant 25088 : i32
      %lt3A_923 = vector.broadcast %lt3A_922 : i32 to vector<16xi32>
      %lt3A_924 = arith.cmpi slt, %sub3A_918, %lt3A_923 : vector<16xi32>
      %and3A_925 = arith.andi %ge3A_921, %lt3A_924 : vector<16xi1>
      %jit3A_926 = arith.constant 25088 : i32
      %broadcast_in_dim3A_927 = vector.broadcast %jit3A_926 : i32 to vector<16xi32>
      %select_n3A_928 = arith.select %and3A_925, %sub3A_918, %broadcast_in_dim3A_927 : vector<16xi1>, vector<16xi32>
      %swap3A_929 = arith.constant 4 : i32
      %swap3A_930 = arith.index_cast %swap3A_929 : i32 to index
      %swap3A_931 = arith.constant 112 : index
      %swap3A_932 = tpu.vector_load %arg7[%swap3A_930, %swap3A_931] {strides = array<i32>} : memref<8x128xi32, #tpu.memory_space<vmem>>, vector<1x16xi32>,
      %swap3A_933 = vector.shape_cast %swap3A_932 : vector<1x16xi32> to vector<16xi32>
      %swap3A_934 = vector.shape_cast %select_n3A_928 : vector<16xi32> to vector<1x16xi32>
      tpu.vector_store %arg7[%swap3A_930, %swap3A_931], %swap3A_934 {strides = array<i32>} : memref<8x128xi32, #tpu.memory_space<vmem>>, vector<1x16xi32>,
      %dma_start3A_935 = arith.constant 4 : i32
      %dma_start3A_936 = arith.constant 512 : i32
      %dma_start3A_937 = arith.constant 0 : i32
      %dma_start3A_938 = tpu.memref_slice %arg8[%dma_start3A_936, %dma_start3A_937] : memref<1024x32xf32, #tpu.memory_space<vmem>> -> memref<128x32xf32, #tpu.memory_space<vmem>>
      %dma_start3A_939 = arith.constant 0 : i32
      %dma_start3A_940 = tpu.memref_slice %arg7[%dma_start3A_935, %dma_start3A_939] : memref<8x128xi32, #tpu.memory_space<vmem>> -> memref<1x128xi32, #tpu.memory_space<vmem>>
      %dma_start3A_941 = tpu.memref_squeeze %dma_start3A_940 : memref<1x128xi32, #tpu.memory_space<vmem>> -> memref<128xi32, #tpu.memory_space<vmem>>
      %dma_start3A_942 = arith.constant 0 : i32
      %dma_start3A_943 = arith.constant 0 : i32
      %dma_start3A_944 = tpu.memref_slice %arg9[%dma_start3A_942, %dma_start3A_943] : memref<25104x32xf32, #tpu.memory_space<vmem_shared>> -> memref<25104x32xf32, #tpu.memory_space<vmem_shared>>
      tpu.enqueue_indirect_dma source(%dma_start3A_938 : memref<128x32xf32, #tpu.memory_space<vmem>>) target(%dma_start3A_944 : memref<25104x32xf32, #tpu.memory_space<vmem_shared>>) offsets(%dma_start3A_941 : memref<128xi32, #tpu.memory_space<vmem>>) semaphore(%arg10 : memref<!tpu.dma_semaphore, #tpu.memory_space<semaphore_mem>>) {add = true}
      %get3A_945 = arith.constant 640 : index
      %get3A_946 = tpu.vector_load %arg6[%get3A_945] {strides = array<i32>} : memref<1024xi32, #tpu.memory_space<vmem>>, vector<16xi32>,
      %get3A_947 = vector.shape_cast %get3A_946 : vector<16xi32> to vector<16xi32>
      %sub3A_948 = vector.broadcast %mul3A_0 : i32 to vector<16xi32>
      %sub3A_949 = arith.subi %get3A_947, %sub3A_948 : vector<16xi32>
      %ge3A_950 = arith.constant 0 : i32
      %ge3A_951 = vector.broadcast %ge3A_950 : i32 to vector<16xi32>
      %ge3A_952 = arith.cmpi sge, %sub3A_949, %ge3A_951 : vector<16xi32>
      %lt3A_953 = arith.constant 25088 : i32
      %lt3A_954 = vector.broadcast %lt3A_953 : i32 to vector<16xi32>
      %lt3A_955 = arith.cmpi slt, %sub3A_949, %lt3A_954 : vector<16xi32>
      %and3A_956 = arith.andi %ge3A_952, %lt3A_955 : vector<16xi1>
      %jit3A_957 = arith.constant 25088 : i32
      %broadcast_in_dim3A_958 = vector.broadcast %jit3A_957 : i32 to vector<16xi32>
      %select_n3A_959 = arith.select %and3A_956, %sub3A_949, %broadcast_in_dim3A_958 : vector<16xi1>, vector<16xi32>
      %swap3A_960 = arith.constant 5 : i32
      %swap3A_961 = arith.index_cast %swap3A_960 : i32 to index
      %swap3A_962 = arith.constant 0 : index
      %swap3A_963 = tpu.vector_load %arg7[%swap3A_961, %swap3A_962] {strides = array<i32>} : memref<8x128xi32, #tpu.memory_space<vmem>>, vector<1x16xi32>,
      %swap3A_964 = vector.shape_cast %swap3A_963 : vector<1x16xi32> to vector<16xi32>
      %swap3A_965 = vector.shape_cast %select_n3A_959 : vector<16xi32> to vector<1x16xi32>
      tpu.vector_store %arg7[%swap3A_961, %swap3A_962], %swap3A_965 {strides = array<i32>} : memref<8x128xi32, #tpu.memory_space<vmem>>, vector<1x16xi32>,
      %get3A_966 = arith.constant 656 : index
      %get3A_967 = tpu.vector_load %arg6[%get3A_966] {strides = array<i32>} : memref<1024xi32, #tpu.memory_space<vmem>>, vector<16xi32>,
      %get3A_968 = vector.shape_cast %get3A_967 : vector<16xi32> to vector<16xi32>
      %sub3A_969 = vector.broadcast %mul3A_0 : i32 to vector<16xi32>
      %sub3A_970 = arith.subi %get3A_968, %sub3A_969 : vector<16xi32>
      %ge3A_971 = arith.constant 0 : i32
      %ge3A_972 = vector.broadcast %ge3A_971 : i32 to vector<16xi32>
      %ge3A_973 = arith.cmpi sge, %sub3A_970, %ge3A_972 : vector<16xi32>
      %lt3A_974 = arith.constant 25088 : i32
      %lt3A_975 = vector.broadcast %lt3A_974 : i32 to vector<16xi32>
      %lt3A_976 = arith.cmpi slt, %sub3A_970, %lt3A_975 : vector<16xi32>
      %and3A_977 = arith.andi %ge3A_973, %lt3A_976 : vector<16xi1>
      %jit3A_978 = arith.constant 25088 : i32
      %broadcast_in_dim3A_979 = vector.broadcast %jit3A_978 : i32 to vector<16xi32>
      %select_n3A_980 = arith.select %and3A_977, %sub3A_970, %broadcast_in_dim3A_979 : vector<16xi1>, vector<16xi32>
      %swap3A_981 = arith.constant 5 : i32
      %swap3A_982 = arith.index_cast %swap3A_981 : i32 to index
      %swap3A_983 = arith.constant 16 : index
      %swap3A_984 = tpu.vector_load %arg7[%swap3A_982, %swap3A_983] {strides = array<i32>} : memref<8x128xi32, #tpu.memory_space<vmem>>, vector<1x16xi32>,
      %swap3A_985 = vector.shape_cast %swap3A_984 : vector<1x16xi32> to vector<16xi32>
      %swap3A_986 = vector.shape_cast %select_n3A_980 : vector<16xi32> to vector<1x16xi32>
      tpu.vector_store %arg7[%swap3A_982, %swap3A_983], %swap3A_986 {strides = array<i32>} : memref<8x128xi32, #tpu.memory_space<vmem>>, vector<1x16xi32>,
      %get3A_987 = arith.constant 672 : index
      %get3A_988 = tpu.vector_load %arg6[%get3A_987] {strides = array<i32>} : memref<1024xi32, #tpu.memory_space<vmem>>, vector<16xi32>,
      %get3A_989 = vector.shape_cast %get3A_988 : vector<16xi32> to vector<16xi32>
      %sub3A_990 = vector.broadcast %mul3A_0 : i32 to vector<16xi32>
      %sub3A_991 = arith.subi %get3A_989, %sub3A_990 : vector<16xi32>
      %ge3A_992 = arith.constant 0 : i32
      %ge3A_993 = vector.broadcast %ge3A_992 : i32 to vector<16xi32>
      %ge3A_994 = arith.cmpi sge, %sub3A_991, %ge3A_993 : vector<16xi32>
      %lt3A_995 = arith.constant 25088 : i32
      %lt3A_996 = vector.broadcast %lt3A_995 : i32 to vector<16xi32>
      %lt3A_997 = arith.cmpi slt, %sub3A_991, %lt3A_996 : vector<16xi32>
      %and3A_998 = arith.andi %ge3A_994, %lt3A_997 : vector<16xi1>
      %jit3A_999 = arith.constant 25088 : i32
      %broadcast_in_dim3A_1000 = vector.broadcast %jit3A_999 : i32 to vector<16xi32>
      %select_n3A_1001 = arith.select %and3A_998, %sub3A_991, %broadcast_in_dim3A_1000 : vector<16xi1>, vector<16xi32>
      %swap3A_1002 = arith.constant 5 : i32
      %swap3A_1003 = arith.index_cast %swap3A_1002 : i32 to index
      %swap3A_1004 = arith.constant 32 : index
      %swap3A_1005 = tpu.vector_load %arg7[%swap3A_1003, %swap3A_1004] {strides = array<i32>} : memref<8x128xi32, #tpu.memory_space<vmem>>, vector<1x16xi32>,
      %swap3A_1006 = vector.shape_cast %swap3A_1005 : vector<1x16xi32> to vector<16xi32>
      %swap3A_1007 = vector.shape_cast %select_n3A_1001 : vector<16xi32> to vector<1x16xi32>
      tpu.vector_store %arg7[%swap3A_1003, %swap3A_1004], %swap3A_1007 {strides = array<i32>} : memref<8x128xi32, #tpu.memory_space<vmem>>, vector<1x16xi32>,
      %get3A_1008 = arith.constant 688 : index
      %get3A_1009 = tpu.vector_load %arg6[%get3A_1008] {strides = array<i32>} : memref<1024xi32, #tpu.memory_space<vmem>>, vector<16xi32>,
      %get3A_1010 = vector.shape_cast %get3A_1009 : vector<16xi32> to vector<16xi32>
      %sub3A_1011 = vector.broadcast %mul3A_0 : i32 to vector<16xi32>
      %sub3A_1012 = arith.subi %get3A_1010, %sub3A_1011 : vector<16xi32>
      %ge3A_1013 = arith.constant 0 : i32
      %ge3A_1014 = vector.broadcast %ge3A_1013 : i32 to vector<16xi32>
      %ge3A_1015 = arith.cmpi sge, %sub3A_1012, %ge3A_1014 : vector<16xi32>
      %lt3A_1016 = arith.constant 25088 : i32
      %lt3A_1017 = vector.broadcast %lt3A_1016 : i32 to vector<16xi32>
      %lt3A_1018 = arith.cmpi slt, %sub3A_1012, %lt3A_1017 : vector<16xi32>
      %and3A_1019 = arith.andi %ge3A_1015, %lt3A_1018 : vector<16xi1>
      %jit3A_1020 = arith.constant 25088 : i32
      %broadcast_in_dim3A_1021 = vector.broadcast %jit3A_1020 : i32 to vector<16xi32>
      %select_n3A_1022 = arith.select %and3A_1019, %sub3A_1012, %broadcast_in_dim3A_1021 : vector<16xi1>, vector<16xi32>
      %swap3A_1023 = arith.constant 5 : i32
      %swap3A_1024 = arith.index_cast %swap3A_1023 : i32 to index
      %swap3A_1025 = arith.constant 48 : index
      %swap3A_1026 = tpu.vector_load %arg7[%swap3A_1024, %swap3A_1025] {strides = array<i32>} : memref<8x128xi32, #tpu.memory_space<vmem>>, vector<1x16xi32>,
      %swap3A_1027 = vector.shape_cast %swap3A_1026 : vector<1x16xi32> to vector<16xi32>
      %swap3A_1028 = vector.shape_cast %select_n3A_1022 : vector<16xi32> to vector<1x16xi32>
      tpu.vector_store %arg7[%swap3A_1024, %swap3A_1025], %swap3A_1028 {strides = array<i32>} : memref<8x128xi32, #tpu.memory_space<vmem>>, vector<1x16xi32>,
      %get3A_1029 = arith.constant 704 : index
      %get3A_1030 = tpu.vector_load %arg6[%get3A_1029] {strides = array<i32>} : memref<1024xi32, #tpu.memory_space<vmem>>, vector<16xi32>,
      %get3A_1031 = vector.shape_cast %get3A_1030 : vector<16xi32> to vector<16xi32>
      %sub3A_1032 = vector.broadcast %mul3A_0 : i32 to vector<16xi32>
      %sub3A_1033 = arith.subi %get3A_1031, %sub3A_1032 : vector<16xi32>
      %ge3A_1034 = arith.constant 0 : i32
      %ge3A_1035 = vector.broadcast %ge3A_1034 : i32 to vector<16xi32>
      %ge3A_1036 = arith.cmpi sge, %sub3A_1033, %ge3A_1035 : vector<16xi32>
      %lt3A_1037 = arith.constant 25088 : i32
      %lt3A_1038 = vector.broadcast %lt3A_1037 : i32 to vector<16xi32>
      %lt3A_1039 = arith.cmpi slt, %sub3A_1033, %lt3A_1038 : vector<16xi32>
      %and3A_1040 = arith.andi %ge3A_1036, %lt3A_1039 : vector<16xi1>
      %jit3A_1041 = arith.constant 25088 : i32
      %broadcast_in_dim3A_1042 = vector.broadcast %jit3A_1041 : i32 to vector<16xi32>
      %select_n3A_1043 = arith.select %and3A_1040, %sub3A_1033, %broadcast_in_dim3A_1042 : vector<16xi1>, vector<16xi32>
      %swap3A_1044 = arith.constant 5 : i32
      %swap3A_1045 = arith.index_cast %swap3A_1044 : i32 to index
      %swap3A_1046 = arith.constant 64 : index
      %swap3A_1047 = tpu.vector_load %arg7[%swap3A_1045, %swap3A_1046] {strides = array<i32>} : memref<8x128xi32, #tpu.memory_space<vmem>>, vector<1x16xi32>,
      %swap3A_1048 = vector.shape_cast %swap3A_1047 : vector<1x16xi32> to vector<16xi32>
      %swap3A_1049 = vector.shape_cast %select_n3A_1043 : vector<16xi32> to vector<1x16xi32>
      tpu.vector_store %arg7[%swap3A_1045, %swap3A_1046], %swap3A_1049 {strides = array<i32>} : memref<8x128xi32, #tpu.memory_space<vmem>>, vector<1x16xi32>,
      %get3A_1050 = arith.constant 720 : index
      %get3A_1051 = tpu.vector_load %arg6[%get3A_1050] {strides = array<i32>} : memref<1024xi32, #tpu.memory_space<vmem>>, vector<16xi32>,
      %get3A_1052 = vector.shape_cast %get3A_1051 : vector<16xi32> to vector<16xi32>
      %sub3A_1053 = vector.broadcast %mul3A_0 : i32 to vector<16xi32>
      %sub3A_1054 = arith.subi %get3A_1052, %sub3A_1053 : vector<16xi32>
      %ge3A_1055 = arith.constant 0 : i32
      %ge3A_1056 = vector.broadcast %ge3A_1055 : i32 to vector<16xi32>
      %ge3A_1057 = arith.cmpi sge, %sub3A_1054, %ge3A_1056 : vector<16xi32>
      %lt3A_1058 = arith.constant 25088 : i32
      %lt3A_1059 = vector.broadcast %lt3A_1058 : i32 to vector<16xi32>
      %lt3A_1060 = arith.cmpi slt, %sub3A_1054, %lt3A_1059 : vector<16xi32>
      %and3A_1061 = arith.andi %ge3A_1057, %lt3A_1060 : vector<16xi1>
      %jit3A_1062 = arith.constant 25088 : i32
      %broadcast_in_dim3A_1063 = vector.broadcast %jit3A_1062 : i32 to vector<16xi32>
      %select_n3A_1064 = arith.select %and3A_1061, %sub3A_1054, %broadcast_in_dim3A_1063 : vector<16xi1>, vector<16xi32>
      %swap3A_1065 = arith.constant 5 : i32
      %swap3A_1066 = arith.index_cast %swap3A_1065 : i32 to index
      %swap3A_1067 = arith.constant 80 : index
      %swap3A_1068 = tpu.vector_load %arg7[%swap3A_1066, %swap3A_1067] {strides = array<i32>} : memref<8x128xi32, #tpu.memory_space<vmem>>, vector<1x16xi32>,
      %swap3A_1069 = vector.shape_cast %swap3A_1068 : vector<1x16xi32> to vector<16xi32>
      %swap3A_1070 = vector.shape_cast %select_n3A_1064 : vector<16xi32> to vector<1x16xi32>
      tpu.vector_store %arg7[%swap3A_1066, %swap3A_1067], %swap3A_1070 {strides = array<i32>} : memref<8x128xi32, #tpu.memory_space<vmem>>, vector<1x16xi32>,
      %get3A_1071 = arith.constant 736 : index
      %get3A_1072 = tpu.vector_load %arg6[%get3A_1071] {strides = array<i32>} : memref<1024xi32, #tpu.memory_space<vmem>>, vector<16xi32>,
      %get3A_1073 = vector.shape_cast %get3A_1072 : vector<16xi32> to vector<16xi32>
      %sub3A_1074 = vector.broadcast %mul3A_0 : i32 to vector<16xi32>
      %sub3A_1075 = arith.subi %get3A_1073, %sub3A_1074 : vector<16xi32>
      %ge3A_1076 = arith.constant 0 : i32
      %ge3A_1077 = vector.broadcast %ge3A_1076 : i32 to vector<16xi32>
      %ge3A_1078 = arith.cmpi sge, %sub3A_1075, %ge3A_1077 : vector<16xi32>
      %lt3A_1079 = arith.constant 25088 : i32
      %lt3A_1080 = vector.broadcast %lt3A_1079 : i32 to vector<16xi32>
      %lt3A_1081 = arith.cmpi slt, %sub3A_1075, %lt3A_1080 : vector<16xi32>
      %and3A_1082 = arith.andi %ge3A_1078, %lt3A_1081 : vector<16xi1>
      %jit3A_1083 = arith.constant 25088 : i32
      %broadcast_in_dim3A_1084 = vector.broadcast %jit3A_1083 : i32 to vector<16xi32>
      %select_n3A_1085 = arith.select %and3A_1082, %sub3A_1075, %broadcast_in_dim3A_1084 : vector<16xi1>, vector<16xi32>
      %swap3A_1086 = arith.constant 5 : i32
      %swap3A_1087 = arith.index_cast %swap3A_1086 : i32 to index
      %swap3A_1088 = arith.constant 96 : index
      %swap3A_1089 = tpu.vector_load %arg7[%swap3A_1087, %swap3A_1088] {strides = array<i32>} : memref<8x128xi32, #tpu.memory_space<vmem>>, vector<1x16xi32>,
      %swap3A_1090 = vector.shape_cast %swap3A_1089 : vector<1x16xi32> to vector<16xi32>
      %swap3A_1091 = vector.shape_cast %select_n3A_1085 : vector<16xi32> to vector<1x16xi32>
      tpu.vector_store %arg7[%swap3A_1087, %swap3A_1088], %swap3A_1091 {strides = array<i32>} : memref<8x128xi32, #tpu.memory_space<vmem>>, vector<1x16xi32>,
      %get3A_1092 = arith.constant 752 : index
      %get3A_1093 = tpu.vector_load %arg6[%get3A_1092] {strides = array<i32>} : memref<1024xi32, #tpu.memory_space<vmem>>, vector<16xi32>,
      %get3A_1094 = vector.shape_cast %get3A_1093 : vector<16xi32> to vector<16xi32>
      %sub3A_1095 = vector.broadcast %mul3A_0 : i32 to vector<16xi32>
      %sub3A_1096 = arith.subi %get3A_1094, %sub3A_1095 : vector<16xi32>
      %ge3A_1097 = arith.constant 0 : i32
      %ge3A_1098 = vector.broadcast %ge3A_1097 : i32 to vector<16xi32>
      %ge3A_1099 = arith.cmpi sge, %sub3A_1096, %ge3A_1098 : vector<16xi32>
      %lt3A_1100 = arith.constant 25088 : i32
      %lt3A_1101 = vector.broadcast %lt3A_1100 : i32 to vector<16xi32>
      %lt3A_1102 = arith.cmpi slt, %sub3A_1096, %lt3A_1101 : vector<16xi32>
      %and3A_1103 = arith.andi %ge3A_1099, %lt3A_1102 : vector<16xi1>
      %jit3A_1104 = arith.constant 25088 : i32
      %broadcast_in_dim3A_1105 = vector.broadcast %jit3A_1104 : i32 to vector<16xi32>
      %select_n3A_1106 = arith.select %and3A_1103, %sub3A_1096, %broadcast_in_dim3A_1105 : vector<16xi1>, vector<16xi32>
      %swap3A_1107 = arith.constant 5 : i32
      %swap3A_1108 = arith.index_cast %swap3A_1107 : i32 to index
      %swap3A_1109 = arith.constant 112 : index
      %swap3A_1110 = tpu.vector_load %arg7[%swap3A_1108, %swap3A_1109] {strides = array<i32>} : memref<8x128xi32, #tpu.memory_space<vmem>>, vector<1x16xi32>,
      %swap3A_1111 = vector.shape_cast %swap3A_1110 : vector<1x16xi32> to vector<16xi32>
      %swap3A_1112 = vector.shape_cast %select_n3A_1106 : vector<16xi32> to vector<1x16xi32>
      tpu.vector_store %arg7[%swap3A_1108, %swap3A_1109], %swap3A_1112 {strides = array<i32>} : memref<8x128xi32, #tpu.memory_space<vmem>>, vector<1x16xi32>,
      %dma_start3A_1113 = arith.constant 5 : i32
      %dma_start3A_1114 = arith.constant 640 : i32
      %dma_start3A_1115 = arith.constant 0 : i32
      %dma_start3A_1116 = tpu.memref_slice %arg8[%dma_start3A_1114, %dma_start3A_1115] : memref<1024x32xf32, #tpu.memory_space<vmem>> -> memref<128x32xf32, #tpu.memory_space<vmem>>
      %dma_start3A_1117 = arith.constant 0 : i32
      %dma_start3A_1118 = tpu.memref_slice %arg7[%dma_start3A_1113, %dma_start3A_1117] : memref<8x128xi32, #tpu.memory_space<vmem>> -> memref<1x128xi32, #tpu.memory_space<vmem>>
      %dma_start3A_1119 = tpu.memref_squeeze %dma_start3A_1118 : memref<1x128xi32, #tpu.memory_space<vmem>> -> memref<128xi32, #tpu.memory_space<vmem>>
      %dma_start3A_1120 = arith.constant 0 : i32
      %dma_start3A_1121 = arith.constant 0 : i32
      %dma_start3A_1122 = tpu.memref_slice %arg9[%dma_start3A_1120, %dma_start3A_1121] : memref<25104x32xf32, #tpu.memory_space<vmem_shared>> -> memref<25104x32xf32, #tpu.memory_space<vmem_shared>>
      tpu.enqueue_indirect_dma source(%dma_start3A_1116 : memref<128x32xf32, #tpu.memory_space<vmem>>) target(%dma_start3A_1122 : memref<25104x32xf32, #tpu.memory_space<vmem_shared>>) offsets(%dma_start3A_1119 : memref<128xi32, #tpu.memory_space<vmem>>) semaphore(%arg10 : memref<!tpu.dma_semaphore, #tpu.memory_space<semaphore_mem>>) {add = true}
      %get3A_1123 = arith.constant 768 : index
      %get3A_1124 = tpu.vector_load %arg6[%get3A_1123] {strides = array<i32>} : memref<1024xi32, #tpu.memory_space<vmem>>, vector<16xi32>,
      %get3A_1125 = vector.shape_cast %get3A_1124 : vector<16xi32> to vector<16xi32>
      %sub3A_1126 = vector.broadcast %mul3A_0 : i32 to vector<16xi32>
      %sub3A_1127 = arith.subi %get3A_1125, %sub3A_1126 : vector<16xi32>
      %ge3A_1128 = arith.constant 0 : i32
      %ge3A_1129 = vector.broadcast %ge3A_1128 : i32 to vector<16xi32>
      %ge3A_1130 = arith.cmpi sge, %sub3A_1127, %ge3A_1129 : vector<16xi32>
      %lt3A_1131 = arith.constant 25088 : i32
      %lt3A_1132 = vector.broadcast %lt3A_1131 : i32 to vector<16xi32>
      %lt3A_1133 = arith.cmpi slt, %sub3A_1127, %lt3A_1132 : vector<16xi32>
      %and3A_1134 = arith.andi %ge3A_1130, %lt3A_1133 : vector<16xi1>
      %jit3A_1135 = arith.constant 25088 : i32
      %broadcast_in_dim3A_1136 = vector.broadcast %jit3A_1135 : i32 to vector<16xi32>
      %select_n3A_1137 = arith.select %and3A_1134, %sub3A_1127, %broadcast_in_dim3A_1136 : vector<16xi1>, vector<16xi32>
      %swap3A_1138 = arith.constant 6 : i32
      %swap3A_1139 = arith.index_cast %swap3A_1138 : i32 to index
      %swap3A_1140 = arith.constant 0 : index
      %swap3A_1141 = tpu.vector_load %arg7[%swap3A_1139, %swap3A_1140] {strides = array<i32>} : memref<8x128xi32, #tpu.memory_space<vmem>>, vector<1x16xi32>,
      %swap3A_1142 = vector.shape_cast %swap3A_1141 : vector<1x16xi32> to vector<16xi32>
      %swap3A_1143 = vector.shape_cast %select_n3A_1137 : vector<16xi32> to vector<1x16xi32>
      tpu.vector_store %arg7[%swap3A_1139, %swap3A_1140], %swap3A_1143 {strides = array<i32>} : memref<8x128xi32, #tpu.memory_space<vmem>>, vector<1x16xi32>,
      %get3A_1144 = arith.constant 784 : index
      %get3A_1145 = tpu.vector_load %arg6[%get3A_1144] {strides = array<i32>} : memref<1024xi32, #tpu.memory_space<vmem>>, vector<16xi32>,
      %get3A_1146 = vector.shape_cast %get3A_1145 : vector<16xi32> to vector<16xi32>
      %sub3A_1147 = vector.broadcast %mul3A_0 : i32 to vector<16xi32>
      %sub3A_1148 = arith.subi %get3A_1146, %sub3A_1147 : vector<16xi32>
      %ge3A_1149 = arith.constant 0 : i32
      %ge3A_1150 = vector.broadcast %ge3A_1149 : i32 to vector<16xi32>
      %ge3A_1151 = arith.cmpi sge, %sub3A_1148, %ge3A_1150 : vector<16xi32>
      %lt3A_1152 = arith.constant 25088 : i32
      %lt3A_1153 = vector.broadcast %lt3A_1152 : i32 to vector<16xi32>
      %lt3A_1154 = arith.cmpi slt, %sub3A_1148, %lt3A_1153 : vector<16xi32>
      %and3A_1155 = arith.andi %ge3A_1151, %lt3A_1154 : vector<16xi1>
      %jit3A_1156 = arith.constant 25088 : i32
      %broadcast_in_dim3A_1157 = vector.broadcast %jit3A_1156 : i32 to vector<16xi32>
      %select_n3A_1158 = arith.select %and3A_1155, %sub3A_1148, %broadcast_in_dim3A_1157 : vector<16xi1>, vector<16xi32>
      %swap3A_1159 = arith.constant 6 : i32
      %swap3A_1160 = arith.index_cast %swap3A_1159 : i32 to index
      %swap3A_1161 = arith.constant 16 : index
      %swap3A_1162 = tpu.vector_load %arg7[%swap3A_1160, %swap3A_1161] {strides = array<i32>} : memref<8x128xi32, #tpu.memory_space<vmem>>, vector<1x16xi32>,
      %swap3A_1163 = vector.shape_cast %swap3A_1162 : vector<1x16xi32> to vector<16xi32>
      %swap3A_1164 = vector.shape_cast %select_n3A_1158 : vector<16xi32> to vector<1x16xi32>
      tpu.vector_store %arg7[%swap3A_1160, %swap3A_1161], %swap3A_1164 {strides = array<i32>} : memref<8x128xi32, #tpu.memory_space<vmem>>, vector<1x16xi32>,
      %get3A_1165 = arith.constant 800 : index
      %get3A_1166 = tpu.vector_load %arg6[%get3A_1165] {strides = array<i32>} : memref<1024xi32, #tpu.memory_space<vmem>>, vector<16xi32>,
      %get3A_1167 = vector.shape_cast %get3A_1166 : vector<16xi32> to vector<16xi32>
      %sub3A_1168 = vector.broadcast %mul3A_0 : i32 to vector<16xi32>
      %sub3A_1169 = arith.subi %get3A_1167, %sub3A_1168 : vector<16xi32>
      %ge3A_1170 = arith.constant 0 : i32
      %ge3A_1171 = vector.broadcast %ge3A_1170 : i32 to vector<16xi32>
      %ge3A_1172 = arith.cmpi sge, %sub3A_1169, %ge3A_1171 : vector<16xi32>
      %lt3A_1173 = arith.constant 25088 : i32
      %lt3A_1174 = vector.broadcast %lt3A_1173 : i32 to vector<16xi32>
      %lt3A_1175 = arith.cmpi slt, %sub3A_1169, %lt3A_1174 : vector<16xi32>
      %and3A_1176 = arith.andi %ge3A_1172, %lt3A_1175 : vector<16xi1>
      %jit3A_1177 = arith.constant 25088 : i32
      %broadcast_in_dim3A_1178 = vector.broadcast %jit3A_1177 : i32 to vector<16xi32>
      %select_n3A_1179 = arith.select %and3A_1176, %sub3A_1169, %broadcast_in_dim3A_1178 : vector<16xi1>, vector<16xi32>
      %swap3A_1180 = arith.constant 6 : i32
      %swap3A_1181 = arith.index_cast %swap3A_1180 : i32 to index
      %swap3A_1182 = arith.constant 32 : index
      %swap3A_1183 = tpu.vector_load %arg7[%swap3A_1181, %swap3A_1182] {strides = array<i32>} : memref<8x128xi32, #tpu.memory_space<vmem>>, vector<1x16xi32>,
      %swap3A_1184 = vector.shape_cast %swap3A_1183 : vector<1x16xi32> to vector<16xi32>
      %swap3A_1185 = vector.shape_cast %select_n3A_1179 : vector<16xi32> to vector<1x16xi32>
      tpu.vector_store %arg7[%swap3A_1181, %swap3A_1182], %swap3A_1185 {strides = array<i32>} : memref<8x128xi32, #tpu.memory_space<vmem>>, vector<1x16xi32>,
      %get3A_1186 = arith.constant 816 : index
      %get3A_1187 = tpu.vector_load %arg6[%get3A_1186] {strides = array<i32>} : memref<1024xi32, #tpu.memory_space<vmem>>, vector<16xi32>,
      %get3A_1188 = vector.shape_cast %get3A_1187 : vector<16xi32> to vector<16xi32>
      %sub3A_1189 = vector.broadcast %mul3A_0 : i32 to vector<16xi32>
      %sub3A_1190 = arith.subi %get3A_1188, %sub3A_1189 : vector<16xi32>
      %ge3A_1191 = arith.constant 0 : i32
      %ge3A_1192 = vector.broadcast %ge3A_1191 : i32 to vector<16xi32>
      %ge3A_1193 = arith.cmpi sge, %sub3A_1190, %ge3A_1192 : vector<16xi32>
      %lt3A_1194 = arith.constant 25088 : i32
      %lt3A_1195 = vector.broadcast %lt3A_1194 : i32 to vector<16xi32>
      %lt3A_1196 = arith.cmpi slt, %sub3A_1190, %lt3A_1195 : vector<16xi32>
      %and3A_1197 = arith.andi %ge3A_1193, %lt3A_1196 : vector<16xi1>
      %jit3A_1198 = arith.constant 25088 : i32
      %broadcast_in_dim3A_1199 = vector.broadcast %jit3A_1198 : i32 to vector<16xi32>
      %select_n3A_1200 = arith.select %and3A_1197, %sub3A_1190, %broadcast_in_dim3A_1199 : vector<16xi1>, vector<16xi32>
      %swap3A_1201 = arith.constant 6 : i32
      %swap3A_1202 = arith.index_cast %swap3A_1201 : i32 to index
      %swap3A_1203 = arith.constant 48 : index
      %swap3A_1204 = tpu.vector_load %arg7[%swap3A_1202, %swap3A_1203] {strides = array<i32>} : memref<8x128xi32, #tpu.memory_space<vmem>>, vector<1x16xi32>,
      %swap3A_1205 = vector.shape_cast %swap3A_1204 : vector<1x16xi32> to vector<16xi32>
      %swap3A_1206 = vector.shape_cast %select_n3A_1200 : vector<16xi32> to vector<1x16xi32>
      tpu.vector_store %arg7[%swap3A_1202, %swap3A_1203], %swap3A_1206 {strides = array<i32>} : memref<8x128xi32, #tpu.memory_space<vmem>>, vector<1x16xi32>,
      %get3A_1207 = arith.constant 832 : index
      %get3A_1208 = tpu.vector_load %arg6[%get3A_1207] {strides = array<i32>} : memref<1024xi32, #tpu.memory_space<vmem>>, vector<16xi32>,
      %get3A_1209 = vector.shape_cast %get3A_1208 : vector<16xi32> to vector<16xi32>
      %sub3A_1210 = vector.broadcast %mul3A_0 : i32 to vector<16xi32>
      %sub3A_1211 = arith.subi %get3A_1209, %sub3A_1210 : vector<16xi32>
      %ge3A_1212 = arith.constant 0 : i32
      %ge3A_1213 = vector.broadcast %ge3A_1212 : i32 to vector<16xi32>
      %ge3A_1214 = arith.cmpi sge, %sub3A_1211, %ge3A_1213 : vector<16xi32>
      %lt3A_1215 = arith.constant 25088 : i32
      %lt3A_1216 = vector.broadcast %lt3A_1215 : i32 to vector<16xi32>
      %lt3A_1217 = arith.cmpi slt, %sub3A_1211, %lt3A_1216 : vector<16xi32>
      %and3A_1218 = arith.andi %ge3A_1214, %lt3A_1217 : vector<16xi1>
      %jit3A_1219 = arith.constant 25088 : i32
      %broadcast_in_dim3A_1220 = vector.broadcast %jit3A_1219 : i32 to vector<16xi32>
      %select_n3A_1221 = arith.select %and3A_1218, %sub3A_1211, %broadcast_in_dim3A_1220 : vector<16xi1>, vector<16xi32>
      %swap3A_1222 = arith.constant 6 : i32
      %swap3A_1223 = arith.index_cast %swap3A_1222 : i32 to index
      %swap3A_1224 = arith.constant 64 : index
      %swap3A_1225 = tpu.vector_load %arg7[%swap3A_1223, %swap3A_1224] {strides = array<i32>} : memref<8x128xi32, #tpu.memory_space<vmem>>, vector<1x16xi32>,
      %swap3A_1226 = vector.shape_cast %swap3A_1225 : vector<1x16xi32> to vector<16xi32>
      %swap3A_1227 = vector.shape_cast %select_n3A_1221 : vector<16xi32> to vector<1x16xi32>
      tpu.vector_store %arg7[%swap3A_1223, %swap3A_1224], %swap3A_1227 {strides = array<i32>} : memref<8x128xi32, #tpu.memory_space<vmem>>, vector<1x16xi32>,
      %get3A_1228 = arith.constant 848 : index
      %get3A_1229 = tpu.vector_load %arg6[%get3A_1228] {strides = array<i32>} : memref<1024xi32, #tpu.memory_space<vmem>>, vector<16xi32>,
      %get3A_1230 = vector.shape_cast %get3A_1229 : vector<16xi32> to vector<16xi32>
      %sub3A_1231 = vector.broadcast %mul3A_0 : i32 to vector<16xi32>
      %sub3A_1232 = arith.subi %get3A_1230, %sub3A_1231 : vector<16xi32>
      %ge3A_1233 = arith.constant 0 : i32
      %ge3A_1234 = vector.broadcast %ge3A_1233 : i32 to vector<16xi32>
      %ge3A_1235 = arith.cmpi sge, %sub3A_1232, %ge3A_1234 : vector<16xi32>
      %lt3A_1236 = arith.constant 25088 : i32
      %lt3A_1237 = vector.broadcast %lt3A_1236 : i32 to vector<16xi32>
      %lt3A_1238 = arith.cmpi slt, %sub3A_1232, %lt3A_1237 : vector<16xi32>
      %and3A_1239 = arith.andi %ge3A_1235, %lt3A_1238 : vector<16xi1>
      %jit3A_1240 = arith.constant 25088 : i32
      %broadcast_in_dim3A_1241 = vector.broadcast %jit3A_1240 : i32 to vector<16xi32>
      %select_n3A_1242 = arith.select %and3A_1239, %sub3A_1232, %broadcast_in_dim3A_1241 : vector<16xi1>, vector<16xi32>
      %swap3A_1243 = arith.constant 6 : i32
      %swap3A_1244 = arith.index_cast %swap3A_1243 : i32 to index
      %swap3A_1245 = arith.constant 80 : index
      %swap3A_1246 = tpu.vector_load %arg7[%swap3A_1244, %swap3A_1245] {strides = array<i32>} : memref<8x128xi32, #tpu.memory_space<vmem>>, vector<1x16xi32>,
      %swap3A_1247 = vector.shape_cast %swap3A_1246 : vector<1x16xi32> to vector<16xi32>
      %swap3A_1248 = vector.shape_cast %select_n3A_1242 : vector<16xi32> to vector<1x16xi32>
      tpu.vector_store %arg7[%swap3A_1244, %swap3A_1245], %swap3A_1248 {strides = array<i32>} : memref<8x128xi32, #tpu.memory_space<vmem>>, vector<1x16xi32>,
      %get3A_1249 = arith.constant 864 : index
      %get3A_1250 = tpu.vector_load %arg6[%get3A_1249] {strides = array<i32>} : memref<1024xi32, #tpu.memory_space<vmem>>, vector<16xi32>,
      %get3A_1251 = vector.shape_cast %get3A_1250 : vector<16xi32> to vector<16xi32>
      %sub3A_1252 = vector.broadcast %mul3A_0 : i32 to vector<16xi32>
      %sub3A_1253 = arith.subi %get3A_1251, %sub3A_1252 : vector<16xi32>
      %ge3A_1254 = arith.constant 0 : i32
      %ge3A_1255 = vector.broadcast %ge3A_1254 : i32 to vector<16xi32>
      %ge3A_1256 = arith.cmpi sge, %sub3A_1253, %ge3A_1255 : vector<16xi32>
      %lt3A_1257 = arith.constant 25088 : i32
      %lt3A_1258 = vector.broadcast %lt3A_1257 : i32 to vector<16xi32>
      %lt3A_1259 = arith.cmpi slt, %sub3A_1253, %lt3A_1258 : vector<16xi32>
      %and3A_1260 = arith.andi %ge3A_1256, %lt3A_1259 : vector<16xi1>
      %jit3A_1261 = arith.constant 25088 : i32
      %broadcast_in_dim3A_1262 = vector.broadcast %jit3A_1261 : i32 to vector<16xi32>
      %select_n3A_1263 = arith.select %and3A_1260, %sub3A_1253, %broadcast_in_dim3A_1262 : vector<16xi1>, vector<16xi32>
      %swap3A_1264 = arith.constant 6 : i32
      %swap3A_1265 = arith.index_cast %swap3A_1264 : i32 to index
      %swap3A_1266 = arith.constant 96 : index
      %swap3A_1267 = tpu.vector_load %arg7[%swap3A_1265, %swap3A_1266] {strides = array<i32>} : memref<8x128xi32, #tpu.memory_space<vmem>>, vector<1x16xi32>,
      %swap3A_1268 = vector.shape_cast %swap3A_1267 : vector<1x16xi32> to vector<16xi32>
      %swap3A_1269 = vector.shape_cast %select_n3A_1263 : vector<16xi32> to vector<1x16xi32>
      tpu.vector_store %arg7[%swap3A_1265, %swap3A_1266], %swap3A_1269 {strides = array<i32>} : memref<8x128xi32, #tpu.memory_space<vmem>>, vector<1x16xi32>,
      %get3A_1270 = arith.constant 880 : index
      %get3A_1271 = tpu.vector_load %arg6[%get3A_1270] {strides = array<i32>} : memref<1024xi32, #tpu.memory_space<vmem>>, vector<16xi32>,
      %get3A_1272 = vector.shape_cast %get3A_1271 : vector<16xi32> to vector<16xi32>
      %sub3A_1273 = vector.broadcast %mul3A_0 : i32 to vector<16xi32>
      %sub3A_1274 = arith.subi %get3A_1272, %sub3A_1273 : vector<16xi32>
      %ge3A_1275 = arith.constant 0 : i32
      %ge3A_1276 = vector.broadcast %ge3A_1275 : i32 to vector<16xi32>
      %ge3A_1277 = arith.cmpi sge, %sub3A_1274, %ge3A_1276 : vector<16xi32>
      %lt3A_1278 = arith.constant 25088 : i32
      %lt3A_1279 = vector.broadcast %lt3A_1278 : i32 to vector<16xi32>
      %lt3A_1280 = arith.cmpi slt, %sub3A_1274, %lt3A_1279 : vector<16xi32>
      %and3A_1281 = arith.andi %ge3A_1277, %lt3A_1280 : vector<16xi1>
      %jit3A_1282 = arith.constant 25088 : i32
      %broadcast_in_dim3A_1283 = vector.broadcast %jit3A_1282 : i32 to vector<16xi32>
      %select_n3A_1284 = arith.select %and3A_1281, %sub3A_1274, %broadcast_in_dim3A_1283 : vector<16xi1>, vector<16xi32>
      %swap3A_1285 = arith.constant 6 : i32
      %swap3A_1286 = arith.index_cast %swap3A_1285 : i32 to index
      %swap3A_1287 = arith.constant 112 : index
      %swap3A_1288 = tpu.vector_load %arg7[%swap3A_1286, %swap3A_1287] {strides = array<i32>} : memref<8x128xi32, #tpu.memory_space<vmem>>, vector<1x16xi32>,
      %swap3A_1289 = vector.shape_cast %swap3A_1288 : vector<1x16xi32> to vector<16xi32>
      %swap3A_1290 = vector.shape_cast %select_n3A_1284 : vector<16xi32> to vector<1x16xi32>
      tpu.vector_store %arg7[%swap3A_1286, %swap3A_1287], %swap3A_1290 {strides = array<i32>} : memref<8x128xi32, #tpu.memory_space<vmem>>, vector<1x16xi32>,
      %dma_start3A_1291 = arith.constant 6 : i32
      %dma_start3A_1292 = arith.constant 768 : i32
      %dma_start3A_1293 = arith.constant 0 : i32
      %dma_start3A_1294 = tpu.memref_slice %arg8[%dma_start3A_1292, %dma_start3A_1293] : memref<1024x32xf32, #tpu.memory_space<vmem>> -> memref<128x32xf32, #tpu.memory_space<vmem>>
      %dma_start3A_1295 = arith.constant 0 : i32
      %dma_start3A_1296 = tpu.memref_slice %arg7[%dma_start3A_1291, %dma_start3A_1295] : memref<8x128xi32, #tpu.memory_space<vmem>> -> memref<1x128xi32, #tpu.memory_space<vmem>>
      %dma_start3A_1297 = tpu.memref_squeeze %dma_start3A_1296 : memref<1x128xi32, #tpu.memory_space<vmem>> -> memref<128xi32, #tpu.memory_space<vmem>>
      %dma_start3A_1298 = arith.constant 0 : i32
      %dma_start3A_1299 = arith.constant 0 : i32
      %dma_start3A_1300 = tpu.memref_slice %arg9[%dma_start3A_1298, %dma_start3A_1299] : memref<25104x32xf32, #tpu.memory_space<vmem_shared>> -> memref<25104x32xf32, #tpu.memory_space<vmem_shared>>
      tpu.enqueue_indirect_dma source(%dma_start3A_1294 : memref<128x32xf32, #tpu.memory_space<vmem>>) target(%dma_start3A_1300 : memref<25104x32xf32, #tpu.memory_space<vmem_shared>>) offsets(%dma_start3A_1297 : memref<128xi32, #tpu.memory_space<vmem>>) semaphore(%arg10 : memref<!tpu.dma_semaphore, #tpu.memory_space<semaphore_mem>>) {add = true}
      %get3A_1301 = arith.constant 896 : index
      %get3A_1302 = tpu.vector_load %arg6[%get3A_1301] {strides = array<i32>} : memref<1024xi32, #tpu.memory_space<vmem>>, vector<16xi32>,
      %get3A_1303 = vector.shape_cast %get3A_1302 : vector<16xi32> to vector<16xi32>
      %sub3A_1304 = vector.broadcast %mul3A_0 : i32 to vector<16xi32>
      %sub3A_1305 = arith.subi %get3A_1303, %sub3A_1304 : vector<16xi32>
      %ge3A_1306 = arith.constant 0 : i32
      %ge3A_1307 = vector.broadcast %ge3A_1306 : i32 to vector<16xi32>
      %ge3A_1308 = arith.cmpi sge, %sub3A_1305, %ge3A_1307 : vector<16xi32>
      %lt3A_1309 = arith.constant 25088 : i32
      %lt3A_1310 = vector.broadcast %lt3A_1309 : i32 to vector<16xi32>
      %lt3A_1311 = arith.cmpi slt, %sub3A_1305, %lt3A_1310 : vector<16xi32>
      %and3A_1312 = arith.andi %ge3A_1308, %lt3A_1311 : vector<16xi1>
      %jit3A_1313 = arith.constant 25088 : i32
      %broadcast_in_dim3A_1314 = vector.broadcast %jit3A_1313 : i32 to vector<16xi32>
      %select_n3A_1315 = arith.select %and3A_1312, %sub3A_1305, %broadcast_in_dim3A_1314 : vector<16xi1>, vector<16xi32>
      %swap3A_1316 = arith.constant 7 : i32
      %swap3A_1317 = arith.index_cast %swap3A_1316 : i32 to index
      %swap3A_1318 = arith.constant 0 : index
      %swap3A_1319 = tpu.vector_load %arg7[%swap3A_1317, %swap3A_1318] {strides = array<i32>} : memref<8x128xi32, #tpu.memory_space<vmem>>, vector<1x16xi32>,
      %swap3A_1320 = vector.shape_cast %swap3A_1319 : vector<1x16xi32> to vector<16xi32>
      %swap3A_1321 = vector.shape_cast %select_n3A_1315 : vector<16xi32> to vector<1x16xi32>
      tpu.vector_store %arg7[%swap3A_1317, %swap3A_1318], %swap3A_1321 {strides = array<i32>} : memref<8x128xi32, #tpu.memory_space<vmem>>, vector<1x16xi32>,
      %get3A_1322 = arith.constant 912 : index
      %get3A_1323 = tpu.vector_load %arg6[%get3A_1322] {strides = array<i32>} : memref<1024xi32, #tpu.memory_space<vmem>>, vector<16xi32>,
      %get3A_1324 = vector.shape_cast %get3A_1323 : vector<16xi32> to vector<16xi32>
      %sub3A_1325 = vector.broadcast %mul3A_0 : i32 to vector<16xi32>
      %sub3A_1326 = arith.subi %get3A_1324, %sub3A_1325 : vector<16xi32>
      %ge3A_1327 = arith.constant 0 : i32
      %ge3A_1328 = vector.broadcast %ge3A_1327 : i32 to vector<16xi32>
      %ge3A_1329 = arith.cmpi sge, %sub3A_1326, %ge3A_1328 : vector<16xi32>
      %lt3A_1330 = arith.constant 25088 : i32
      %lt3A_1331 = vector.broadcast %lt3A_1330 : i32 to vector<16xi32>
      %lt3A_1332 = arith.cmpi slt, %sub3A_1326, %lt3A_1331 : vector<16xi32>
      %and3A_1333 = arith.andi %ge3A_1329, %lt3A_1332 : vector<16xi1>
      %jit3A_1334 = arith.constant 25088 : i32
      %broadcast_in_dim3A_1335 = vector.broadcast %jit3A_1334 : i32 to vector<16xi32>
      %select_n3A_1336 = arith.select %and3A_1333, %sub3A_1326, %broadcast_in_dim3A_1335 : vector<16xi1>, vector<16xi32>
      %swap3A_1337 = arith.constant 7 : i32
      %swap3A_1338 = arith.index_cast %swap3A_1337 : i32 to index
      %swap3A_1339 = arith.constant 16 : index
      %swap3A_1340 = tpu.vector_load %arg7[%swap3A_1338, %swap3A_1339] {strides = array<i32>} : memref<8x128xi32, #tpu.memory_space<vmem>>, vector<1x16xi32>,
      %swap3A_1341 = vector.shape_cast %swap3A_1340 : vector<1x16xi32> to vector<16xi32>
      %swap3A_1342 = vector.shape_cast %select_n3A_1336 : vector<16xi32> to vector<1x16xi32>
      tpu.vector_store %arg7[%swap3A_1338, %swap3A_1339], %swap3A_1342 {strides = array<i32>} : memref<8x128xi32, #tpu.memory_space<vmem>>, vector<1x16xi32>,
      %get3A_1343 = arith.constant 928 : index
      %get3A_1344 = tpu.vector_load %arg6[%get3A_1343] {strides = array<i32>} : memref<1024xi32, #tpu.memory_space<vmem>>, vector<16xi32>,
      %get3A_1345 = vector.shape_cast %get3A_1344 : vector<16xi32> to vector<16xi32>
      %sub3A_1346 = vector.broadcast %mul3A_0 : i32 to vector<16xi32>
      %sub3A_1347 = arith.subi %get3A_1345, %sub3A_1346 : vector<16xi32>
      %ge3A_1348 = arith.constant 0 : i32
      %ge3A_1349 = vector.broadcast %ge3A_1348 : i32 to vector<16xi32>
      %ge3A_1350 = arith.cmpi sge, %sub3A_1347, %ge3A_1349 : vector<16xi32>
      %lt3A_1351 = arith.constant 25088 : i32
      %lt3A_1352 = vector.broadcast %lt3A_1351 : i32 to vector<16xi32>
      %lt3A_1353 = arith.cmpi slt, %sub3A_1347, %lt3A_1352 : vector<16xi32>
      %and3A_1354 = arith.andi %ge3A_1350, %lt3A_1353 : vector<16xi1>
      %jit3A_1355 = arith.constant 25088 : i32
      %broadcast_in_dim3A_1356 = vector.broadcast %jit3A_1355 : i32 to vector<16xi32>
      %select_n3A_1357 = arith.select %and3A_1354, %sub3A_1347, %broadcast_in_dim3A_1356 : vector<16xi1>, vector<16xi32>
      %swap3A_1358 = arith.constant 7 : i32
      %swap3A_1359 = arith.index_cast %swap3A_1358 : i32 to index
      %swap3A_1360 = arith.constant 32 : index
      %swap3A_1361 = tpu.vector_load %arg7[%swap3A_1359, %swap3A_1360] {strides = array<i32>} : memref<8x128xi32, #tpu.memory_space<vmem>>, vector<1x16xi32>,
      %swap3A_1362 = vector.shape_cast %swap3A_1361 : vector<1x16xi32> to vector<16xi32>
      %swap3A_1363 = vector.shape_cast %select_n3A_1357 : vector<16xi32> to vector<1x16xi32>
      tpu.vector_store %arg7[%swap3A_1359, %swap3A_1360], %swap3A_1363 {strides = array<i32>} : memref<8x128xi32, #tpu.memory_space<vmem>>, vector<1x16xi32>,
      %get3A_1364 = arith.constant 944 : index
      %get3A_1365 = tpu.vector_load %arg6[%get3A_1364] {strides = array<i32>} : memref<1024xi32, #tpu.memory_space<vmem>>, vector<16xi32>,
      %get3A_1366 = vector.shape_cast %get3A_1365 : vector<16xi32> to vector<16xi32>
      %sub3A_1367 = vector.broadcast %mul3A_0 : i32 to vector<16xi32>
      %sub3A_1368 = arith.subi %get3A_1366, %sub3A_1367 : vector<16xi32>
      %ge3A_1369 = arith.constant 0 : i32
      %ge3A_1370 = vector.broadcast %ge3A_1369 : i32 to vector<16xi32>
      %ge3A_1371 = arith.cmpi sge, %sub3A_1368, %ge3A_1370 : vector<16xi32>
      %lt3A_1372 = arith.constant 25088 : i32
      %lt3A_1373 = vector.broadcast %lt3A_1372 : i32 to vector<16xi32>
      %lt3A_1374 = arith.cmpi slt, %sub3A_1368, %lt3A_1373 : vector<16xi32>
      %and3A_1375 = arith.andi %ge3A_1371, %lt3A_1374 : vector<16xi1>
      %jit3A_1376 = arith.constant 25088 : i32
      %broadcast_in_dim3A_1377 = vector.broadcast %jit3A_1376 : i32 to vector<16xi32>
      %select_n3A_1378 = arith.select %and3A_1375, %sub3A_1368, %broadcast_in_dim3A_1377 : vector<16xi1>, vector<16xi32>
      %swap3A_1379 = arith.constant 7 : i32
      %swap3A_1380 = arith.index_cast %swap3A_1379 : i32 to index
      %swap3A_1381 = arith.constant 48 : index
      %swap3A_1382 = tpu.vector_load %arg7[%swap3A_1380, %swap3A_1381] {strides = array<i32>} : memref<8x128xi32, #tpu.memory_space<vmem>>, vector<1x16xi32>,
      %swap3A_1383 = vector.shape_cast %swap3A_1382 : vector<1x16xi32> to vector<16xi32>
      %swap3A_1384 = vector.shape_cast %select_n3A_1378 : vector<16xi32> to vector<1x16xi32>
      tpu.vector_store %arg7[%swap3A_1380, %swap3A_1381], %swap3A_1384 {strides = array<i32>} : memref<8x128xi32, #tpu.memory_space<vmem>>, vector<1x16xi32>,
      %get3A_1385 = arith.constant 960 : index
      %get3A_1386 = tpu.vector_load %arg6[%get3A_1385] {strides = array<i32>} : memref<1024xi32, #tpu.memory_space<vmem>>, vector<16xi32>,
      %get3A_1387 = vector.shape_cast %get3A_1386 : vector<16xi32> to vector<16xi32>
      %sub3A_1388 = vector.broadcast %mul3A_0 : i32 to vector<16xi32>
      %sub3A_1389 = arith.subi %get3A_1387, %sub3A_1388 : vector<16xi32>
      %ge3A_1390 = arith.constant 0 : i32
      %ge3A_1391 = vector.broadcast %ge3A_1390 : i32 to vector<16xi32>
      %ge3A_1392 = arith.cmpi sge, %sub3A_1389, %ge3A_1391 : vector<16xi32>
      %lt3A_1393 = arith.constant 25088 : i32
      %lt3A_1394 = vector.broadcast %lt3A_1393 : i32 to vector<16xi32>
      %lt3A_1395 = arith.cmpi slt, %sub3A_1389, %lt3A_1394 : vector<16xi32>
      %and3A_1396 = arith.andi %ge3A_1392, %lt3A_1395 : vector<16xi1>
      %jit3A_1397 = arith.constant 25088 : i32
      %broadcast_in_dim3A_1398 = vector.broadcast %jit3A_1397 : i32 to vector<16xi32>
      %select_n3A_1399 = arith.select %and3A_1396, %sub3A_1389, %broadcast_in_dim3A_1398 : vector<16xi1>, vector<16xi32>
      %swap3A_1400 = arith.constant 7 : i32
      %swap3A_1401 = arith.index_cast %swap3A_1400 : i32 to index
      %swap3A_1402 = arith.constant 64 : index
      %swap3A_1403 = tpu.vector_load %arg7[%swap3A_1401, %swap3A_1402] {strides = array<i32>} : memref<8x128xi32, #tpu.memory_space<vmem>>, vector<1x16xi32>,
      %swap3A_1404 = vector.shape_cast %swap3A_1403 : vector<1x16xi32> to vector<16xi32>
      %swap3A_1405 = vector.shape_cast %select_n3A_1399 : vector<16xi32> to vector<1x16xi32>
      tpu.vector_store %arg7[%swap3A_1401, %swap3A_1402], %swap3A_1405 {strides = array<i32>} : memref<8x128xi32, #tpu.memory_space<vmem>>, vector<1x16xi32>,
      %get3A_1406 = arith.constant 976 : index
      %get3A_1407 = tpu.vector_load %arg6[%get3A_1406] {strides = array<i32>} : memref<1024xi32, #tpu.memory_space<vmem>>, vector<16xi32>,
      %get3A_1408 = vector.shape_cast %get3A_1407 : vector<16xi32> to vector<16xi32>
      %sub3A_1409 = vector.broadcast %mul3A_0 : i32 to vector<16xi32>
      %sub3A_1410 = arith.subi %get3A_1408, %sub3A_1409 : vector<16xi32>
      %ge3A_1411 = arith.constant 0 : i32
      %ge3A_1412 = vector.broadcast %ge3A_1411 : i32 to vector<16xi32>
      %ge3A_1413 = arith.cmpi sge, %sub3A_1410, %ge3A_1412 : vector<16xi32>
      %lt3A_1414 = arith.constant 25088 : i32
      %lt3A_1415 = vector.broadcast %lt3A_1414 : i32 to vector<16xi32>
      %lt3A_1416 = arith.cmpi slt, %sub3A_1410, %lt3A_1415 : vector<16xi32>
      %and3A_1417 = arith.andi %ge3A_1413, %lt3A_1416 : vector<16xi1>
      %jit3A_1418 = arith.constant 25088 : i32
      %broadcast_in_dim3A_1419 = vector.broadcast %jit3A_1418 : i32 to vector<16xi32>
      %select_n3A_1420 = arith.select %and3A_1417, %sub3A_1410, %broadcast_in_dim3A_1419 : vector<16xi1>, vector<16xi32>
      %swap3A_1421 = arith.constant 7 : i32
      %swap3A_1422 = arith.index_cast %swap3A_1421 : i32 to index
      %swap3A_1423 = arith.constant 80 : index
      %swap3A_1424 = tpu.vector_load %arg7[%swap3A_1422, %swap3A_1423] {strides = array<i32>} : memref<8x128xi32, #tpu.memory_space<vmem>>, vector<1x16xi32>,
      %swap3A_1425 = vector.shape_cast %swap3A_1424 : vector<1x16xi32> to vector<16xi32>
      %swap3A_1426 = vector.shape_cast %select_n3A_1420 : vector<16xi32> to vector<1x16xi32>
      tpu.vector_store %arg7[%swap3A_1422, %swap3A_1423], %swap3A_1426 {strides = array<i32>} : memref<8x128xi32, #tpu.memory_space<vmem>>, vector<1x16xi32>,
      %get3A_1427 = arith.constant 992 : index
      %get3A_1428 = tpu.vector_load %arg6[%get3A_1427] {strides = array<i32>} : memref<1024xi32, #tpu.memory_space<vmem>>, vector<16xi32>,
      %get3A_1429 = vector.shape_cast %get3A_1428 : vector<16xi32> to vector<16xi32>
      %sub3A_1430 = vector.broadcast %mul3A_0 : i32 to vector<16xi32>
      %sub3A_1431 = arith.subi %get3A_1429, %sub3A_1430 : vector<16xi32>
      %ge3A_1432 = arith.constant 0 : i32
      %ge3A_1433 = vector.broadcast %ge3A_1432 : i32 to vector<16xi32>
      %ge3A_1434 = arith.cmpi sge, %sub3A_1431, %ge3A_1433 : vector<16xi32>
      %lt3A_1435 = arith.constant 25088 : i32
      %lt3A_1436 = vector.broadcast %lt3A_1435 : i32 to vector<16xi32>
      %lt3A_1437 = arith.cmpi slt, %sub3A_1431, %lt3A_1436 : vector<16xi32>
      %and3A_1438 = arith.andi %ge3A_1434, %lt3A_1437 : vector<16xi1>
      %jit3A_1439 = arith.constant 25088 : i32
      %broadcast_in_dim3A_1440 = vector.broadcast %jit3A_1439 : i32 to vector<16xi32>
      %select_n3A_1441 = arith.select %and3A_1438, %sub3A_1431, %broadcast_in_dim3A_1440 : vector<16xi1>, vector<16xi32>
      %swap3A_1442 = arith.constant 7 : i32
      %swap3A_1443 = arith.index_cast %swap3A_1442 : i32 to index
      %swap3A_1444 = arith.constant 96 : index
      %swap3A_1445 = tpu.vector_load %arg7[%swap3A_1443, %swap3A_1444] {strides = array<i32>} : memref<8x128xi32, #tpu.memory_space<vmem>>, vector<1x16xi32>,
      %swap3A_1446 = vector.shape_cast %swap3A_1445 : vector<1x16xi32> to vector<16xi32>
      %swap3A_1447 = vector.shape_cast %select_n3A_1441 : vector<16xi32> to vector<1x16xi32>
      tpu.vector_store %arg7[%swap3A_1443, %swap3A_1444], %swap3A_1447 {strides = array<i32>} : memref<8x128xi32, #tpu.memory_space<vmem>>, vector<1x16xi32>,
      %get3A_1448 = arith.constant 1008 : index
      %get3A_1449 = tpu.vector_load %arg6[%get3A_1448] {strides = array<i32>} : memref<1024xi32, #tpu.memory_space<vmem>>, vector<16xi32>,
      %get3A_1450 = vector.shape_cast %get3A_1449 : vector<16xi32> to vector<16xi32>
      %sub3A_1451 = vector.broadcast %mul3A_0 : i32 to vector<16xi32>
      %sub3A_1452 = arith.subi %get3A_1450, %sub3A_1451 : vector<16xi32>
      %ge3A_1453 = arith.constant 0 : i32
      %ge3A_1454 = vector.broadcast %ge3A_1453 : i32 to vector<16xi32>
      %ge3A_1455 = arith.cmpi sge, %sub3A_1452, %ge3A_1454 : vector<16xi32>
      %lt3A_1456 = arith.constant 25088 : i32
      %lt3A_1457 = vector.broadcast %lt3A_1456 : i32 to vector<16xi32>
      %lt3A_1458 = arith.cmpi slt, %sub3A_1452, %lt3A_1457 : vector<16xi32>
      %and3A_1459 = arith.andi %ge3A_1455, %lt3A_1458 : vector<16xi1>
      %jit3A_1460 = arith.constant 25088 : i32
      %broadcast_in_dim3A_1461 = vector.broadcast %jit3A_1460 : i32 to vector<16xi32>
      %select_n3A_1462 = arith.select %and3A_1459, %sub3A_1452, %broadcast_in_dim3A_1461 : vector<16xi1>, vector<16xi32>
      %swap3A_1463 = arith.constant 7 : i32
      %swap3A_1464 = arith.index_cast %swap3A_1463 : i32 to index
      %swap3A_1465 = arith.constant 112 : index
      %swap3A_1466 = tpu.vector_load %arg7[%swap3A_1464, %swap3A_1465] {strides = array<i32>} : memref<8x128xi32, #tpu.memory_space<vmem>>, vector<1x16xi32>,
      %swap3A_1467 = vector.shape_cast %swap3A_1466 : vector<1x16xi32> to vector<16xi32>
      %swap3A_1468 = vector.shape_cast %select_n3A_1462 : vector<16xi32> to vector<1x16xi32>
      tpu.vector_store %arg7[%swap3A_1464, %swap3A_1465], %swap3A_1468 {strides = array<i32>} : memref<8x128xi32, #tpu.memory_space<vmem>>, vector<1x16xi32>,
      %dma_start3A_1469 = arith.constant 7 : i32
      %dma_start3A_1470 = arith.constant 896 : i32
      %dma_start3A_1471 = arith.constant 0 : i32
      %dma_start3A_1472 = tpu.memref_slice %arg8[%dma_start3A_1470, %dma_start3A_1471] : memref<1024x32xf32, #tpu.memory_space<vmem>> -> memref<128x32xf32, #tpu.memory_space<vmem>>
      %dma_start3A_1473 = arith.constant 0 : i32
      %dma_start3A_1474 = tpu.memref_slice %arg7[%dma_start3A_1469, %dma_start3A_1473] : memref<8x128xi32, #tpu.memory_space<vmem>> -> memref<1x128xi32, #tpu.memory_space<vmem>>
      %dma_start3A_1475 = tpu.memref_squeeze %dma_start3A_1474 : memref<1x128xi32, #tpu.memory_space<vmem>> -> memref<128xi32, #tpu.memory_space<vmem>>
      %dma_start3A_1476 = arith.constant 0 : i32
      %dma_start3A_1477 = arith.constant 0 : i32
      %dma_start3A_1478 = tpu.memref_slice %arg9[%dma_start3A_1476, %dma_start3A_1477] : memref<25104x32xf32, #tpu.memory_space<vmem_shared>> -> memref<25104x32xf32, #tpu.memory_space<vmem_shared>>
      tpu.enqueue_indirect_dma source(%dma_start3A_1472 : memref<128x32xf32, #tpu.memory_space<vmem>>) target(%dma_start3A_1478 : memref<25104x32xf32, #tpu.memory_space<vmem_shared>>) offsets(%dma_start3A_1475 : memref<128xi32, #tpu.memory_space<vmem>>) semaphore(%arg10 : memref<!tpu.dma_semaphore, #tpu.memory_space<semaphore_mem>>) {add = true}
      %dma_wait3A = arith.constant 0 : i32
      %dma_wait3A_1479 = arith.constant 0 : i32
      %dma_wait3A_1480 = arith.constant 0 : i32
      %dma_wait3A_1481 = tpu.memref_slice %arg8[%dma_wait3A_1479, %dma_wait3A_1480] : memref<1024x32xf32, #tpu.memory_space<vmem>> -> memref<128x32xf32, #tpu.memory_space<vmem>>
      %dma_wait3A_1482 = arith.constant 0 : i32
      %dma_wait3A_1483 = tpu.memref_slice %arg7[%dma_wait3A, %dma_wait3A_1482] : memref<8x128xi32, #tpu.memory_space<vmem>> -> memref<1x128xi32, #tpu.memory_space<vmem>>
      %dma_wait3A_1484 = tpu.memref_squeeze %dma_wait3A_1483 : memref<1x128xi32, #tpu.memory_space<vmem>> -> memref<128xi32, #tpu.memory_space<vmem>>
      %dma_wait3A_1485 = arith.constant 0 : i32
      %dma_wait3A_1486 = arith.constant 0 : i32
      %dma_wait3A_1487 = tpu.memref_slice %arg9[%dma_wait3A_1485, %dma_wait3A_1486] : memref<25104x32xf32, #tpu.memory_space<vmem_shared>> -> memref<25104x32xf32, #tpu.memory_space<vmem_shared>>
      tpu.wait_indirect_dma semaphore(%arg10 : memref<!tpu.dma_semaphore, #tpu.memory_space<semaphore_mem>>) src(%dma_wait3A_1481 : memref<128x32xf32, #tpu.memory_space<vmem>>) dst(%dma_wait3A_1487 : memref<25104x32xf32, #tpu.memory_space<vmem_shared>>)
      %dma_wait3A_1488 = arith.constant 1 : i32
      %dma_wait3A_1489 = arith.constant 128 : i32
      %dma_wait3A_1490 = arith.constant 0 : i32
      %dma_wait3A_1491 = tpu.memref_slice %arg8[%dma_wait3A_1489, %dma_wait3A_1490] : memref<1024x32xf32, #tpu.memory_space<vmem>> -> memref<128x32xf32, #tpu.memory_space<vmem>>
      %dma_wait3A_1492 = arith.constant 0 : i32
      %dma_wait3A_1493 = tpu.memref_slice %arg7[%dma_wait3A_1488, %dma_wait3A_1492] : memref<8x128xi32, #tpu.memory_space<vmem>> -> memref<1x128xi32, #tpu.memory_space<vmem>>
      %dma_wait3A_1494 = tpu.memref_squeeze %dma_wait3A_1493 : memref<1x128xi32, #tpu.memory_space<vmem>> -> memref<128xi32, #tpu.memory_space<vmem>>
      %dma_wait3A_1495 = arith.constant 0 : i32
      %dma_wait3A_1496 = arith.constant 0 : i32
      %dma_wait3A_1497 = tpu.memref_slice %arg9[%dma_wait3A_1495, %dma_wait3A_1496] : memref<25104x32xf32, #tpu.memory_space<vmem_shared>> -> memref<25104x32xf32, #tpu.memory_space<vmem_shared>>
      tpu.wait_indirect_dma semaphore(%arg10 : memref<!tpu.dma_semaphore, #tpu.memory_space<semaphore_mem>>) src(%dma_wait3A_1491 : memref<128x32xf32, #tpu.memory_space<vmem>>) dst(%dma_wait3A_1497 : memref<25104x32xf32, #tpu.memory_space<vmem_shared>>)
      %dma_wait3A_1498 = arith.constant 2 : i32
      %dma_wait3A_1499 = arith.constant 256 : i32
      %dma_wait3A_1500 = arith.constant 0 : i32
      %dma_wait3A_1501 = tpu.memref_slice %arg8[%dma_wait3A_1499, %dma_wait3A_1500] : memref<1024x32xf32, #tpu.memory_space<vmem>> -> memref<128x32xf32, #tpu.memory_space<vmem>>
      %dma_wait3A_1502 = arith.constant 0 : i32
      %dma_wait3A_1503 = tpu.memref_slice %arg7[%dma_wait3A_1498, %dma_wait3A_1502] : memref<8x128xi32, #tpu.memory_space<vmem>> -> memref<1x128xi32, #tpu.memory_space<vmem>>
      %dma_wait3A_1504 = tpu.memref_squeeze %dma_wait3A_1503 : memref<1x128xi32, #tpu.memory_space<vmem>> -> memref<128xi32, #tpu.memory_space<vmem>>
      %dma_wait3A_1505 = arith.constant 0 : i32
      %dma_wait3A_1506 = arith.constant 0 : i32
      %dma_wait3A_1507 = tpu.memref_slice %arg9[%dma_wait3A_1505, %dma_wait3A_1506] : memref<25104x32xf32, #tpu.memory_space<vmem_shared>> -> memref<25104x32xf32, #tpu.memory_space<vmem_shared>>
      tpu.wait_indirect_dma semaphore(%arg10 : memref<!tpu.dma_semaphore, #tpu.memory_space<semaphore_mem>>) src(%dma_wait3A_1501 : memref<128x32xf32, #tpu.memory_space<vmem>>) dst(%dma_wait3A_1507 : memref<25104x32xf32, #tpu.memory_space<vmem_shared>>)
      %dma_wait3A_1508 = arith.constant 3 : i32
      %dma_wait3A_1509 = arith.constant 384 : i32
      %dma_wait3A_1510 = arith.constant 0 : i32
      %dma_wait3A_1511 = tpu.memref_slice %arg8[%dma_wait3A_1509, %dma_wait3A_1510] : memref<1024x32xf32, #tpu.memory_space<vmem>> -> memref<128x32xf32, #tpu.memory_space<vmem>>
      %dma_wait3A_1512 = arith.constant 0 : i32
      %dma_wait3A_1513 = tpu.memref_slice %arg7[%dma_wait3A_1508, %dma_wait3A_1512] : memref<8x128xi32, #tpu.memory_space<vmem>> -> memref<1x128xi32, #tpu.memory_space<vmem>>
      %dma_wait3A_1514 = tpu.memref_squeeze %dma_wait3A_1513 : memref<1x128xi32, #tpu.memory_space<vmem>> -> memref<128xi32, #tpu.memory_space<vmem>>
      %dma_wait3A_1515 = arith.constant 0 : i32
      %dma_wait3A_1516 = arith.constant 0 : i32
      %dma_wait3A_1517 = tpu.memref_slice %arg9[%dma_wait3A_1515, %dma_wait3A_1516] : memref<25104x32xf32, #tpu.memory_space<vmem_shared>> -> memref<25104x32xf32, #tpu.memory_space<vmem_shared>>
      tpu.wait_indirect_dma semaphore(%arg10 : memref<!tpu.dma_semaphore, #tpu.memory_space<semaphore_mem>>) src(%dma_wait3A_1511 : memref<128x32xf32, #tpu.memory_space<vmem>>) dst(%dma_wait3A_1517 : memref<25104x32xf32, #tpu.memory_space<vmem_shared>>)
      %dma_wait3A_1518 = arith.constant 4 : i32
      %dma_wait3A_1519 = arith.constant 512 : i32
      %dma_wait3A_1520 = arith.constant 0 : i32
      %dma_wait3A_1521 = tpu.memref_slice %arg8[%dma_wait3A_1519, %dma_wait3A_1520] : memref<1024x32xf32, #tpu.memory_space<vmem>> -> memref<128x32xf32, #tpu.memory_space<vmem>>
      %dma_wait3A_1522 = arith.constant 0 : i32
      %dma_wait3A_1523 = tpu.memref_slice %arg7[%dma_wait3A_1518, %dma_wait3A_1522] : memref<8x128xi32, #tpu.memory_space<vmem>> -> memref<1x128xi32, #tpu.memory_space<vmem>>
      %dma_wait3A_1524 = tpu.memref_squeeze %dma_wait3A_1523 : memref<1x128xi32, #tpu.memory_space<vmem>> -> memref<128xi32, #tpu.memory_space<vmem>>
      %dma_wait3A_1525 = arith.constant 0 : i32
      %dma_wait3A_1526 = arith.constant 0 : i32
      %dma_wait3A_1527 = tpu.memref_slice %arg9[%dma_wait3A_1525, %dma_wait3A_1526] : memref<25104x32xf32, #tpu.memory_space<vmem_shared>> -> memref<25104x32xf32, #tpu.memory_space<vmem_shared>>
      tpu.wait_indirect_dma semaphore(%arg10 : memref<!tpu.dma_semaphore, #tpu.memory_space<semaphore_mem>>) src(%dma_wait3A_1521 : memref<128x32xf32, #tpu.memory_space<vmem>>) dst(%dma_wait3A_1527 : memref<25104x32xf32, #tpu.memory_space<vmem_shared>>)
      %dma_wait3A_1528 = arith.constant 5 : i32
      %dma_wait3A_1529 = arith.constant 640 : i32
      %dma_wait3A_1530 = arith.constant 0 : i32
      %dma_wait3A_1531 = tpu.memref_slice %arg8[%dma_wait3A_1529, %dma_wait3A_1530] : memref<1024x32xf32, #tpu.memory_space<vmem>> -> memref<128x32xf32, #tpu.memory_space<vmem>>
      %dma_wait3A_1532 = arith.constant 0 : i32
      %dma_wait3A_1533 = tpu.memref_slice %arg7[%dma_wait3A_1528, %dma_wait3A_1532] : memref<8x128xi32, #tpu.memory_space<vmem>> -> memref<1x128xi32, #tpu.memory_space<vmem>>
      %dma_wait3A_1534 = tpu.memref_squeeze %dma_wait3A_1533 : memref<1x128xi32, #tpu.memory_space<vmem>> -> memref<128xi32, #tpu.memory_space<vmem>>
      %dma_wait3A_1535 = arith.constant 0 : i32
      %dma_wait3A_1536 = arith.constant 0 : i32
      %dma_wait3A_1537 = tpu.memref_slice %arg9[%dma_wait3A_1535, %dma_wait3A_1536] : memref<25104x32xf32, #tpu.memory_space<vmem_shared>> -> memref<25104x32xf32, #tpu.memory_space<vmem_shared>>
      tpu.wait_indirect_dma semaphore(%arg10 : memref<!tpu.dma_semaphore, #tpu.memory_space<semaphore_mem>>) src(%dma_wait3A_1531 : memref<128x32xf32, #tpu.memory_space<vmem>>) dst(%dma_wait3A_1537 : memref<25104x32xf32, #tpu.memory_space<vmem_shared>>)
      %dma_wait3A_1538 = arith.constant 6 : i32
      %dma_wait3A_1539 = arith.constant 768 : i32
      %dma_wait3A_1540 = arith.constant 0 : i32
      %dma_wait3A_1541 = tpu.memref_slice %arg8[%dma_wait3A_1539, %dma_wait3A_1540] : memref<1024x32xf32, #tpu.memory_space<vmem>> -> memref<128x32xf32, #tpu.memory_space<vmem>>
      %dma_wait3A_1542 = arith.constant 0 : i32
      %dma_wait3A_1543 = tpu.memref_slice %arg7[%dma_wait3A_1538, %dma_wait3A_1542] : memref<8x128xi32, #tpu.memory_space<vmem>> -> memref<1x128xi32, #tpu.memory_space<vmem>>
      %dma_wait3A_1544 = tpu.memref_squeeze %dma_wait3A_1543 : memref<1x128xi32, #tpu.memory_space<vmem>> -> memref<128xi32, #tpu.memory_space<vmem>>
      %dma_wait3A_1545 = arith.constant 0 : i32
      %dma_wait3A_1546 = arith.constant 0 : i32
      %dma_wait3A_1547 = tpu.memref_slice %arg9[%dma_wait3A_1545, %dma_wait3A_1546] : memref<25104x32xf32, #tpu.memory_space<vmem_shared>> -> memref<25104x32xf32, #tpu.memory_space<vmem_shared>>
      tpu.wait_indirect_dma semaphore(%arg10 : memref<!tpu.dma_semaphore, #tpu.memory_space<semaphore_mem>>) src(%dma_wait3A_1541 : memref<128x32xf32, #tpu.memory_space<vmem>>) dst(%dma_wait3A_1547 : memref<25104x32xf32, #tpu.memory_space<vmem_shared>>)
      %dma_wait3A_1548 = arith.constant 7 : i32
      %dma_wait3A_1549 = arith.constant 896 : i32
      %dma_wait3A_1550 = arith.constant 0 : i32
      %dma_wait3A_1551 = tpu.memref_slice %arg8[%dma_wait3A_1549, %dma_wait3A_1550] : memref<1024x32xf32, #tpu.memory_space<vmem>> -> memref<128x32xf32, #tpu.memory_space<vmem>>
      %dma_wait3A_1552 = arith.constant 0 : i32
      %dma_wait3A_1553 = tpu.memref_slice %arg7[%dma_wait3A_1548, %dma_wait3A_1552] : memref<8x128xi32, #tpu.memory_space<vmem>> -> memref<1x128xi32, #tpu.memory_space<vmem>>
      %dma_wait3A_1554 = tpu.memref_squeeze %dma_wait3A_1553 : memref<1x128xi32, #tpu.memory_space<vmem>> -> memref<128xi32, #tpu.memory_space<vmem>>
      %dma_wait3A_1555 = arith.constant 0 : i32
      %dma_wait3A_1556 = arith.constant 0 : i32
      %dma_wait3A_1557 = tpu.memref_slice %arg9[%dma_wait3A_1555, %dma_wait3A_1556] : memref<25104x32xf32, #tpu.memory_space<vmem_shared>> -> memref<25104x32xf32, #tpu.memory_space<vmem_shared>>
      tpu.wait_indirect_dma semaphore(%arg10 : memref<!tpu.dma_semaphore, #tpu.memory_space<semaphore_mem>>) src(%dma_wait3A_1551 : memref<128x32xf32, #tpu.memory_space<vmem>>) dst(%dma_wait3A_1557 : memref<25104x32xf32, #tpu.memory_space<vmem_shared>>)
    }
    %while3A_36 = arith.constant 1 : i32
    scf.for %while3A_54 = %while3A_34 to %while3A_30 step %while3A_36  : i32 {
      %mul3A_55 = arith.constant 8 : i32
      %mul3A_56 = arith.muli %while3A_54, %mul3A_55 : i32
      %add3A_57 = arith.addi %add3A_9, %mul3A_56 : i32
      %mul3A_58 = arith.constant 128 : i32
      %mul3A_59 = arith.muli %add3A_57, %mul3A_58 : i32
      "tpu.region"() ({
        %run_scoped3A = tpu.sem_alloc : memref<!tpu.dma_semaphore, #tpu.memory_space<semaphore_mem>>
        %dma_start3A_1558 = tpu.memref_slice %arg3[%mul3A_59] : memref<800000xi32, #tpu.memory_space<hbm>> -> memref<1024xi32, #tpu.memory_space<hbm>>
        %dma_start3A_1559 = tpu.memref_slice %arg3[%mul3A_59] : memref<800000xi32, #tpu.memory_space<hbm>> -> memref<1024xi32, #tpu.memory_space<hbm>>
        tpu.enqueue_dma source(%dma_start3A_1559 : memref<1024xi32, #tpu.memory_space<hbm>>) target(%arg6 : memref<1024xi32, #tpu.memory_space<vmem>>) target_semaphore(%run_scoped3A : memref<!tpu.dma_semaphore, #tpu.memory_space<semaphore_mem>>)
        %dma_wait3A_1560 = tpu.memref_slice %arg3[%mul3A_59] : memref<800000xi32, #tpu.memory_space<hbm>> -> memref<1024xi32, #tpu.memory_space<hbm>>
        %dma_wait3A_1561 = tpu.memref_slice %arg3[%mul3A_59] : memref<800000xi32, #tpu.memory_space<hbm>> -> memref<1024xi32, #tpu.memory_space<hbm>>
        tpu.wait_dma2 semaphore(%run_scoped3A : memref<!tpu.dma_semaphore, #tpu.memory_space<semaphore_mem>>) src(%dma_wait3A_1561 : memref<1024xi32, #tpu.memory_space<hbm>>) dst(%arg6 : memref<1024xi32, #tpu.memory_space<vmem>>)
        tpu.yield
      }) : () -> ()
      "tpu.region"() ({
        %run_scoped3A = tpu.sem_alloc : memref<!tpu.dma_semaphore, #tpu.memory_space<semaphore_mem>>
        %dma_start3A_1558 = arith.constant 0 : i32
        %dma_start3A_1559 = tpu.memref_slice %arg2[%mul3A_59, %dma_start3A_1558] : memref<800000x32xf32, #tpu.memory_space<hbm>> -> memref<1024x32xf32, #tpu.memory_space<hbm>>
        %dma_start3A_1560 = arith.constant 0 : i32
        %dma_start3A_1561 = tpu.memref_slice %arg2[%mul3A_59, %dma_start3A_1560] : memref<800000x32xf32, #tpu.memory_space<hbm>> -> memref<1024x32xf32, #tpu.memory_space<hbm>>
        tpu.enqueue_dma source(%dma_start3A_1561 : memref<1024x32xf32, #tpu.memory_space<hbm>>) target(%arg8 : memref<1024x32xf32, #tpu.memory_space<vmem>>) target_semaphore(%run_scoped3A : memref<!tpu.dma_semaphore, #tpu.memory_space<semaphore_mem>>)
        %dma_wait3A_1562 = arith.constant 0 : i32
        %dma_wait3A_1563 = tpu.memref_slice %arg2[%mul3A_59, %dma_wait3A_1562] : memref<800000x32xf32, #tpu.memory_space<hbm>> -> memref<1024x32xf32, #tpu.memory_space<hbm>>
        %dma_wait3A_1564 = arith.constant 0 : i32
        %dma_wait3A_1565 = tpu.memref_slice %arg2[%mul3A_59, %dma_wait3A_1564] : memref<800000x32xf32, #tpu.memory_space<hbm>> -> memref<1024x32xf32, #tpu.memory_space<hbm>>
        tpu.wait_dma2 semaphore(%run_scoped3A : memref<!tpu.dma_semaphore, #tpu.memory_space<semaphore_mem>>) src(%dma_wait3A_1565 : memref<1024x32xf32, #tpu.memory_space<hbm>>) dst(%arg8 : memref<1024x32xf32, #tpu.memory_space<vmem>>)
        tpu.yield
      }) : () -> ()
      %get3A = arith.constant 0 : index
      %get3A_60 = tpu.vector_load %arg6[%get3A] {strides = array<i32>} : memref<1024xi32, #tpu.memory_space<vmem>>, vector<16xi32>,
      %get3A_61 = vector.shape_cast %get3A_60 : vector<16xi32> to vector<16xi32>
      %sub3A_62 = vector.broadcast %mul3A_0 : i32 to vector<16xi32>
      %sub3A_63 = arith.subi %get3A_61, %sub3A_62 : vector<16xi32>
      %ge3A = arith.constant 0 : i32
      %ge3A_64 = vector.broadcast %ge3A : i32 to vector<16xi32>
      %ge3A_65 = arith.cmpi sge, %sub3A_63, %ge3A_64 : vector<16xi32>
      %lt3A_66 = arith.constant 25088 : i32
      %lt3A_67 = vector.broadcast %lt3A_66 : i32 to vector<16xi32>
      %lt3A_68 = arith.cmpi slt, %sub3A_63, %lt3A_67 : vector<16xi32>
      %and3A_69 = arith.andi %ge3A_65, %lt3A_68 : vector<16xi1>
      %jit3A_70 = arith.constant 25088 : i32
      %broadcast_in_dim3A = vector.broadcast %jit3A_70 : i32 to vector<16xi32>
      %select_n3A_71 = arith.select %and3A_69, %sub3A_63, %broadcast_in_dim3A : vector<16xi1>, vector<16xi32>
      %swap3A = arith.constant 0 : i32
      %swap3A_72 = arith.index_cast %swap3A : i32 to index
      %swap3A_73 = arith.constant 0 : index
      %swap3A_74 = tpu.vector_load %arg7[%swap3A_72, %swap3A_73] {strides = array<i32>} : memref<8x128xi32, #tpu.memory_space<vmem>>, vector<1x16xi32>,
      %swap3A_75 = vector.shape_cast %swap3A_74 : vector<1x16xi32> to vector<16xi32>
      %swap3A_76 = vector.shape_cast %select_n3A_71 : vector<16xi32> to vector<1x16xi32>
      tpu.vector_store %arg7[%swap3A_72, %swap3A_73], %swap3A_76 {strides = array<i32>} : memref<8x128xi32, #tpu.memory_space<vmem>>, vector<1x16xi32>,
      %get3A_77 = arith.constant 16 : index
      %get3A_78 = tpu.vector_load %arg6[%get3A_77] {strides = array<i32>} : memref<1024xi32, #tpu.memory_space<vmem>>, vector<16xi32>,
      %get3A_79 = vector.shape_cast %get3A_78 : vector<16xi32> to vector<16xi32>
      %sub3A_80 = vector.broadcast %mul3A_0 : i32 to vector<16xi32>
      %sub3A_81 = arith.subi %get3A_79, %sub3A_80 : vector<16xi32>
      %ge3A_82 = arith.constant 0 : i32
      %ge3A_83 = vector.broadcast %ge3A_82 : i32 to vector<16xi32>
      %ge3A_84 = arith.cmpi sge, %sub3A_81, %ge3A_83 : vector<16xi32>
      %lt3A_85 = arith.constant 25088 : i32
      %lt3A_86 = vector.broadcast %lt3A_85 : i32 to vector<16xi32>
      %lt3A_87 = arith.cmpi slt, %sub3A_81, %lt3A_86 : vector<16xi32>
      %and3A_88 = arith.andi %ge3A_84, %lt3A_87 : vector<16xi1>
      %jit3A_89 = arith.constant 25088 : i32
      %broadcast_in_dim3A_90 = vector.broadcast %jit3A_89 : i32 to vector<16xi32>
      %select_n3A_91 = arith.select %and3A_88, %sub3A_81, %broadcast_in_dim3A_90 : vector<16xi1>, vector<16xi32>
      %swap3A_92 = arith.constant 0 : i32
      %swap3A_93 = arith.index_cast %swap3A_92 : i32 to index
      %swap3A_94 = arith.constant 16 : index
      %swap3A_95 = tpu.vector_load %arg7[%swap3A_93, %swap3A_94] {strides = array<i32>} : memref<8x128xi32, #tpu.memory_space<vmem>>, vector<1x16xi32>,
      %swap3A_96 = vector.shape_cast %swap3A_95 : vector<1x16xi32> to vector<16xi32>
      %swap3A_97 = vector.shape_cast %select_n3A_91 : vector<16xi32> to vector<1x16xi32>
      tpu.vector_store %arg7[%swap3A_93, %swap3A_94], %swap3A_97 {strides = array<i32>} : memref<8x128xi32, #tpu.memory_space<vmem>>, vector<1x16xi32>,
      %get3A_98 = arith.constant 32 : index
      %get3A_99 = tpu.vector_load %arg6[%get3A_98] {strides = array<i32>} : memref<1024xi32, #tpu.memory_space<vmem>>, vector<16xi32>,
      %get3A_100 = vector.shape_cast %get3A_99 : vector<16xi32> to vector<16xi32>
      %sub3A_101 = vector.broadcast %mul3A_0 : i32 to vector<16xi32>
      %sub3A_102 = arith.subi %get3A_100, %sub3A_101 : vector<16xi32>
      %ge3A_103 = arith.constant 0 : i32
      %ge3A_104 = vector.broadcast %ge3A_103 : i32 to vector<16xi32>
      %ge3A_105 = arith.cmpi sge, %sub3A_102, %ge3A_104 : vector<16xi32>
      %lt3A_106 = arith.constant 25088 : i32
      %lt3A_107 = vector.broadcast %lt3A_106 : i32 to vector<16xi32>
      %lt3A_108 = arith.cmpi slt, %sub3A_102, %lt3A_107 : vector<16xi32>
      %and3A_109 = arith.andi %ge3A_105, %lt3A_108 : vector<16xi1>
      %jit3A_110 = arith.constant 25088 : i32
      %broadcast_in_dim3A_111 = vector.broadcast %jit3A_110 : i32 to vector<16xi32>
      %select_n3A_112 = arith.select %and3A_109, %sub3A_102, %broadcast_in_dim3A_111 : vector<16xi1>, vector<16xi32>
      %swap3A_113 = arith.constant 0 : i32
      %swap3A_114 = arith.index_cast %swap3A_113 : i32 to index
      %swap3A_115 = arith.constant 32 : index
      %swap3A_116 = tpu.vector_load %arg7[%swap3A_114, %swap3A_115] {strides = array<i32>} : memref<8x128xi32, #tpu.memory_space<vmem>>, vector<1x16xi32>,
      %swap3A_117 = vector.shape_cast %swap3A_116 : vector<1x16xi32> to vector<16xi32>
      %swap3A_118 = vector.shape_cast %select_n3A_112 : vector<16xi32> to vector<1x16xi32>
      tpu.vector_store %arg7[%swap3A_114, %swap3A_115], %swap3A_118 {strides = array<i32>} : memref<8x128xi32, #tpu.memory_space<vmem>>, vector<1x16xi32>,
      %get3A_119 = arith.constant 48 : index
      %get3A_120 = tpu.vector_load %arg6[%get3A_119] {strides = array<i32>} : memref<1024xi32, #tpu.memory_space<vmem>>, vector<16xi32>,
      %get3A_121 = vector.shape_cast %get3A_120 : vector<16xi32> to vector<16xi32>
      %sub3A_122 = vector.broadcast %mul3A_0 : i32 to vector<16xi32>
      %sub3A_123 = arith.subi %get3A_121, %sub3A_122 : vector<16xi32>
      %ge3A_124 = arith.constant 0 : i32
      %ge3A_125 = vector.broadcast %ge3A_124 : i32 to vector<16xi32>
      %ge3A_126 = arith.cmpi sge, %sub3A_123, %ge3A_125 : vector<16xi32>
      %lt3A_127 = arith.constant 25088 : i32
      %lt3A_128 = vector.broadcast %lt3A_127 : i32 to vector<16xi32>
      %lt3A_129 = arith.cmpi slt, %sub3A_123, %lt3A_128 : vector<16xi32>
      %and3A_130 = arith.andi %ge3A_126, %lt3A_129 : vector<16xi1>
      %jit3A_131 = arith.constant 25088 : i32
      %broadcast_in_dim3A_132 = vector.broadcast %jit3A_131 : i32 to vector<16xi32>
      %select_n3A_133 = arith.select %and3A_130, %sub3A_123, %broadcast_in_dim3A_132 : vector<16xi1>, vector<16xi32>
      %swap3A_134 = arith.constant 0 : i32
      %swap3A_135 = arith.index_cast %swap3A_134 : i32 to index
      %swap3A_136 = arith.constant 48 : index
      %swap3A_137 = tpu.vector_load %arg7[%swap3A_135, %swap3A_136] {strides = array<i32>} : memref<8x128xi32, #tpu.memory_space<vmem>>, vector<1x16xi32>,
      %swap3A_138 = vector.shape_cast %swap3A_137 : vector<1x16xi32> to vector<16xi32>
      %swap3A_139 = vector.shape_cast %select_n3A_133 : vector<16xi32> to vector<1x16xi32>
      tpu.vector_store %arg7[%swap3A_135, %swap3A_136], %swap3A_139 {strides = array<i32>} : memref<8x128xi32, #tpu.memory_space<vmem>>, vector<1x16xi32>,
      %get3A_140 = arith.constant 64 : index
      %get3A_141 = tpu.vector_load %arg6[%get3A_140] {strides = array<i32>} : memref<1024xi32, #tpu.memory_space<vmem>>, vector<16xi32>,
      %get3A_142 = vector.shape_cast %get3A_141 : vector<16xi32> to vector<16xi32>
      %sub3A_143 = vector.broadcast %mul3A_0 : i32 to vector<16xi32>
      %sub3A_144 = arith.subi %get3A_142, %sub3A_143 : vector<16xi32>
      %ge3A_145 = arith.constant 0 : i32
      %ge3A_146 = vector.broadcast %ge3A_145 : i32 to vector<16xi32>
      %ge3A_147 = arith.cmpi sge, %sub3A_144, %ge3A_146 : vector<16xi32>
      %lt3A_148 = arith.constant 25088 : i32
      %lt3A_149 = vector.broadcast %lt3A_148 : i32 to vector<16xi32>
      %lt3A_150 = arith.cmpi slt, %sub3A_144, %lt3A_149 : vector<16xi32>
      %and3A_151 = arith.andi %ge3A_147, %lt3A_150 : vector<16xi1>
      %jit3A_152 = arith.constant 25088 : i32
      %broadcast_in_dim3A_153 = vector.broadcast %jit3A_152 : i32 to vector<16xi32>
      %select_n3A_154 = arith.select %and3A_151, %sub3A_144, %broadcast_in_dim3A_153 : vector<16xi1>, vector<16xi32>
      %swap3A_155 = arith.constant 0 : i32
      %swap3A_156 = arith.index_cast %swap3A_155 : i32 to index
      %swap3A_157 = arith.constant 64 : index
      %swap3A_158 = tpu.vector_load %arg7[%swap3A_156, %swap3A_157] {strides = array<i32>} : memref<8x128xi32, #tpu.memory_space<vmem>>, vector<1x16xi32>,
      %swap3A_159 = vector.shape_cast %swap3A_158 : vector<1x16xi32> to vector<16xi32>
      %swap3A_160 = vector.shape_cast %select_n3A_154 : vector<16xi32> to vector<1x16xi32>
      tpu.vector_store %arg7[%swap3A_156, %swap3A_157], %swap3A_160 {strides = array<i32>} : memref<8x128xi32, #tpu.memory_space<vmem>>, vector<1x16xi32>,
      %get3A_161 = arith.constant 80 : index
      %get3A_162 = tpu.vector_load %arg6[%get3A_161] {strides = array<i32>} : memref<1024xi32, #tpu.memory_space<vmem>>, vector<16xi32>,
      %get3A_163 = vector.shape_cast %get3A_162 : vector<16xi32> to vector<16xi32>
      %sub3A_164 = vector.broadcast %mul3A_0 : i32 to vector<16xi32>
      %sub3A_165 = arith.subi %get3A_163, %sub3A_164 : vector<16xi32>
      %ge3A_166 = arith.constant 0 : i32
      %ge3A_167 = vector.broadcast %ge3A_166 : i32 to vector<16xi32>
      %ge3A_168 = arith.cmpi sge, %sub3A_165, %ge3A_167 : vector<16xi32>
      %lt3A_169 = arith.constant 25088 : i32
      %lt3A_170 = vector.broadcast %lt3A_169 : i32 to vector<16xi32>
      %lt3A_171 = arith.cmpi slt, %sub3A_165, %lt3A_170 : vector<16xi32>
      %and3A_172 = arith.andi %ge3A_168, %lt3A_171 : vector<16xi1>
      %jit3A_173 = arith.constant 25088 : i32
      %broadcast_in_dim3A_174 = vector.broadcast %jit3A_173 : i32 to vector<16xi32>
      %select_n3A_175 = arith.select %and3A_172, %sub3A_165, %broadcast_in_dim3A_174 : vector<16xi1>, vector<16xi32>
      %swap3A_176 = arith.constant 0 : i32
      %swap3A_177 = arith.index_cast %swap3A_176 : i32 to index
      %swap3A_178 = arith.constant 80 : index
      %swap3A_179 = tpu.vector_load %arg7[%swap3A_177, %swap3A_178] {strides = array<i32>} : memref<8x128xi32, #tpu.memory_space<vmem>>, vector<1x16xi32>,
      %swap3A_180 = vector.shape_cast %swap3A_179 : vector<1x16xi32> to vector<16xi32>
      %swap3A_181 = vector.shape_cast %select_n3A_175 : vector<16xi32> to vector<1x16xi32>
      tpu.vector_store %arg7[%swap3A_177, %swap3A_178], %swap3A_181 {strides = array<i32>} : memref<8x128xi32, #tpu.memory_space<vmem>>, vector<1x16xi32>,
      %get3A_182 = arith.constant 96 : index
      %get3A_183 = tpu.vector_load %arg6[%get3A_182] {strides = array<i32>} : memref<1024xi32, #tpu.memory_space<vmem>>, vector<16xi32>,
      %get3A_184 = vector.shape_cast %get3A_183 : vector<16xi32> to vector<16xi32>
      %sub3A_185 = vector.broadcast %mul3A_0 : i32 to vector<16xi32>
      %sub3A_186 = arith.subi %get3A_184, %sub3A_185 : vector<16xi32>
      %ge3A_187 = arith.constant 0 : i32
      %ge3A_188 = vector.broadcast %ge3A_187 : i32 to vector<16xi32>
      %ge3A_189 = arith.cmpi sge, %sub3A_186, %ge3A_188 : vector<16xi32>
      %lt3A_190 = arith.constant 25088 : i32
      %lt3A_191 = vector.broadcast %lt3A_190 : i32 to vector<16xi32>
      %lt3A_192 = arith.cmpi slt, %sub3A_186, %lt3A_191 : vector<16xi32>
      %and3A_193 = arith.andi %ge3A_189, %lt3A_192 : vector<16xi1>
      %jit3A_194 = arith.constant 25088 : i32
      %broadcast_in_dim3A_195 = vector.broadcast %jit3A_194 : i32 to vector<16xi32>
      %select_n3A_196 = arith.select %and3A_193, %sub3A_186, %broadcast_in_dim3A_195 : vector<16xi1>, vector<16xi32>
      %swap3A_197 = arith.constant 0 : i32
      %swap3A_198 = arith.index_cast %swap3A_197 : i32 to index
      %swap3A_199 = arith.constant 96 : index
      %swap3A_200 = tpu.vector_load %arg7[%swap3A_198, %swap3A_199] {strides = array<i32>} : memref<8x128xi32, #tpu.memory_space<vmem>>, vector<1x16xi32>,
      %swap3A_201 = vector.shape_cast %swap3A_200 : vector<1x16xi32> to vector<16xi32>
      %swap3A_202 = vector.shape_cast %select_n3A_196 : vector<16xi32> to vector<1x16xi32>
      tpu.vector_store %arg7[%swap3A_198, %swap3A_199], %swap3A_202 {strides = array<i32>} : memref<8x128xi32, #tpu.memory_space<vmem>>, vector<1x16xi32>,
      %get3A_203 = arith.constant 112 : index
      %get3A_204 = tpu.vector_load %arg6[%get3A_203] {strides = array<i32>} : memref<1024xi32, #tpu.memory_space<vmem>>, vector<16xi32>,
      %get3A_205 = vector.shape_cast %get3A_204 : vector<16xi32> to vector<16xi32>
      %sub3A_206 = vector.broadcast %mul3A_0 : i32 to vector<16xi32>
      %sub3A_207 = arith.subi %get3A_205, %sub3A_206 : vector<16xi32>
      %ge3A_208 = arith.constant 0 : i32
      %ge3A_209 = vector.broadcast %ge3A_208 : i32 to vector<16xi32>
      %ge3A_210 = arith.cmpi sge, %sub3A_207, %ge3A_209 : vector<16xi32>
      %lt3A_211 = arith.constant 25088 : i32
      %lt3A_212 = vector.broadcast %lt3A_211 : i32 to vector<16xi32>
      %lt3A_213 = arith.cmpi slt, %sub3A_207, %lt3A_212 : vector<16xi32>
      %and3A_214 = arith.andi %ge3A_210, %lt3A_213 : vector<16xi1>
      %jit3A_215 = arith.constant 25088 : i32
      %broadcast_in_dim3A_216 = vector.broadcast %jit3A_215 : i32 to vector<16xi32>
      %select_n3A_217 = arith.select %and3A_214, %sub3A_207, %broadcast_in_dim3A_216 : vector<16xi1>, vector<16xi32>
      %swap3A_218 = arith.constant 0 : i32
      %swap3A_219 = arith.index_cast %swap3A_218 : i32 to index
      %swap3A_220 = arith.constant 112 : index
      %swap3A_221 = tpu.vector_load %arg7[%swap3A_219, %swap3A_220] {strides = array<i32>} : memref<8x128xi32, #tpu.memory_space<vmem>>, vector<1x16xi32>,
      %swap3A_222 = vector.shape_cast %swap3A_221 : vector<1x16xi32> to vector<16xi32>
      %swap3A_223 = vector.shape_cast %select_n3A_217 : vector<16xi32> to vector<1x16xi32>
      tpu.vector_store %arg7[%swap3A_219, %swap3A_220], %swap3A_223 {strides = array<i32>} : memref<8x128xi32, #tpu.memory_space<vmem>>, vector<1x16xi32>,
      %dma_start3A = arith.constant 0 : i32
      %dma_start3A_224 = arith.constant 0 : i32
      %dma_start3A_225 = arith.constant 0 : i32
      %dma_start3A_226 = tpu.memref_slice %arg8[%dma_start3A_224, %dma_start3A_225] : memref<1024x32xf32, #tpu.memory_space<vmem>> -> memref<128x32xf32, #tpu.memory_space<vmem>>
      %dma_start3A_227 = arith.constant 0 : i32
      %dma_start3A_228 = tpu.memref_slice %arg7[%dma_start3A, %dma_start3A_227] : memref<8x128xi32, #tpu.memory_space<vmem>> -> memref<1x128xi32, #tpu.memory_space<vmem>>
      %dma_start3A_229 = tpu.memref_squeeze %dma_start3A_228 : memref<1x128xi32, #tpu.memory_space<vmem>> -> memref<128xi32, #tpu.memory_space<vmem>>
      %dma_start3A_230 = arith.constant 0 : i32
      %dma_start3A_231 = arith.constant 0 : i32
      %dma_start3A_232 = tpu.memref_slice %arg9[%dma_start3A_230, %dma_start3A_231] : memref<25104x32xf32, #tpu.memory_space<vmem_shared>> -> memref<25104x32xf32, #tpu.memory_space<vmem_shared>>
      tpu.enqueue_indirect_dma source(%dma_start3A_226 : memref<128x32xf32, #tpu.memory_space<vmem>>) target(%dma_start3A_232 : memref<25104x32xf32, #tpu.memory_space<vmem_shared>>) offsets(%dma_start3A_229 : memref<128xi32, #tpu.memory_space<vmem>>) semaphore(%arg10 : memref<!tpu.dma_semaphore, #tpu.memory_space<semaphore_mem>>) {add = true}
      %get3A_233 = arith.constant 128 : index
      %get3A_234 = tpu.vector_load %arg6[%get3A_233] {strides = array<i32>} : memref<1024xi32, #tpu.memory_space<vmem>>, vector<16xi32>,
      %get3A_235 = vector.shape_cast %get3A_234 : vector<16xi32> to vector<16xi32>
      %sub3A_236 = vector.broadcast %mul3A_0 : i32 to vector<16xi32>
      %sub3A_237 = arith.subi %get3A_235, %sub3A_236 : vector<16xi32>
      %ge3A_238 = arith.constant 0 : i32
      %ge3A_239 = vector.broadcast %ge3A_238 : i32 to vector<16xi32>
      %ge3A_240 = arith.cmpi sge, %sub3A_237, %ge3A_239 : vector<16xi32>
      %lt3A_241 = arith.constant 25088 : i32
      %lt3A_242 = vector.broadcast %lt3A_241 : i32 to vector<16xi32>
      %lt3A_243 = arith.cmpi slt, %sub3A_237, %lt3A_242 : vector<16xi32>
      %and3A_244 = arith.andi %ge3A_240, %lt3A_243 : vector<16xi1>
      %jit3A_245 = arith.constant 25088 : i32
      %broadcast_in_dim3A_246 = vector.broadcast %jit3A_245 : i32 to vector<16xi32>
      %select_n3A_247 = arith.select %and3A_244, %sub3A_237, %broadcast_in_dim3A_246 : vector<16xi1>, vector<16xi32>
      %swap3A_248 = arith.constant 1 : i32
      %swap3A_249 = arith.index_cast %swap3A_248 : i32 to index
      %swap3A_250 = arith.constant 0 : index
      %swap3A_251 = tpu.vector_load %arg7[%swap3A_249, %swap3A_250] {strides = array<i32>} : memref<8x128xi32, #tpu.memory_space<vmem>>, vector<1x16xi32>,
      %swap3A_252 = vector.shape_cast %swap3A_251 : vector<1x16xi32> to vector<16xi32>
      %swap3A_253 = vector.shape_cast %select_n3A_247 : vector<16xi32> to vector<1x16xi32>
      tpu.vector_store %arg7[%swap3A_249, %swap3A_250], %swap3A_253 {strides = array<i32>} : memref<8x128xi32, #tpu.memory_space<vmem>>, vector<1x16xi32>,
      %get3A_254 = arith.constant 144 : index
      %get3A_255 = tpu.vector_load %arg6[%get3A_254] {strides = array<i32>} : memref<1024xi32, #tpu.memory_space<vmem>>, vector<16xi32>,
      %get3A_256 = vector.shape_cast %get3A_255 : vector<16xi32> to vector<16xi32>
      %sub3A_257 = vector.broadcast %mul3A_0 : i32 to vector<16xi32>
      %sub3A_258 = arith.subi %get3A_256, %sub3A_257 : vector<16xi32>
      %ge3A_259 = arith.constant 0 : i32
      %ge3A_260 = vector.broadcast %ge3A_259 : i32 to vector<16xi32>
      %ge3A_261 = arith.cmpi sge, %sub3A_258, %ge3A_260 : vector<16xi32>
      %lt3A_262 = arith.constant 25088 : i32
      %lt3A_263 = vector.broadcast %lt3A_262 : i32 to vector<16xi32>
      %lt3A_264 = arith.cmpi slt, %sub3A_258, %lt3A_263 : vector<16xi32>
      %and3A_265 = arith.andi %ge3A_261, %lt3A_264 : vector<16xi1>
      %jit3A_266 = arith.constant 25088 : i32
      %broadcast_in_dim3A_267 = vector.broadcast %jit3A_266 : i32 to vector<16xi32>
      %select_n3A_268 = arith.select %and3A_265, %sub3A_258, %broadcast_in_dim3A_267 : vector<16xi1>, vector<16xi32>
      %swap3A_269 = arith.constant 1 : i32
      %swap3A_270 = arith.index_cast %swap3A_269 : i32 to index
      %swap3A_271 = arith.constant 16 : index
      %swap3A_272 = tpu.vector_load %arg7[%swap3A_270, %swap3A_271] {strides = array<i32>} : memref<8x128xi32, #tpu.memory_space<vmem>>, vector<1x16xi32>,
      %swap3A_273 = vector.shape_cast %swap3A_272 : vector<1x16xi32> to vector<16xi32>
      %swap3A_274 = vector.shape_cast %select_n3A_268 : vector<16xi32> to vector<1x16xi32>
      tpu.vector_store %arg7[%swap3A_270, %swap3A_271], %swap3A_274 {strides = array<i32>} : memref<8x128xi32, #tpu.memory_space<vmem>>, vector<1x16xi32>,
      %get3A_275 = arith.constant 160 : index
      %get3A_276 = tpu.vector_load %arg6[%get3A_275] {strides = array<i32>} : memref<1024xi32, #tpu.memory_space<vmem>>, vector<16xi32>,
      %get3A_277 = vector.shape_cast %get3A_276 : vector<16xi32> to vector<16xi32>
      %sub3A_278 = vector.broadcast %mul3A_0 : i32 to vector<16xi32>
      %sub3A_279 = arith.subi %get3A_277, %sub3A_278 : vector<16xi32>
      %ge3A_280 = arith.constant 0 : i32
      %ge3A_281 = vector.broadcast %ge3A_280 : i32 to vector<16xi32>
      %ge3A_282 = arith.cmpi sge, %sub3A_279, %ge3A_281 : vector<16xi32>
      %lt3A_283 = arith.constant 25088 : i32
      %lt3A_284 = vector.broadcast %lt3A_283 : i32 to vector<16xi32>
      %lt3A_285 = arith.cmpi slt, %sub3A_279, %lt3A_284 : vector<16xi32>
      %and3A_286 = arith.andi %ge3A_282, %lt3A_285 : vector<16xi1>
      %jit3A_287 = arith.constant 25088 : i32
      %broadcast_in_dim3A_288 = vector.broadcast %jit3A_287 : i32 to vector<16xi32>
      %select_n3A_289 = arith.select %and3A_286, %sub3A_279, %broadcast_in_dim3A_288 : vector<16xi1>, vector<16xi32>
      %swap3A_290 = arith.constant 1 : i32
      %swap3A_291 = arith.index_cast %swap3A_290 : i32 to index
      %swap3A_292 = arith.constant 32 : index
      %swap3A_293 = tpu.vector_load %arg7[%swap3A_291, %swap3A_292] {strides = array<i32>} : memref<8x128xi32, #tpu.memory_space<vmem>>, vector<1x16xi32>,
      %swap3A_294 = vector.shape_cast %swap3A_293 : vector<1x16xi32> to vector<16xi32>
      %swap3A_295 = vector.shape_cast %select_n3A_289 : vector<16xi32> to vector<1x16xi32>
      tpu.vector_store %arg7[%swap3A_291, %swap3A_292], %swap3A_295 {strides = array<i32>} : memref<8x128xi32, #tpu.memory_space<vmem>>, vector<1x16xi32>,
      %get3A_296 = arith.constant 176 : index
      %get3A_297 = tpu.vector_load %arg6[%get3A_296] {strides = array<i32>} : memref<1024xi32, #tpu.memory_space<vmem>>, vector<16xi32>,
      %get3A_298 = vector.shape_cast %get3A_297 : vector<16xi32> to vector<16xi32>
      %sub3A_299 = vector.broadcast %mul3A_0 : i32 to vector<16xi32>
      %sub3A_300 = arith.subi %get3A_298, %sub3A_299 : vector<16xi32>
      %ge3A_301 = arith.constant 0 : i32
      %ge3A_302 = vector.broadcast %ge3A_301 : i32 to vector<16xi32>
      %ge3A_303 = arith.cmpi sge, %sub3A_300, %ge3A_302 : vector<16xi32>
      %lt3A_304 = arith.constant 25088 : i32
      %lt3A_305 = vector.broadcast %lt3A_304 : i32 to vector<16xi32>
      %lt3A_306 = arith.cmpi slt, %sub3A_300, %lt3A_305 : vector<16xi32>
      %and3A_307 = arith.andi %ge3A_303, %lt3A_306 : vector<16xi1>
      %jit3A_308 = arith.constant 25088 : i32
      %broadcast_in_dim3A_309 = vector.broadcast %jit3A_308 : i32 to vector<16xi32>
      %select_n3A_310 = arith.select %and3A_307, %sub3A_300, %broadcast_in_dim3A_309 : vector<16xi1>, vector<16xi32>
      %swap3A_311 = arith.constant 1 : i32
      %swap3A_312 = arith.index_cast %swap3A_311 : i32 to index
      %swap3A_313 = arith.constant 48 : index
      %swap3A_314 = tpu.vector_load %arg7[%swap3A_312, %swap3A_313] {strides = array<i32>} : memref<8x128xi32, #tpu.memory_space<vmem>>, vector<1x16xi32>,
      %swap3A_315 = vector.shape_cast %swap3A_314 : vector<1x16xi32> to vector<16xi32>
      %swap3A_316 = vector.shape_cast %select_n3A_310 : vector<16xi32> to vector<1x16xi32>
      tpu.vector_store %arg7[%swap3A_312, %swap3A_313], %swap3A_316 {strides = array<i32>} : memref<8x128xi32, #tpu.memory_space<vmem>>, vector<1x16xi32>,
      %get3A_317 = arith.constant 192 : index
      %get3A_318 = tpu.vector_load %arg6[%get3A_317] {strides = array<i32>} : memref<1024xi32, #tpu.memory_space<vmem>>, vector<16xi32>,
      %get3A_319 = vector.shape_cast %get3A_318 : vector<16xi32> to vector<16xi32>
      %sub3A_320 = vector.broadcast %mul3A_0 : i32 to vector<16xi32>
      %sub3A_321 = arith.subi %get3A_319, %sub3A_320 : vector<16xi32>
      %ge3A_322 = arith.constant 0 : i32
      %ge3A_323 = vector.broadcast %ge3A_322 : i32 to vector<16xi32>
      %ge3A_324 = arith.cmpi sge, %sub3A_321, %ge3A_323 : vector<16xi32>
      %lt3A_325 = arith.constant 25088 : i32
      %lt3A_326 = vector.broadcast %lt3A_325 : i32 to vector<16xi32>
      %lt3A_327 = arith.cmpi slt, %sub3A_321, %lt3A_326 : vector<16xi32>
      %and3A_328 = arith.andi %ge3A_324, %lt3A_327 : vector<16xi1>
      %jit3A_329 = arith.constant 25088 : i32
      %broadcast_in_dim3A_330 = vector.broadcast %jit3A_329 : i32 to vector<16xi32>
      %select_n3A_331 = arith.select %and3A_328, %sub3A_321, %broadcast_in_dim3A_330 : vector<16xi1>, vector<16xi32>
      %swap3A_332 = arith.constant 1 : i32
      %swap3A_333 = arith.index_cast %swap3A_332 : i32 to index
      %swap3A_334 = arith.constant 64 : index
      %swap3A_335 = tpu.vector_load %arg7[%swap3A_333, %swap3A_334] {strides = array<i32>} : memref<8x128xi32, #tpu.memory_space<vmem>>, vector<1x16xi32>,
      %swap3A_336 = vector.shape_cast %swap3A_335 : vector<1x16xi32> to vector<16xi32>
      %swap3A_337 = vector.shape_cast %select_n3A_331 : vector<16xi32> to vector<1x16xi32>
      tpu.vector_store %arg7[%swap3A_333, %swap3A_334], %swap3A_337 {strides = array<i32>} : memref<8x128xi32, #tpu.memory_space<vmem>>, vector<1x16xi32>,
      %get3A_338 = arith.constant 208 : index
      %get3A_339 = tpu.vector_load %arg6[%get3A_338] {strides = array<i32>} : memref<1024xi32, #tpu.memory_space<vmem>>, vector<16xi32>,
      %get3A_340 = vector.shape_cast %get3A_339 : vector<16xi32> to vector<16xi32>
      %sub3A_341 = vector.broadcast %mul3A_0 : i32 to vector<16xi32>
      %sub3A_342 = arith.subi %get3A_340, %sub3A_341 : vector<16xi32>
      %ge3A_343 = arith.constant 0 : i32
      %ge3A_344 = vector.broadcast %ge3A_343 : i32 to vector<16xi32>
      %ge3A_345 = arith.cmpi sge, %sub3A_342, %ge3A_344 : vector<16xi32>
      %lt3A_346 = arith.constant 25088 : i32
      %lt3A_347 = vector.broadcast %lt3A_346 : i32 to vector<16xi32>
      %lt3A_348 = arith.cmpi slt, %sub3A_342, %lt3A_347 : vector<16xi32>
      %and3A_349 = arith.andi %ge3A_345, %lt3A_348 : vector<16xi1>
      %jit3A_350 = arith.constant 25088 : i32
      %broadcast_in_dim3A_351 = vector.broadcast %jit3A_350 : i32 to vector<16xi32>
      %select_n3A_352 = arith.select %and3A_349, %sub3A_342, %broadcast_in_dim3A_351 : vector<16xi1>, vector<16xi32>
      %swap3A_353 = arith.constant 1 : i32
      %swap3A_354 = arith.index_cast %swap3A_353 : i32 to index
      %swap3A_355 = arith.constant 80 : index
      %swap3A_356 = tpu.vector_load %arg7[%swap3A_354, %swap3A_355] {strides = array<i32>} : memref<8x128xi32, #tpu.memory_space<vmem>>, vector<1x16xi32>,
      %swap3A_357 = vector.shape_cast %swap3A_356 : vector<1x16xi32> to vector<16xi32>
      %swap3A_358 = vector.shape_cast %select_n3A_352 : vector<16xi32> to vector<1x16xi32>
      tpu.vector_store %arg7[%swap3A_354, %swap3A_355], %swap3A_358 {strides = array<i32>} : memref<8x128xi32, #tpu.memory_space<vmem>>, vector<1x16xi32>,
      %get3A_359 = arith.constant 224 : index
      %get3A_360 = tpu.vector_load %arg6[%get3A_359] {strides = array<i32>} : memref<1024xi32, #tpu.memory_space<vmem>>, vector<16xi32>,
      %get3A_361 = vector.shape_cast %get3A_360 : vector<16xi32> to vector<16xi32>
      %sub3A_362 = vector.broadcast %mul3A_0 : i32 to vector<16xi32>
      %sub3A_363 = arith.subi %get3A_361, %sub3A_362 : vector<16xi32>
      %ge3A_364 = arith.constant 0 : i32
      %ge3A_365 = vector.broadcast %ge3A_364 : i32 to vector<16xi32>
      %ge3A_366 = arith.cmpi sge, %sub3A_363, %ge3A_365 : vector<16xi32>
      %lt3A_367 = arith.constant 25088 : i32
      %lt3A_368 = vector.broadcast %lt3A_367 : i32 to vector<16xi32>
      %lt3A_369 = arith.cmpi slt, %sub3A_363, %lt3A_368 : vector<16xi32>
      %and3A_370 = arith.andi %ge3A_366, %lt3A_369 : vector<16xi1>
      %jit3A_371 = arith.constant 25088 : i32
      %broadcast_in_dim3A_372 = vector.broadcast %jit3A_371 : i32 to vector<16xi32>
      %select_n3A_373 = arith.select %and3A_370, %sub3A_363, %broadcast_in_dim3A_372 : vector<16xi1>, vector<16xi32>
      %swap3A_374 = arith.constant 1 : i32
      %swap3A_375 = arith.index_cast %swap3A_374 : i32 to index
      %swap3A_376 = arith.constant 96 : index
      %swap3A_377 = tpu.vector_load %arg7[%swap3A_375, %swap3A_376] {strides = array<i32>} : memref<8x128xi32, #tpu.memory_space<vmem>>, vector<1x16xi32>,
      %swap3A_378 = vector.shape_cast %swap3A_377 : vector<1x16xi32> to vector<16xi32>
      %swap3A_379 = vector.shape_cast %select_n3A_373 : vector<16xi32> to vector<1x16xi32>
      tpu.vector_store %arg7[%swap3A_375, %swap3A_376], %swap3A_379 {strides = array<i32>} : memref<8x128xi32, #tpu.memory_space<vmem>>, vector<1x16xi32>,
      %get3A_380 = arith.constant 240 : index
      %get3A_381 = tpu.vector_load %arg6[%get3A_380] {strides = array<i32>} : memref<1024xi32, #tpu.memory_space<vmem>>, vector<16xi32>,
      %get3A_382 = vector.shape_cast %get3A_381 : vector<16xi32> to vector<16xi32>
      %sub3A_383 = vector.broadcast %mul3A_0 : i32 to vector<16xi32>
      %sub3A_384 = arith.subi %get3A_382, %sub3A_383 : vector<16xi32>
      %ge3A_385 = arith.constant 0 : i32
      %ge3A_386 = vector.broadcast %ge3A_385 : i32 to vector<16xi32>
      %ge3A_387 = arith.cmpi sge, %sub3A_384, %ge3A_386 : vector<16xi32>
      %lt3A_388 = arith.constant 25088 : i32
      %lt3A_389 = vector.broadcast %lt3A_388 : i32 to vector<16xi32>
      %lt3A_390 = arith.cmpi slt, %sub3A_384, %lt3A_389 : vector<16xi32>
      %and3A_391 = arith.andi %ge3A_387, %lt3A_390 : vector<16xi1>
      %jit3A_392 = arith.constant 25088 : i32
      %broadcast_in_dim3A_393 = vector.broadcast %jit3A_392 : i32 to vector<16xi32>
      %select_n3A_394 = arith.select %and3A_391, %sub3A_384, %broadcast_in_dim3A_393 : vector<16xi1>, vector<16xi32>
      %swap3A_395 = arith.constant 1 : i32
      %swap3A_396 = arith.index_cast %swap3A_395 : i32 to index
      %swap3A_397 = arith.constant 112 : index
      %swap3A_398 = tpu.vector_load %arg7[%swap3A_396, %swap3A_397] {strides = array<i32>} : memref<8x128xi32, #tpu.memory_space<vmem>>, vector<1x16xi32>,
      %swap3A_399 = vector.shape_cast %swap3A_398 : vector<1x16xi32> to vector<16xi32>
      %swap3A_400 = vector.shape_cast %select_n3A_394 : vector<16xi32> to vector<1x16xi32>
      tpu.vector_store %arg7[%swap3A_396, %swap3A_397], %swap3A_400 {strides = array<i32>} : memref<8x128xi32, #tpu.memory_space<vmem>>, vector<1x16xi32>,
      %dma_start3A_401 = arith.constant 1 : i32
      %dma_start3A_402 = arith.constant 128 : i32
      %dma_start3A_403 = arith.constant 0 : i32
      %dma_start3A_404 = tpu.memref_slice %arg8[%dma_start3A_402, %dma_start3A_403] : memref<1024x32xf32, #tpu.memory_space<vmem>> -> memref<128x32xf32, #tpu.memory_space<vmem>>
      %dma_start3A_405 = arith.constant 0 : i32
      %dma_start3A_406 = tpu.memref_slice %arg7[%dma_start3A_401, %dma_start3A_405] : memref<8x128xi32, #tpu.memory_space<vmem>> -> memref<1x128xi32, #tpu.memory_space<vmem>>
      %dma_start3A_407 = tpu.memref_squeeze %dma_start3A_406 : memref<1x128xi32, #tpu.memory_space<vmem>> -> memref<128xi32, #tpu.memory_space<vmem>>
      %dma_start3A_408 = arith.constant 0 : i32
      %dma_start3A_409 = arith.constant 0 : i32
      %dma_start3A_410 = tpu.memref_slice %arg9[%dma_start3A_408, %dma_start3A_409] : memref<25104x32xf32, #tpu.memory_space<vmem_shared>> -> memref<25104x32xf32, #tpu.memory_space<vmem_shared>>
      tpu.enqueue_indirect_dma source(%dma_start3A_404 : memref<128x32xf32, #tpu.memory_space<vmem>>) target(%dma_start3A_410 : memref<25104x32xf32, #tpu.memory_space<vmem_shared>>) offsets(%dma_start3A_407 : memref<128xi32, #tpu.memory_space<vmem>>) semaphore(%arg10 : memref<!tpu.dma_semaphore, #tpu.memory_space<semaphore_mem>>) {add = true}
      %get3A_411 = arith.constant 256 : index
      %get3A_412 = tpu.vector_load %arg6[%get3A_411] {strides = array<i32>} : memref<1024xi32, #tpu.memory_space<vmem>>, vector<16xi32>,
      %get3A_413 = vector.shape_cast %get3A_412 : vector<16xi32> to vector<16xi32>
      %sub3A_414 = vector.broadcast %mul3A_0 : i32 to vector<16xi32>
      %sub3A_415 = arith.subi %get3A_413, %sub3A_414 : vector<16xi32>
      %ge3A_416 = arith.constant 0 : i32
      %ge3A_417 = vector.broadcast %ge3A_416 : i32 to vector<16xi32>
      %ge3A_418 = arith.cmpi sge, %sub3A_415, %ge3A_417 : vector<16xi32>
      %lt3A_419 = arith.constant 25088 : i32
      %lt3A_420 = vector.broadcast %lt3A_419 : i32 to vector<16xi32>
      %lt3A_421 = arith.cmpi slt, %sub3A_415, %lt3A_420 : vector<16xi32>
      %and3A_422 = arith.andi %ge3A_418, %lt3A_421 : vector<16xi1>
      %jit3A_423 = arith.constant 25088 : i32
      %broadcast_in_dim3A_424 = vector.broadcast %jit3A_423 : i32 to vector<16xi32>
      %select_n3A_425 = arith.select %and3A_422, %sub3A_415, %broadcast_in_dim3A_424 : vector<16xi1>, vector<16xi32>
      %swap3A_426 = arith.constant 2 : i32
      %swap3A_427 = arith.index_cast %swap3A_426 : i32 to index
      %swap3A_428 = arith.constant 0 : index
      %swap3A_429 = tpu.vector_load %arg7[%swap3A_427, %swap3A_428] {strides = array<i32>} : memref<8x128xi32, #tpu.memory_space<vmem>>, vector<1x16xi32>,
      %swap3A_430 = vector.shape_cast %swap3A_429 : vector<1x16xi32> to vector<16xi32>
      %swap3A_431 = vector.shape_cast %select_n3A_425 : vector<16xi32> to vector<1x16xi32>
      tpu.vector_store %arg7[%swap3A_427, %swap3A_428], %swap3A_431 {strides = array<i32>} : memref<8x128xi32, #tpu.memory_space<vmem>>, vector<1x16xi32>,
      %get3A_432 = arith.constant 272 : index
      %get3A_433 = tpu.vector_load %arg6[%get3A_432] {strides = array<i32>} : memref<1024xi32, #tpu.memory_space<vmem>>, vector<16xi32>,
      %get3A_434 = vector.shape_cast %get3A_433 : vector<16xi32> to vector<16xi32>
      %sub3A_435 = vector.broadcast %mul3A_0 : i32 to vector<16xi32>
      %sub3A_436 = arith.subi %get3A_434, %sub3A_435 : vector<16xi32>
      %ge3A_437 = arith.constant 0 : i32
      %ge3A_438 = vector.broadcast %ge3A_437 : i32 to vector<16xi32>
      %ge3A_439 = arith.cmpi sge, %sub3A_436, %ge3A_438 : vector<16xi32>
      %lt3A_440 = arith.constant 25088 : i32
      %lt3A_441 = vector.broadcast %lt3A_440 : i32 to vector<16xi32>
      %lt3A_442 = arith.cmpi slt, %sub3A_436, %lt3A_441 : vector<16xi32>
      %and3A_443 = arith.andi %ge3A_439, %lt3A_442 : vector<16xi1>
      %jit3A_444 = arith.constant 25088 : i32
      %broadcast_in_dim3A_445 = vector.broadcast %jit3A_444 : i32 to vector<16xi32>
      %select_n3A_446 = arith.select %and3A_443, %sub3A_436, %broadcast_in_dim3A_445 : vector<16xi1>, vector<16xi32>
      %swap3A_447 = arith.constant 2 : i32
      %swap3A_448 = arith.index_cast %swap3A_447 : i32 to index
      %swap3A_449 = arith.constant 16 : index
      %swap3A_450 = tpu.vector_load %arg7[%swap3A_448, %swap3A_449] {strides = array<i32>} : memref<8x128xi32, #tpu.memory_space<vmem>>, vector<1x16xi32>,
      %swap3A_451 = vector.shape_cast %swap3A_450 : vector<1x16xi32> to vector<16xi32>
      %swap3A_452 = vector.shape_cast %select_n3A_446 : vector<16xi32> to vector<1x16xi32>
      tpu.vector_store %arg7[%swap3A_448, %swap3A_449], %swap3A_452 {strides = array<i32>} : memref<8x128xi32, #tpu.memory_space<vmem>>, vector<1x16xi32>,
      %get3A_453 = arith.constant 288 : index
      %get3A_454 = tpu.vector_load %arg6[%get3A_453] {strides = array<i32>} : memref<1024xi32, #tpu.memory_space<vmem>>, vector<16xi32>,
      %get3A_455 = vector.shape_cast %get3A_454 : vector<16xi32> to vector<16xi32>
      %sub3A_456 = vector.broadcast %mul3A_0 : i32 to vector<16xi32>
      %sub3A_457 = arith.subi %get3A_455, %sub3A_456 : vector<16xi32>
      %ge3A_458 = arith.constant 0 : i32
      %ge3A_459 = vector.broadcast %ge3A_458 : i32 to vector<16xi32>
      %ge3A_460 = arith.cmpi sge, %sub3A_457, %ge3A_459 : vector<16xi32>
      %lt3A_461 = arith.constant 25088 : i32
      %lt3A_462 = vector.broadcast %lt3A_461 : i32 to vector<16xi32>
      %lt3A_463 = arith.cmpi slt, %sub3A_457, %lt3A_462 : vector<16xi32>
      %and3A_464 = arith.andi %ge3A_460, %lt3A_463 : vector<16xi1>
      %jit3A_465 = arith.constant 25088 : i32
      %broadcast_in_dim3A_466 = vector.broadcast %jit3A_465 : i32 to vector<16xi32>
      %select_n3A_467 = arith.select %and3A_464, %sub3A_457, %broadcast_in_dim3A_466 : vector<16xi1>, vector<16xi32>
      %swap3A_468 = arith.constant 2 : i32
      %swap3A_469 = arith.index_cast %swap3A_468 : i32 to index
      %swap3A_470 = arith.constant 32 : index
      %swap3A_471 = tpu.vector_load %arg7[%swap3A_469, %swap3A_470] {strides = array<i32>} : memref<8x128xi32, #tpu.memory_space<vmem>>, vector<1x16xi32>,
      %swap3A_472 = vector.shape_cast %swap3A_471 : vector<1x16xi32> to vector<16xi32>
      %swap3A_473 = vector.shape_cast %select_n3A_467 : vector<16xi32> to vector<1x16xi32>
      tpu.vector_store %arg7[%swap3A_469, %swap3A_470], %swap3A_473 {strides = array<i32>} : memref<8x128xi32, #tpu.memory_space<vmem>>, vector<1x16xi32>,
      %get3A_474 = arith.constant 304 : index
      %get3A_475 = tpu.vector_load %arg6[%get3A_474] {strides = array<i32>} : memref<1024xi32, #tpu.memory_space<vmem>>, vector<16xi32>,
      %get3A_476 = vector.shape_cast %get3A_475 : vector<16xi32> to vector<16xi32>
      %sub3A_477 = vector.broadcast %mul3A_0 : i32 to vector<16xi32>
      %sub3A_478 = arith.subi %get3A_476, %sub3A_477 : vector<16xi32>
      %ge3A_479 = arith.constant 0 : i32
      %ge3A_480 = vector.broadcast %ge3A_479 : i32 to vector<16xi32>
      %ge3A_481 = arith.cmpi sge, %sub3A_478, %ge3A_480 : vector<16xi32>
      %lt3A_482 = arith.constant 25088 : i32
      %lt3A_483 = vector.broadcast %lt3A_482 : i32 to vector<16xi32>
      %lt3A_484 = arith.cmpi slt, %sub3A_478, %lt3A_483 : vector<16xi32>
      %and3A_485 = arith.andi %ge3A_481, %lt3A_484 : vector<16xi1>
      %jit3A_486 = arith.constant 25088 : i32
      %broadcast_in_dim3A_487 = vector.broadcast %jit3A_486 : i32 to vector<16xi32>
      %select_n3A_488 = arith.select %and3A_485, %sub3A_478, %broadcast_in_dim3A_487 : vector<16xi1>, vector<16xi32>
      %swap3A_489 = arith.constant 2 : i32
      %swap3A_490 = arith.index_cast %swap3A_489 : i32 to index
      %swap3A_491 = arith.constant 48 : index
      %swap3A_492 = tpu.vector_load %arg7[%swap3A_490, %swap3A_491] {strides = array<i32>} : memref<8x128xi32, #tpu.memory_space<vmem>>, vector<1x16xi32>,
      %swap3A_493 = vector.shape_cast %swap3A_492 : vector<1x16xi32> to vector<16xi32>
      %swap3A_494 = vector.shape_cast %select_n3A_488 : vector<16xi32> to vector<1x16xi32>
      tpu.vector_store %arg7[%swap3A_490, %swap3A_491], %swap3A_494 {strides = array<i32>} : memref<8x128xi32, #tpu.memory_space<vmem>>, vector<1x16xi32>,
      %get3A_495 = arith.constant 320 : index
      %get3A_496 = tpu.vector_load %arg6[%get3A_495] {strides = array<i32>} : memref<1024xi32, #tpu.memory_space<vmem>>, vector<16xi32>,
      %get3A_497 = vector.shape_cast %get3A_496 : vector<16xi32> to vector<16xi32>
      %sub3A_498 = vector.broadcast %mul3A_0 : i32 to vector<16xi32>
      %sub3A_499 = arith.subi %get3A_497, %sub3A_498 : vector<16xi32>
      %ge3A_500 = arith.constant 0 : i32
      %ge3A_501 = vector.broadcast %ge3A_500 : i32 to vector<16xi32>
      %ge3A_502 = arith.cmpi sge, %sub3A_499, %ge3A_501 : vector<16xi32>
      %lt3A_503 = arith.constant 25088 : i32
      %lt3A_504 = vector.broadcast %lt3A_503 : i32 to vector<16xi32>
      %lt3A_505 = arith.cmpi slt, %sub3A_499, %lt3A_504 : vector<16xi32>
      %and3A_506 = arith.andi %ge3A_502, %lt3A_505 : vector<16xi1>
      %jit3A_507 = arith.constant 25088 : i32
      %broadcast_in_dim3A_508 = vector.broadcast %jit3A_507 : i32 to vector<16xi32>
      %select_n3A_509 = arith.select %and3A_506, %sub3A_499, %broadcast_in_dim3A_508 : vector<16xi1>, vector<16xi32>
      %swap3A_510 = arith.constant 2 : i32
      %swap3A_511 = arith.index_cast %swap3A_510 : i32 to index
      %swap3A_512 = arith.constant 64 : index
      %swap3A_513 = tpu.vector_load %arg7[%swap3A_511, %swap3A_512] {strides = array<i32>} : memref<8x128xi32, #tpu.memory_space<vmem>>, vector<1x16xi32>,
      %swap3A_514 = vector.shape_cast %swap3A_513 : vector<1x16xi32> to vector<16xi32>
      %swap3A_515 = vector.shape_cast %select_n3A_509 : vector<16xi32> to vector<1x16xi32>
      tpu.vector_store %arg7[%swap3A_511, %swap3A_512], %swap3A_515 {strides = array<i32>} : memref<8x128xi32, #tpu.memory_space<vmem>>, vector<1x16xi32>,
      %get3A_516 = arith.constant 336 : index
      %get3A_517 = tpu.vector_load %arg6[%get3A_516] {strides = array<i32>} : memref<1024xi32, #tpu.memory_space<vmem>>, vector<16xi32>,
      %get3A_518 = vector.shape_cast %get3A_517 : vector<16xi32> to vector<16xi32>
      %sub3A_519 = vector.broadcast %mul3A_0 : i32 to vector<16xi32>
      %sub3A_520 = arith.subi %get3A_518, %sub3A_519 : vector<16xi32>
      %ge3A_521 = arith.constant 0 : i32
      %ge3A_522 = vector.broadcast %ge3A_521 : i32 to vector<16xi32>
      %ge3A_523 = arith.cmpi sge, %sub3A_520, %ge3A_522 : vector<16xi32>
      %lt3A_524 = arith.constant 25088 : i32
      %lt3A_525 = vector.broadcast %lt3A_524 : i32 to vector<16xi32>
      %lt3A_526 = arith.cmpi slt, %sub3A_520, %lt3A_525 : vector<16xi32>
      %and3A_527 = arith.andi %ge3A_523, %lt3A_526 : vector<16xi1>
      %jit3A_528 = arith.constant 25088 : i32
      %broadcast_in_dim3A_529 = vector.broadcast %jit3A_528 : i32 to vector<16xi32>
      %select_n3A_530 = arith.select %and3A_527, %sub3A_520, %broadcast_in_dim3A_529 : vector<16xi1>, vector<16xi32>
      %swap3A_531 = arith.constant 2 : i32
      %swap3A_532 = arith.index_cast %swap3A_531 : i32 to index
      %swap3A_533 = arith.constant 80 : index
      %swap3A_534 = tpu.vector_load %arg7[%swap3A_532, %swap3A_533] {strides = array<i32>} : memref<8x128xi32, #tpu.memory_space<vmem>>, vector<1x16xi32>,
      %swap3A_535 = vector.shape_cast %swap3A_534 : vector<1x16xi32> to vector<16xi32>
      %swap3A_536 = vector.shape_cast %select_n3A_530 : vector<16xi32> to vector<1x16xi32>
      tpu.vector_store %arg7[%swap3A_532, %swap3A_533], %swap3A_536 {strides = array<i32>} : memref<8x128xi32, #tpu.memory_space<vmem>>, vector<1x16xi32>,
      %get3A_537 = arith.constant 352 : index
      %get3A_538 = tpu.vector_load %arg6[%get3A_537] {strides = array<i32>} : memref<1024xi32, #tpu.memory_space<vmem>>, vector<16xi32>,
      %get3A_539 = vector.shape_cast %get3A_538 : vector<16xi32> to vector<16xi32>
      %sub3A_540 = vector.broadcast %mul3A_0 : i32 to vector<16xi32>
      %sub3A_541 = arith.subi %get3A_539, %sub3A_540 : vector<16xi32>
      %ge3A_542 = arith.constant 0 : i32
      %ge3A_543 = vector.broadcast %ge3A_542 : i32 to vector<16xi32>
      %ge3A_544 = arith.cmpi sge, %sub3A_541, %ge3A_543 : vector<16xi32>
      %lt3A_545 = arith.constant 25088 : i32
      %lt3A_546 = vector.broadcast %lt3A_545 : i32 to vector<16xi32>
      %lt3A_547 = arith.cmpi slt, %sub3A_541, %lt3A_546 : vector<16xi32>
      %and3A_548 = arith.andi %ge3A_544, %lt3A_547 : vector<16xi1>
      %jit3A_549 = arith.constant 25088 : i32
      %broadcast_in_dim3A_550 = vector.broadcast %jit3A_549 : i32 to vector<16xi32>
      %select_n3A_551 = arith.select %and3A_548, %sub3A_541, %broadcast_in_dim3A_550 : vector<16xi1>, vector<16xi32>
      %swap3A_552 = arith.constant 2 : i32
      %swap3A_553 = arith.index_cast %swap3A_552 : i32 to index
      %swap3A_554 = arith.constant 96 : index
      %swap3A_555 = tpu.vector_load %arg7[%swap3A_553, %swap3A_554] {strides = array<i32>} : memref<8x128xi32, #tpu.memory_space<vmem>>, vector<1x16xi32>,
      %swap3A_556 = vector.shape_cast %swap3A_555 : vector<1x16xi32> to vector<16xi32>
      %swap3A_557 = vector.shape_cast %select_n3A_551 : vector<16xi32> to vector<1x16xi32>
      tpu.vector_store %arg7[%swap3A_553, %swap3A_554], %swap3A_557 {strides = array<i32>} : memref<8x128xi32, #tpu.memory_space<vmem>>, vector<1x16xi32>,
      %get3A_558 = arith.constant 368 : index
      %get3A_559 = tpu.vector_load %arg6[%get3A_558] {strides = array<i32>} : memref<1024xi32, #tpu.memory_space<vmem>>, vector<16xi32>,
      %get3A_560 = vector.shape_cast %get3A_559 : vector<16xi32> to vector<16xi32>
      %sub3A_561 = vector.broadcast %mul3A_0 : i32 to vector<16xi32>
      %sub3A_562 = arith.subi %get3A_560, %sub3A_561 : vector<16xi32>
      %ge3A_563 = arith.constant 0 : i32
      %ge3A_564 = vector.broadcast %ge3A_563 : i32 to vector<16xi32>
      %ge3A_565 = arith.cmpi sge, %sub3A_562, %ge3A_564 : vector<16xi32>
      %lt3A_566 = arith.constant 25088 : i32
      %lt3A_567 = vector.broadcast %lt3A_566 : i32 to vector<16xi32>
      %lt3A_568 = arith.cmpi slt, %sub3A_562, %lt3A_567 : vector<16xi32>
      %and3A_569 = arith.andi %ge3A_565, %lt3A_568 : vector<16xi1>
      %jit3A_570 = arith.constant 25088 : i32
      %broadcast_in_dim3A_571 = vector.broadcast %jit3A_570 : i32 to vector<16xi32>
      %select_n3A_572 = arith.select %and3A_569, %sub3A_562, %broadcast_in_dim3A_571 : vector<16xi1>, vector<16xi32>
      %swap3A_573 = arith.constant 2 : i32
      %swap3A_574 = arith.index_cast %swap3A_573 : i32 to index
      %swap3A_575 = arith.constant 112 : index
      %swap3A_576 = tpu.vector_load %arg7[%swap3A_574, %swap3A_575] {strides = array<i32>} : memref<8x128xi32, #tpu.memory_space<vmem>>, vector<1x16xi32>,
      %swap3A_577 = vector.shape_cast %swap3A_576 : vector<1x16xi32> to vector<16xi32>
      %swap3A_578 = vector.shape_cast %select_n3A_572 : vector<16xi32> to vector<1x16xi32>
      tpu.vector_store %arg7[%swap3A_574, %swap3A_575], %swap3A_578 {strides = array<i32>} : memref<8x128xi32, #tpu.memory_space<vmem>>, vector<1x16xi32>,
      %dma_start3A_579 = arith.constant 2 : i32
      %dma_start3A_580 = arith.constant 256 : i32
      %dma_start3A_581 = arith.constant 0 : i32
      %dma_start3A_582 = tpu.memref_slice %arg8[%dma_start3A_580, %dma_start3A_581] : memref<1024x32xf32, #tpu.memory_space<vmem>> -> memref<128x32xf32, #tpu.memory_space<vmem>>
      %dma_start3A_583 = arith.constant 0 : i32
      %dma_start3A_584 = tpu.memref_slice %arg7[%dma_start3A_579, %dma_start3A_583] : memref<8x128xi32, #tpu.memory_space<vmem>> -> memref<1x128xi32, #tpu.memory_space<vmem>>
      %dma_start3A_585 = tpu.memref_squeeze %dma_start3A_584 : memref<1x128xi32, #tpu.memory_space<vmem>> -> memref<128xi32, #tpu.memory_space<vmem>>
      %dma_start3A_586 = arith.constant 0 : i32
      %dma_start3A_587 = arith.constant 0 : i32
      %dma_start3A_588 = tpu.memref_slice %arg9[%dma_start3A_586, %dma_start3A_587] : memref<25104x32xf32, #tpu.memory_space<vmem_shared>> -> memref<25104x32xf32, #tpu.memory_space<vmem_shared>>
      tpu.enqueue_indirect_dma source(%dma_start3A_582 : memref<128x32xf32, #tpu.memory_space<vmem>>) target(%dma_start3A_588 : memref<25104x32xf32, #tpu.memory_space<vmem_shared>>) offsets(%dma_start3A_585 : memref<128xi32, #tpu.memory_space<vmem>>) semaphore(%arg10 : memref<!tpu.dma_semaphore, #tpu.memory_space<semaphore_mem>>) {add = true}
      %get3A_589 = arith.constant 384 : index
      %get3A_590 = tpu.vector_load %arg6[%get3A_589] {strides = array<i32>} : memref<1024xi32, #tpu.memory_space<vmem>>, vector<16xi32>,
      %get3A_591 = vector.shape_cast %get3A_590 : vector<16xi32> to vector<16xi32>
      %sub3A_592 = vector.broadcast %mul3A_0 : i32 to vector<16xi32>
      %sub3A_593 = arith.subi %get3A_591, %sub3A_592 : vector<16xi32>
      %ge3A_594 = arith.constant 0 : i32
      %ge3A_595 = vector.broadcast %ge3A_594 : i32 to vector<16xi32>
      %ge3A_596 = arith.cmpi sge, %sub3A_593, %ge3A_595 : vector<16xi32>
      %lt3A_597 = arith.constant 25088 : i32
      %lt3A_598 = vector.broadcast %lt3A_597 : i32 to vector<16xi32>
      %lt3A_599 = arith.cmpi slt, %sub3A_593, %lt3A_598 : vector<16xi32>
      %and3A_600 = arith.andi %ge3A_596, %lt3A_599 : vector<16xi1>
      %jit3A_601 = arith.constant 25088 : i32
      %broadcast_in_dim3A_602 = vector.broadcast %jit3A_601 : i32 to vector<16xi32>
      %select_n3A_603 = arith.select %and3A_600, %sub3A_593, %broadcast_in_dim3A_602 : vector<16xi1>, vector<16xi32>
      %swap3A_604 = arith.constant 3 : i32
      %swap3A_605 = arith.index_cast %swap3A_604 : i32 to index
      %swap3A_606 = arith.constant 0 : index
      %swap3A_607 = tpu.vector_load %arg7[%swap3A_605, %swap3A_606] {strides = array<i32>} : memref<8x128xi32, #tpu.memory_space<vmem>>, vector<1x16xi32>,
      %swap3A_608 = vector.shape_cast %swap3A_607 : vector<1x16xi32> to vector<16xi32>
      %swap3A_609 = vector.shape_cast %select_n3A_603 : vector<16xi32> to vector<1x16xi32>
      tpu.vector_store %arg7[%swap3A_605, %swap3A_606], %swap3A_609 {strides = array<i32>} : memref<8x128xi32, #tpu.memory_space<vmem>>, vector<1x16xi32>,
      %get3A_610 = arith.constant 400 : index
      %get3A_611 = tpu.vector_load %arg6[%get3A_610] {strides = array<i32>} : memref<1024xi32, #tpu.memory_space<vmem>>, vector<16xi32>,
      %get3A_612 = vector.shape_cast %get3A_611 : vector<16xi32> to vector<16xi32>
      %sub3A_613 = vector.broadcast %mul3A_0 : i32 to vector<16xi32>
      %sub3A_614 = arith.subi %get3A_612, %sub3A_613 : vector<16xi32>
      %ge3A_615 = arith.constant 0 : i32
      %ge3A_616 = vector.broadcast %ge3A_615 : i32 to vector<16xi32>
      %ge3A_617 = arith.cmpi sge, %sub3A_614, %ge3A_616 : vector<16xi32>
      %lt3A_618 = arith.constant 25088 : i32
      %lt3A_619 = vector.broadcast %lt3A_618 : i32 to vector<16xi32>
      %lt3A_620 = arith.cmpi slt, %sub3A_614, %lt3A_619 : vector<16xi32>
      %and3A_621 = arith.andi %ge3A_617, %lt3A_620 : vector<16xi1>
      %jit3A_622 = arith.constant 25088 : i32
      %broadcast_in_dim3A_623 = vector.broadcast %jit3A_622 : i32 to vector<16xi32>
      %select_n3A_624 = arith.select %and3A_621, %sub3A_614, %broadcast_in_dim3A_623 : vector<16xi1>, vector<16xi32>
      %swap3A_625 = arith.constant 3 : i32
      %swap3A_626 = arith.index_cast %swap3A_625 : i32 to index
      %swap3A_627 = arith.constant 16 : index
      %swap3A_628 = tpu.vector_load %arg7[%swap3A_626, %swap3A_627] {strides = array<i32>} : memref<8x128xi32, #tpu.memory_space<vmem>>, vector<1x16xi32>,
      %swap3A_629 = vector.shape_cast %swap3A_628 : vector<1x16xi32> to vector<16xi32>
      %swap3A_630 = vector.shape_cast %select_n3A_624 : vector<16xi32> to vector<1x16xi32>
      tpu.vector_store %arg7[%swap3A_626, %swap3A_627], %swap3A_630 {strides = array<i32>} : memref<8x128xi32, #tpu.memory_space<vmem>>, vector<1x16xi32>,
      %get3A_631 = arith.constant 416 : index
      %get3A_632 = tpu.vector_load %arg6[%get3A_631] {strides = array<i32>} : memref<1024xi32, #tpu.memory_space<vmem>>, vector<16xi32>,
      %get3A_633 = vector.shape_cast %get3A_632 : vector<16xi32> to vector<16xi32>
      %sub3A_634 = vector.broadcast %mul3A_0 : i32 to vector<16xi32>
      %sub3A_635 = arith.subi %get3A_633, %sub3A_634 : vector<16xi32>
      %ge3A_636 = arith.constant 0 : i32
      %ge3A_637 = vector.broadcast %ge3A_636 : i32 to vector<16xi32>
      %ge3A_638 = arith.cmpi sge, %sub3A_635, %ge3A_637 : vector<16xi32>
      %lt3A_639 = arith.constant 25088 : i32
      %lt3A_640 = vector.broadcast %lt3A_639 : i32 to vector<16xi32>
      %lt3A_641 = arith.cmpi slt, %sub3A_635, %lt3A_640 : vector<16xi32>
      %and3A_642 = arith.andi %ge3A_638, %lt3A_641 : vector<16xi1>
      %jit3A_643 = arith.constant 25088 : i32
      %broadcast_in_dim3A_644 = vector.broadcast %jit3A_643 : i32 to vector<16xi32>
      %select_n3A_645 = arith.select %and3A_642, %sub3A_635, %broadcast_in_dim3A_644 : vector<16xi1>, vector<16xi32>
      %swap3A_646 = arith.constant 3 : i32
      %swap3A_647 = arith.index_cast %swap3A_646 : i32 to index
      %swap3A_648 = arith.constant 32 : index
      %swap3A_649 = tpu.vector_load %arg7[%swap3A_647, %swap3A_648] {strides = array<i32>} : memref<8x128xi32, #tpu.memory_space<vmem>>, vector<1x16xi32>,
      %swap3A_650 = vector.shape_cast %swap3A_649 : vector<1x16xi32> to vector<16xi32>
      %swap3A_651 = vector.shape_cast %select_n3A_645 : vector<16xi32> to vector<1x16xi32>
      tpu.vector_store %arg7[%swap3A_647, %swap3A_648], %swap3A_651 {strides = array<i32>} : memref<8x128xi32, #tpu.memory_space<vmem>>, vector<1x16xi32>,
      %get3A_652 = arith.constant 432 : index
      %get3A_653 = tpu.vector_load %arg6[%get3A_652] {strides = array<i32>} : memref<1024xi32, #tpu.memory_space<vmem>>, vector<16xi32>,
      %get3A_654 = vector.shape_cast %get3A_653 : vector<16xi32> to vector<16xi32>
      %sub3A_655 = vector.broadcast %mul3A_0 : i32 to vector<16xi32>
      %sub3A_656 = arith.subi %get3A_654, %sub3A_655 : vector<16xi32>
      %ge3A_657 = arith.constant 0 : i32
      %ge3A_658 = vector.broadcast %ge3A_657 : i32 to vector<16xi32>
      %ge3A_659 = arith.cmpi sge, %sub3A_656, %ge3A_658 : vector<16xi32>
      %lt3A_660 = arith.constant 25088 : i32
      %lt3A_661 = vector.broadcast %lt3A_660 : i32 to vector<16xi32>
      %lt3A_662 = arith.cmpi slt, %sub3A_656, %lt3A_661 : vector<16xi32>
      %and3A_663 = arith.andi %ge3A_659, %lt3A_662 : vector<16xi1>
      %jit3A_664 = arith.constant 25088 : i32
      %broadcast_in_dim3A_665 = vector.broadcast %jit3A_664 : i32 to vector<16xi32>
      %select_n3A_666 = arith.select %and3A_663, %sub3A_656, %broadcast_in_dim3A_665 : vector<16xi1>, vector<16xi32>
      %swap3A_667 = arith.constant 3 : i32
      %swap3A_668 = arith.index_cast %swap3A_667 : i32 to index
      %swap3A_669 = arith.constant 48 : index
      %swap3A_670 = tpu.vector_load %arg7[%swap3A_668, %swap3A_669] {strides = array<i32>} : memref<8x128xi32, #tpu.memory_space<vmem>>, vector<1x16xi32>,
      %swap3A_671 = vector.shape_cast %swap3A_670 : vector<1x16xi32> to vector<16xi32>
      %swap3A_672 = vector.shape_cast %select_n3A_666 : vector<16xi32> to vector<1x16xi32>
      tpu.vector_store %arg7[%swap3A_668, %swap3A_669], %swap3A_672 {strides = array<i32>} : memref<8x128xi32, #tpu.memory_space<vmem>>, vector<1x16xi32>,
      %get3A_673 = arith.constant 448 : index
      %get3A_674 = tpu.vector_load %arg6[%get3A_673] {strides = array<i32>} : memref<1024xi32, #tpu.memory_space<vmem>>, vector<16xi32>,
      %get3A_675 = vector.shape_cast %get3A_674 : vector<16xi32> to vector<16xi32>
      %sub3A_676 = vector.broadcast %mul3A_0 : i32 to vector<16xi32>
      %sub3A_677 = arith.subi %get3A_675, %sub3A_676 : vector<16xi32>
      %ge3A_678 = arith.constant 0 : i32
      %ge3A_679 = vector.broadcast %ge3A_678 : i32 to vector<16xi32>
      %ge3A_680 = arith.cmpi sge, %sub3A_677, %ge3A_679 : vector<16xi32>
      %lt3A_681 = arith.constant 25088 : i32
      %lt3A_682 = vector.broadcast %lt3A_681 : i32 to vector<16xi32>
      %lt3A_683 = arith.cmpi slt, %sub3A_677, %lt3A_682 : vector<16xi32>
      %and3A_684 = arith.andi %ge3A_680, %lt3A_683 : vector<16xi1>
      %jit3A_685 = arith.constant 25088 : i32
      %broadcast_in_dim3A_686 = vector.broadcast %jit3A_685 : i32 to vector<16xi32>
      %select_n3A_687 = arith.select %and3A_684, %sub3A_677, %broadcast_in_dim3A_686 : vector<16xi1>, vector<16xi32>
      %swap3A_688 = arith.constant 3 : i32
      %swap3A_689 = arith.index_cast %swap3A_688 : i32 to index
      %swap3A_690 = arith.constant 64 : index
      %swap3A_691 = tpu.vector_load %arg7[%swap3A_689, %swap3A_690] {strides = array<i32>} : memref<8x128xi32, #tpu.memory_space<vmem>>, vector<1x16xi32>,
      %swap3A_692 = vector.shape_cast %swap3A_691 : vector<1x16xi32> to vector<16xi32>
      %swap3A_693 = vector.shape_cast %select_n3A_687 : vector<16xi32> to vector<1x16xi32>
      tpu.vector_store %arg7[%swap3A_689, %swap3A_690], %swap3A_693 {strides = array<i32>} : memref<8x128xi32, #tpu.memory_space<vmem>>, vector<1x16xi32>,
      %get3A_694 = arith.constant 464 : index
      %get3A_695 = tpu.vector_load %arg6[%get3A_694] {strides = array<i32>} : memref<1024xi32, #tpu.memory_space<vmem>>, vector<16xi32>,
      %get3A_696 = vector.shape_cast %get3A_695 : vector<16xi32> to vector<16xi32>
      %sub3A_697 = vector.broadcast %mul3A_0 : i32 to vector<16xi32>
      %sub3A_698 = arith.subi %get3A_696, %sub3A_697 : vector<16xi32>
      %ge3A_699 = arith.constant 0 : i32
      %ge3A_700 = vector.broadcast %ge3A_699 : i32 to vector<16xi32>
      %ge3A_701 = arith.cmpi sge, %sub3A_698, %ge3A_700 : vector<16xi32>
      %lt3A_702 = arith.constant 25088 : i32
      %lt3A_703 = vector.broadcast %lt3A_702 : i32 to vector<16xi32>
      %lt3A_704 = arith.cmpi slt, %sub3A_698, %lt3A_703 : vector<16xi32>
      %and3A_705 = arith.andi %ge3A_701, %lt3A_704 : vector<16xi1>
      %jit3A_706 = arith.constant 25088 : i32
      %broadcast_in_dim3A_707 = vector.broadcast %jit3A_706 : i32 to vector<16xi32>
      %select_n3A_708 = arith.select %and3A_705, %sub3A_698, %broadcast_in_dim3A_707 : vector<16xi1>, vector<16xi32>
      %swap3A_709 = arith.constant 3 : i32
      %swap3A_710 = arith.index_cast %swap3A_709 : i32 to index
      %swap3A_711 = arith.constant 80 : index
      %swap3A_712 = tpu.vector_load %arg7[%swap3A_710, %swap3A_711] {strides = array<i32>} : memref<8x128xi32, #tpu.memory_space<vmem>>, vector<1x16xi32>,
      %swap3A_713 = vector.shape_cast %swap3A_712 : vector<1x16xi32> to vector<16xi32>
      %swap3A_714 = vector.shape_cast %select_n3A_708 : vector<16xi32> to vector<1x16xi32>
      tpu.vector_store %arg7[%swap3A_710, %swap3A_711], %swap3A_714 {strides = array<i32>} : memref<8x128xi32, #tpu.memory_space<vmem>>, vector<1x16xi32>,
      %get3A_715 = arith.constant 480 : index
      %get3A_716 = tpu.vector_load %arg6[%get3A_715] {strides = array<i32>} : memref<1024xi32, #tpu.memory_space<vmem>>, vector<16xi32>,
      %get3A_717 = vector.shape_cast %get3A_716 : vector<16xi32> to vector<16xi32>
      %sub3A_718 = vector.broadcast %mul3A_0 : i32 to vector<16xi32>
      %sub3A_719 = arith.subi %get3A_717, %sub3A_718 : vector<16xi32>
      %ge3A_720 = arith.constant 0 : i32
      %ge3A_721 = vector.broadcast %ge3A_720 : i32 to vector<16xi32>
      %ge3A_722 = arith.cmpi sge, %sub3A_719, %ge3A_721 : vector<16xi32>
      %lt3A_723 = arith.constant 25088 : i32
      %lt3A_724 = vector.broadcast %lt3A_723 : i32 to vector<16xi32>
      %lt3A_725 = arith.cmpi slt, %sub3A_719, %lt3A_724 : vector<16xi32>
      %and3A_726 = arith.andi %ge3A_722, %lt3A_725 : vector<16xi1>
      %jit3A_727 = arith.constant 25088 : i32
      %broadcast_in_dim3A_728 = vector.broadcast %jit3A_727 : i32 to vector<16xi32>
      %select_n3A_729 = arith.select %and3A_726, %sub3A_719, %broadcast_in_dim3A_728 : vector<16xi1>, vector<16xi32>
      %swap3A_730 = arith.constant 3 : i32
      %swap3A_731 = arith.index_cast %swap3A_730 : i32 to index
      %swap3A_732 = arith.constant 96 : index
      %swap3A_733 = tpu.vector_load %arg7[%swap3A_731, %swap3A_732] {strides = array<i32>} : memref<8x128xi32, #tpu.memory_space<vmem>>, vector<1x16xi32>,
      %swap3A_734 = vector.shape_cast %swap3A_733 : vector<1x16xi32> to vector<16xi32>
      %swap3A_735 = vector.shape_cast %select_n3A_729 : vector<16xi32> to vector<1x16xi32>
      tpu.vector_store %arg7[%swap3A_731, %swap3A_732], %swap3A_735 {strides = array<i32>} : memref<8x128xi32, #tpu.memory_space<vmem>>, vector<1x16xi32>,
      %get3A_736 = arith.constant 496 : index
      %get3A_737 = tpu.vector_load %arg6[%get3A_736] {strides = array<i32>} : memref<1024xi32, #tpu.memory_space<vmem>>, vector<16xi32>,
      %get3A_738 = vector.shape_cast %get3A_737 : vector<16xi32> to vector<16xi32>
      %sub3A_739 = vector.broadcast %mul3A_0 : i32 to vector<16xi32>
      %sub3A_740 = arith.subi %get3A_738, %sub3A_739 : vector<16xi32>
      %ge3A_741 = arith.constant 0 : i32
      %ge3A_742 = vector.broadcast %ge3A_741 : i32 to vector<16xi32>
      %ge3A_743 = arith.cmpi sge, %sub3A_740, %ge3A_742 : vector<16xi32>
      %lt3A_744 = arith.constant 25088 : i32
      %lt3A_745 = vector.broadcast %lt3A_744 : i32 to vector<16xi32>
      %lt3A_746 = arith.cmpi slt, %sub3A_740, %lt3A_745 : vector<16xi32>
      %and3A_747 = arith.andi %ge3A_743, %lt3A_746 : vector<16xi1>
      %jit3A_748 = arith.constant 25088 : i32
      %broadcast_in_dim3A_749 = vector.broadcast %jit3A_748 : i32 to vector<16xi32>
      %select_n3A_750 = arith.select %and3A_747, %sub3A_740, %broadcast_in_dim3A_749 : vector<16xi1>, vector<16xi32>
      %swap3A_751 = arith.constant 3 : i32
      %swap3A_752 = arith.index_cast %swap3A_751 : i32 to index
      %swap3A_753 = arith.constant 112 : index
      %swap3A_754 = tpu.vector_load %arg7[%swap3A_752, %swap3A_753] {strides = array<i32>} : memref<8x128xi32, #tpu.memory_space<vmem>>, vector<1x16xi32>,
      %swap3A_755 = vector.shape_cast %swap3A_754 : vector<1x16xi32> to vector<16xi32>
      %swap3A_756 = vector.shape_cast %select_n3A_750 : vector<16xi32> to vector<1x16xi32>
      tpu.vector_store %arg7[%swap3A_752, %swap3A_753], %swap3A_756 {strides = array<i32>} : memref<8x128xi32, #tpu.memory_space<vmem>>, vector<1x16xi32>,
      %dma_start3A_757 = arith.constant 3 : i32
      %dma_start3A_758 = arith.constant 384 : i32
      %dma_start3A_759 = arith.constant 0 : i32
      %dma_start3A_760 = tpu.memref_slice %arg8[%dma_start3A_758, %dma_start3A_759] : memref<1024x32xf32, #tpu.memory_space<vmem>> -> memref<128x32xf32, #tpu.memory_space<vmem>>
      %dma_start3A_761 = arith.constant 0 : i32
      %dma_start3A_762 = tpu.memref_slice %arg7[%dma_start3A_757, %dma_start3A_761] : memref<8x128xi32, #tpu.memory_space<vmem>> -> memref<1x128xi32, #tpu.memory_space<vmem>>
      %dma_start3A_763 = tpu.memref_squeeze %dma_start3A_762 : memref<1x128xi32, #tpu.memory_space<vmem>> -> memref<128xi32, #tpu.memory_space<vmem>>
      %dma_start3A_764 = arith.constant 0 : i32
      %dma_start3A_765 = arith.constant 0 : i32
      %dma_start3A_766 = tpu.memref_slice %arg9[%dma_start3A_764, %dma_start3A_765] : memref<25104x32xf32, #tpu.memory_space<vmem_shared>> -> memref<25104x32xf32, #tpu.memory_space<vmem_shared>>
      tpu.enqueue_indirect_dma source(%dma_start3A_760 : memref<128x32xf32, #tpu.memory_space<vmem>>) target(%dma_start3A_766 : memref<25104x32xf32, #tpu.memory_space<vmem_shared>>) offsets(%dma_start3A_763 : memref<128xi32, #tpu.memory_space<vmem>>) semaphore(%arg10 : memref<!tpu.dma_semaphore, #tpu.memory_space<semaphore_mem>>) {add = true}
      %get3A_767 = arith.constant 512 : index
      %get3A_768 = tpu.vector_load %arg6[%get3A_767] {strides = array<i32>} : memref<1024xi32, #tpu.memory_space<vmem>>, vector<16xi32>,
      %get3A_769 = vector.shape_cast %get3A_768 : vector<16xi32> to vector<16xi32>
      %sub3A_770 = vector.broadcast %mul3A_0 : i32 to vector<16xi32>
      %sub3A_771 = arith.subi %get3A_769, %sub3A_770 : vector<16xi32>
      %ge3A_772 = arith.constant 0 : i32
      %ge3A_773 = vector.broadcast %ge3A_772 : i32 to vector<16xi32>
      %ge3A_774 = arith.cmpi sge, %sub3A_771, %ge3A_773 : vector<16xi32>
      %lt3A_775 = arith.constant 25088 : i32
      %lt3A_776 = vector.broadcast %lt3A_775 : i32 to vector<16xi32>
      %lt3A_777 = arith.cmpi slt, %sub3A_771, %lt3A_776 : vector<16xi32>
      %and3A_778 = arith.andi %ge3A_774, %lt3A_777 : vector<16xi1>
      %jit3A_779 = arith.constant 25088 : i32
      %broadcast_in_dim3A_780 = vector.broadcast %jit3A_779 : i32 to vector<16xi32>
      %select_n3A_781 = arith.select %and3A_778, %sub3A_771, %broadcast_in_dim3A_780 : vector<16xi1>, vector<16xi32>
      %swap3A_782 = arith.constant 4 : i32
      %swap3A_783 = arith.index_cast %swap3A_782 : i32 to index
      %swap3A_784 = arith.constant 0 : index
      %swap3A_785 = tpu.vector_load %arg7[%swap3A_783, %swap3A_784] {strides = array<i32>} : memref<8x128xi32, #tpu.memory_space<vmem>>, vector<1x16xi32>,
      %swap3A_786 = vector.shape_cast %swap3A_785 : vector<1x16xi32> to vector<16xi32>
      %swap3A_787 = vector.shape_cast %select_n3A_781 : vector<16xi32> to vector<1x16xi32>
      tpu.vector_store %arg7[%swap3A_783, %swap3A_784], %swap3A_787 {strides = array<i32>} : memref<8x128xi32, #tpu.memory_space<vmem>>, vector<1x16xi32>,
      %get3A_788 = arith.constant 528 : index
      %get3A_789 = tpu.vector_load %arg6[%get3A_788] {strides = array<i32>} : memref<1024xi32, #tpu.memory_space<vmem>>, vector<16xi32>,
      %get3A_790 = vector.shape_cast %get3A_789 : vector<16xi32> to vector<16xi32>
      %sub3A_791 = vector.broadcast %mul3A_0 : i32 to vector<16xi32>
      %sub3A_792 = arith.subi %get3A_790, %sub3A_791 : vector<16xi32>
      %ge3A_793 = arith.constant 0 : i32
      %ge3A_794 = vector.broadcast %ge3A_793 : i32 to vector<16xi32>
      %ge3A_795 = arith.cmpi sge, %sub3A_792, %ge3A_794 : vector<16xi32>
      %lt3A_796 = arith.constant 25088 : i32
      %lt3A_797 = vector.broadcast %lt3A_796 : i32 to vector<16xi32>
      %lt3A_798 = arith.cmpi slt, %sub3A_792, %lt3A_797 : vector<16xi32>
      %and3A_799 = arith.andi %ge3A_795, %lt3A_798 : vector<16xi1>
      %jit3A_800 = arith.constant 25088 : i32
      %broadcast_in_dim3A_801 = vector.broadcast %jit3A_800 : i32 to vector<16xi32>
      %select_n3A_802 = arith.select %and3A_799, %sub3A_792, %broadcast_in_dim3A_801 : vector<16xi1>, vector<16xi32>
      %swap3A_803 = arith.constant 4 : i32
      %swap3A_804 = arith.index_cast %swap3A_803 : i32 to index
      %swap3A_805 = arith.constant 16 : index
      %swap3A_806 = tpu.vector_load %arg7[%swap3A_804, %swap3A_805] {strides = array<i32>} : memref<8x128xi32, #tpu.memory_space<vmem>>, vector<1x16xi32>,
      %swap3A_807 = vector.shape_cast %swap3A_806 : vector<1x16xi32> to vector<16xi32>
      %swap3A_808 = vector.shape_cast %select_n3A_802 : vector<16xi32> to vector<1x16xi32>
      tpu.vector_store %arg7[%swap3A_804, %swap3A_805], %swap3A_808 {strides = array<i32>} : memref<8x128xi32, #tpu.memory_space<vmem>>, vector<1x16xi32>,
      %get3A_809 = arith.constant 544 : index
      %get3A_810 = tpu.vector_load %arg6[%get3A_809] {strides = array<i32>} : memref<1024xi32, #tpu.memory_space<vmem>>, vector<16xi32>,
      %get3A_811 = vector.shape_cast %get3A_810 : vector<16xi32> to vector<16xi32>
      %sub3A_812 = vector.broadcast %mul3A_0 : i32 to vector<16xi32>
      %sub3A_813 = arith.subi %get3A_811, %sub3A_812 : vector<16xi32>
      %ge3A_814 = arith.constant 0 : i32
      %ge3A_815 = vector.broadcast %ge3A_814 : i32 to vector<16xi32>
      %ge3A_816 = arith.cmpi sge, %sub3A_813, %ge3A_815 : vector<16xi32>
      %lt3A_817 = arith.constant 25088 : i32
      %lt3A_818 = vector.broadcast %lt3A_817 : i32 to vector<16xi32>
      %lt3A_819 = arith.cmpi slt, %sub3A_813, %lt3A_818 : vector<16xi32>
      %and3A_820 = arith.andi %ge3A_816, %lt3A_819 : vector<16xi1>
      %jit3A_821 = arith.constant 25088 : i32
      %broadcast_in_dim3A_822 = vector.broadcast %jit3A_821 : i32 to vector<16xi32>
      %select_n3A_823 = arith.select %and3A_820, %sub3A_813, %broadcast_in_dim3A_822 : vector<16xi1>, vector<16xi32>
      %swap3A_824 = arith.constant 4 : i32
      %swap3A_825 = arith.index_cast %swap3A_824 : i32 to index
      %swap3A_826 = arith.constant 32 : index
      %swap3A_827 = tpu.vector_load %arg7[%swap3A_825, %swap3A_826] {strides = array<i32>} : memref<8x128xi32, #tpu.memory_space<vmem>>, vector<1x16xi32>,
      %swap3A_828 = vector.shape_cast %swap3A_827 : vector<1x16xi32> to vector<16xi32>
      %swap3A_829 = vector.shape_cast %select_n3A_823 : vector<16xi32> to vector<1x16xi32>
      tpu.vector_store %arg7[%swap3A_825, %swap3A_826], %swap3A_829 {strides = array<i32>} : memref<8x128xi32, #tpu.memory_space<vmem>>, vector<1x16xi32>,
      %get3A_830 = arith.constant 560 : index
      %get3A_831 = tpu.vector_load %arg6[%get3A_830] {strides = array<i32>} : memref<1024xi32, #tpu.memory_space<vmem>>, vector<16xi32>,
      %get3A_832 = vector.shape_cast %get3A_831 : vector<16xi32> to vector<16xi32>
      %sub3A_833 = vector.broadcast %mul3A_0 : i32 to vector<16xi32>
      %sub3A_834 = arith.subi %get3A_832, %sub3A_833 : vector<16xi32>
      %ge3A_835 = arith.constant 0 : i32
      %ge3A_836 = vector.broadcast %ge3A_835 : i32 to vector<16xi32>
      %ge3A_837 = arith.cmpi sge, %sub3A_834, %ge3A_836 : vector<16xi32>
      %lt3A_838 = arith.constant 25088 : i32
      %lt3A_839 = vector.broadcast %lt3A_838 : i32 to vector<16xi32>
      %lt3A_840 = arith.cmpi slt, %sub3A_834, %lt3A_839 : vector<16xi32>
      %and3A_841 = arith.andi %ge3A_837, %lt3A_840 : vector<16xi1>
      %jit3A_842 = arith.constant 25088 : i32
      %broadcast_in_dim3A_843 = vector.broadcast %jit3A_842 : i32 to vector<16xi32>
      %select_n3A_844 = arith.select %and3A_841, %sub3A_834, %broadcast_in_dim3A_843 : vector<16xi1>, vector<16xi32>
      %swap3A_845 = arith.constant 4 : i32
      %swap3A_846 = arith.index_cast %swap3A_845 : i32 to index
      %swap3A_847 = arith.constant 48 : index
      %swap3A_848 = tpu.vector_load %arg7[%swap3A_846, %swap3A_847] {strides = array<i32>} : memref<8x128xi32, #tpu.memory_space<vmem>>, vector<1x16xi32>,
      %swap3A_849 = vector.shape_cast %swap3A_848 : vector<1x16xi32> to vector<16xi32>
      %swap3A_850 = vector.shape_cast %select_n3A_844 : vector<16xi32> to vector<1x16xi32>
      tpu.vector_store %arg7[%swap3A_846, %swap3A_847], %swap3A_850 {strides = array<i32>} : memref<8x128xi32, #tpu.memory_space<vmem>>, vector<1x16xi32>,
      %get3A_851 = arith.constant 576 : index
      %get3A_852 = tpu.vector_load %arg6[%get3A_851] {strides = array<i32>} : memref<1024xi32, #tpu.memory_space<vmem>>, vector<16xi32>,
      %get3A_853 = vector.shape_cast %get3A_852 : vector<16xi32> to vector<16xi32>
      %sub3A_854 = vector.broadcast %mul3A_0 : i32 to vector<16xi32>
      %sub3A_855 = arith.subi %get3A_853, %sub3A_854 : vector<16xi32>
      %ge3A_856 = arith.constant 0 : i32
      %ge3A_857 = vector.broadcast %ge3A_856 : i32 to vector<16xi32>
      %ge3A_858 = arith.cmpi sge, %sub3A_855, %ge3A_857 : vector<16xi32>
      %lt3A_859 = arith.constant 25088 : i32
      %lt3A_860 = vector.broadcast %lt3A_859 : i32 to vector<16xi32>
      %lt3A_861 = arith.cmpi slt, %sub3A_855, %lt3A_860 : vector<16xi32>
      %and3A_862 = arith.andi %ge3A_858, %lt3A_861 : vector<16xi1>
      %jit3A_863 = arith.constant 25088 : i32
      %broadcast_in_dim3A_864 = vector.broadcast %jit3A_863 : i32 to vector<16xi32>
      %select_n3A_865 = arith.select %and3A_862, %sub3A_855, %broadcast_in_dim3A_864 : vector<16xi1>, vector<16xi32>
      %swap3A_866 = arith.constant 4 : i32
      %swap3A_867 = arith.index_cast %swap3A_866 : i32 to index
      %swap3A_868 = arith.constant 64 : index
      %swap3A_869 = tpu.vector_load %arg7[%swap3A_867, %swap3A_868] {strides = array<i32>} : memref<8x128xi32, #tpu.memory_space<vmem>>, vector<1x16xi32>,
      %swap3A_870 = vector.shape_cast %swap3A_869 : vector<1x16xi32> to vector<16xi32>
      %swap3A_871 = vector.shape_cast %select_n3A_865 : vector<16xi32> to vector<1x16xi32>
      tpu.vector_store %arg7[%swap3A_867, %swap3A_868], %swap3A_871 {strides = array<i32>} : memref<8x128xi32, #tpu.memory_space<vmem>>, vector<1x16xi32>,
      %get3A_872 = arith.constant 592 : index
      %get3A_873 = tpu.vector_load %arg6[%get3A_872] {strides = array<i32>} : memref<1024xi32, #tpu.memory_space<vmem>>, vector<16xi32>,
      %get3A_874 = vector.shape_cast %get3A_873 : vector<16xi32> to vector<16xi32>
      %sub3A_875 = vector.broadcast %mul3A_0 : i32 to vector<16xi32>
      %sub3A_876 = arith.subi %get3A_874, %sub3A_875 : vector<16xi32>
      %ge3A_877 = arith.constant 0 : i32
      %ge3A_878 = vector.broadcast %ge3A_877 : i32 to vector<16xi32>
      %ge3A_879 = arith.cmpi sge, %sub3A_876, %ge3A_878 : vector<16xi32>
      %lt3A_880 = arith.constant 25088 : i32
      %lt3A_881 = vector.broadcast %lt3A_880 : i32 to vector<16xi32>
      %lt3A_882 = arith.cmpi slt, %sub3A_876, %lt3A_881 : vector<16xi32>
      %and3A_883 = arith.andi %ge3A_879, %lt3A_882 : vector<16xi1>
      %jit3A_884 = arith.constant 25088 : i32
      %broadcast_in_dim3A_885 = vector.broadcast %jit3A_884 : i32 to vector<16xi32>
      %select_n3A_886 = arith.select %and3A_883, %sub3A_876, %broadcast_in_dim3A_885 : vector<16xi1>, vector<16xi32>
      %swap3A_887 = arith.constant 4 : i32
      %swap3A_888 = arith.index_cast %swap3A_887 : i32 to index
      %swap3A_889 = arith.constant 80 : index
      %swap3A_890 = tpu.vector_load %arg7[%swap3A_888, %swap3A_889] {strides = array<i32>} : memref<8x128xi32, #tpu.memory_space<vmem>>, vector<1x16xi32>,
      %swap3A_891 = vector.shape_cast %swap3A_890 : vector<1x16xi32> to vector<16xi32>
      %swap3A_892 = vector.shape_cast %select_n3A_886 : vector<16xi32> to vector<1x16xi32>
      tpu.vector_store %arg7[%swap3A_888, %swap3A_889], %swap3A_892 {strides = array<i32>} : memref<8x128xi32, #tpu.memory_space<vmem>>, vector<1x16xi32>,
      %get3A_893 = arith.constant 608 : index
      %get3A_894 = tpu.vector_load %arg6[%get3A_893] {strides = array<i32>} : memref<1024xi32, #tpu.memory_space<vmem>>, vector<16xi32>,
      %get3A_895 = vector.shape_cast %get3A_894 : vector<16xi32> to vector<16xi32>
      %sub3A_896 = vector.broadcast %mul3A_0 : i32 to vector<16xi32>
      %sub3A_897 = arith.subi %get3A_895, %sub3A_896 : vector<16xi32>
      %ge3A_898 = arith.constant 0 : i32
      %ge3A_899 = vector.broadcast %ge3A_898 : i32 to vector<16xi32>
      %ge3A_900 = arith.cmpi sge, %sub3A_897, %ge3A_899 : vector<16xi32>
      %lt3A_901 = arith.constant 25088 : i32
      %lt3A_902 = vector.broadcast %lt3A_901 : i32 to vector<16xi32>
      %lt3A_903 = arith.cmpi slt, %sub3A_897, %lt3A_902 : vector<16xi32>
      %and3A_904 = arith.andi %ge3A_900, %lt3A_903 : vector<16xi1>
      %jit3A_905 = arith.constant 25088 : i32
      %broadcast_in_dim3A_906 = vector.broadcast %jit3A_905 : i32 to vector<16xi32>
      %select_n3A_907 = arith.select %and3A_904, %sub3A_897, %broadcast_in_dim3A_906 : vector<16xi1>, vector<16xi32>
      %swap3A_908 = arith.constant 4 : i32
      %swap3A_909 = arith.index_cast %swap3A_908 : i32 to index
      %swap3A_910 = arith.constant 96 : index
      %swap3A_911 = tpu.vector_load %arg7[%swap3A_909, %swap3A_910] {strides = array<i32>} : memref<8x128xi32, #tpu.memory_space<vmem>>, vector<1x16xi32>,
      %swap3A_912 = vector.shape_cast %swap3A_911 : vector<1x16xi32> to vector<16xi32>
      %swap3A_913 = vector.shape_cast %select_n3A_907 : vector<16xi32> to vector<1x16xi32>
      tpu.vector_store %arg7[%swap3A_909, %swap3A_910], %swap3A_913 {strides = array<i32>} : memref<8x128xi32, #tpu.memory_space<vmem>>, vector<1x16xi32>,
      %get3A_914 = arith.constant 624 : index
      %get3A_915 = tpu.vector_load %arg6[%get3A_914] {strides = array<i32>} : memref<1024xi32, #tpu.memory_space<vmem>>, vector<16xi32>,
      %get3A_916 = vector.shape_cast %get3A_915 : vector<16xi32> to vector<16xi32>
      %sub3A_917 = vector.broadcast %mul3A_0 : i32 to vector<16xi32>
      %sub3A_918 = arith.subi %get3A_916, %sub3A_917 : vector<16xi32>
      %ge3A_919 = arith.constant 0 : i32
      %ge3A_920 = vector.broadcast %ge3A_919 : i32 to vector<16xi32>
      %ge3A_921 = arith.cmpi sge, %sub3A_918, %ge3A_920 : vector<16xi32>
      %lt3A_922 = arith.constant 25088 : i32
      %lt3A_923 = vector.broadcast %lt3A_922 : i32 to vector<16xi32>
      %lt3A_924 = arith.cmpi slt, %sub3A_918, %lt3A_923 : vector<16xi32>
      %and3A_925 = arith.andi %ge3A_921, %lt3A_924 : vector<16xi1>
      %jit3A_926 = arith.constant 25088 : i32
      %broadcast_in_dim3A_927 = vector.broadcast %jit3A_926 : i32 to vector<16xi32>
      %select_n3A_928 = arith.select %and3A_925, %sub3A_918, %broadcast_in_dim3A_927 : vector<16xi1>, vector<16xi32>
      %swap3A_929 = arith.constant 4 : i32
      %swap3A_930 = arith.index_cast %swap3A_929 : i32 to index
      %swap3A_931 = arith.constant 112 : index
      %swap3A_932 = tpu.vector_load %arg7[%swap3A_930, %swap3A_931] {strides = array<i32>} : memref<8x128xi32, #tpu.memory_space<vmem>>, vector<1x16xi32>,
      %swap3A_933 = vector.shape_cast %swap3A_932 : vector<1x16xi32> to vector<16xi32>
      %swap3A_934 = vector.shape_cast %select_n3A_928 : vector<16xi32> to vector<1x16xi32>
      tpu.vector_store %arg7[%swap3A_930, %swap3A_931], %swap3A_934 {strides = array<i32>} : memref<8x128xi32, #tpu.memory_space<vmem>>, vector<1x16xi32>,
      %dma_start3A_935 = arith.constant 4 : i32
      %dma_start3A_936 = arith.constant 512 : i32
      %dma_start3A_937 = arith.constant 0 : i32
      %dma_start3A_938 = tpu.memref_slice %arg8[%dma_start3A_936, %dma_start3A_937] : memref<1024x32xf32, #tpu.memory_space<vmem>> -> memref<128x32xf32, #tpu.memory_space<vmem>>
      %dma_start3A_939 = arith.constant 0 : i32
      %dma_start3A_940 = tpu.memref_slice %arg7[%dma_start3A_935, %dma_start3A_939] : memref<8x128xi32, #tpu.memory_space<vmem>> -> memref<1x128xi32, #tpu.memory_space<vmem>>
      %dma_start3A_941 = tpu.memref_squeeze %dma_start3A_940 : memref<1x128xi32, #tpu.memory_space<vmem>> -> memref<128xi32, #tpu.memory_space<vmem>>
      %dma_start3A_942 = arith.constant 0 : i32
      %dma_start3A_943 = arith.constant 0 : i32
      %dma_start3A_944 = tpu.memref_slice %arg9[%dma_start3A_942, %dma_start3A_943] : memref<25104x32xf32, #tpu.memory_space<vmem_shared>> -> memref<25104x32xf32, #tpu.memory_space<vmem_shared>>
      tpu.enqueue_indirect_dma source(%dma_start3A_938 : memref<128x32xf32, #tpu.memory_space<vmem>>) target(%dma_start3A_944 : memref<25104x32xf32, #tpu.memory_space<vmem_shared>>) offsets(%dma_start3A_941 : memref<128xi32, #tpu.memory_space<vmem>>) semaphore(%arg10 : memref<!tpu.dma_semaphore, #tpu.memory_space<semaphore_mem>>) {add = true}
      %get3A_945 = arith.constant 640 : index
      %get3A_946 = tpu.vector_load %arg6[%get3A_945] {strides = array<i32>} : memref<1024xi32, #tpu.memory_space<vmem>>, vector<16xi32>,
      %get3A_947 = vector.shape_cast %get3A_946 : vector<16xi32> to vector<16xi32>
      %sub3A_948 = vector.broadcast %mul3A_0 : i32 to vector<16xi32>
      %sub3A_949 = arith.subi %get3A_947, %sub3A_948 : vector<16xi32>
      %ge3A_950 = arith.constant 0 : i32
      %ge3A_951 = vector.broadcast %ge3A_950 : i32 to vector<16xi32>
      %ge3A_952 = arith.cmpi sge, %sub3A_949, %ge3A_951 : vector<16xi32>
      %lt3A_953 = arith.constant 25088 : i32
      %lt3A_954 = vector.broadcast %lt3A_953 : i32 to vector<16xi32>
      %lt3A_955 = arith.cmpi slt, %sub3A_949, %lt3A_954 : vector<16xi32>
      %and3A_956 = arith.andi %ge3A_952, %lt3A_955 : vector<16xi1>
      %jit3A_957 = arith.constant 25088 : i32
      %broadcast_in_dim3A_958 = vector.broadcast %jit3A_957 : i32 to vector<16xi32>
      %select_n3A_959 = arith.select %and3A_956, %sub3A_949, %broadcast_in_dim3A_958 : vector<16xi1>, vector<16xi32>
      %swap3A_960 = arith.constant 5 : i32
      %swap3A_961 = arith.index_cast %swap3A_960 : i32 to index
      %swap3A_962 = arith.constant 0 : index
      %swap3A_963 = tpu.vector_load %arg7[%swap3A_961, %swap3A_962] {strides = array<i32>} : memref<8x128xi32, #tpu.memory_space<vmem>>, vector<1x16xi32>,
      %swap3A_964 = vector.shape_cast %swap3A_963 : vector<1x16xi32> to vector<16xi32>
      %swap3A_965 = vector.shape_cast %select_n3A_959 : vector<16xi32> to vector<1x16xi32>
      tpu.vector_store %arg7[%swap3A_961, %swap3A_962], %swap3A_965 {strides = array<i32>} : memref<8x128xi32, #tpu.memory_space<vmem>>, vector<1x16xi32>,
      %get3A_966 = arith.constant 656 : index
      %get3A_967 = tpu.vector_load %arg6[%get3A_966] {strides = array<i32>} : memref<1024xi32, #tpu.memory_space<vmem>>, vector<16xi32>,
      %get3A_968 = vector.shape_cast %get3A_967 : vector<16xi32> to vector<16xi32>
      %sub3A_969 = vector.broadcast %mul3A_0 : i32 to vector<16xi32>
      %sub3A_970 = arith.subi %get3A_968, %sub3A_969 : vector<16xi32>
      %ge3A_971 = arith.constant 0 : i32
      %ge3A_972 = vector.broadcast %ge3A_971 : i32 to vector<16xi32>
      %ge3A_973 = arith.cmpi sge, %sub3A_970, %ge3A_972 : vector<16xi32>
      %lt3A_974 = arith.constant 25088 : i32
      %lt3A_975 = vector.broadcast %lt3A_974 : i32 to vector<16xi32>
      %lt3A_976 = arith.cmpi slt, %sub3A_970, %lt3A_975 : vector<16xi32>
      %and3A_977 = arith.andi %ge3A_973, %lt3A_976 : vector<16xi1>
      %jit3A_978 = arith.constant 25088 : i32
      %broadcast_in_dim3A_979 = vector.broadcast %jit3A_978 : i32 to vector<16xi32>
      %select_n3A_980 = arith.select %and3A_977, %sub3A_970, %broadcast_in_dim3A_979 : vector<16xi1>, vector<16xi32>
      %swap3A_981 = arith.constant 5 : i32
      %swap3A_982 = arith.index_cast %swap3A_981 : i32 to index
      %swap3A_983 = arith.constant 16 : index
      %swap3A_984 = tpu.vector_load %arg7[%swap3A_982, %swap3A_983] {strides = array<i32>} : memref<8x128xi32, #tpu.memory_space<vmem>>, vector<1x16xi32>,
      %swap3A_985 = vector.shape_cast %swap3A_984 : vector<1x16xi32> to vector<16xi32>
      %swap3A_986 = vector.shape_cast %select_n3A_980 : vector<16xi32> to vector<1x16xi32>
      tpu.vector_store %arg7[%swap3A_982, %swap3A_983], %swap3A_986 {strides = array<i32>} : memref<8x128xi32, #tpu.memory_space<vmem>>, vector<1x16xi32>,
      %get3A_987 = arith.constant 672 : index
      %get3A_988 = tpu.vector_load %arg6[%get3A_987] {strides = array<i32>} : memref<1024xi32, #tpu.memory_space<vmem>>, vector<16xi32>,
      %get3A_989 = vector.shape_cast %get3A_988 : vector<16xi32> to vector<16xi32>
      %sub3A_990 = vector.broadcast %mul3A_0 : i32 to vector<16xi32>
      %sub3A_991 = arith.subi %get3A_989, %sub3A_990 : vector<16xi32>
      %ge3A_992 = arith.constant 0 : i32
      %ge3A_993 = vector.broadcast %ge3A_992 : i32 to vector<16xi32>
      %ge3A_994 = arith.cmpi sge, %sub3A_991, %ge3A_993 : vector<16xi32>
      %lt3A_995 = arith.constant 25088 : i32
      %lt3A_996 = vector.broadcast %lt3A_995 : i32 to vector<16xi32>
      %lt3A_997 = arith.cmpi slt, %sub3A_991, %lt3A_996 : vector<16xi32>
      %and3A_998 = arith.andi %ge3A_994, %lt3A_997 : vector<16xi1>
      %jit3A_999 = arith.constant 25088 : i32
      %broadcast_in_dim3A_1000 = vector.broadcast %jit3A_999 : i32 to vector<16xi32>
      %select_n3A_1001 = arith.select %and3A_998, %sub3A_991, %broadcast_in_dim3A_1000 : vector<16xi1>, vector<16xi32>
      %swap3A_1002 = arith.constant 5 : i32
      %swap3A_1003 = arith.index_cast %swap3A_1002 : i32 to index
      %swap3A_1004 = arith.constant 32 : index
      %swap3A_1005 = tpu.vector_load %arg7[%swap3A_1003, %swap3A_1004] {strides = array<i32>} : memref<8x128xi32, #tpu.memory_space<vmem>>, vector<1x16xi32>,
      %swap3A_1006 = vector.shape_cast %swap3A_1005 : vector<1x16xi32> to vector<16xi32>
      %swap3A_1007 = vector.shape_cast %select_n3A_1001 : vector<16xi32> to vector<1x16xi32>
      tpu.vector_store %arg7[%swap3A_1003, %swap3A_1004], %swap3A_1007 {strides = array<i32>} : memref<8x128xi32, #tpu.memory_space<vmem>>, vector<1x16xi32>,
      %get3A_1008 = arith.constant 688 : index
      %get3A_1009 = tpu.vector_load %arg6[%get3A_1008] {strides = array<i32>} : memref<1024xi32, #tpu.memory_space<vmem>>, vector<16xi32>,
      %get3A_1010 = vector.shape_cast %get3A_1009 : vector<16xi32> to vector<16xi32>
      %sub3A_1011 = vector.broadcast %mul3A_0 : i32 to vector<16xi32>
      %sub3A_1012 = arith.subi %get3A_1010, %sub3A_1011 : vector<16xi32>
      %ge3A_1013 = arith.constant 0 : i32
      %ge3A_1014 = vector.broadcast %ge3A_1013 : i32 to vector<16xi32>
      %ge3A_1015 = arith.cmpi sge, %sub3A_1012, %ge3A_1014 : vector<16xi32>
      %lt3A_1016 = arith.constant 25088 : i32
      %lt3A_1017 = vector.broadcast %lt3A_1016 : i32 to vector<16xi32>
      %lt3A_1018 = arith.cmpi slt, %sub3A_1012, %lt3A_1017 : vector<16xi32>
      %and3A_1019 = arith.andi %ge3A_1015, %lt3A_1018 : vector<16xi1>
      %jit3A_1020 = arith.constant 25088 : i32
      %broadcast_in_dim3A_1021 = vector.broadcast %jit3A_1020 : i32 to vector<16xi32>
      %select_n3A_1022 = arith.select %and3A_1019, %sub3A_1012, %broadcast_in_dim3A_1021 : vector<16xi1>, vector<16xi32>
      %swap3A_1023 = arith.constant 5 : i32
      %swap3A_1024 = arith.index_cast %swap3A_1023 : i32 to index
      %swap3A_1025 = arith.constant 48 : index
      %swap3A_1026 = tpu.vector_load %arg7[%swap3A_1024, %swap3A_1025] {strides = array<i32>} : memref<8x128xi32, #tpu.memory_space<vmem>>, vector<1x16xi32>,
      %swap3A_1027 = vector.shape_cast %swap3A_1026 : vector<1x16xi32> to vector<16xi32>
      %swap3A_1028 = vector.shape_cast %select_n3A_1022 : vector<16xi32> to vector<1x16xi32>
      tpu.vector_store %arg7[%swap3A_1024, %swap3A_1025], %swap3A_1028 {strides = array<i32>} : memref<8x128xi32, #tpu.memory_space<vmem>>, vector<1x16xi32>,
      %get3A_1029 = arith.constant 704 : index
      %get3A_1030 = tpu.vector_load %arg6[%get3A_1029] {strides = array<i32>} : memref<1024xi32, #tpu.memory_space<vmem>>, vector<16xi32>,
      %get3A_1031 = vector.shape_cast %get3A_1030 : vector<16xi32> to vector<16xi32>
      %sub3A_1032 = vector.broadcast %mul3A_0 : i32 to vector<16xi32>
      %sub3A_1033 = arith.subi %get3A_1031, %sub3A_1032 : vector<16xi32>
      %ge3A_1034 = arith.constant 0 : i32
      %ge3A_1035 = vector.broadcast %ge3A_1034 : i32 to vector<16xi32>
      %ge3A_1036 = arith.cmpi sge, %sub3A_1033, %ge3A_1035 : vector<16xi32>
      %lt3A_1037 = arith.constant 25088 : i32
      %lt3A_1038 = vector.broadcast %lt3A_1037 : i32 to vector<16xi32>
      %lt3A_1039 = arith.cmpi slt, %sub3A_1033, %lt3A_1038 : vector<16xi32>
      %and3A_1040 = arith.andi %ge3A_1036, %lt3A_1039 : vector<16xi1>
      %jit3A_1041 = arith.constant 25088 : i32
      %broadcast_in_dim3A_1042 = vector.broadcast %jit3A_1041 : i32 to vector<16xi32>
      %select_n3A_1043 = arith.select %and3A_1040, %sub3A_1033, %broadcast_in_dim3A_1042 : vector<16xi1>, vector<16xi32>
      %swap3A_1044 = arith.constant 5 : i32
      %swap3A_1045 = arith.index_cast %swap3A_1044 : i32 to index
      %swap3A_1046 = arith.constant 64 : index
      %swap3A_1047 = tpu.vector_load %arg7[%swap3A_1045, %swap3A_1046] {strides = array<i32>} : memref<8x128xi32, #tpu.memory_space<vmem>>, vector<1x16xi32>,
      %swap3A_1048 = vector.shape_cast %swap3A_1047 : vector<1x16xi32> to vector<16xi32>
      %swap3A_1049 = vector.shape_cast %select_n3A_1043 : vector<16xi32> to vector<1x16xi32>
      tpu.vector_store %arg7[%swap3A_1045, %swap3A_1046], %swap3A_1049 {strides = array<i32>} : memref<8x128xi32, #tpu.memory_space<vmem>>, vector<1x16xi32>,
      %get3A_1050 = arith.constant 720 : index
      %get3A_1051 = tpu.vector_load %arg6[%get3A_1050] {strides = array<i32>} : memref<1024xi32, #tpu.memory_space<vmem>>, vector<16xi32>,
      %get3A_1052 = vector.shape_cast %get3A_1051 : vector<16xi32> to vector<16xi32>
      %sub3A_1053 = vector.broadcast %mul3A_0 : i32 to vector<16xi32>
      %sub3A_1054 = arith.subi %get3A_1052, %sub3A_1053 : vector<16xi32>
      %ge3A_1055 = arith.constant 0 : i32
      %ge3A_1056 = vector.broadcast %ge3A_1055 : i32 to vector<16xi32>
      %ge3A_1057 = arith.cmpi sge, %sub3A_1054, %ge3A_1056 : vector<16xi32>
      %lt3A_1058 = arith.constant 25088 : i32
      %lt3A_1059 = vector.broadcast %lt3A_1058 : i32 to vector<16xi32>
      %lt3A_1060 = arith.cmpi slt, %sub3A_1054, %lt3A_1059 : vector<16xi32>
      %and3A_1061 = arith.andi %ge3A_1057, %lt3A_1060 : vector<16xi1>
      %jit3A_1062 = arith.constant 25088 : i32
      %broadcast_in_dim3A_1063 = vector.broadcast %jit3A_1062 : i32 to vector<16xi32>
      %select_n3A_1064 = arith.select %and3A_1061, %sub3A_1054, %broadcast_in_dim3A_1063 : vector<16xi1>, vector<16xi32>
      %swap3A_1065 = arith.constant 5 : i32
      %swap3A_1066 = arith.index_cast %swap3A_1065 : i32 to index
      %swap3A_1067 = arith.constant 80 : index
      %swap3A_1068 = tpu.vector_load %arg7[%swap3A_1066, %swap3A_1067] {strides = array<i32>} : memref<8x128xi32, #tpu.memory_space<vmem>>, vector<1x16xi32>,
      %swap3A_1069 = vector.shape_cast %swap3A_1068 : vector<1x16xi32> to vector<16xi32>
      %swap3A_1070 = vector.shape_cast %select_n3A_1064 : vector<16xi32> to vector<1x16xi32>
      tpu.vector_store %arg7[%swap3A_1066, %swap3A_1067], %swap3A_1070 {strides = array<i32>} : memref<8x128xi32, #tpu.memory_space<vmem>>, vector<1x16xi32>,
      %get3A_1071 = arith.constant 736 : index
      %get3A_1072 = tpu.vector_load %arg6[%get3A_1071] {strides = array<i32>} : memref<1024xi32, #tpu.memory_space<vmem>>, vector<16xi32>,
      %get3A_1073 = vector.shape_cast %get3A_1072 : vector<16xi32> to vector<16xi32>
      %sub3A_1074 = vector.broadcast %mul3A_0 : i32 to vector<16xi32>
      %sub3A_1075 = arith.subi %get3A_1073, %sub3A_1074 : vector<16xi32>
      %ge3A_1076 = arith.constant 0 : i32
      %ge3A_1077 = vector.broadcast %ge3A_1076 : i32 to vector<16xi32>
      %ge3A_1078 = arith.cmpi sge, %sub3A_1075, %ge3A_1077 : vector<16xi32>
      %lt3A_1079 = arith.constant 25088 : i32
      %lt3A_1080 = vector.broadcast %lt3A_1079 : i32 to vector<16xi32>
      %lt3A_1081 = arith.cmpi slt, %sub3A_1075, %lt3A_1080 : vector<16xi32>
      %and3A_1082 = arith.andi %ge3A_1078, %lt3A_1081 : vector<16xi1>
      %jit3A_1083 = arith.constant 25088 : i32
      %broadcast_in_dim3A_1084 = vector.broadcast %jit3A_1083 : i32 to vector<16xi32>
      %select_n3A_1085 = arith.select %and3A_1082, %sub3A_1075, %broadcast_in_dim3A_1084 : vector<16xi1>, vector<16xi32>
      %swap3A_1086 = arith.constant 5 : i32
      %swap3A_1087 = arith.index_cast %swap3A_1086 : i32 to index
      %swap3A_1088 = arith.constant 96 : index
      %swap3A_1089 = tpu.vector_load %arg7[%swap3A_1087, %swap3A_1088] {strides = array<i32>} : memref<8x128xi32, #tpu.memory_space<vmem>>, vector<1x16xi32>,
      %swap3A_1090 = vector.shape_cast %swap3A_1089 : vector<1x16xi32> to vector<16xi32>
      %swap3A_1091 = vector.shape_cast %select_n3A_1085 : vector<16xi32> to vector<1x16xi32>
      tpu.vector_store %arg7[%swap3A_1087, %swap3A_1088], %swap3A_1091 {strides = array<i32>} : memref<8x128xi32, #tpu.memory_space<vmem>>, vector<1x16xi32>,
      %get3A_1092 = arith.constant 752 : index
      %get3A_1093 = tpu.vector_load %arg6[%get3A_1092] {strides = array<i32>} : memref<1024xi32, #tpu.memory_space<vmem>>, vector<16xi32>,
      %get3A_1094 = vector.shape_cast %get3A_1093 : vector<16xi32> to vector<16xi32>
      %sub3A_1095 = vector.broadcast %mul3A_0 : i32 to vector<16xi32>
      %sub3A_1096 = arith.subi %get3A_1094, %sub3A_1095 : vector<16xi32>
      %ge3A_1097 = arith.constant 0 : i32
      %ge3A_1098 = vector.broadcast %ge3A_1097 : i32 to vector<16xi32>
      %ge3A_1099 = arith.cmpi sge, %sub3A_1096, %ge3A_1098 : vector<16xi32>
      %lt3A_1100 = arith.constant 25088 : i32
      %lt3A_1101 = vector.broadcast %lt3A_1100 : i32 to vector<16xi32>
      %lt3A_1102 = arith.cmpi slt, %sub3A_1096, %lt3A_1101 : vector<16xi32>
      %and3A_1103 = arith.andi %ge3A_1099, %lt3A_1102 : vector<16xi1>
      %jit3A_1104 = arith.constant 25088 : i32
      %broadcast_in_dim3A_1105 = vector.broadcast %jit3A_1104 : i32 to vector<16xi32>
      %select_n3A_1106 = arith.select %and3A_1103, %sub3A_1096, %broadcast_in_dim3A_1105 : vector<16xi1>, vector<16xi32>
      %swap3A_1107 = arith.constant 5 : i32
      %swap3A_1108 = arith.index_cast %swap3A_1107 : i32 to index
      %swap3A_1109 = arith.constant 112 : index
      %swap3A_1110 = tpu.vector_load %arg7[%swap3A_1108, %swap3A_1109] {strides = array<i32>} : memref<8x128xi32, #tpu.memory_space<vmem>>, vector<1x16xi32>,
      %swap3A_1111 = vector.shape_cast %swap3A_1110 : vector<1x16xi32> to vector<16xi32>
      %swap3A_1112 = vector.shape_cast %select_n3A_1106 : vector<16xi32> to vector<1x16xi32>
      tpu.vector_store %arg7[%swap3A_1108, %swap3A_1109], %swap3A_1112 {strides = array<i32>} : memref<8x128xi32, #tpu.memory_space<vmem>>, vector<1x16xi32>,
      %dma_start3A_1113 = arith.constant 5 : i32
      %dma_start3A_1114 = arith.constant 640 : i32
      %dma_start3A_1115 = arith.constant 0 : i32
      %dma_start3A_1116 = tpu.memref_slice %arg8[%dma_start3A_1114, %dma_start3A_1115] : memref<1024x32xf32, #tpu.memory_space<vmem>> -> memref<128x32xf32, #tpu.memory_space<vmem>>
      %dma_start3A_1117 = arith.constant 0 : i32
      %dma_start3A_1118 = tpu.memref_slice %arg7[%dma_start3A_1113, %dma_start3A_1117] : memref<8x128xi32, #tpu.memory_space<vmem>> -> memref<1x128xi32, #tpu.memory_space<vmem>>
      %dma_start3A_1119 = tpu.memref_squeeze %dma_start3A_1118 : memref<1x128xi32, #tpu.memory_space<vmem>> -> memref<128xi32, #tpu.memory_space<vmem>>
      %dma_start3A_1120 = arith.constant 0 : i32
      %dma_start3A_1121 = arith.constant 0 : i32
      %dma_start3A_1122 = tpu.memref_slice %arg9[%dma_start3A_1120, %dma_start3A_1121] : memref<25104x32xf32, #tpu.memory_space<vmem_shared>> -> memref<25104x32xf32, #tpu.memory_space<vmem_shared>>
      tpu.enqueue_indirect_dma source(%dma_start3A_1116 : memref<128x32xf32, #tpu.memory_space<vmem>>) target(%dma_start3A_1122 : memref<25104x32xf32, #tpu.memory_space<vmem_shared>>) offsets(%dma_start3A_1119 : memref<128xi32, #tpu.memory_space<vmem>>) semaphore(%arg10 : memref<!tpu.dma_semaphore, #tpu.memory_space<semaphore_mem>>) {add = true}
      %get3A_1123 = arith.constant 768 : index
      %get3A_1124 = tpu.vector_load %arg6[%get3A_1123] {strides = array<i32>} : memref<1024xi32, #tpu.memory_space<vmem>>, vector<16xi32>,
      %get3A_1125 = vector.shape_cast %get3A_1124 : vector<16xi32> to vector<16xi32>
      %sub3A_1126 = vector.broadcast %mul3A_0 : i32 to vector<16xi32>
      %sub3A_1127 = arith.subi %get3A_1125, %sub3A_1126 : vector<16xi32>
      %ge3A_1128 = arith.constant 0 : i32
      %ge3A_1129 = vector.broadcast %ge3A_1128 : i32 to vector<16xi32>
      %ge3A_1130 = arith.cmpi sge, %sub3A_1127, %ge3A_1129 : vector<16xi32>
      %lt3A_1131 = arith.constant 25088 : i32
      %lt3A_1132 = vector.broadcast %lt3A_1131 : i32 to vector<16xi32>
      %lt3A_1133 = arith.cmpi slt, %sub3A_1127, %lt3A_1132 : vector<16xi32>
      %and3A_1134 = arith.andi %ge3A_1130, %lt3A_1133 : vector<16xi1>
      %jit3A_1135 = arith.constant 25088 : i32
      %broadcast_in_dim3A_1136 = vector.broadcast %jit3A_1135 : i32 to vector<16xi32>
      %select_n3A_1137 = arith.select %and3A_1134, %sub3A_1127, %broadcast_in_dim3A_1136 : vector<16xi1>, vector<16xi32>
      %swap3A_1138 = arith.constant 6 : i32
      %swap3A_1139 = arith.index_cast %swap3A_1138 : i32 to index
      %swap3A_1140 = arith.constant 0 : index
      %swap3A_1141 = tpu.vector_load %arg7[%swap3A_1139, %swap3A_1140] {strides = array<i32>} : memref<8x128xi32, #tpu.memory_space<vmem>>, vector<1x16xi32>,
      %swap3A_1142 = vector.shape_cast %swap3A_1141 : vector<1x16xi32> to vector<16xi32>
      %swap3A_1143 = vector.shape_cast %select_n3A_1137 : vector<16xi32> to vector<1x16xi32>
      tpu.vector_store %arg7[%swap3A_1139, %swap3A_1140], %swap3A_1143 {strides = array<i32>} : memref<8x128xi32, #tpu.memory_space<vmem>>, vector<1x16xi32>,
      %get3A_1144 = arith.constant 784 : index
      %get3A_1145 = tpu.vector_load %arg6[%get3A_1144] {strides = array<i32>} : memref<1024xi32, #tpu.memory_space<vmem>>, vector<16xi32>,
      %get3A_1146 = vector.shape_cast %get3A_1145 : vector<16xi32> to vector<16xi32>
      %sub3A_1147 = vector.broadcast %mul3A_0 : i32 to vector<16xi32>
      %sub3A_1148 = arith.subi %get3A_1146, %sub3A_1147 : vector<16xi32>
      %ge3A_1149 = arith.constant 0 : i32
      %ge3A_1150 = vector.broadcast %ge3A_1149 : i32 to vector<16xi32>
      %ge3A_1151 = arith.cmpi sge, %sub3A_1148, %ge3A_1150 : vector<16xi32>
      %lt3A_1152 = arith.constant 25088 : i32
      %lt3A_1153 = vector.broadcast %lt3A_1152 : i32 to vector<16xi32>
      %lt3A_1154 = arith.cmpi slt, %sub3A_1148, %lt3A_1153 : vector<16xi32>
      %and3A_1155 = arith.andi %ge3A_1151, %lt3A_1154 : vector<16xi1>
      %jit3A_1156 = arith.constant 25088 : i32
      %broadcast_in_dim3A_1157 = vector.broadcast %jit3A_1156 : i32 to vector<16xi32>
      %select_n3A_1158 = arith.select %and3A_1155, %sub3A_1148, %broadcast_in_dim3A_1157 : vector<16xi1>, vector<16xi32>
      %swap3A_1159 = arith.constant 6 : i32
      %swap3A_1160 = arith.index_cast %swap3A_1159 : i32 to index
      %swap3A_1161 = arith.constant 16 : index
      %swap3A_1162 = tpu.vector_load %arg7[%swap3A_1160, %swap3A_1161] {strides = array<i32>} : memref<8x128xi32, #tpu.memory_space<vmem>>, vector<1x16xi32>,
      %swap3A_1163 = vector.shape_cast %swap3A_1162 : vector<1x16xi32> to vector<16xi32>
      %swap3A_1164 = vector.shape_cast %select_n3A_1158 : vector<16xi32> to vector<1x16xi32>
      tpu.vector_store %arg7[%swap3A_1160, %swap3A_1161], %swap3A_1164 {strides = array<i32>} : memref<8x128xi32, #tpu.memory_space<vmem>>, vector<1x16xi32>,
      %get3A_1165 = arith.constant 800 : index
      %get3A_1166 = tpu.vector_load %arg6[%get3A_1165] {strides = array<i32>} : memref<1024xi32, #tpu.memory_space<vmem>>, vector<16xi32>,
      %get3A_1167 = vector.shape_cast %get3A_1166 : vector<16xi32> to vector<16xi32>
      %sub3A_1168 = vector.broadcast %mul3A_0 : i32 to vector<16xi32>
      %sub3A_1169 = arith.subi %get3A_1167, %sub3A_1168 : vector<16xi32>
      %ge3A_1170 = arith.constant 0 : i32
      %ge3A_1171 = vector.broadcast %ge3A_1170 : i32 to vector<16xi32>
      %ge3A_1172 = arith.cmpi sge, %sub3A_1169, %ge3A_1171 : vector<16xi32>
      %lt3A_1173 = arith.constant 25088 : i32
      %lt3A_1174 = vector.broadcast %lt3A_1173 : i32 to vector<16xi32>
      %lt3A_1175 = arith.cmpi slt, %sub3A_1169, %lt3A_1174 : vector<16xi32>
      %and3A_1176 = arith.andi %ge3A_1172, %lt3A_1175 : vector<16xi1>
      %jit3A_1177 = arith.constant 25088 : i32
      %broadcast_in_dim3A_1178 = vector.broadcast %jit3A_1177 : i32 to vector<16xi32>
      %select_n3A_1179 = arith.select %and3A_1176, %sub3A_1169, %broadcast_in_dim3A_1178 : vector<16xi1>, vector<16xi32>
      %swap3A_1180 = arith.constant 6 : i32
      %swap3A_1181 = arith.index_cast %swap3A_1180 : i32 to index
      %swap3A_1182 = arith.constant 32 : index
      %swap3A_1183 = tpu.vector_load %arg7[%swap3A_1181, %swap3A_1182] {strides = array<i32>} : memref<8x128xi32, #tpu.memory_space<vmem>>, vector<1x16xi32>,
      %swap3A_1184 = vector.shape_cast %swap3A_1183 : vector<1x16xi32> to vector<16xi32>
      %swap3A_1185 = vector.shape_cast %select_n3A_1179 : vector<16xi32> to vector<1x16xi32>
      tpu.vector_store %arg7[%swap3A_1181, %swap3A_1182], %swap3A_1185 {strides = array<i32>} : memref<8x128xi32, #tpu.memory_space<vmem>>, vector<1x16xi32>,
      %get3A_1186 = arith.constant 816 : index
      %get3A_1187 = tpu.vector_load %arg6[%get3A_1186] {strides = array<i32>} : memref<1024xi32, #tpu.memory_space<vmem>>, vector<16xi32>,
      %get3A_1188 = vector.shape_cast %get3A_1187 : vector<16xi32> to vector<16xi32>
      %sub3A_1189 = vector.broadcast %mul3A_0 : i32 to vector<16xi32>
      %sub3A_1190 = arith.subi %get3A_1188, %sub3A_1189 : vector<16xi32>
      %ge3A_1191 = arith.constant 0 : i32
      %ge3A_1192 = vector.broadcast %ge3A_1191 : i32 to vector<16xi32>
      %ge3A_1193 = arith.cmpi sge, %sub3A_1190, %ge3A_1192 : vector<16xi32>
      %lt3A_1194 = arith.constant 25088 : i32
      %lt3A_1195 = vector.broadcast %lt3A_1194 : i32 to vector<16xi32>
      %lt3A_1196 = arith.cmpi slt, %sub3A_1190, %lt3A_1195 : vector<16xi32>
      %and3A_1197 = arith.andi %ge3A_1193, %lt3A_1196 : vector<16xi1>
      %jit3A_1198 = arith.constant 25088 : i32
      %broadcast_in_dim3A_1199 = vector.broadcast %jit3A_1198 : i32 to vector<16xi32>
      %select_n3A_1200 = arith.select %and3A_1197, %sub3A_1190, %broadcast_in_dim3A_1199 : vector<16xi1>, vector<16xi32>
      %swap3A_1201 = arith.constant 6 : i32
      %swap3A_1202 = arith.index_cast %swap3A_1201 : i32 to index
      %swap3A_1203 = arith.constant 48 : index
      %swap3A_1204 = tpu.vector_load %arg7[%swap3A_1202, %swap3A_1203] {strides = array<i32>} : memref<8x128xi32, #tpu.memory_space<vmem>>, vector<1x16xi32>,
      %swap3A_1205 = vector.shape_cast %swap3A_1204 : vector<1x16xi32> to vector<16xi32>
      %swap3A_1206 = vector.shape_cast %select_n3A_1200 : vector<16xi32> to vector<1x16xi32>
      tpu.vector_store %arg7[%swap3A_1202, %swap3A_1203], %swap3A_1206 {strides = array<i32>} : memref<8x128xi32, #tpu.memory_space<vmem>>, vector<1x16xi32>,
      %get3A_1207 = arith.constant 832 : index
      %get3A_1208 = tpu.vector_load %arg6[%get3A_1207] {strides = array<i32>} : memref<1024xi32, #tpu.memory_space<vmem>>, vector<16xi32>,
      %get3A_1209 = vector.shape_cast %get3A_1208 : vector<16xi32> to vector<16xi32>
      %sub3A_1210 = vector.broadcast %mul3A_0 : i32 to vector<16xi32>
      %sub3A_1211 = arith.subi %get3A_1209, %sub3A_1210 : vector<16xi32>
      %ge3A_1212 = arith.constant 0 : i32
      %ge3A_1213 = vector.broadcast %ge3A_1212 : i32 to vector<16xi32>
      %ge3A_1214 = arith.cmpi sge, %sub3A_1211, %ge3A_1213 : vector<16xi32>
      %lt3A_1215 = arith.constant 25088 : i32
      %lt3A_1216 = vector.broadcast %lt3A_1215 : i32 to vector<16xi32>
      %lt3A_1217 = arith.cmpi slt, %sub3A_1211, %lt3A_1216 : vector<16xi32>
      %and3A_1218 = arith.andi %ge3A_1214, %lt3A_1217 : vector<16xi1>
      %jit3A_1219 = arith.constant 25088 : i32
      %broadcast_in_dim3A_1220 = vector.broadcast %jit3A_1219 : i32 to vector<16xi32>
      %select_n3A_1221 = arith.select %and3A_1218, %sub3A_1211, %broadcast_in_dim3A_1220 : vector<16xi1>, vector<16xi32>
      %swap3A_1222 = arith.constant 6 : i32
      %swap3A_1223 = arith.index_cast %swap3A_1222 : i32 to index
      %swap3A_1224 = arith.constant 64 : index
      %swap3A_1225 = tpu.vector_load %arg7[%swap3A_1223, %swap3A_1224] {strides = array<i32>} : memref<8x128xi32, #tpu.memory_space<vmem>>, vector<1x16xi32>,
      %swap3A_1226 = vector.shape_cast %swap3A_1225 : vector<1x16xi32> to vector<16xi32>
      %swap3A_1227 = vector.shape_cast %select_n3A_1221 : vector<16xi32> to vector<1x16xi32>
      tpu.vector_store %arg7[%swap3A_1223, %swap3A_1224], %swap3A_1227 {strides = array<i32>} : memref<8x128xi32, #tpu.memory_space<vmem>>, vector<1x16xi32>,
      %get3A_1228 = arith.constant 848 : index
      %get3A_1229 = tpu.vector_load %arg6[%get3A_1228] {strides = array<i32>} : memref<1024xi32, #tpu.memory_space<vmem>>, vector<16xi32>,
      %get3A_1230 = vector.shape_cast %get3A_1229 : vector<16xi32> to vector<16xi32>
      %sub3A_1231 = vector.broadcast %mul3A_0 : i32 to vector<16xi32>
      %sub3A_1232 = arith.subi %get3A_1230, %sub3A_1231 : vector<16xi32>
      %ge3A_1233 = arith.constant 0 : i32
      %ge3A_1234 = vector.broadcast %ge3A_1233 : i32 to vector<16xi32>
      %ge3A_1235 = arith.cmpi sge, %sub3A_1232, %ge3A_1234 : vector<16xi32>
      %lt3A_1236 = arith.constant 25088 : i32
      %lt3A_1237 = vector.broadcast %lt3A_1236 : i32 to vector<16xi32>
      %lt3A_1238 = arith.cmpi slt, %sub3A_1232, %lt3A_1237 : vector<16xi32>
      %and3A_1239 = arith.andi %ge3A_1235, %lt3A_1238 : vector<16xi1>
      %jit3A_1240 = arith.constant 25088 : i32
      %broadcast_in_dim3A_1241 = vector.broadcast %jit3A_1240 : i32 to vector<16xi32>
      %select_n3A_1242 = arith.select %and3A_1239, %sub3A_1232, %broadcast_in_dim3A_1241 : vector<16xi1>, vector<16xi32>
      %swap3A_1243 = arith.constant 6 : i32
      %swap3A_1244 = arith.index_cast %swap3A_1243 : i32 to index
      %swap3A_1245 = arith.constant 80 : index
      %swap3A_1246 = tpu.vector_load %arg7[%swap3A_1244, %swap3A_1245] {strides = array<i32>} : memref<8x128xi32, #tpu.memory_space<vmem>>, vector<1x16xi32>,
      %swap3A_1247 = vector.shape_cast %swap3A_1246 : vector<1x16xi32> to vector<16xi32>
      %swap3A_1248 = vector.shape_cast %select_n3A_1242 : vector<16xi32> to vector<1x16xi32>
      tpu.vector_store %arg7[%swap3A_1244, %swap3A_1245], %swap3A_1248 {strides = array<i32>} : memref<8x128xi32, #tpu.memory_space<vmem>>, vector<1x16xi32>,
      %get3A_1249 = arith.constant 864 : index
      %get3A_1250 = tpu.vector_load %arg6[%get3A_1249] {strides = array<i32>} : memref<1024xi32, #tpu.memory_space<vmem>>, vector<16xi32>,
      %get3A_1251 = vector.shape_cast %get3A_1250 : vector<16xi32> to vector<16xi32>
      %sub3A_1252 = vector.broadcast %mul3A_0 : i32 to vector<16xi32>
      %sub3A_1253 = arith.subi %get3A_1251, %sub3A_1252 : vector<16xi32>
      %ge3A_1254 = arith.constant 0 : i32
      %ge3A_1255 = vector.broadcast %ge3A_1254 : i32 to vector<16xi32>
      %ge3A_1256 = arith.cmpi sge, %sub3A_1253, %ge3A_1255 : vector<16xi32>
      %lt3A_1257 = arith.constant 25088 : i32
      %lt3A_1258 = vector.broadcast %lt3A_1257 : i32 to vector<16xi32>
      %lt3A_1259 = arith.cmpi slt, %sub3A_1253, %lt3A_1258 : vector<16xi32>
      %and3A_1260 = arith.andi %ge3A_1256, %lt3A_1259 : vector<16xi1>
      %jit3A_1261 = arith.constant 25088 : i32
      %broadcast_in_dim3A_1262 = vector.broadcast %jit3A_1261 : i32 to vector<16xi32>
      %select_n3A_1263 = arith.select %and3A_1260, %sub3A_1253, %broadcast_in_dim3A_1262 : vector<16xi1>, vector<16xi32>
      %swap3A_1264 = arith.constant 6 : i32
      %swap3A_1265 = arith.index_cast %swap3A_1264 : i32 to index
      %swap3A_1266 = arith.constant 96 : index
      %swap3A_1267 = tpu.vector_load %arg7[%swap3A_1265, %swap3A_1266] {strides = array<i32>} : memref<8x128xi32, #tpu.memory_space<vmem>>, vector<1x16xi32>,
      %swap3A_1268 = vector.shape_cast %swap3A_1267 : vector<1x16xi32> to vector<16xi32>
      %swap3A_1269 = vector.shape_cast %select_n3A_1263 : vector<16xi32> to vector<1x16xi32>
      tpu.vector_store %arg7[%swap3A_1265, %swap3A_1266], %swap3A_1269 {strides = array<i32>} : memref<8x128xi32, #tpu.memory_space<vmem>>, vector<1x16xi32>,
      %get3A_1270 = arith.constant 880 : index
      %get3A_1271 = tpu.vector_load %arg6[%get3A_1270] {strides = array<i32>} : memref<1024xi32, #tpu.memory_space<vmem>>, vector<16xi32>,
      %get3A_1272 = vector.shape_cast %get3A_1271 : vector<16xi32> to vector<16xi32>
      %sub3A_1273 = vector.broadcast %mul3A_0 : i32 to vector<16xi32>
      %sub3A_1274 = arith.subi %get3A_1272, %sub3A_1273 : vector<16xi32>
      %ge3A_1275 = arith.constant 0 : i32
      %ge3A_1276 = vector.broadcast %ge3A_1275 : i32 to vector<16xi32>
      %ge3A_1277 = arith.cmpi sge, %sub3A_1274, %ge3A_1276 : vector<16xi32>
      %lt3A_1278 = arith.constant 25088 : i32
      %lt3A_1279 = vector.broadcast %lt3A_1278 : i32 to vector<16xi32>
      %lt3A_1280 = arith.cmpi slt, %sub3A_1274, %lt3A_1279 : vector<16xi32>
      %and3A_1281 = arith.andi %ge3A_1277, %lt3A_1280 : vector<16xi1>
      %jit3A_1282 = arith.constant 25088 : i32
      %broadcast_in_dim3A_1283 = vector.broadcast %jit3A_1282 : i32 to vector<16xi32>
      %select_n3A_1284 = arith.select %and3A_1281, %sub3A_1274, %broadcast_in_dim3A_1283 : vector<16xi1>, vector<16xi32>
      %swap3A_1285 = arith.constant 6 : i32
      %swap3A_1286 = arith.index_cast %swap3A_1285 : i32 to index
      %swap3A_1287 = arith.constant 112 : index
      %swap3A_1288 = tpu.vector_load %arg7[%swap3A_1286, %swap3A_1287] {strides = array<i32>} : memref<8x128xi32, #tpu.memory_space<vmem>>, vector<1x16xi32>,
      %swap3A_1289 = vector.shape_cast %swap3A_1288 : vector<1x16xi32> to vector<16xi32>
      %swap3A_1290 = vector.shape_cast %select_n3A_1284 : vector<16xi32> to vector<1x16xi32>
      tpu.vector_store %arg7[%swap3A_1286, %swap3A_1287], %swap3A_1290 {strides = array<i32>} : memref<8x128xi32, #tpu.memory_space<vmem>>, vector<1x16xi32>,
      %dma_start3A_1291 = arith.constant 6 : i32
      %dma_start3A_1292 = arith.constant 768 : i32
      %dma_start3A_1293 = arith.constant 0 : i32
      %dma_start3A_1294 = tpu.memref_slice %arg8[%dma_start3A_1292, %dma_start3A_1293] : memref<1024x32xf32, #tpu.memory_space<vmem>> -> memref<128x32xf32, #tpu.memory_space<vmem>>
      %dma_start3A_1295 = arith.constant 0 : i32
      %dma_start3A_1296 = tpu.memref_slice %arg7[%dma_start3A_1291, %dma_start3A_1295] : memref<8x128xi32, #tpu.memory_space<vmem>> -> memref<1x128xi32, #tpu.memory_space<vmem>>
      %dma_start3A_1297 = tpu.memref_squeeze %dma_start3A_1296 : memref<1x128xi32, #tpu.memory_space<vmem>> -> memref<128xi32, #tpu.memory_space<vmem>>
      %dma_start3A_1298 = arith.constant 0 : i32
      %dma_start3A_1299 = arith.constant 0 : i32
      %dma_start3A_1300 = tpu.memref_slice %arg9[%dma_start3A_1298, %dma_start3A_1299] : memref<25104x32xf32, #tpu.memory_space<vmem_shared>> -> memref<25104x32xf32, #tpu.memory_space<vmem_shared>>
      tpu.enqueue_indirect_dma source(%dma_start3A_1294 : memref<128x32xf32, #tpu.memory_space<vmem>>) target(%dma_start3A_1300 : memref<25104x32xf32, #tpu.memory_space<vmem_shared>>) offsets(%dma_start3A_1297 : memref<128xi32, #tpu.memory_space<vmem>>) semaphore(%arg10 : memref<!tpu.dma_semaphore, #tpu.memory_space<semaphore_mem>>) {add = true}
      %get3A_1301 = arith.constant 896 : index
      %get3A_1302 = tpu.vector_load %arg6[%get3A_1301] {strides = array<i32>} : memref<1024xi32, #tpu.memory_space<vmem>>, vector<16xi32>,
      %get3A_1303 = vector.shape_cast %get3A_1302 : vector<16xi32> to vector<16xi32>
      %sub3A_1304 = vector.broadcast %mul3A_0 : i32 to vector<16xi32>
      %sub3A_1305 = arith.subi %get3A_1303, %sub3A_1304 : vector<16xi32>
      %ge3A_1306 = arith.constant 0 : i32
      %ge3A_1307 = vector.broadcast %ge3A_1306 : i32 to vector<16xi32>
      %ge3A_1308 = arith.cmpi sge, %sub3A_1305, %ge3A_1307 : vector<16xi32>
      %lt3A_1309 = arith.constant 25088 : i32
      %lt3A_1310 = vector.broadcast %lt3A_1309 : i32 to vector<16xi32>
      %lt3A_1311 = arith.cmpi slt, %sub3A_1305, %lt3A_1310 : vector<16xi32>
      %and3A_1312 = arith.andi %ge3A_1308, %lt3A_1311 : vector<16xi1>
      %jit3A_1313 = arith.constant 25088 : i32
      %broadcast_in_dim3A_1314 = vector.broadcast %jit3A_1313 : i32 to vector<16xi32>
      %select_n3A_1315 = arith.select %and3A_1312, %sub3A_1305, %broadcast_in_dim3A_1314 : vector<16xi1>, vector<16xi32>
      %swap3A_1316 = arith.constant 7 : i32
      %swap3A_1317 = arith.index_cast %swap3A_1316 : i32 to index
      %swap3A_1318 = arith.constant 0 : index
      %swap3A_1319 = tpu.vector_load %arg7[%swap3A_1317, %swap3A_1318] {strides = array<i32>} : memref<8x128xi32, #tpu.memory_space<vmem>>, vector<1x16xi32>,
      %swap3A_1320 = vector.shape_cast %swap3A_1319 : vector<1x16xi32> to vector<16xi32>
      %swap3A_1321 = vector.shape_cast %select_n3A_1315 : vector<16xi32> to vector<1x16xi32>
      tpu.vector_store %arg7[%swap3A_1317, %swap3A_1318], %swap3A_1321 {strides = array<i32>} : memref<8x128xi32, #tpu.memory_space<vmem>>, vector<1x16xi32>,
      %get3A_1322 = arith.constant 912 : index
      %get3A_1323 = tpu.vector_load %arg6[%get3A_1322] {strides = array<i32>} : memref<1024xi32, #tpu.memory_space<vmem>>, vector<16xi32>,
      %get3A_1324 = vector.shape_cast %get3A_1323 : vector<16xi32> to vector<16xi32>
      %sub3A_1325 = vector.broadcast %mul3A_0 : i32 to vector<16xi32>
      %sub3A_1326 = arith.subi %get3A_1324, %sub3A_1325 : vector<16xi32>
      %ge3A_1327 = arith.constant 0 : i32
      %ge3A_1328 = vector.broadcast %ge3A_1327 : i32 to vector<16xi32>
      %ge3A_1329 = arith.cmpi sge, %sub3A_1326, %ge3A_1328 : vector<16xi32>
      %lt3A_1330 = arith.constant 25088 : i32
      %lt3A_1331 = vector.broadcast %lt3A_1330 : i32 to vector<16xi32>
      %lt3A_1332 = arith.cmpi slt, %sub3A_1326, %lt3A_1331 : vector<16xi32>
      %and3A_1333 = arith.andi %ge3A_1329, %lt3A_1332 : vector<16xi1>
      %jit3A_1334 = arith.constant 25088 : i32
      %broadcast_in_dim3A_1335 = vector.broadcast %jit3A_1334 : i32 to vector<16xi32>
      %select_n3A_1336 = arith.select %and3A_1333, %sub3A_1326, %broadcast_in_dim3A_1335 : vector<16xi1>, vector<16xi32>
      %swap3A_1337 = arith.constant 7 : i32
      %swap3A_1338 = arith.index_cast %swap3A_1337 : i32 to index
      %swap3A_1339 = arith.constant 16 : index
      %swap3A_1340 = tpu.vector_load %arg7[%swap3A_1338, %swap3A_1339] {strides = array<i32>} : memref<8x128xi32, #tpu.memory_space<vmem>>, vector<1x16xi32>,
      %swap3A_1341 = vector.shape_cast %swap3A_1340 : vector<1x16xi32> to vector<16xi32>
      %swap3A_1342 = vector.shape_cast %select_n3A_1336 : vector<16xi32> to vector<1x16xi32>
      tpu.vector_store %arg7[%swap3A_1338, %swap3A_1339], %swap3A_1342 {strides = array<i32>} : memref<8x128xi32, #tpu.memory_space<vmem>>, vector<1x16xi32>,
      %get3A_1343 = arith.constant 928 : index
      %get3A_1344 = tpu.vector_load %arg6[%get3A_1343] {strides = array<i32>} : memref<1024xi32, #tpu.memory_space<vmem>>, vector<16xi32>,
      %get3A_1345 = vector.shape_cast %get3A_1344 : vector<16xi32> to vector<16xi32>
      %sub3A_1346 = vector.broadcast %mul3A_0 : i32 to vector<16xi32>
      %sub3A_1347 = arith.subi %get3A_1345, %sub3A_1346 : vector<16xi32>
      %ge3A_1348 = arith.constant 0 : i32
      %ge3A_1349 = vector.broadcast %ge3A_1348 : i32 to vector<16xi32>
      %ge3A_1350 = arith.cmpi sge, %sub3A_1347, %ge3A_1349 : vector<16xi32>
      %lt3A_1351 = arith.constant 25088 : i32
      %lt3A_1352 = vector.broadcast %lt3A_1351 : i32 to vector<16xi32>
      %lt3A_1353 = arith.cmpi slt, %sub3A_1347, %lt3A_1352 : vector<16xi32>
      %and3A_1354 = arith.andi %ge3A_1350, %lt3A_1353 : vector<16xi1>
      %jit3A_1355 = arith.constant 25088 : i32
      %broadcast_in_dim3A_1356 = vector.broadcast %jit3A_1355 : i32 to vector<16xi32>
      %select_n3A_1357 = arith.select %and3A_1354, %sub3A_1347, %broadcast_in_dim3A_1356 : vector<16xi1>, vector<16xi32>
      %swap3A_1358 = arith.constant 7 : i32
      %swap3A_1359 = arith.index_cast %swap3A_1358 : i32 to index
      %swap3A_1360 = arith.constant 32 : index
      %swap3A_1361 = tpu.vector_load %arg7[%swap3A_1359, %swap3A_1360] {strides = array<i32>} : memref<8x128xi32, #tpu.memory_space<vmem>>, vector<1x16xi32>,
      %swap3A_1362 = vector.shape_cast %swap3A_1361 : vector<1x16xi32> to vector<16xi32>
      %swap3A_1363 = vector.shape_cast %select_n3A_1357 : vector<16xi32> to vector<1x16xi32>
      tpu.vector_store %arg7[%swap3A_1359, %swap3A_1360], %swap3A_1363 {strides = array<i32>} : memref<8x128xi32, #tpu.memory_space<vmem>>, vector<1x16xi32>,
      %get3A_1364 = arith.constant 944 : index
      %get3A_1365 = tpu.vector_load %arg6[%get3A_1364] {strides = array<i32>} : memref<1024xi32, #tpu.memory_space<vmem>>, vector<16xi32>,
      %get3A_1366 = vector.shape_cast %get3A_1365 : vector<16xi32> to vector<16xi32>
      %sub3A_1367 = vector.broadcast %mul3A_0 : i32 to vector<16xi32>
      %sub3A_1368 = arith.subi %get3A_1366, %sub3A_1367 : vector<16xi32>
      %ge3A_1369 = arith.constant 0 : i32
      %ge3A_1370 = vector.broadcast %ge3A_1369 : i32 to vector<16xi32>
      %ge3A_1371 = arith.cmpi sge, %sub3A_1368, %ge3A_1370 : vector<16xi32>
      %lt3A_1372 = arith.constant 25088 : i32
      %lt3A_1373 = vector.broadcast %lt3A_1372 : i32 to vector<16xi32>
      %lt3A_1374 = arith.cmpi slt, %sub3A_1368, %lt3A_1373 : vector<16xi32>
      %and3A_1375 = arith.andi %ge3A_1371, %lt3A_1374 : vector<16xi1>
      %jit3A_1376 = arith.constant 25088 : i32
      %broadcast_in_dim3A_1377 = vector.broadcast %jit3A_1376 : i32 to vector<16xi32>
      %select_n3A_1378 = arith.select %and3A_1375, %sub3A_1368, %broadcast_in_dim3A_1377 : vector<16xi1>, vector<16xi32>
      %swap3A_1379 = arith.constant 7 : i32
      %swap3A_1380 = arith.index_cast %swap3A_1379 : i32 to index
      %swap3A_1381 = arith.constant 48 : index
      %swap3A_1382 = tpu.vector_load %arg7[%swap3A_1380, %swap3A_1381] {strides = array<i32>} : memref<8x128xi32, #tpu.memory_space<vmem>>, vector<1x16xi32>,
      %swap3A_1383 = vector.shape_cast %swap3A_1382 : vector<1x16xi32> to vector<16xi32>
      %swap3A_1384 = vector.shape_cast %select_n3A_1378 : vector<16xi32> to vector<1x16xi32>
      tpu.vector_store %arg7[%swap3A_1380, %swap3A_1381], %swap3A_1384 {strides = array<i32>} : memref<8x128xi32, #tpu.memory_space<vmem>>, vector<1x16xi32>,
      %get3A_1385 = arith.constant 960 : index
      %get3A_1386 = tpu.vector_load %arg6[%get3A_1385] {strides = array<i32>} : memref<1024xi32, #tpu.memory_space<vmem>>, vector<16xi32>,
      %get3A_1387 = vector.shape_cast %get3A_1386 : vector<16xi32> to vector<16xi32>
      %sub3A_1388 = vector.broadcast %mul3A_0 : i32 to vector<16xi32>
      %sub3A_1389 = arith.subi %get3A_1387, %sub3A_1388 : vector<16xi32>
      %ge3A_1390 = arith.constant 0 : i32
      %ge3A_1391 = vector.broadcast %ge3A_1390 : i32 to vector<16xi32>
      %ge3A_1392 = arith.cmpi sge, %sub3A_1389, %ge3A_1391 : vector<16xi32>
      %lt3A_1393 = arith.constant 25088 : i32
      %lt3A_1394 = vector.broadcast %lt3A_1393 : i32 to vector<16xi32>
      %lt3A_1395 = arith.cmpi slt, %sub3A_1389, %lt3A_1394 : vector<16xi32>
      %and3A_1396 = arith.andi %ge3A_1392, %lt3A_1395 : vector<16xi1>
      %jit3A_1397 = arith.constant 25088 : i32
      %broadcast_in_dim3A_1398 = vector.broadcast %jit3A_1397 : i32 to vector<16xi32>
      %select_n3A_1399 = arith.select %and3A_1396, %sub3A_1389, %broadcast_in_dim3A_1398 : vector<16xi1>, vector<16xi32>
      %swap3A_1400 = arith.constant 7 : i32
      %swap3A_1401 = arith.index_cast %swap3A_1400 : i32 to index
      %swap3A_1402 = arith.constant 64 : index
      %swap3A_1403 = tpu.vector_load %arg7[%swap3A_1401, %swap3A_1402] {strides = array<i32>} : memref<8x128xi32, #tpu.memory_space<vmem>>, vector<1x16xi32>,
      %swap3A_1404 = vector.shape_cast %swap3A_1403 : vector<1x16xi32> to vector<16xi32>
      %swap3A_1405 = vector.shape_cast %select_n3A_1399 : vector<16xi32> to vector<1x16xi32>
      tpu.vector_store %arg7[%swap3A_1401, %swap3A_1402], %swap3A_1405 {strides = array<i32>} : memref<8x128xi32, #tpu.memory_space<vmem>>, vector<1x16xi32>,
      %get3A_1406 = arith.constant 976 : index
      %get3A_1407 = tpu.vector_load %arg6[%get3A_1406] {strides = array<i32>} : memref<1024xi32, #tpu.memory_space<vmem>>, vector<16xi32>,
      %get3A_1408 = vector.shape_cast %get3A_1407 : vector<16xi32> to vector<16xi32>
      %sub3A_1409 = vector.broadcast %mul3A_0 : i32 to vector<16xi32>
      %sub3A_1410 = arith.subi %get3A_1408, %sub3A_1409 : vector<16xi32>
      %ge3A_1411 = arith.constant 0 : i32
      %ge3A_1412 = vector.broadcast %ge3A_1411 : i32 to vector<16xi32>
      %ge3A_1413 = arith.cmpi sge, %sub3A_1410, %ge3A_1412 : vector<16xi32>
      %lt3A_1414 = arith.constant 25088 : i32
      %lt3A_1415 = vector.broadcast %lt3A_1414 : i32 to vector<16xi32>
      %lt3A_1416 = arith.cmpi slt, %sub3A_1410, %lt3A_1415 : vector<16xi32>
      %and3A_1417 = arith.andi %ge3A_1413, %lt3A_1416 : vector<16xi1>
      %jit3A_1418 = arith.constant 25088 : i32
      %broadcast_in_dim3A_1419 = vector.broadcast %jit3A_1418 : i32 to vector<16xi32>
      %select_n3A_1420 = arith.select %and3A_1417, %sub3A_1410, %broadcast_in_dim3A_1419 : vector<16xi1>, vector<16xi32>
      %swap3A_1421 = arith.constant 7 : i32
      %swap3A_1422 = arith.index_cast %swap3A_1421 : i32 to index
      %swap3A_1423 = arith.constant 80 : index
      %swap3A_1424 = tpu.vector_load %arg7[%swap3A_1422, %swap3A_1423] {strides = array<i32>} : memref<8x128xi32, #tpu.memory_space<vmem>>, vector<1x16xi32>,
      %swap3A_1425 = vector.shape_cast %swap3A_1424 : vector<1x16xi32> to vector<16xi32>
      %swap3A_1426 = vector.shape_cast %select_n3A_1420 : vector<16xi32> to vector<1x16xi32>
      tpu.vector_store %arg7[%swap3A_1422, %swap3A_1423], %swap3A_1426 {strides = array<i32>} : memref<8x128xi32, #tpu.memory_space<vmem>>, vector<1x16xi32>,
      %get3A_1427 = arith.constant 992 : index
      %get3A_1428 = tpu.vector_load %arg6[%get3A_1427] {strides = array<i32>} : memref<1024xi32, #tpu.memory_space<vmem>>, vector<16xi32>,
      %get3A_1429 = vector.shape_cast %get3A_1428 : vector<16xi32> to vector<16xi32>
      %sub3A_1430 = vector.broadcast %mul3A_0 : i32 to vector<16xi32>
      %sub3A_1431 = arith.subi %get3A_1429, %sub3A_1430 : vector<16xi32>
      %ge3A_1432 = arith.constant 0 : i32
      %ge3A_1433 = vector.broadcast %ge3A_1432 : i32 to vector<16xi32>
      %ge3A_1434 = arith.cmpi sge, %sub3A_1431, %ge3A_1433 : vector<16xi32>
      %lt3A_1435 = arith.constant 25088 : i32
      %lt3A_1436 = vector.broadcast %lt3A_1435 : i32 to vector<16xi32>
      %lt3A_1437 = arith.cmpi slt, %sub3A_1431, %lt3A_1436 : vector<16xi32>
      %and3A_1438 = arith.andi %ge3A_1434, %lt3A_1437 : vector<16xi1>
      %jit3A_1439 = arith.constant 25088 : i32
      %broadcast_in_dim3A_1440 = vector.broadcast %jit3A_1439 : i32 to vector<16xi32>
      %select_n3A_1441 = arith.select %and3A_1438, %sub3A_1431, %broadcast_in_dim3A_1440 : vector<16xi1>, vector<16xi32>
      %swap3A_1442 = arith.constant 7 : i32
      %swap3A_1443 = arith.index_cast %swap3A_1442 : i32 to index
      %swap3A_1444 = arith.constant 96 : index
      %swap3A_1445 = tpu.vector_load %arg7[%swap3A_1443, %swap3A_1444] {strides = array<i32>} : memref<8x128xi32, #tpu.memory_space<vmem>>, vector<1x16xi32>,
      %swap3A_1446 = vector.shape_cast %swap3A_1445 : vector<1x16xi32> to vector<16xi32>
      %swap3A_1447 = vector.shape_cast %select_n3A_1441 : vector<16xi32> to vector<1x16xi32>
      tpu.vector_store %arg7[%swap3A_1443, %swap3A_1444], %swap3A_1447 {strides = array<i32>} : memref<8x128xi32, #tpu.memory_space<vmem>>, vector<1x16xi32>,
      %get3A_1448 = arith.constant 1008 : index
      %get3A_1449 = tpu.vector_load %arg6[%get3A_1448] {strides = array<i32>} : memref<1024xi32, #tpu.memory_space<vmem>>, vector<16xi32>,
      %get3A_1450 = vector.shape_cast %get3A_1449 : vector<16xi32> to vector<16xi32>
      %sub3A_1451 = vector.broadcast %mul3A_0 : i32 to vector<16xi32>
      %sub3A_1452 = arith.subi %get3A_1450, %sub3A_1451 : vector<16xi32>
      %ge3A_1453 = arith.constant 0 : i32
      %ge3A_1454 = vector.broadcast %ge3A_1453 : i32 to vector<16xi32>
      %ge3A_1455 = arith.cmpi sge, %sub3A_1452, %ge3A_1454 : vector<16xi32>
      %lt3A_1456 = arith.constant 25088 : i32
      %lt3A_1457 = vector.broadcast %lt3A_1456 : i32 to vector<16xi32>
      %lt3A_1458 = arith.cmpi slt, %sub3A_1452, %lt3A_1457 : vector<16xi32>
      %and3A_1459 = arith.andi %ge3A_1455, %lt3A_1458 : vector<16xi1>
      %jit3A_1460 = arith.constant 25088 : i32
      %broadcast_in_dim3A_1461 = vector.broadcast %jit3A_1460 : i32 to vector<16xi32>
      %select_n3A_1462 = arith.select %and3A_1459, %sub3A_1452, %broadcast_in_dim3A_1461 : vector<16xi1>, vector<16xi32>
      %swap3A_1463 = arith.constant 7 : i32
      %swap3A_1464 = arith.index_cast %swap3A_1463 : i32 to index
      %swap3A_1465 = arith.constant 112 : index
      %swap3A_1466 = tpu.vector_load %arg7[%swap3A_1464, %swap3A_1465] {strides = array<i32>} : memref<8x128xi32, #tpu.memory_space<vmem>>, vector<1x16xi32>,
      %swap3A_1467 = vector.shape_cast %swap3A_1466 : vector<1x16xi32> to vector<16xi32>
      %swap3A_1468 = vector.shape_cast %select_n3A_1462 : vector<16xi32> to vector<1x16xi32>
      tpu.vector_store %arg7[%swap3A_1464, %swap3A_1465], %swap3A_1468 {strides = array<i32>} : memref<8x128xi32, #tpu.memory_space<vmem>>, vector<1x16xi32>,
      %dma_start3A_1469 = arith.constant 7 : i32
      %dma_start3A_1470 = arith.constant 896 : i32
      %dma_start3A_1471 = arith.constant 0 : i32
      %dma_start3A_1472 = tpu.memref_slice %arg8[%dma_start3A_1470, %dma_start3A_1471] : memref<1024x32xf32, #tpu.memory_space<vmem>> -> memref<128x32xf32, #tpu.memory_space<vmem>>
      %dma_start3A_1473 = arith.constant 0 : i32
      %dma_start3A_1474 = tpu.memref_slice %arg7[%dma_start3A_1469, %dma_start3A_1473] : memref<8x128xi32, #tpu.memory_space<vmem>> -> memref<1x128xi32, #tpu.memory_space<vmem>>
      %dma_start3A_1475 = tpu.memref_squeeze %dma_start3A_1474 : memref<1x128xi32, #tpu.memory_space<vmem>> -> memref<128xi32, #tpu.memory_space<vmem>>
      %dma_start3A_1476 = arith.constant 0 : i32
      %dma_start3A_1477 = arith.constant 0 : i32
      %dma_start3A_1478 = tpu.memref_slice %arg9[%dma_start3A_1476, %dma_start3A_1477] : memref<25104x32xf32, #tpu.memory_space<vmem_shared>> -> memref<25104x32xf32, #tpu.memory_space<vmem_shared>>
      tpu.enqueue_indirect_dma source(%dma_start3A_1472 : memref<128x32xf32, #tpu.memory_space<vmem>>) target(%dma_start3A_1478 : memref<25104x32xf32, #tpu.memory_space<vmem_shared>>) offsets(%dma_start3A_1475 : memref<128xi32, #tpu.memory_space<vmem>>) semaphore(%arg10 : memref<!tpu.dma_semaphore, #tpu.memory_space<semaphore_mem>>) {add = true}
      %dma_wait3A = arith.constant 0 : i32
      %dma_wait3A_1479 = arith.constant 0 : i32
      %dma_wait3A_1480 = arith.constant 0 : i32
      %dma_wait3A_1481 = tpu.memref_slice %arg8[%dma_wait3A_1479, %dma_wait3A_1480] : memref<1024x32xf32, #tpu.memory_space<vmem>> -> memref<128x32xf32, #tpu.memory_space<vmem>>
      %dma_wait3A_1482 = arith.constant 0 : i32
      %dma_wait3A_1483 = tpu.memref_slice %arg7[%dma_wait3A, %dma_wait3A_1482] : memref<8x128xi32, #tpu.memory_space<vmem>> -> memref<1x128xi32, #tpu.memory_space<vmem>>
      %dma_wait3A_1484 = tpu.memref_squeeze %dma_wait3A_1483 : memref<1x128xi32, #tpu.memory_space<vmem>> -> memref<128xi32, #tpu.memory_space<vmem>>
      %dma_wait3A_1485 = arith.constant 0 : i32
      %dma_wait3A_1486 = arith.constant 0 : i32
      %dma_wait3A_1487 = tpu.memref_slice %arg9[%dma_wait3A_1485, %dma_wait3A_1486] : memref<25104x32xf32, #tpu.memory_space<vmem_shared>> -> memref<25104x32xf32, #tpu.memory_space<vmem_shared>>
      tpu.wait_indirect_dma semaphore(%arg10 : memref<!tpu.dma_semaphore, #tpu.memory_space<semaphore_mem>>) src(%dma_wait3A_1481 : memref<128x32xf32, #tpu.memory_space<vmem>>) dst(%dma_wait3A_1487 : memref<25104x32xf32, #tpu.memory_space<vmem_shared>>)
      %dma_wait3A_1488 = arith.constant 1 : i32
      %dma_wait3A_1489 = arith.constant 128 : i32
      %dma_wait3A_1490 = arith.constant 0 : i32
      %dma_wait3A_1491 = tpu.memref_slice %arg8[%dma_wait3A_1489, %dma_wait3A_1490] : memref<1024x32xf32, #tpu.memory_space<vmem>> -> memref<128x32xf32, #tpu.memory_space<vmem>>
      %dma_wait3A_1492 = arith.constant 0 : i32
      %dma_wait3A_1493 = tpu.memref_slice %arg7[%dma_wait3A_1488, %dma_wait3A_1492] : memref<8x128xi32, #tpu.memory_space<vmem>> -> memref<1x128xi32, #tpu.memory_space<vmem>>
      %dma_wait3A_1494 = tpu.memref_squeeze %dma_wait3A_1493 : memref<1x128xi32, #tpu.memory_space<vmem>> -> memref<128xi32, #tpu.memory_space<vmem>>
      %dma_wait3A_1495 = arith.constant 0 : i32
      %dma_wait3A_1496 = arith.constant 0 : i32
      %dma_wait3A_1497 = tpu.memref_slice %arg9[%dma_wait3A_1495, %dma_wait3A_1496] : memref<25104x32xf32, #tpu.memory_space<vmem_shared>> -> memref<25104x32xf32, #tpu.memory_space<vmem_shared>>
      tpu.wait_indirect_dma semaphore(%arg10 : memref<!tpu.dma_semaphore, #tpu.memory_space<semaphore_mem>>) src(%dma_wait3A_1491 : memref<128x32xf32, #tpu.memory_space<vmem>>) dst(%dma_wait3A_1497 : memref<25104x32xf32, #tpu.memory_space<vmem_shared>>)
      %dma_wait3A_1498 = arith.constant 2 : i32
      %dma_wait3A_1499 = arith.constant 256 : i32
      %dma_wait3A_1500 = arith.constant 0 : i32
      %dma_wait3A_1501 = tpu.memref_slice %arg8[%dma_wait3A_1499, %dma_wait3A_1500] : memref<1024x32xf32, #tpu.memory_space<vmem>> -> memref<128x32xf32, #tpu.memory_space<vmem>>
      %dma_wait3A_1502 = arith.constant 0 : i32
      %dma_wait3A_1503 = tpu.memref_slice %arg7[%dma_wait3A_1498, %dma_wait3A_1502] : memref<8x128xi32, #tpu.memory_space<vmem>> -> memref<1x128xi32, #tpu.memory_space<vmem>>
      %dma_wait3A_1504 = tpu.memref_squeeze %dma_wait3A_1503 : memref<1x128xi32, #tpu.memory_space<vmem>> -> memref<128xi32, #tpu.memory_space<vmem>>
      %dma_wait3A_1505 = arith.constant 0 : i32
      %dma_wait3A_1506 = arith.constant 0 : i32
      %dma_wait3A_1507 = tpu.memref_slice %arg9[%dma_wait3A_1505, %dma_wait3A_1506] : memref<25104x32xf32, #tpu.memory_space<vmem_shared>> -> memref<25104x32xf32, #tpu.memory_space<vmem_shared>>
      tpu.wait_indirect_dma semaphore(%arg10 : memref<!tpu.dma_semaphore, #tpu.memory_space<semaphore_mem>>) src(%dma_wait3A_1501 : memref<128x32xf32, #tpu.memory_space<vmem>>) dst(%dma_wait3A_1507 : memref<25104x32xf32, #tpu.memory_space<vmem_shared>>)
      %dma_wait3A_1508 = arith.constant 3 : i32
      %dma_wait3A_1509 = arith.constant 384 : i32
      %dma_wait3A_1510 = arith.constant 0 : i32
      %dma_wait3A_1511 = tpu.memref_slice %arg8[%dma_wait3A_1509, %dma_wait3A_1510] : memref<1024x32xf32, #tpu.memory_space<vmem>> -> memref<128x32xf32, #tpu.memory_space<vmem>>
      %dma_wait3A_1512 = arith.constant 0 : i32
      %dma_wait3A_1513 = tpu.memref_slice %arg7[%dma_wait3A_1508, %dma_wait3A_1512] : memref<8x128xi32, #tpu.memory_space<vmem>> -> memref<1x128xi32, #tpu.memory_space<vmem>>
      %dma_wait3A_1514 = tpu.memref_squeeze %dma_wait3A_1513 : memref<1x128xi32, #tpu.memory_space<vmem>> -> memref<128xi32, #tpu.memory_space<vmem>>
      %dma_wait3A_1515 = arith.constant 0 : i32
      %dma_wait3A_1516 = arith.constant 0 : i32
      %dma_wait3A_1517 = tpu.memref_slice %arg9[%dma_wait3A_1515, %dma_wait3A_1516] : memref<25104x32xf32, #tpu.memory_space<vmem_shared>> -> memref<25104x32xf32, #tpu.memory_space<vmem_shared>>
      tpu.wait_indirect_dma semaphore(%arg10 : memref<!tpu.dma_semaphore, #tpu.memory_space<semaphore_mem>>) src(%dma_wait3A_1511 : memref<128x32xf32, #tpu.memory_space<vmem>>) dst(%dma_wait3A_1517 : memref<25104x32xf32, #tpu.memory_space<vmem_shared>>)
      %dma_wait3A_1518 = arith.constant 4 : i32
      %dma_wait3A_1519 = arith.constant 512 : i32
      %dma_wait3A_1520 = arith.constant 0 : i32
      %dma_wait3A_1521 = tpu.memref_slice %arg8[%dma_wait3A_1519, %dma_wait3A_1520] : memref<1024x32xf32, #tpu.memory_space<vmem>> -> memref<128x32xf32, #tpu.memory_space<vmem>>
      %dma_wait3A_1522 = arith.constant 0 : i32
      %dma_wait3A_1523 = tpu.memref_slice %arg7[%dma_wait3A_1518, %dma_wait3A_1522] : memref<8x128xi32, #tpu.memory_space<vmem>> -> memref<1x128xi32, #tpu.memory_space<vmem>>
      %dma_wait3A_1524 = tpu.memref_squeeze %dma_wait3A_1523 : memref<1x128xi32, #tpu.memory_space<vmem>> -> memref<128xi32, #tpu.memory_space<vmem>>
      %dma_wait3A_1525 = arith.constant 0 : i32
      %dma_wait3A_1526 = arith.constant 0 : i32
      %dma_wait3A_1527 = tpu.memref_slice %arg9[%dma_wait3A_1525, %dma_wait3A_1526] : memref<25104x32xf32, #tpu.memory_space<vmem_shared>> -> memref<25104x32xf32, #tpu.memory_space<vmem_shared>>
      tpu.wait_indirect_dma semaphore(%arg10 : memref<!tpu.dma_semaphore, #tpu.memory_space<semaphore_mem>>) src(%dma_wait3A_1521 : memref<128x32xf32, #tpu.memory_space<vmem>>) dst(%dma_wait3A_1527 : memref<25104x32xf32, #tpu.memory_space<vmem_shared>>)
      %dma_wait3A_1528 = arith.constant 5 : i32
      %dma_wait3A_1529 = arith.constant 640 : i32
      %dma_wait3A_1530 = arith.constant 0 : i32
      %dma_wait3A_1531 = tpu.memref_slice %arg8[%dma_wait3A_1529, %dma_wait3A_1530] : memref<1024x32xf32, #tpu.memory_space<vmem>> -> memref<128x32xf32, #tpu.memory_space<vmem>>
      %dma_wait3A_1532 = arith.constant 0 : i32
      %dma_wait3A_1533 = tpu.memref_slice %arg7[%dma_wait3A_1528, %dma_wait3A_1532] : memref<8x128xi32, #tpu.memory_space<vmem>> -> memref<1x128xi32, #tpu.memory_space<vmem>>
      %dma_wait3A_1534 = tpu.memref_squeeze %dma_wait3A_1533 : memref<1x128xi32, #tpu.memory_space<vmem>> -> memref<128xi32, #tpu.memory_space<vmem>>
      %dma_wait3A_1535 = arith.constant 0 : i32
      %dma_wait3A_1536 = arith.constant 0 : i32
      %dma_wait3A_1537 = tpu.memref_slice %arg9[%dma_wait3A_1535, %dma_wait3A_1536] : memref<25104x32xf32, #tpu.memory_space<vmem_shared>> -> memref<25104x32xf32, #tpu.memory_space<vmem_shared>>
      tpu.wait_indirect_dma semaphore(%arg10 : memref<!tpu.dma_semaphore, #tpu.memory_space<semaphore_mem>>) src(%dma_wait3A_1531 : memref<128x32xf32, #tpu.memory_space<vmem>>) dst(%dma_wait3A_1537 : memref<25104x32xf32, #tpu.memory_space<vmem_shared>>)
      %dma_wait3A_1538 = arith.constant 6 : i32
      %dma_wait3A_1539 = arith.constant 768 : i32
      %dma_wait3A_1540 = arith.constant 0 : i32
      %dma_wait3A_1541 = tpu.memref_slice %arg8[%dma_wait3A_1539, %dma_wait3A_1540] : memref<1024x32xf32, #tpu.memory_space<vmem>> -> memref<128x32xf32, #tpu.memory_space<vmem>>
      %dma_wait3A_1542 = arith.constant 0 : i32
      %dma_wait3A_1543 = tpu.memref_slice %arg7[%dma_wait3A_1538, %dma_wait3A_1542] : memref<8x128xi32, #tpu.memory_space<vmem>> -> memref<1x128xi32, #tpu.memory_space<vmem>>
      %dma_wait3A_1544 = tpu.memref_squeeze %dma_wait3A_1543 : memref<1x128xi32, #tpu.memory_space<vmem>> -> memref<128xi32, #tpu.memory_space<vmem>>
      %dma_wait3A_1545 = arith.constant 0 : i32
      %dma_wait3A_1546 = arith.constant 0 : i32
      %dma_wait3A_1547 = tpu.memref_slice %arg9[%dma_wait3A_1545, %dma_wait3A_1546] : memref<25104x32xf32, #tpu.memory_space<vmem_shared>> -> memref<25104x32xf32, #tpu.memory_space<vmem_shared>>
      tpu.wait_indirect_dma semaphore(%arg10 : memref<!tpu.dma_semaphore, #tpu.memory_space<semaphore_mem>>) src(%dma_wait3A_1541 : memref<128x32xf32, #tpu.memory_space<vmem>>) dst(%dma_wait3A_1547 : memref<25104x32xf32, #tpu.memory_space<vmem_shared>>)
      %dma_wait3A_1548 = arith.constant 7 : i32
      %dma_wait3A_1549 = arith.constant 896 : i32
      %dma_wait3A_1550 = arith.constant 0 : i32
      %dma_wait3A_1551 = tpu.memref_slice %arg8[%dma_wait3A_1549, %dma_wait3A_1550] : memref<1024x32xf32, #tpu.memory_space<vmem>> -> memref<128x32xf32, #tpu.memory_space<vmem>>
      %dma_wait3A_1552 = arith.constant 0 : i32
      %dma_wait3A_1553 = tpu.memref_slice %arg7[%dma_wait3A_1548, %dma_wait3A_1552] : memref<8x128xi32, #tpu.memory_space<vmem>> -> memref<1x128xi32, #tpu.memory_space<vmem>>
      %dma_wait3A_1554 = tpu.memref_squeeze %dma_wait3A_1553 : memref<1x128xi32, #tpu.memory_space<vmem>> -> memref<128xi32, #tpu.memory_space<vmem>>
      %dma_wait3A_1555 = arith.constant 0 : i32
      %dma_wait3A_1556 = arith.constant 0 : i32
      %dma_wait3A_1557 = tpu.memref_slice %arg9[%dma_wait3A_1555, %dma_wait3A_1556] : memref<25104x32xf32, #tpu.memory_space<vmem_shared>> -> memref<25104x32xf32, #tpu.memory_space<vmem_shared>>
      tpu.wait_indirect_dma semaphore(%arg10 : memref<!tpu.dma_semaphore, #tpu.memory_space<semaphore_mem>>) src(%dma_wait3A_1551 : memref<128x32xf32, #tpu.memory_space<vmem>>) dst(%dma_wait3A_1557 : memref<25104x32xf32, #tpu.memory_space<vmem_shared>>)
    }
    %mul3A_37 = arith.constant 8 : i32
    %mul3A_38 = arith.muli %select_n3A_27, %mul3A_37 : i32
    %while3A_39 = arith.constant 0 : i32
    %while3A_40 = arith.subi %add3A_5, %mul3A_38 : i32
    %while3A_41 = arith.addi %mul3A_38, %while3A_40 : i32
    %while3A_42 = arith.constant 1 : i32
    %while3A_43 = arith.divsi %while3A_40, %while3A_42 : i32
    %while3A_44 = arith.muli %while3A_43, %while3A_42 : i32
    %while3A_45 = arith.addi %mul3A_38, %while3A_44 : i32
    %while3A_46 = arith.constant 1 : i32
    scf.for %while3A_54 = %mul3A_38 to %while3A_45 step %while3A_46  : i32 {
      %add3A_55 = arith.addi %add3A_9, %while3A_54 : i32
      %mul3A_56 = arith.constant 128 : i32
      %mul3A_57 = arith.muli %add3A_55, %mul3A_56 : i32
      "tpu.region"() ({
        %run_scoped3A_222 = tpu.sem_alloc : memref<!tpu.dma_semaphore, #tpu.memory_space<semaphore_mem>>
        %dma_start3A = arith.constant 0 : i32
        %dma_start3A_223 = tpu.memref_slice %arg6[%dma_start3A] : memref<1024xi32, #tpu.memory_space<vmem>> -> memref<128xi32, #tpu.memory_space<vmem>>
        %dma_start3A_224 = tpu.memref_slice %arg3[%mul3A_57] : memref<800000xi32, #tpu.memory_space<hbm>> -> memref<128xi32, #tpu.memory_space<hbm>>
        %dma_start3A_225 = arith.constant 0 : i32
        %dma_start3A_226 = tpu.memref_slice %arg6[%dma_start3A_225] : memref<1024xi32, #tpu.memory_space<vmem>> -> memref<128xi32, #tpu.memory_space<vmem>>
        %dma_start3A_227 = tpu.memref_slice %arg3[%mul3A_57] : memref<800000xi32, #tpu.memory_space<hbm>> -> memref<128xi32, #tpu.memory_space<hbm>>
        tpu.enqueue_dma source(%dma_start3A_227 : memref<128xi32, #tpu.memory_space<hbm>>) target(%dma_start3A_226 : memref<128xi32, #tpu.memory_space<vmem>>) target_semaphore(%run_scoped3A_222 : memref<!tpu.dma_semaphore, #tpu.memory_space<semaphore_mem>>)
        %dma_wait3A = arith.constant 0 : i32
        %dma_wait3A_228 = tpu.memref_slice %arg6[%dma_wait3A] : memref<1024xi32, #tpu.memory_space<vmem>> -> memref<128xi32, #tpu.memory_space<vmem>>
        %dma_wait3A_229 = tpu.memref_slice %arg3[%mul3A_57] : memref<800000xi32, #tpu.memory_space<hbm>> -> memref<128xi32, #tpu.memory_space<hbm>>
        %dma_wait3A_230 = arith.constant 0 : i32
        %dma_wait3A_231 = tpu.memref_slice %arg6[%dma_wait3A_230] : memref<1024xi32, #tpu.memory_space<vmem>> -> memref<128xi32, #tpu.memory_space<vmem>>
        %dma_wait3A_232 = tpu.memref_slice %arg3[%mul3A_57] : memref<800000xi32, #tpu.memory_space<hbm>> -> memref<128xi32, #tpu.memory_space<hbm>>
        tpu.wait_dma2 semaphore(%run_scoped3A_222 : memref<!tpu.dma_semaphore, #tpu.memory_space<semaphore_mem>>) src(%dma_wait3A_232 : memref<128xi32, #tpu.memory_space<hbm>>) dst(%dma_wait3A_231 : memref<128xi32, #tpu.memory_space<vmem>>)
        tpu.yield
      }) : () -> ()
      "tpu.region"() ({
        %run_scoped3A_222 = tpu.sem_alloc : memref<!tpu.dma_semaphore, #tpu.memory_space<semaphore_mem>>
        %dma_start3A = arith.constant 0 : i32
        %dma_start3A_223 = arith.constant 0 : i32
        %dma_start3A_224 = tpu.memref_slice %arg8[%dma_start3A, %dma_start3A_223] : memref<1024x32xf32, #tpu.memory_space<vmem>> -> memref<128x32xf32, #tpu.memory_space<vmem>>
        %dma_start3A_225 = arith.constant 0 : i32
        %dma_start3A_226 = tpu.memref_slice %arg2[%mul3A_57, %dma_start3A_225] : memref<800000x32xf32, #tpu.memory_space<hbm>> -> memref<128x32xf32, #tpu.memory_space<hbm>>
        %dma_start3A_227 = arith.constant 0 : i32
        %dma_start3A_228 = arith.constant 0 : i32
        %dma_start3A_229 = tpu.memref_slice %arg8[%dma_start3A_227, %dma_start3A_228] : memref<1024x32xf32, #tpu.memory_space<vmem>> -> memref<128x32xf32, #tpu.memory_space<vmem>>
        %dma_start3A_230 = arith.constant 0 : i32
        %dma_start3A_231 = tpu.memref_slice %arg2[%mul3A_57, %dma_start3A_230] : memref<800000x32xf32, #tpu.memory_space<hbm>> -> memref<128x32xf32, #tpu.memory_space<hbm>>
        tpu.enqueue_dma source(%dma_start3A_231 : memref<128x32xf32, #tpu.memory_space<hbm>>) target(%dma_start3A_229 : memref<128x32xf32, #tpu.memory_space<vmem>>) target_semaphore(%run_scoped3A_222 : memref<!tpu.dma_semaphore, #tpu.memory_space<semaphore_mem>>)
        %dma_wait3A = arith.constant 0 : i32
        %dma_wait3A_232 = arith.constant 0 : i32
        %dma_wait3A_233 = tpu.memref_slice %arg8[%dma_wait3A, %dma_wait3A_232] : memref<1024x32xf32, #tpu.memory_space<vmem>> -> memref<128x32xf32, #tpu.memory_space<vmem>>
        %dma_wait3A_234 = arith.constant 0 : i32
        %dma_wait3A_235 = tpu.memref_slice %arg2[%mul3A_57, %dma_wait3A_234] : memref<800000x32xf32, #tpu.memory_space<hbm>> -> memref<128x32xf32, #tpu.memory_space<hbm>>
        %dma_wait3A_236 = arith.constant 0 : i32
        %dma_wait3A_237 = arith.constant 0 : i32
        %dma_wait3A_238 = tpu.memref_slice %arg8[%dma_wait3A_236, %dma_wait3A_237] : memref<1024x32xf32, #tpu.memory_space<vmem>> -> memref<128x32xf32, #tpu.memory_space<vmem>>
        %dma_wait3A_239 = arith.constant 0 : i32
        %dma_wait3A_240 = tpu.memref_slice %arg2[%mul3A_57, %dma_wait3A_239] : memref<800000x32xf32, #tpu.memory_space<hbm>> -> memref<128x32xf32, #tpu.memory_space<hbm>>
        tpu.wait_dma2 semaphore(%run_scoped3A_222 : memref<!tpu.dma_semaphore, #tpu.memory_space<semaphore_mem>>) src(%dma_wait3A_240 : memref<128x32xf32, #tpu.memory_space<hbm>>) dst(%dma_wait3A_238 : memref<128x32xf32, #tpu.memory_space<vmem>>)
        tpu.yield
      }) : () -> ()
      %get3A = arith.constant 0 : index
      %get3A_58 = tpu.vector_load %arg6[%get3A] {strides = array<i32>} : memref<1024xi32, #tpu.memory_space<vmem>>, vector<16xi32>,
      %get3A_59 = vector.shape_cast %get3A_58 : vector<16xi32> to vector<16xi32>
      %sub3A_60 = vector.broadcast %mul3A_0 : i32 to vector<16xi32>
      %sub3A_61 = arith.subi %get3A_59, %sub3A_60 : vector<16xi32>
      %ge3A = arith.constant 0 : i32
      %ge3A_62 = vector.broadcast %ge3A : i32 to vector<16xi32>
      %ge3A_63 = arith.cmpi sge, %sub3A_61, %ge3A_62 : vector<16xi32>
      %lt3A_64 = arith.constant 25088 : i32
      %lt3A_65 = vector.broadcast %lt3A_64 : i32 to vector<16xi32>
      %lt3A_66 = arith.cmpi slt, %sub3A_61, %lt3A_65 : vector<16xi32>
      %and3A_67 = arith.andi %ge3A_63, %lt3A_66 : vector<16xi1>
      %jit3A_68 = arith.constant 25088 : i32
      %broadcast_in_dim3A = vector.broadcast %jit3A_68 : i32 to vector<16xi32>
      %select_n3A_69 = arith.select %and3A_67, %sub3A_61, %broadcast_in_dim3A : vector<16xi1>, vector<16xi32>
      %swap3A = arith.constant 0 : i32
      %swap3A_70 = arith.index_cast %swap3A : i32 to index
      %swap3A_71 = arith.constant 0 : index
      %swap3A_72 = tpu.vector_load %arg7[%swap3A_70, %swap3A_71] {strides = array<i32>} : memref<8x128xi32, #tpu.memory_space<vmem>>, vector<1x16xi32>,
      %swap3A_73 = vector.shape_cast %swap3A_72 : vector<1x16xi32> to vector<16xi32>
      %swap3A_74 = vector.shape_cast %select_n3A_69 : vector<16xi32> to vector<1x16xi32>
      tpu.vector_store %arg7[%swap3A_70, %swap3A_71], %swap3A_74 {strides = array<i32>} : memref<8x128xi32, #tpu.memory_space<vmem>>, vector<1x16xi32>,
      %get3A_75 = arith.constant 16 : index
      %get3A_76 = tpu.vector_load %arg6[%get3A_75] {strides = array<i32>} : memref<1024xi32, #tpu.memory_space<vmem>>, vector<16xi32>,
      %get3A_77 = vector.shape_cast %get3A_76 : vector<16xi32> to vector<16xi32>
      %sub3A_78 = vector.broadcast %mul3A_0 : i32 to vector<16xi32>
      %sub3A_79 = arith.subi %get3A_77, %sub3A_78 : vector<16xi32>
      %ge3A_80 = arith.constant 0 : i32
      %ge3A_81 = vector.broadcast %ge3A_80 : i32 to vector<16xi32>
      %ge3A_82 = arith.cmpi sge, %sub3A_79, %ge3A_81 : vector<16xi32>
      %lt3A_83 = arith.constant 25088 : i32
      %lt3A_84 = vector.broadcast %lt3A_83 : i32 to vector<16xi32>
      %lt3A_85 = arith.cmpi slt, %sub3A_79, %lt3A_84 : vector<16xi32>
      %and3A_86 = arith.andi %ge3A_82, %lt3A_85 : vector<16xi1>
      %jit3A_87 = arith.constant 25088 : i32
      %broadcast_in_dim3A_88 = vector.broadcast %jit3A_87 : i32 to vector<16xi32>
      %select_n3A_89 = arith.select %and3A_86, %sub3A_79, %broadcast_in_dim3A_88 : vector<16xi1>, vector<16xi32>
      %swap3A_90 = arith.constant 0 : i32
      %swap3A_91 = arith.index_cast %swap3A_90 : i32 to index
      %swap3A_92 = arith.constant 16 : index
      %swap3A_93 = tpu.vector_load %arg7[%swap3A_91, %swap3A_92] {strides = array<i32>} : memref<8x128xi32, #tpu.memory_space<vmem>>, vector<1x16xi32>,
      %swap3A_94 = vector.shape_cast %swap3A_93 : vector<1x16xi32> to vector<16xi32>
      %swap3A_95 = vector.shape_cast %select_n3A_89 : vector<16xi32> to vector<1x16xi32>
      tpu.vector_store %arg7[%swap3A_91, %swap3A_92], %swap3A_95 {strides = array<i32>} : memref<8x128xi32, #tpu.memory_space<vmem>>, vector<1x16xi32>,
      %get3A_96 = arith.constant 32 : index
      %get3A_97 = tpu.vector_load %arg6[%get3A_96] {strides = array<i32>} : memref<1024xi32, #tpu.memory_space<vmem>>, vector<16xi32>,
      %get3A_98 = vector.shape_cast %get3A_97 : vector<16xi32> to vector<16xi32>
      %sub3A_99 = vector.broadcast %mul3A_0 : i32 to vector<16xi32>
      %sub3A_100 = arith.subi %get3A_98, %sub3A_99 : vector<16xi32>
      %ge3A_101 = arith.constant 0 : i32
      %ge3A_102 = vector.broadcast %ge3A_101 : i32 to vector<16xi32>
      %ge3A_103 = arith.cmpi sge, %sub3A_100, %ge3A_102 : vector<16xi32>
      %lt3A_104 = arith.constant 25088 : i32
      %lt3A_105 = vector.broadcast %lt3A_104 : i32 to vector<16xi32>
      %lt3A_106 = arith.cmpi slt, %sub3A_100, %lt3A_105 : vector<16xi32>
      %and3A_107 = arith.andi %ge3A_103, %lt3A_106 : vector<16xi1>
      %jit3A_108 = arith.constant 25088 : i32
      %broadcast_in_dim3A_109 = vector.broadcast %jit3A_108 : i32 to vector<16xi32>
      %select_n3A_110 = arith.select %and3A_107, %sub3A_100, %broadcast_in_dim3A_109 : vector<16xi1>, vector<16xi32>
      %swap3A_111 = arith.constant 0 : i32
      %swap3A_112 = arith.index_cast %swap3A_111 : i32 to index
      %swap3A_113 = arith.constant 32 : index
      %swap3A_114 = tpu.vector_load %arg7[%swap3A_112, %swap3A_113] {strides = array<i32>} : memref<8x128xi32, #tpu.memory_space<vmem>>, vector<1x16xi32>,
      %swap3A_115 = vector.shape_cast %swap3A_114 : vector<1x16xi32> to vector<16xi32>
      %swap3A_116 = vector.shape_cast %select_n3A_110 : vector<16xi32> to vector<1x16xi32>
      tpu.vector_store %arg7[%swap3A_112, %swap3A_113], %swap3A_116 {strides = array<i32>} : memref<8x128xi32, #tpu.memory_space<vmem>>, vector<1x16xi32>,
      %get3A_117 = arith.constant 48 : index
      %get3A_118 = tpu.vector_load %arg6[%get3A_117] {strides = array<i32>} : memref<1024xi32, #tpu.memory_space<vmem>>, vector<16xi32>,
      %get3A_119 = vector.shape_cast %get3A_118 : vector<16xi32> to vector<16xi32>
      %sub3A_120 = vector.broadcast %mul3A_0 : i32 to vector<16xi32>
      %sub3A_121 = arith.subi %get3A_119, %sub3A_120 : vector<16xi32>
      %ge3A_122 = arith.constant 0 : i32
      %ge3A_123 = vector.broadcast %ge3A_122 : i32 to vector<16xi32>
      %ge3A_124 = arith.cmpi sge, %sub3A_121, %ge3A_123 : vector<16xi32>
      %lt3A_125 = arith.constant 25088 : i32
      %lt3A_126 = vector.broadcast %lt3A_125 : i32 to vector<16xi32>
      %lt3A_127 = arith.cmpi slt, %sub3A_121, %lt3A_126 : vector<16xi32>
      %and3A_128 = arith.andi %ge3A_124, %lt3A_127 : vector<16xi1>
      %jit3A_129 = arith.constant 25088 : i32
      %broadcast_in_dim3A_130 = vector.broadcast %jit3A_129 : i32 to vector<16xi32>
      %select_n3A_131 = arith.select %and3A_128, %sub3A_121, %broadcast_in_dim3A_130 : vector<16xi1>, vector<16xi32>
      %swap3A_132 = arith.constant 0 : i32
      %swap3A_133 = arith.index_cast %swap3A_132 : i32 to index
      %swap3A_134 = arith.constant 48 : index
      %swap3A_135 = tpu.vector_load %arg7[%swap3A_133, %swap3A_134] {strides = array<i32>} : memref<8x128xi32, #tpu.memory_space<vmem>>, vector<1x16xi32>,
      %swap3A_136 = vector.shape_cast %swap3A_135 : vector<1x16xi32> to vector<16xi32>
      %swap3A_137 = vector.shape_cast %select_n3A_131 : vector<16xi32> to vector<1x16xi32>
      tpu.vector_store %arg7[%swap3A_133, %swap3A_134], %swap3A_137 {strides = array<i32>} : memref<8x128xi32, #tpu.memory_space<vmem>>, vector<1x16xi32>,
      %get3A_138 = arith.constant 64 : index
      %get3A_139 = tpu.vector_load %arg6[%get3A_138] {strides = array<i32>} : memref<1024xi32, #tpu.memory_space<vmem>>, vector<16xi32>,
      %get3A_140 = vector.shape_cast %get3A_139 : vector<16xi32> to vector<16xi32>
      %sub3A_141 = vector.broadcast %mul3A_0 : i32 to vector<16xi32>
      %sub3A_142 = arith.subi %get3A_140, %sub3A_141 : vector<16xi32>
      %ge3A_143 = arith.constant 0 : i32
      %ge3A_144 = vector.broadcast %ge3A_143 : i32 to vector<16xi32>
      %ge3A_145 = arith.cmpi sge, %sub3A_142, %ge3A_144 : vector<16xi32>
      %lt3A_146 = arith.constant 25088 : i32
      %lt3A_147 = vector.broadcast %lt3A_146 : i32 to vector<16xi32>
      %lt3A_148 = arith.cmpi slt, %sub3A_142, %lt3A_147 : vector<16xi32>
      %and3A_149 = arith.andi %ge3A_145, %lt3A_148 : vector<16xi1>
      %jit3A_150 = arith.constant 25088 : i32
      %broadcast_in_dim3A_151 = vector.broadcast %jit3A_150 : i32 to vector<16xi32>
      %select_n3A_152 = arith.select %and3A_149, %sub3A_142, %broadcast_in_dim3A_151 : vector<16xi1>, vector<16xi32>
      %swap3A_153 = arith.constant 0 : i32
      %swap3A_154 = arith.index_cast %swap3A_153 : i32 to index
      %swap3A_155 = arith.constant 64 : index
      %swap3A_156 = tpu.vector_load %arg7[%swap3A_154, %swap3A_155] {strides = array<i32>} : memref<8x128xi32, #tpu.memory_space<vmem>>, vector<1x16xi32>,
      %swap3A_157 = vector.shape_cast %swap3A_156 : vector<1x16xi32> to vector<16xi32>
      %swap3A_158 = vector.shape_cast %select_n3A_152 : vector<16xi32> to vector<1x16xi32>
      tpu.vector_store %arg7[%swap3A_154, %swap3A_155], %swap3A_158 {strides = array<i32>} : memref<8x128xi32, #tpu.memory_space<vmem>>, vector<1x16xi32>,
      %get3A_159 = arith.constant 80 : index
      %get3A_160 = tpu.vector_load %arg6[%get3A_159] {strides = array<i32>} : memref<1024xi32, #tpu.memory_space<vmem>>, vector<16xi32>,
      %get3A_161 = vector.shape_cast %get3A_160 : vector<16xi32> to vector<16xi32>
      %sub3A_162 = vector.broadcast %mul3A_0 : i32 to vector<16xi32>
      %sub3A_163 = arith.subi %get3A_161, %sub3A_162 : vector<16xi32>
      %ge3A_164 = arith.constant 0 : i32
      %ge3A_165 = vector.broadcast %ge3A_164 : i32 to vector<16xi32>
      %ge3A_166 = arith.cmpi sge, %sub3A_163, %ge3A_165 : vector<16xi32>
      %lt3A_167 = arith.constant 25088 : i32
      %lt3A_168 = vector.broadcast %lt3A_167 : i32 to vector<16xi32>
      %lt3A_169 = arith.cmpi slt, %sub3A_163, %lt3A_168 : vector<16xi32>
      %and3A_170 = arith.andi %ge3A_166, %lt3A_169 : vector<16xi1>
      %jit3A_171 = arith.constant 25088 : i32
      %broadcast_in_dim3A_172 = vector.broadcast %jit3A_171 : i32 to vector<16xi32>
      %select_n3A_173 = arith.select %and3A_170, %sub3A_163, %broadcast_in_dim3A_172 : vector<16xi1>, vector<16xi32>
      %swap3A_174 = arith.constant 0 : i32
      %swap3A_175 = arith.index_cast %swap3A_174 : i32 to index
      %swap3A_176 = arith.constant 80 : index
      %swap3A_177 = tpu.vector_load %arg7[%swap3A_175, %swap3A_176] {strides = array<i32>} : memref<8x128xi32, #tpu.memory_space<vmem>>, vector<1x16xi32>,
      %swap3A_178 = vector.shape_cast %swap3A_177 : vector<1x16xi32> to vector<16xi32>
      %swap3A_179 = vector.shape_cast %select_n3A_173 : vector<16xi32> to vector<1x16xi32>
      tpu.vector_store %arg7[%swap3A_175, %swap3A_176], %swap3A_179 {strides = array<i32>} : memref<8x128xi32, #tpu.memory_space<vmem>>, vector<1x16xi32>,
      %get3A_180 = arith.constant 96 : index
      %get3A_181 = tpu.vector_load %arg6[%get3A_180] {strides = array<i32>} : memref<1024xi32, #tpu.memory_space<vmem>>, vector<16xi32>,
      %get3A_182 = vector.shape_cast %get3A_181 : vector<16xi32> to vector<16xi32>
      %sub3A_183 = vector.broadcast %mul3A_0 : i32 to vector<16xi32>
      %sub3A_184 = arith.subi %get3A_182, %sub3A_183 : vector<16xi32>
      %ge3A_185 = arith.constant 0 : i32
      %ge3A_186 = vector.broadcast %ge3A_185 : i32 to vector<16xi32>
      %ge3A_187 = arith.cmpi sge, %sub3A_184, %ge3A_186 : vector<16xi32>
      %lt3A_188 = arith.constant 25088 : i32
      %lt3A_189 = vector.broadcast %lt3A_188 : i32 to vector<16xi32>
      %lt3A_190 = arith.cmpi slt, %sub3A_184, %lt3A_189 : vector<16xi32>
      %and3A_191 = arith.andi %ge3A_187, %lt3A_190 : vector<16xi1>
      %jit3A_192 = arith.constant 25088 : i32
      %broadcast_in_dim3A_193 = vector.broadcast %jit3A_192 : i32 to vector<16xi32>
      %select_n3A_194 = arith.select %and3A_191, %sub3A_184, %broadcast_in_dim3A_193 : vector<16xi1>, vector<16xi32>
      %swap3A_195 = arith.constant 0 : i32
      %swap3A_196 = arith.index_cast %swap3A_195 : i32 to index
      %swap3A_197 = arith.constant 96 : index
      %swap3A_198 = tpu.vector_load %arg7[%swap3A_196, %swap3A_197] {strides = array<i32>} : memref<8x128xi32, #tpu.memory_space<vmem>>, vector<1x16xi32>,
      %swap3A_199 = vector.shape_cast %swap3A_198 : vector<1x16xi32> to vector<16xi32>
      %swap3A_200 = vector.shape_cast %select_n3A_194 : vector<16xi32> to vector<1x16xi32>
      tpu.vector_store %arg7[%swap3A_196, %swap3A_197], %swap3A_200 {strides = array<i32>} : memref<8x128xi32, #tpu.memory_space<vmem>>, vector<1x16xi32>,
      %get3A_201 = arith.constant 112 : index
      %get3A_202 = tpu.vector_load %arg6[%get3A_201] {strides = array<i32>} : memref<1024xi32, #tpu.memory_space<vmem>>, vector<16xi32>,
      %get3A_203 = vector.shape_cast %get3A_202 : vector<16xi32> to vector<16xi32>
      %sub3A_204 = vector.broadcast %mul3A_0 : i32 to vector<16xi32>
      %sub3A_205 = arith.subi %get3A_203, %sub3A_204 : vector<16xi32>
      %ge3A_206 = arith.constant 0 : i32
      %ge3A_207 = vector.broadcast %ge3A_206 : i32 to vector<16xi32>
      %ge3A_208 = arith.cmpi sge, %sub3A_205, %ge3A_207 : vector<16xi32>
      %lt3A_209 = arith.constant 25088 : i32
      %lt3A_210 = vector.broadcast %lt3A_209 : i32 to vector<16xi32>
      %lt3A_211 = arith.cmpi slt, %sub3A_205, %lt3A_210 : vector<16xi32>
      %and3A_212 = arith.andi %ge3A_208, %lt3A_211 : vector<16xi1>
      %jit3A_213 = arith.constant 25088 : i32
      %broadcast_in_dim3A_214 = vector.broadcast %jit3A_213 : i32 to vector<16xi32>
      %select_n3A_215 = arith.select %and3A_212, %sub3A_205, %broadcast_in_dim3A_214 : vector<16xi1>, vector<16xi32>
      %swap3A_216 = arith.constant 0 : i32
      %swap3A_217 = arith.index_cast %swap3A_216 : i32 to index
      %swap3A_218 = arith.constant 112 : index
      %swap3A_219 = tpu.vector_load %arg7[%swap3A_217, %swap3A_218] {strides = array<i32>} : memref<8x128xi32, #tpu.memory_space<vmem>>, vector<1x16xi32>,
      %swap3A_220 = vector.shape_cast %swap3A_219 : vector<1x16xi32> to vector<16xi32>
      %swap3A_221 = vector.shape_cast %select_n3A_215 : vector<16xi32> to vector<1x16xi32>
      tpu.vector_store %arg7[%swap3A_217, %swap3A_218], %swap3A_221 {strides = array<i32>} : memref<8x128xi32, #tpu.memory_space<vmem>>, vector<1x16xi32>,
      %run_scoped3A = arith.constant 0 : i32
      "tpu.region"() ({
        %run_scoped3A_222 = tpu.sem_alloc : memref<!tpu.dma_semaphore, #tpu.memory_space<semaphore_mem>>
        %dma_start3A = arith.constant 0 : i32
        %dma_start3A_223 = arith.constant 0 : i32
        %dma_start3A_224 = tpu.memref_slice %arg8[%dma_start3A, %dma_start3A_223] : memref<1024x32xf32, #tpu.memory_space<vmem>> -> memref<128x32xf32, #tpu.memory_space<vmem>>
        %dma_start3A_225 = arith.constant 0 : i32
        %dma_start3A_226 = tpu.memref_slice %arg7[%run_scoped3A, %dma_start3A_225] : memref<8x128xi32, #tpu.memory_space<vmem>> -> memref<1x128xi32, #tpu.memory_space<vmem>>
        %dma_start3A_227 = tpu.memref_squeeze %dma_start3A_226 : memref<1x128xi32, #tpu.memory_space<vmem>> -> memref<128xi32, #tpu.memory_space<vmem>>
        %dma_start3A_228 = arith.constant 0 : i32
        %dma_start3A_229 = arith.constant 0 : i32
        %dma_start3A_230 = tpu.memref_slice %arg9[%dma_start3A_228, %dma_start3A_229] : memref<25104x32xf32, #tpu.memory_space<vmem_shared>> -> memref<25104x32xf32, #tpu.memory_space<vmem_shared>>
        tpu.enqueue_indirect_dma source(%dma_start3A_224 : memref<128x32xf32, #tpu.memory_space<vmem>>) target(%dma_start3A_230 : memref<25104x32xf32, #tpu.memory_space<vmem_shared>>) offsets(%dma_start3A_227 : memref<128xi32, #tpu.memory_space<vmem>>) semaphore(%run_scoped3A_222 : memref<!tpu.dma_semaphore, #tpu.memory_space<semaphore_mem>>) {add = true}
        %dma_wait3A = arith.constant 0 : i32
        %dma_wait3A_231 = arith.constant 0 : i32
        %dma_wait3A_232 = tpu.memref_slice %arg8[%dma_wait3A, %dma_wait3A_231] : memref<1024x32xf32, #tpu.memory_space<vmem>> -> memref<128x32xf32, #tpu.memory_space<vmem>>
        %dma_wait3A_233 = arith.constant 0 : i32
        %dma_wait3A_234 = tpu.memref_slice %arg7[%run_scoped3A, %dma_wait3A_233] : memref<8x128xi32, #tpu.memory_space<vmem>> -> memref<1x128xi32, #tpu.memory_space<vmem>>
        %dma_wait3A_235 = tpu.memref_squeeze %dma_wait3A_234 : memref<1x128xi32, #tpu.memory_space<vmem>> -> memref<128xi32, #tpu.memory_space<vmem>>
        %dma_wait3A_236 = arith.constant 0 : i32
        %dma_wait3A_237 = arith.constant 0 : i32
        %dma_wait3A_238 = tpu.memref_slice %arg9[%dma_wait3A_236, %dma_wait3A_237] : memref<25104x32xf32, #tpu.memory_space<vmem_shared>> -> memref<25104x32xf32, #tpu.memory_space<vmem_shared>>
        tpu.wait_indirect_dma semaphore(%run_scoped3A_222 : memref<!tpu.dma_semaphore, #tpu.memory_space<semaphore_mem>>) src(%dma_wait3A_232 : memref<128x32xf32, #tpu.memory_space<vmem>>) dst(%dma_wait3A_238 : memref<25104x32xf32, #tpu.memory_space<vmem_shared>>)
        tpu.yield
      }) : () -> ()
    }
    %while3A_47 = arith.constant 1 : i32
    scf.for %while3A_54 = %while3A_45 to %while3A_41 step %while3A_47  : i32 {
      %add3A_55 = arith.addi %add3A_9, %while3A_54 : i32
      %mul3A_56 = arith.constant 128 : i32
      %mul3A_57 = arith.muli %add3A_55, %mul3A_56 : i32
      "tpu.region"() ({
        %run_scoped3A_222 = tpu.sem_alloc : memref<!tpu.dma_semaphore, #tpu.memory_space<semaphore_mem>>
        %dma_start3A = arith.constant 0 : i32
        %dma_start3A_223 = tpu.memref_slice %arg6[%dma_start3A] : memref<1024xi32, #tpu.memory_space<vmem>> -> memref<128xi32, #tpu.memory_space<vmem>>
        %dma_start3A_224 = tpu.memref_slice %arg3[%mul3A_57] : memref<800000xi32, #tpu.memory_space<hbm>> -> memref<128xi32, #tpu.memory_space<hbm>>
        %dma_start3A_225 = arith.constant 0 : i32
        %dma_start3A_226 = tpu.memref_slice %arg6[%dma_start3A_225] : memref<1024xi32, #tpu.memory_space<vmem>> -> memref<128xi32, #tpu.memory_space<vmem>>
        %dma_start3A_227 = tpu.memref_slice %arg3[%mul3A_57] : memref<800000xi32, #tpu.memory_space<hbm>> -> memref<128xi32, #tpu.memory_space<hbm>>
        tpu.enqueue_dma source(%dma_start3A_227 : memref<128xi32, #tpu.memory_space<hbm>>) target(%dma_start3A_226 : memref<128xi32, #tpu.memory_space<vmem>>) target_semaphore(%run_scoped3A_222 : memref<!tpu.dma_semaphore, #tpu.memory_space<semaphore_mem>>)
        %dma_wait3A = arith.constant 0 : i32
        %dma_wait3A_228 = tpu.memref_slice %arg6[%dma_wait3A] : memref<1024xi32, #tpu.memory_space<vmem>> -> memref<128xi32, #tpu.memory_space<vmem>>
        %dma_wait3A_229 = tpu.memref_slice %arg3[%mul3A_57] : memref<800000xi32, #tpu.memory_space<hbm>> -> memref<128xi32, #tpu.memory_space<hbm>>
        %dma_wait3A_230 = arith.constant 0 : i32
        %dma_wait3A_231 = tpu.memref_slice %arg6[%dma_wait3A_230] : memref<1024xi32, #tpu.memory_space<vmem>> -> memref<128xi32, #tpu.memory_space<vmem>>
        %dma_wait3A_232 = tpu.memref_slice %arg3[%mul3A_57] : memref<800000xi32, #tpu.memory_space<hbm>> -> memref<128xi32, #tpu.memory_space<hbm>>
        tpu.wait_dma2 semaphore(%run_scoped3A_222 : memref<!tpu.dma_semaphore, #tpu.memory_space<semaphore_mem>>) src(%dma_wait3A_232 : memref<128xi32, #tpu.memory_space<hbm>>) dst(%dma_wait3A_231 : memref<128xi32, #tpu.memory_space<vmem>>)
        tpu.yield
      }) : () -> ()
      "tpu.region"() ({
        %run_scoped3A_222 = tpu.sem_alloc : memref<!tpu.dma_semaphore, #tpu.memory_space<semaphore_mem>>
        %dma_start3A = arith.constant 0 : i32
        %dma_start3A_223 = arith.constant 0 : i32
        %dma_start3A_224 = tpu.memref_slice %arg8[%dma_start3A, %dma_start3A_223] : memref<1024x32xf32, #tpu.memory_space<vmem>> -> memref<128x32xf32, #tpu.memory_space<vmem>>
        %dma_start3A_225 = arith.constant 0 : i32
        %dma_start3A_226 = tpu.memref_slice %arg2[%mul3A_57, %dma_start3A_225] : memref<800000x32xf32, #tpu.memory_space<hbm>> -> memref<128x32xf32, #tpu.memory_space<hbm>>
        %dma_start3A_227 = arith.constant 0 : i32
        %dma_start3A_228 = arith.constant 0 : i32
        %dma_start3A_229 = tpu.memref_slice %arg8[%dma_start3A_227, %dma_start3A_228] : memref<1024x32xf32, #tpu.memory_space<vmem>> -> memref<128x32xf32, #tpu.memory_space<vmem>>
        %dma_start3A_230 = arith.constant 0 : i32
        %dma_start3A_231 = tpu.memref_slice %arg2[%mul3A_57, %dma_start3A_230] : memref<800000x32xf32, #tpu.memory_space<hbm>> -> memref<128x32xf32, #tpu.memory_space<hbm>>
        tpu.enqueue_dma source(%dma_start3A_231 : memref<128x32xf32, #tpu.memory_space<hbm>>) target(%dma_start3A_229 : memref<128x32xf32, #tpu.memory_space<vmem>>) target_semaphore(%run_scoped3A_222 : memref<!tpu.dma_semaphore, #tpu.memory_space<semaphore_mem>>)
        %dma_wait3A = arith.constant 0 : i32
        %dma_wait3A_232 = arith.constant 0 : i32
        %dma_wait3A_233 = tpu.memref_slice %arg8[%dma_wait3A, %dma_wait3A_232] : memref<1024x32xf32, #tpu.memory_space<vmem>> -> memref<128x32xf32, #tpu.memory_space<vmem>>
        %dma_wait3A_234 = arith.constant 0 : i32
        %dma_wait3A_235 = tpu.memref_slice %arg2[%mul3A_57, %dma_wait3A_234] : memref<800000x32xf32, #tpu.memory_space<hbm>> -> memref<128x32xf32, #tpu.memory_space<hbm>>
        %dma_wait3A_236 = arith.constant 0 : i32
        %dma_wait3A_237 = arith.constant 0 : i32
        %dma_wait3A_238 = tpu.memref_slice %arg8[%dma_wait3A_236, %dma_wait3A_237] : memref<1024x32xf32, #tpu.memory_space<vmem>> -> memref<128x32xf32, #tpu.memory_space<vmem>>
        %dma_wait3A_239 = arith.constant 0 : i32
        %dma_wait3A_240 = tpu.memref_slice %arg2[%mul3A_57, %dma_wait3A_239] : memref<800000x32xf32, #tpu.memory_space<hbm>> -> memref<128x32xf32, #tpu.memory_space<hbm>>
        tpu.wait_dma2 semaphore(%run_scoped3A_222 : memref<!tpu.dma_semaphore, #tpu.memory_space<semaphore_mem>>) src(%dma_wait3A_240 : memref<128x32xf32, #tpu.memory_space<hbm>>) dst(%dma_wait3A_238 : memref<128x32xf32, #tpu.memory_space<vmem>>)
        tpu.yield
      }) : () -> ()
      %get3A = arith.constant 0 : index
      %get3A_58 = tpu.vector_load %arg6[%get3A] {strides = array<i32>} : memref<1024xi32, #tpu.memory_space<vmem>>, vector<16xi32>,
      %get3A_59 = vector.shape_cast %get3A_58 : vector<16xi32> to vector<16xi32>
      %sub3A_60 = vector.broadcast %mul3A_0 : i32 to vector<16xi32>
      %sub3A_61 = arith.subi %get3A_59, %sub3A_60 : vector<16xi32>
      %ge3A = arith.constant 0 : i32
      %ge3A_62 = vector.broadcast %ge3A : i32 to vector<16xi32>
      %ge3A_63 = arith.cmpi sge, %sub3A_61, %ge3A_62 : vector<16xi32>
      %lt3A_64 = arith.constant 25088 : i32
      %lt3A_65 = vector.broadcast %lt3A_64 : i32 to vector<16xi32>
      %lt3A_66 = arith.cmpi slt, %sub3A_61, %lt3A_65 : vector<16xi32>
      %and3A_67 = arith.andi %ge3A_63, %lt3A_66 : vector<16xi1>
      %jit3A_68 = arith.constant 25088 : i32
      %broadcast_in_dim3A = vector.broadcast %jit3A_68 : i32 to vector<16xi32>
      %select_n3A_69 = arith.select %and3A_67, %sub3A_61, %broadcast_in_dim3A : vector<16xi1>, vector<16xi32>
      %swap3A = arith.constant 0 : i32
      %swap3A_70 = arith.index_cast %swap3A : i32 to index
      %swap3A_71 = arith.constant 0 : index
      %swap3A_72 = tpu.vector_load %arg7[%swap3A_70, %swap3A_71] {strides = array<i32>} : memref<8x128xi32, #tpu.memory_space<vmem>>, vector<1x16xi32>,
      %swap3A_73 = vector.shape_cast %swap3A_72 : vector<1x16xi32> to vector<16xi32>
      %swap3A_74 = vector.shape_cast %select_n3A_69 : vector<16xi32> to vector<1x16xi32>
      tpu.vector_store %arg7[%swap3A_70, %swap3A_71], %swap3A_74 {strides = array<i32>} : memref<8x128xi32, #tpu.memory_space<vmem>>, vector<1x16xi32>,
      %get3A_75 = arith.constant 16 : index
      %get3A_76 = tpu.vector_load %arg6[%get3A_75] {strides = array<i32>} : memref<1024xi32, #tpu.memory_space<vmem>>, vector<16xi32>,
      %get3A_77 = vector.shape_cast %get3A_76 : vector<16xi32> to vector<16xi32>
      %sub3A_78 = vector.broadcast %mul3A_0 : i32 to vector<16xi32>
      %sub3A_79 = arith.subi %get3A_77, %sub3A_78 : vector<16xi32>
      %ge3A_80 = arith.constant 0 : i32
      %ge3A_81 = vector.broadcast %ge3A_80 : i32 to vector<16xi32>
      %ge3A_82 = arith.cmpi sge, %sub3A_79, %ge3A_81 : vector<16xi32>
      %lt3A_83 = arith.constant 25088 : i32
      %lt3A_84 = vector.broadcast %lt3A_83 : i32 to vector<16xi32>
      %lt3A_85 = arith.cmpi slt, %sub3A_79, %lt3A_84 : vector<16xi32>
      %and3A_86 = arith.andi %ge3A_82, %lt3A_85 : vector<16xi1>
      %jit3A_87 = arith.constant 25088 : i32
      %broadcast_in_dim3A_88 = vector.broadcast %jit3A_87 : i32 to vector<16xi32>
      %select_n3A_89 = arith.select %and3A_86, %sub3A_79, %broadcast_in_dim3A_88 : vector<16xi1>, vector<16xi32>
      %swap3A_90 = arith.constant 0 : i32
      %swap3A_91 = arith.index_cast %swap3A_90 : i32 to index
      %swap3A_92 = arith.constant 16 : index
      %swap3A_93 = tpu.vector_load %arg7[%swap3A_91, %swap3A_92] {strides = array<i32>} : memref<8x128xi32, #tpu.memory_space<vmem>>, vector<1x16xi32>,
      %swap3A_94 = vector.shape_cast %swap3A_93 : vector<1x16xi32> to vector<16xi32>
      %swap3A_95 = vector.shape_cast %select_n3A_89 : vector<16xi32> to vector<1x16xi32>
      tpu.vector_store %arg7[%swap3A_91, %swap3A_92], %swap3A_95 {strides = array<i32>} : memref<8x128xi32, #tpu.memory_space<vmem>>, vector<1x16xi32>,
      %get3A_96 = arith.constant 32 : index
      %get3A_97 = tpu.vector_load %arg6[%get3A_96] {strides = array<i32>} : memref<1024xi32, #tpu.memory_space<vmem>>, vector<16xi32>,
      %get3A_98 = vector.shape_cast %get3A_97 : vector<16xi32> to vector<16xi32>
      %sub3A_99 = vector.broadcast %mul3A_0 : i32 to vector<16xi32>
      %sub3A_100 = arith.subi %get3A_98, %sub3A_99 : vector<16xi32>
      %ge3A_101 = arith.constant 0 : i32
      %ge3A_102 = vector.broadcast %ge3A_101 : i32 to vector<16xi32>
      %ge3A_103 = arith.cmpi sge, %sub3A_100, %ge3A_102 : vector<16xi32>
      %lt3A_104 = arith.constant 25088 : i32
      %lt3A_105 = vector.broadcast %lt3A_104 : i32 to vector<16xi32>
      %lt3A_106 = arith.cmpi slt, %sub3A_100, %lt3A_105 : vector<16xi32>
      %and3A_107 = arith.andi %ge3A_103, %lt3A_106 : vector<16xi1>
      %jit3A_108 = arith.constant 25088 : i32
      %broadcast_in_dim3A_109 = vector.broadcast %jit3A_108 : i32 to vector<16xi32>
      %select_n3A_110 = arith.select %and3A_107, %sub3A_100, %broadcast_in_dim3A_109 : vector<16xi1>, vector<16xi32>
      %swap3A_111 = arith.constant 0 : i32
      %swap3A_112 = arith.index_cast %swap3A_111 : i32 to index
      %swap3A_113 = arith.constant 32 : index
      %swap3A_114 = tpu.vector_load %arg7[%swap3A_112, %swap3A_113] {strides = array<i32>} : memref<8x128xi32, #tpu.memory_space<vmem>>, vector<1x16xi32>,
      %swap3A_115 = vector.shape_cast %swap3A_114 : vector<1x16xi32> to vector<16xi32>
      %swap3A_116 = vector.shape_cast %select_n3A_110 : vector<16xi32> to vector<1x16xi32>
      tpu.vector_store %arg7[%swap3A_112, %swap3A_113], %swap3A_116 {strides = array<i32>} : memref<8x128xi32, #tpu.memory_space<vmem>>, vector<1x16xi32>,
      %get3A_117 = arith.constant 48 : index
      %get3A_118 = tpu.vector_load %arg6[%get3A_117] {strides = array<i32>} : memref<1024xi32, #tpu.memory_space<vmem>>, vector<16xi32>,
      %get3A_119 = vector.shape_cast %get3A_118 : vector<16xi32> to vector<16xi32>
      %sub3A_120 = vector.broadcast %mul3A_0 : i32 to vector<16xi32>
      %sub3A_121 = arith.subi %get3A_119, %sub3A_120 : vector<16xi32>
      %ge3A_122 = arith.constant 0 : i32
      %ge3A_123 = vector.broadcast %ge3A_122 : i32 to vector<16xi32>
      %ge3A_124 = arith.cmpi sge, %sub3A_121, %ge3A_123 : vector<16xi32>
      %lt3A_125 = arith.constant 25088 : i32
      %lt3A_126 = vector.broadcast %lt3A_125 : i32 to vector<16xi32>
      %lt3A_127 = arith.cmpi slt, %sub3A_121, %lt3A_126 : vector<16xi32>
      %and3A_128 = arith.andi %ge3A_124, %lt3A_127 : vector<16xi1>
      %jit3A_129 = arith.constant 25088 : i32
      %broadcast_in_dim3A_130 = vector.broadcast %jit3A_129 : i32 to vector<16xi32>
      %select_n3A_131 = arith.select %and3A_128, %sub3A_121, %broadcast_in_dim3A_130 : vector<16xi1>, vector<16xi32>
      %swap3A_132 = arith.constant 0 : i32
      %swap3A_133 = arith.index_cast %swap3A_132 : i32 to index
      %swap3A_134 = arith.constant 48 : index
      %swap3A_135 = tpu.vector_load %arg7[%swap3A_133, %swap3A_134] {strides = array<i32>} : memref<8x128xi32, #tpu.memory_space<vmem>>, vector<1x16xi32>,
      %swap3A_136 = vector.shape_cast %swap3A_135 : vector<1x16xi32> to vector<16xi32>
      %swap3A_137 = vector.shape_cast %select_n3A_131 : vector<16xi32> to vector<1x16xi32>
      tpu.vector_store %arg7[%swap3A_133, %swap3A_134], %swap3A_137 {strides = array<i32>} : memref<8x128xi32, #tpu.memory_space<vmem>>, vector<1x16xi32>,
      %get3A_138 = arith.constant 64 : index
      %get3A_139 = tpu.vector_load %arg6[%get3A_138] {strides = array<i32>} : memref<1024xi32, #tpu.memory_space<vmem>>, vector<16xi32>,
      %get3A_140 = vector.shape_cast %get3A_139 : vector<16xi32> to vector<16xi32>
      %sub3A_141 = vector.broadcast %mul3A_0 : i32 to vector<16xi32>
      %sub3A_142 = arith.subi %get3A_140, %sub3A_141 : vector<16xi32>
      %ge3A_143 = arith.constant 0 : i32
      %ge3A_144 = vector.broadcast %ge3A_143 : i32 to vector<16xi32>
      %ge3A_145 = arith.cmpi sge, %sub3A_142, %ge3A_144 : vector<16xi32>
      %lt3A_146 = arith.constant 25088 : i32
      %lt3A_147 = vector.broadcast %lt3A_146 : i32 to vector<16xi32>
      %lt3A_148 = arith.cmpi slt, %sub3A_142, %lt3A_147 : vector<16xi32>
      %and3A_149 = arith.andi %ge3A_145, %lt3A_148 : vector<16xi1>
      %jit3A_150 = arith.constant 25088 : i32
      %broadcast_in_dim3A_151 = vector.broadcast %jit3A_150 : i32 to vector<16xi32>
      %select_n3A_152 = arith.select %and3A_149, %sub3A_142, %broadcast_in_dim3A_151 : vector<16xi1>, vector<16xi32>
      %swap3A_153 = arith.constant 0 : i32
      %swap3A_154 = arith.index_cast %swap3A_153 : i32 to index
      %swap3A_155 = arith.constant 64 : index
      %swap3A_156 = tpu.vector_load %arg7[%swap3A_154, %swap3A_155] {strides = array<i32>} : memref<8x128xi32, #tpu.memory_space<vmem>>, vector<1x16xi32>,
      %swap3A_157 = vector.shape_cast %swap3A_156 : vector<1x16xi32> to vector<16xi32>
      %swap3A_158 = vector.shape_cast %select_n3A_152 : vector<16xi32> to vector<1x16xi32>
      tpu.vector_store %arg7[%swap3A_154, %swap3A_155], %swap3A_158 {strides = array<i32>} : memref<8x128xi32, #tpu.memory_space<vmem>>, vector<1x16xi32>,
      %get3A_159 = arith.constant 80 : index
      %get3A_160 = tpu.vector_load %arg6[%get3A_159] {strides = array<i32>} : memref<1024xi32, #tpu.memory_space<vmem>>, vector<16xi32>,
      %get3A_161 = vector.shape_cast %get3A_160 : vector<16xi32> to vector<16xi32>
      %sub3A_162 = vector.broadcast %mul3A_0 : i32 to vector<16xi32>
      %sub3A_163 = arith.subi %get3A_161, %sub3A_162 : vector<16xi32>
      %ge3A_164 = arith.constant 0 : i32
      %ge3A_165 = vector.broadcast %ge3A_164 : i32 to vector<16xi32>
      %ge3A_166 = arith.cmpi sge, %sub3A_163, %ge3A_165 : vector<16xi32>
      %lt3A_167 = arith.constant 25088 : i32
      %lt3A_168 = vector.broadcast %lt3A_167 : i32 to vector<16xi32>
      %lt3A_169 = arith.cmpi slt, %sub3A_163, %lt3A_168 : vector<16xi32>
      %and3A_170 = arith.andi %ge3A_166, %lt3A_169 : vector<16xi1>
      %jit3A_171 = arith.constant 25088 : i32
      %broadcast_in_dim3A_172 = vector.broadcast %jit3A_171 : i32 to vector<16xi32>
      %select_n3A_173 = arith.select %and3A_170, %sub3A_163, %broadcast_in_dim3A_172 : vector<16xi1>, vector<16xi32>
      %swap3A_174 = arith.constant 0 : i32
      %swap3A_175 = arith.index_cast %swap3A_174 : i32 to index
      %swap3A_176 = arith.constant 80 : index
      %swap3A_177 = tpu.vector_load %arg7[%swap3A_175, %swap3A_176] {strides = array<i32>} : memref<8x128xi32, #tpu.memory_space<vmem>>, vector<1x16xi32>,
      %swap3A_178 = vector.shape_cast %swap3A_177 : vector<1x16xi32> to vector<16xi32>
      %swap3A_179 = vector.shape_cast %select_n3A_173 : vector<16xi32> to vector<1x16xi32>
      tpu.vector_store %arg7[%swap3A_175, %swap3A_176], %swap3A_179 {strides = array<i32>} : memref<8x128xi32, #tpu.memory_space<vmem>>, vector<1x16xi32>,
      %get3A_180 = arith.constant 96 : index
      %get3A_181 = tpu.vector_load %arg6[%get3A_180] {strides = array<i32>} : memref<1024xi32, #tpu.memory_space<vmem>>, vector<16xi32>,
      %get3A_182 = vector.shape_cast %get3A_181 : vector<16xi32> to vector<16xi32>
      %sub3A_183 = vector.broadcast %mul3A_0 : i32 to vector<16xi32>
      %sub3A_184 = arith.subi %get3A_182, %sub3A_183 : vector<16xi32>
      %ge3A_185 = arith.constant 0 : i32
      %ge3A_186 = vector.broadcast %ge3A_185 : i32 to vector<16xi32>
      %ge3A_187 = arith.cmpi sge, %sub3A_184, %ge3A_186 : vector<16xi32>
      %lt3A_188 = arith.constant 25088 : i32
      %lt3A_189 = vector.broadcast %lt3A_188 : i32 to vector<16xi32>
      %lt3A_190 = arith.cmpi slt, %sub3A_184, %lt3A_189 : vector<16xi32>
      %and3A_191 = arith.andi %ge3A_187, %lt3A_190 : vector<16xi1>
      %jit3A_192 = arith.constant 25088 : i32
      %broadcast_in_dim3A_193 = vector.broadcast %jit3A_192 : i32 to vector<16xi32>
      %select_n3A_194 = arith.select %and3A_191, %sub3A_184, %broadcast_in_dim3A_193 : vector<16xi1>, vector<16xi32>
      %swap3A_195 = arith.constant 0 : i32
      %swap3A_196 = arith.index_cast %swap3A_195 : i32 to index
      %swap3A_197 = arith.constant 96 : index
      %swap3A_198 = tpu.vector_load %arg7[%swap3A_196, %swap3A_197] {strides = array<i32>} : memref<8x128xi32, #tpu.memory_space<vmem>>, vector<1x16xi32>,
      %swap3A_199 = vector.shape_cast %swap3A_198 : vector<1x16xi32> to vector<16xi32>
      %swap3A_200 = vector.shape_cast %select_n3A_194 : vector<16xi32> to vector<1x16xi32>
      tpu.vector_store %arg7[%swap3A_196, %swap3A_197], %swap3A_200 {strides = array<i32>} : memref<8x128xi32, #tpu.memory_space<vmem>>, vector<1x16xi32>,
      %get3A_201 = arith.constant 112 : index
      %get3A_202 = tpu.vector_load %arg6[%get3A_201] {strides = array<i32>} : memref<1024xi32, #tpu.memory_space<vmem>>, vector<16xi32>,
      %get3A_203 = vector.shape_cast %get3A_202 : vector<16xi32> to vector<16xi32>
      %sub3A_204 = vector.broadcast %mul3A_0 : i32 to vector<16xi32>
      %sub3A_205 = arith.subi %get3A_203, %sub3A_204 : vector<16xi32>
      %ge3A_206 = arith.constant 0 : i32
      %ge3A_207 = vector.broadcast %ge3A_206 : i32 to vector<16xi32>
      %ge3A_208 = arith.cmpi sge, %sub3A_205, %ge3A_207 : vector<16xi32>
      %lt3A_209 = arith.constant 25088 : i32
      %lt3A_210 = vector.broadcast %lt3A_209 : i32 to vector<16xi32>
      %lt3A_211 = arith.cmpi slt, %sub3A_205, %lt3A_210 : vector<16xi32>
      %and3A_212 = arith.andi %ge3A_208, %lt3A_211 : vector<16xi1>
      %jit3A_213 = arith.constant 25088 : i32
      %broadcast_in_dim3A_214 = vector.broadcast %jit3A_213 : i32 to vector<16xi32>
      %select_n3A_215 = arith.select %and3A_212, %sub3A_205, %broadcast_in_dim3A_214 : vector<16xi1>, vector<16xi32>
      %swap3A_216 = arith.constant 0 : i32
      %swap3A_217 = arith.index_cast %swap3A_216 : i32 to index
      %swap3A_218 = arith.constant 112 : index
      %swap3A_219 = tpu.vector_load %arg7[%swap3A_217, %swap3A_218] {strides = array<i32>} : memref<8x128xi32, #tpu.memory_space<vmem>>, vector<1x16xi32>,
      %swap3A_220 = vector.shape_cast %swap3A_219 : vector<1x16xi32> to vector<16xi32>
      %swap3A_221 = vector.shape_cast %select_n3A_215 : vector<16xi32> to vector<1x16xi32>
      tpu.vector_store %arg7[%swap3A_217, %swap3A_218], %swap3A_221 {strides = array<i32>} : memref<8x128xi32, #tpu.memory_space<vmem>>, vector<1x16xi32>,
      %run_scoped3A = arith.constant 0 : i32
      "tpu.region"() ({
        %run_scoped3A_222 = tpu.sem_alloc : memref<!tpu.dma_semaphore, #tpu.memory_space<semaphore_mem>>
        %dma_start3A = arith.constant 0 : i32
        %dma_start3A_223 = arith.constant 0 : i32
        %dma_start3A_224 = tpu.memref_slice %arg8[%dma_start3A, %dma_start3A_223] : memref<1024x32xf32, #tpu.memory_space<vmem>> -> memref<128x32xf32, #tpu.memory_space<vmem>>
        %dma_start3A_225 = arith.constant 0 : i32
        %dma_start3A_226 = tpu.memref_slice %arg7[%run_scoped3A, %dma_start3A_225] : memref<8x128xi32, #tpu.memory_space<vmem>> -> memref<1x128xi32, #tpu.memory_space<vmem>>
        %dma_start3A_227 = tpu.memref_squeeze %dma_start3A_226 : memref<1x128xi32, #tpu.memory_space<vmem>> -> memref<128xi32, #tpu.memory_space<vmem>>
        %dma_start3A_228 = arith.constant 0 : i32
        %dma_start3A_229 = arith.constant 0 : i32
        %dma_start3A_230 = tpu.memref_slice %arg9[%dma_start3A_228, %dma_start3A_229] : memref<25104x32xf32, #tpu.memory_space<vmem_shared>> -> memref<25104x32xf32, #tpu.memory_space<vmem_shared>>
        tpu.enqueue_indirect_dma source(%dma_start3A_224 : memref<128x32xf32, #tpu.memory_space<vmem>>) target(%dma_start3A_230 : memref<25104x32xf32, #tpu.memory_space<vmem_shared>>) offsets(%dma_start3A_227 : memref<128xi32, #tpu.memory_space<vmem>>) semaphore(%run_scoped3A_222 : memref<!tpu.dma_semaphore, #tpu.memory_space<semaphore_mem>>) {add = true}
        %dma_wait3A = arith.constant 0 : i32
        %dma_wait3A_231 = arith.constant 0 : i32
        %dma_wait3A_232 = tpu.memref_slice %arg8[%dma_wait3A, %dma_wait3A_231] : memref<1024x32xf32, #tpu.memory_space<vmem>> -> memref<128x32xf32, #tpu.memory_space<vmem>>
        %dma_wait3A_233 = arith.constant 0 : i32
        %dma_wait3A_234 = tpu.memref_slice %arg7[%run_scoped3A, %dma_wait3A_233] : memref<8x128xi32, #tpu.memory_space<vmem>> -> memref<1x128xi32, #tpu.memory_space<vmem>>
        %dma_wait3A_235 = tpu.memref_squeeze %dma_wait3A_234 : memref<1x128xi32, #tpu.memory_space<vmem>> -> memref<128xi32, #tpu.memory_space<vmem>>
        %dma_wait3A_236 = arith.constant 0 : i32
        %dma_wait3A_237 = arith.constant 0 : i32
        %dma_wait3A_238 = tpu.memref_slice %arg9[%dma_wait3A_236, %dma_wait3A_237] : memref<25104x32xf32, #tpu.memory_space<vmem_shared>> -> memref<25104x32xf32, #tpu.memory_space<vmem_shared>>
        tpu.wait_indirect_dma semaphore(%run_scoped3A_222 : memref<!tpu.dma_semaphore, #tpu.memory_space<semaphore_mem>>) src(%dma_wait3A_232 : memref<128x32xf32, #tpu.memory_space<vmem>>) dst(%dma_wait3A_238 : memref<25104x32xf32, #tpu.memory_space<vmem_shared>>)
        tpu.yield
      }) : () -> ()
    }
    %barrier3A_48 = arith.constant 0 : index
    tpu.barrier barrier_id(%barrier3A_48)
    %mul3A_49 = arith.constant 1568 : i32
    %mul3A_50 = arith.muli %arg1, %mul3A_49 : i32
    %mul3A_51 = arith.constant 1568 : i32
    %mul3A_52 = arith.muli %arg1, %mul3A_51 : i32
    %add3A_53 = arith.addi %mul3A_0, %mul3A_52 : i32
    "tpu.region"() ({
      %run_scoped3A = tpu.sem_alloc : memref<!tpu.dma_semaphore, #tpu.memory_space<semaphore_mem>>
      %dma_start3A = arith.constant 0 : i32
      %dma_start3A_54 = tpu.memref_slice %arg5[%add3A_53, %dma_start3A] : memref<50176x32xf32, #tpu.memory_space<hbm>> -> memref<1568x32xf32, #tpu.memory_space<hbm>>
      %dma_start3A_55 = arith.constant 0 : i32
      %dma_start3A_56 = tpu.memref_slice %arg9[%mul3A_50, %dma_start3A_55] : memref<25104x32xf32, #tpu.memory_space<vmem_shared>> -> memref<1568x32xf32, #tpu.memory_space<vmem_shared>>
      tpu.enqueue_dma source(%dma_start3A_56 : memref<1568x32xf32, #tpu.memory_space<vmem_shared>>) target(%dma_start3A_54 : memref<1568x32xf32, #tpu.memory_space<hbm>>) target_semaphore(%run_scoped3A : memref<!tpu.dma_semaphore, #tpu.memory_space<semaphore_mem>>)
      %dma_wait3A = arith.constant 0 : i32
      %dma_wait3A_57 = tpu.memref_slice %arg5[%add3A_53, %dma_wait3A] : memref<50176x32xf32, #tpu.memory_space<hbm>> -> memref<1568x32xf32, #tpu.memory_space<hbm>>
      %dma_wait3A_58 = arith.constant 0 : i32
      %dma_wait3A_59 = tpu.memref_slice %arg9[%mul3A_50, %dma_wait3A_58] : memref<25104x32xf32, #tpu.memory_space<vmem_shared>> -> memref<1568x32xf32, #tpu.memory_space<vmem_shared>>
      tpu.wait_dma2 semaphore(%run_scoped3A : memref<!tpu.dma_semaphore, #tpu.memory_space<semaphore_mem>>) src(%dma_wait3A_59 : memref<1568x32xf32, #tpu.memory_space<vmem_shared>>) dst(%dma_wait3A_57 : memref<1568x32xf32, #tpu.memory_space<hbm>>)
      tpu.yield
    }) : () -> ()
    return
  }
}

#map = affine_map<(d0, d1) -> (0, 0)>
#map1 = affine_map<(d0, d1) -> (0)>
module attributes {stable_mosaic.version = 14 : i64} {
  func.func @gk(%arg0: i32, %arg1: i32, %arg2: memref<50000x8xf32, #tpu.memory_space<hbm>>, %arg3: memref<800000xi32, #tpu.memory_space<hbm>>, %arg4: memref<800000x8xf32, #tpu.memory_space<hbm>>, %arg5: memref<1024xi32, #tpu.memory_space<vmem>>, %arg6: memref<1024x8xf32, #tpu.memory_space<vmem>>, %arg7: memref<!tpu.dma_semaphore, #tpu.memory_space<semaphore_mem>>) attributes {dimension_semantics = [#tpu.dimension_semantics<core_parallel>, #tpu.dimension_semantics<subcore_parallel>], iteration_bounds = array<i64: 2, 16>, scalar_prefetch = 0 : i64, scratch_operands = 3 : i64, tpu.core_type = #tpu.core_type<sc_vector_subcore>, window_params = [{transform_indices = #map}, {transform_indices = #map1}, {transform_indices = #map}]} {
    %mul3A = arith.constant 2 : i32
    %mul3A_0 = arith.muli %arg1, %mul3A : i32
    %add3A = arith.addi %mul3A_0, %arg0 : i32
    %lt3A = arith.constant 10 : i32
    %lt3A_1 = arith.cmpi slt, %add3A, %lt3A : i32
    %jit3A = arith.constant 1 : i32
    %jit3A_2 = arith.constant 0 : i32
    %select_n3A = arith.select %lt3A_1, %jit3A, %jit3A_2 : i32
    %add3A_3 = arith.constant 195 : i32
    %add3A_4 = arith.addi %add3A_3, %select_n3A : i32
    %mul3A_5 = arith.constant 195 : i32
    %mul3A_6 = arith.muli %add3A, %mul3A_5 : i32
    %min3A = arith.constant 10 : i32
    %min3A_7 = arith.minsi %add3A, %min3A : i32
    %add3A_8 = arith.addi %mul3A_6, %min3A_7 : i32
    %jit3A_9 = arith.constant 8 : i32
    %div3A = arith.divsi %add3A_4, %jit3A_9 : i32
    %sign3A = arith.constant 0 : i32
    %sign3A_10 = arith.cmpi sgt, %add3A_4, %sign3A : i32
    %sign3A_11 = arith.extui %sign3A_10 : i1 to i32
    %sign3A_12 = arith.constant 0 : i32
    %sign3A_13 = arith.cmpi slt, %add3A_4, %sign3A_12 : i32
    %sign3A_14 = arith.extui %sign3A_13 : i1 to i32
    %sign3A_15 = arith.subi %sign3A_11, %sign3A_14 : i32
    %sign3A_16 = arith.constant 0 : i32
    %sign3A_17 = arith.cmpi sgt, %jit3A_9, %sign3A_16 : i32
    %sign3A_18 = arith.extui %sign3A_17 : i1 to i32
    %sign3A_19 = arith.constant 0 : i32
    %sign3A_20 = arith.cmpi slt, %jit3A_9, %sign3A_19 : i32
    %sign3A_21 = arith.extui %sign3A_20 : i1 to i32
    %sign3A_22 = arith.subi %sign3A_18, %sign3A_21 : i32
    %ne3A = arith.cmpi ne, %sign3A_15, %sign3A_22 : i32
    %rem3A = arith.remsi %add3A_4, %jit3A_9 : i32
    %ne3A_23 = arith.constant 0 : i32
    %ne3A_24 = arith.cmpi ne, %rem3A, %ne3A_23 : i32
    %and3A = arith.andi %ne3A, %ne3A_24 : i1
    %sub3A = arith.constant 1 : i32
    %sub3A_25 = arith.subi %div3A, %sub3A : i32
    %select_n3A_26 = arith.select %and3A, %sub3A_25, %div3A : i32
    %while3A = arith.constant 0 : i32
    %while3A_27 = arith.constant 0 : i32
    %while3A_28 = arith.subi %select_n3A_26, %while3A_27 : i32
    %while3A_29 = arith.addi %while3A_27, %while3A_28 : i32
    %while3A_30 = arith.constant 1 : i32
    %while3A_31 = arith.divsi %while3A_28, %while3A_30 : i32
    %while3A_32 = arith.muli %while3A_31, %while3A_30 : i32
    %while3A_33 = arith.addi %while3A_27, %while3A_32 : i32
    %while3A_34 = arith.constant 1 : i32
    scf.for %while3A_47 = %while3A_27 to %while3A_33 step %while3A_34  : i32 {
      %mul3A_48 = arith.constant 8 : i32
      %mul3A_49 = arith.muli %while3A_47, %mul3A_48 : i32
      %add3A_50 = arith.addi %add3A_8, %mul3A_49 : i32
      %mul3A_51 = arith.constant 128 : i32
      %mul3A_52 = arith.muli %add3A_50, %mul3A_51 : i32
      "tpu.region"() ({
        %run_scoped3A = tpu.sem_alloc : memref<!tpu.dma_semaphore, #tpu.memory_space<semaphore_mem>>
        %dma_start3A_179 = tpu.memref_slice %arg3[%mul3A_52] : memref<800000xi32, #tpu.memory_space<hbm>> -> memref<1024xi32, #tpu.memory_space<hbm>>
        %dma_start3A_180 = tpu.memref_slice %arg3[%mul3A_52] : memref<800000xi32, #tpu.memory_space<hbm>> -> memref<1024xi32, #tpu.memory_space<hbm>>
        tpu.enqueue_dma source(%dma_start3A_180 : memref<1024xi32, #tpu.memory_space<hbm>>) target(%arg5 : memref<1024xi32, #tpu.memory_space<vmem>>) target_semaphore(%run_scoped3A : memref<!tpu.dma_semaphore, #tpu.memory_space<semaphore_mem>>)
        %dma_wait3A_181 = tpu.memref_slice %arg3[%mul3A_52] : memref<800000xi32, #tpu.memory_space<hbm>> -> memref<1024xi32, #tpu.memory_space<hbm>>
        %dma_wait3A_182 = tpu.memref_slice %arg3[%mul3A_52] : memref<800000xi32, #tpu.memory_space<hbm>> -> memref<1024xi32, #tpu.memory_space<hbm>>
        tpu.wait_dma2 semaphore(%run_scoped3A : memref<!tpu.dma_semaphore, #tpu.memory_space<semaphore_mem>>) src(%dma_wait3A_182 : memref<1024xi32, #tpu.memory_space<hbm>>) dst(%arg5 : memref<1024xi32, #tpu.memory_space<vmem>>)
        tpu.yield
      }) : () -> ()
      %dma_start3A = arith.constant 0 : i32
      %dma_start3A_53 = arith.constant 0 : i32
      %dma_start3A_54 = tpu.memref_slice %arg6[%dma_start3A, %dma_start3A_53] : memref<1024x8xf32, #tpu.memory_space<vmem>> -> memref<128x8xf32, #tpu.memory_space<vmem>>
      %dma_start3A_55 = arith.constant 0 : i32
      %dma_start3A_56 = tpu.memref_slice %arg5[%dma_start3A_55] : memref<1024xi32, #tpu.memory_space<vmem>> -> memref<128xi32, #tpu.memory_space<vmem>>
      %dma_start3A_57 = arith.constant 0 : i32
      %dma_start3A_58 = arith.constant 0 : i32
      %dma_start3A_59 = tpu.memref_slice %arg2[%dma_start3A_57, %dma_start3A_58] : memref<50000x8xf32, #tpu.memory_space<hbm>> -> memref<50000x8xf32, #tpu.memory_space<hbm>>
      tpu.enqueue_indirect_dma source(%dma_start3A_59 : memref<50000x8xf32, #tpu.memory_space<hbm>>) target(%dma_start3A_54 : memref<128x8xf32, #tpu.memory_space<vmem>>) offsets(%dma_start3A_56 : memref<128xi32, #tpu.memory_space<vmem>>) semaphore(%arg7 : memref<!tpu.dma_semaphore, #tpu.memory_space<semaphore_mem>>)
      %dma_start3A_60 = arith.constant 128 : i32
      %dma_start3A_61 = arith.constant 0 : i32
      %dma_start3A_62 = tpu.memref_slice %arg6[%dma_start3A_60, %dma_start3A_61] : memref<1024x8xf32, #tpu.memory_space<vmem>> -> memref<128x8xf32, #tpu.memory_space<vmem>>
      %dma_start3A_63 = arith.constant 128 : i32
      %dma_start3A_64 = tpu.memref_slice %arg5[%dma_start3A_63] : memref<1024xi32, #tpu.memory_space<vmem>> -> memref<128xi32, #tpu.memory_space<vmem>>
      %dma_start3A_65 = arith.constant 0 : i32
      %dma_start3A_66 = arith.constant 0 : i32
      %dma_start3A_67 = tpu.memref_slice %arg2[%dma_start3A_65, %dma_start3A_66] : memref<50000x8xf32, #tpu.memory_space<hbm>> -> memref<50000x8xf32, #tpu.memory_space<hbm>>
      tpu.enqueue_indirect_dma source(%dma_start3A_67 : memref<50000x8xf32, #tpu.memory_space<hbm>>) target(%dma_start3A_62 : memref<128x8xf32, #tpu.memory_space<vmem>>) offsets(%dma_start3A_64 : memref<128xi32, #tpu.memory_space<vmem>>) semaphore(%arg7 : memref<!tpu.dma_semaphore, #tpu.memory_space<semaphore_mem>>)
      %dma_start3A_68 = arith.constant 256 : i32
      %dma_start3A_69 = arith.constant 0 : i32
      %dma_start3A_70 = tpu.memref_slice %arg6[%dma_start3A_68, %dma_start3A_69] : memref<1024x8xf32, #tpu.memory_space<vmem>> -> memref<128x8xf32, #tpu.memory_space<vmem>>
      %dma_start3A_71 = arith.constant 256 : i32
      %dma_start3A_72 = tpu.memref_slice %arg5[%dma_start3A_71] : memref<1024xi32, #tpu.memory_space<vmem>> -> memref<128xi32, #tpu.memory_space<vmem>>
      %dma_start3A_73 = arith.constant 0 : i32
      %dma_start3A_74 = arith.constant 0 : i32
      %dma_start3A_75 = tpu.memref_slice %arg2[%dma_start3A_73, %dma_start3A_74] : memref<50000x8xf32, #tpu.memory_space<hbm>> -> memref<50000x8xf32, #tpu.memory_space<hbm>>
      tpu.enqueue_indirect_dma source(%dma_start3A_75 : memref<50000x8xf32, #tpu.memory_space<hbm>>) target(%dma_start3A_70 : memref<128x8xf32, #tpu.memory_space<vmem>>) offsets(%dma_start3A_72 : memref<128xi32, #tpu.memory_space<vmem>>) semaphore(%arg7 : memref<!tpu.dma_semaphore, #tpu.memory_space<semaphore_mem>>)
      %dma_start3A_76 = arith.constant 384 : i32
      %dma_start3A_77 = arith.constant 0 : i32
      %dma_start3A_78 = tpu.memref_slice %arg6[%dma_start3A_76, %dma_start3A_77] : memref<1024x8xf32, #tpu.memory_space<vmem>> -> memref<128x8xf32, #tpu.memory_space<vmem>>
      %dma_start3A_79 = arith.constant 384 : i32
      %dma_start3A_80 = tpu.memref_slice %arg5[%dma_start3A_79] : memref<1024xi32, #tpu.memory_space<vmem>> -> memref<128xi32, #tpu.memory_space<vmem>>
      %dma_start3A_81 = arith.constant 0 : i32
      %dma_start3A_82 = arith.constant 0 : i32
      %dma_start3A_83 = tpu.memref_slice %arg2[%dma_start3A_81, %dma_start3A_82] : memref<50000x8xf32, #tpu.memory_space<hbm>> -> memref<50000x8xf32, #tpu.memory_space<hbm>>
      tpu.enqueue_indirect_dma source(%dma_start3A_83 : memref<50000x8xf32, #tpu.memory_space<hbm>>) target(%dma_start3A_78 : memref<128x8xf32, #tpu.memory_space<vmem>>) offsets(%dma_start3A_80 : memref<128xi32, #tpu.memory_space<vmem>>) semaphore(%arg7 : memref<!tpu.dma_semaphore, #tpu.memory_space<semaphore_mem>>)
      %dma_start3A_84 = arith.constant 512 : i32
      %dma_start3A_85 = arith.constant 0 : i32
      %dma_start3A_86 = tpu.memref_slice %arg6[%dma_start3A_84, %dma_start3A_85] : memref<1024x8xf32, #tpu.memory_space<vmem>> -> memref<128x8xf32, #tpu.memory_space<vmem>>
      %dma_start3A_87 = arith.constant 512 : i32
      %dma_start3A_88 = tpu.memref_slice %arg5[%dma_start3A_87] : memref<1024xi32, #tpu.memory_space<vmem>> -> memref<128xi32, #tpu.memory_space<vmem>>
      %dma_start3A_89 = arith.constant 0 : i32
      %dma_start3A_90 = arith.constant 0 : i32
      %dma_start3A_91 = tpu.memref_slice %arg2[%dma_start3A_89, %dma_start3A_90] : memref<50000x8xf32, #tpu.memory_space<hbm>> -> memref<50000x8xf32, #tpu.memory_space<hbm>>
      tpu.enqueue_indirect_dma source(%dma_start3A_91 : memref<50000x8xf32, #tpu.memory_space<hbm>>) target(%dma_start3A_86 : memref<128x8xf32, #tpu.memory_space<vmem>>) offsets(%dma_start3A_88 : memref<128xi32, #tpu.memory_space<vmem>>) semaphore(%arg7 : memref<!tpu.dma_semaphore, #tpu.memory_space<semaphore_mem>>)
      %dma_start3A_92 = arith.constant 640 : i32
      %dma_start3A_93 = arith.constant 0 : i32
      %dma_start3A_94 = tpu.memref_slice %arg6[%dma_start3A_92, %dma_start3A_93] : memref<1024x8xf32, #tpu.memory_space<vmem>> -> memref<128x8xf32, #tpu.memory_space<vmem>>
      %dma_start3A_95 = arith.constant 640 : i32
      %dma_start3A_96 = tpu.memref_slice %arg5[%dma_start3A_95] : memref<1024xi32, #tpu.memory_space<vmem>> -> memref<128xi32, #tpu.memory_space<vmem>>
      %dma_start3A_97 = arith.constant 0 : i32
      %dma_start3A_98 = arith.constant 0 : i32
      %dma_start3A_99 = tpu.memref_slice %arg2[%dma_start3A_97, %dma_start3A_98] : memref<50000x8xf32, #tpu.memory_space<hbm>> -> memref<50000x8xf32, #tpu.memory_space<hbm>>
      tpu.enqueue_indirect_dma source(%dma_start3A_99 : memref<50000x8xf32, #tpu.memory_space<hbm>>) target(%dma_start3A_94 : memref<128x8xf32, #tpu.memory_space<vmem>>) offsets(%dma_start3A_96 : memref<128xi32, #tpu.memory_space<vmem>>) semaphore(%arg7 : memref<!tpu.dma_semaphore, #tpu.memory_space<semaphore_mem>>)
      %dma_start3A_100 = arith.constant 768 : i32
      %dma_start3A_101 = arith.constant 0 : i32
      %dma_start3A_102 = tpu.memref_slice %arg6[%dma_start3A_100, %dma_start3A_101] : memref<1024x8xf32, #tpu.memory_space<vmem>> -> memref<128x8xf32, #tpu.memory_space<vmem>>
      %dma_start3A_103 = arith.constant 768 : i32
      %dma_start3A_104 = tpu.memref_slice %arg5[%dma_start3A_103] : memref<1024xi32, #tpu.memory_space<vmem>> -> memref<128xi32, #tpu.memory_space<vmem>>
      %dma_start3A_105 = arith.constant 0 : i32
      %dma_start3A_106 = arith.constant 0 : i32
      %dma_start3A_107 = tpu.memref_slice %arg2[%dma_start3A_105, %dma_start3A_106] : memref<50000x8xf32, #tpu.memory_space<hbm>> -> memref<50000x8xf32, #tpu.memory_space<hbm>>
      tpu.enqueue_indirect_dma source(%dma_start3A_107 : memref<50000x8xf32, #tpu.memory_space<hbm>>) target(%dma_start3A_102 : memref<128x8xf32, #tpu.memory_space<vmem>>) offsets(%dma_start3A_104 : memref<128xi32, #tpu.memory_space<vmem>>) semaphore(%arg7 : memref<!tpu.dma_semaphore, #tpu.memory_space<semaphore_mem>>)
      %dma_start3A_108 = arith.constant 896 : i32
      %dma_start3A_109 = arith.constant 0 : i32
      %dma_start3A_110 = tpu.memref_slice %arg6[%dma_start3A_108, %dma_start3A_109] : memref<1024x8xf32, #tpu.memory_space<vmem>> -> memref<128x8xf32, #tpu.memory_space<vmem>>
      %dma_start3A_111 = arith.constant 896 : i32
      %dma_start3A_112 = tpu.memref_slice %arg5[%dma_start3A_111] : memref<1024xi32, #tpu.memory_space<vmem>> -> memref<128xi32, #tpu.memory_space<vmem>>
      %dma_start3A_113 = arith.constant 0 : i32
      %dma_start3A_114 = arith.constant 0 : i32
      %dma_start3A_115 = tpu.memref_slice %arg2[%dma_start3A_113, %dma_start3A_114] : memref<50000x8xf32, #tpu.memory_space<hbm>> -> memref<50000x8xf32, #tpu.memory_space<hbm>>
      tpu.enqueue_indirect_dma source(%dma_start3A_115 : memref<50000x8xf32, #tpu.memory_space<hbm>>) target(%dma_start3A_110 : memref<128x8xf32, #tpu.memory_space<vmem>>) offsets(%dma_start3A_112 : memref<128xi32, #tpu.memory_space<vmem>>) semaphore(%arg7 : memref<!tpu.dma_semaphore, #tpu.memory_space<semaphore_mem>>)
      %dma_wait3A = arith.constant 0 : i32
      %dma_wait3A_116 = arith.constant 0 : i32
      %dma_wait3A_117 = tpu.memref_slice %arg6[%dma_wait3A, %dma_wait3A_116] : memref<1024x8xf32, #tpu.memory_space<vmem>> -> memref<128x8xf32, #tpu.memory_space<vmem>>
      %dma_wait3A_118 = arith.constant 0 : i32
      %dma_wait3A_119 = tpu.memref_slice %arg5[%dma_wait3A_118] : memref<1024xi32, #tpu.memory_space<vmem>> -> memref<128xi32, #tpu.memory_space<vmem>>
      %dma_wait3A_120 = arith.constant 0 : i32
      %dma_wait3A_121 = arith.constant 0 : i32
      %dma_wait3A_122 = tpu.memref_slice %arg2[%dma_wait3A_120, %dma_wait3A_121] : memref<50000x8xf32, #tpu.memory_space<hbm>> -> memref<50000x8xf32, #tpu.memory_space<hbm>>
      tpu.wait_indirect_dma semaphore(%arg7 : memref<!tpu.dma_semaphore, #tpu.memory_space<semaphore_mem>>) src(%dma_wait3A_122 : memref<50000x8xf32, #tpu.memory_space<hbm>>) dst(%dma_wait3A_117 : memref<128x8xf32, #tpu.memory_space<vmem>>)
      %dma_wait3A_123 = arith.constant 128 : i32
      %dma_wait3A_124 = arith.constant 0 : i32
      %dma_wait3A_125 = tpu.memref_slice %arg6[%dma_wait3A_123, %dma_wait3A_124] : memref<1024x8xf32, #tpu.memory_space<vmem>> -> memref<128x8xf32, #tpu.memory_space<vmem>>
      %dma_wait3A_126 = arith.constant 128 : i32
      %dma_wait3A_127 = tpu.memref_slice %arg5[%dma_wait3A_126] : memref<1024xi32, #tpu.memory_space<vmem>> -> memref<128xi32, #tpu.memory_space<vmem>>
      %dma_wait3A_128 = arith.constant 0 : i32
      %dma_wait3A_129 = arith.constant 0 : i32
      %dma_wait3A_130 = tpu.memref_slice %arg2[%dma_wait3A_128, %dma_wait3A_129] : memref<50000x8xf32, #tpu.memory_space<hbm>> -> memref<50000x8xf32, #tpu.memory_space<hbm>>
      tpu.wait_indirect_dma semaphore(%arg7 : memref<!tpu.dma_semaphore, #tpu.memory_space<semaphore_mem>>) src(%dma_wait3A_130 : memref<50000x8xf32, #tpu.memory_space<hbm>>) dst(%dma_wait3A_125 : memref<128x8xf32, #tpu.memory_space<vmem>>)
      %dma_wait3A_131 = arith.constant 256 : i32
      %dma_wait3A_132 = arith.constant 0 : i32
      %dma_wait3A_133 = tpu.memref_slice %arg6[%dma_wait3A_131, %dma_wait3A_132] : memref<1024x8xf32, #tpu.memory_space<vmem>> -> memref<128x8xf32, #tpu.memory_space<vmem>>
      %dma_wait3A_134 = arith.constant 256 : i32
      %dma_wait3A_135 = tpu.memref_slice %arg5[%dma_wait3A_134] : memref<1024xi32, #tpu.memory_space<vmem>> -> memref<128xi32, #tpu.memory_space<vmem>>
      %dma_wait3A_136 = arith.constant 0 : i32
      %dma_wait3A_137 = arith.constant 0 : i32
      %dma_wait3A_138 = tpu.memref_slice %arg2[%dma_wait3A_136, %dma_wait3A_137] : memref<50000x8xf32, #tpu.memory_space<hbm>> -> memref<50000x8xf32, #tpu.memory_space<hbm>>
      tpu.wait_indirect_dma semaphore(%arg7 : memref<!tpu.dma_semaphore, #tpu.memory_space<semaphore_mem>>) src(%dma_wait3A_138 : memref<50000x8xf32, #tpu.memory_space<hbm>>) dst(%dma_wait3A_133 : memref<128x8xf32, #tpu.memory_space<vmem>>)
      %dma_wait3A_139 = arith.constant 384 : i32
      %dma_wait3A_140 = arith.constant 0 : i32
      %dma_wait3A_141 = tpu.memref_slice %arg6[%dma_wait3A_139, %dma_wait3A_140] : memref<1024x8xf32, #tpu.memory_space<vmem>> -> memref<128x8xf32, #tpu.memory_space<vmem>>
      %dma_wait3A_142 = arith.constant 384 : i32
      %dma_wait3A_143 = tpu.memref_slice %arg5[%dma_wait3A_142] : memref<1024xi32, #tpu.memory_space<vmem>> -> memref<128xi32, #tpu.memory_space<vmem>>
      %dma_wait3A_144 = arith.constant 0 : i32
      %dma_wait3A_145 = arith.constant 0 : i32
      %dma_wait3A_146 = tpu.memref_slice %arg2[%dma_wait3A_144, %dma_wait3A_145] : memref<50000x8xf32, #tpu.memory_space<hbm>> -> memref<50000x8xf32, #tpu.memory_space<hbm>>
      tpu.wait_indirect_dma semaphore(%arg7 : memref<!tpu.dma_semaphore, #tpu.memory_space<semaphore_mem>>) src(%dma_wait3A_146 : memref<50000x8xf32, #tpu.memory_space<hbm>>) dst(%dma_wait3A_141 : memref<128x8xf32, #tpu.memory_space<vmem>>)
      %dma_wait3A_147 = arith.constant 512 : i32
      %dma_wait3A_148 = arith.constant 0 : i32
      %dma_wait3A_149 = tpu.memref_slice %arg6[%dma_wait3A_147, %dma_wait3A_148] : memref<1024x8xf32, #tpu.memory_space<vmem>> -> memref<128x8xf32, #tpu.memory_space<vmem>>
      %dma_wait3A_150 = arith.constant 512 : i32
      %dma_wait3A_151 = tpu.memref_slice %arg5[%dma_wait3A_150] : memref<1024xi32, #tpu.memory_space<vmem>> -> memref<128xi32, #tpu.memory_space<vmem>>
      %dma_wait3A_152 = arith.constant 0 : i32
      %dma_wait3A_153 = arith.constant 0 : i32
      %dma_wait3A_154 = tpu.memref_slice %arg2[%dma_wait3A_152, %dma_wait3A_153] : memref<50000x8xf32, #tpu.memory_space<hbm>> -> memref<50000x8xf32, #tpu.memory_space<hbm>>
      tpu.wait_indirect_dma semaphore(%arg7 : memref<!tpu.dma_semaphore, #tpu.memory_space<semaphore_mem>>) src(%dma_wait3A_154 : memref<50000x8xf32, #tpu.memory_space<hbm>>) dst(%dma_wait3A_149 : memref<128x8xf32, #tpu.memory_space<vmem>>)
      %dma_wait3A_155 = arith.constant 640 : i32
      %dma_wait3A_156 = arith.constant 0 : i32
      %dma_wait3A_157 = tpu.memref_slice %arg6[%dma_wait3A_155, %dma_wait3A_156] : memref<1024x8xf32, #tpu.memory_space<vmem>> -> memref<128x8xf32, #tpu.memory_space<vmem>>
      %dma_wait3A_158 = arith.constant 640 : i32
      %dma_wait3A_159 = tpu.memref_slice %arg5[%dma_wait3A_158] : memref<1024xi32, #tpu.memory_space<vmem>> -> memref<128xi32, #tpu.memory_space<vmem>>
      %dma_wait3A_160 = arith.constant 0 : i32
      %dma_wait3A_161 = arith.constant 0 : i32
      %dma_wait3A_162 = tpu.memref_slice %arg2[%dma_wait3A_160, %dma_wait3A_161] : memref<50000x8xf32, #tpu.memory_space<hbm>> -> memref<50000x8xf32, #tpu.memory_space<hbm>>
      tpu.wait_indirect_dma semaphore(%arg7 : memref<!tpu.dma_semaphore, #tpu.memory_space<semaphore_mem>>) src(%dma_wait3A_162 : memref<50000x8xf32, #tpu.memory_space<hbm>>) dst(%dma_wait3A_157 : memref<128x8xf32, #tpu.memory_space<vmem>>)
      %dma_wait3A_163 = arith.constant 768 : i32
      %dma_wait3A_164 = arith.constant 0 : i32
      %dma_wait3A_165 = tpu.memref_slice %arg6[%dma_wait3A_163, %dma_wait3A_164] : memref<1024x8xf32, #tpu.memory_space<vmem>> -> memref<128x8xf32, #tpu.memory_space<vmem>>
      %dma_wait3A_166 = arith.constant 768 : i32
      %dma_wait3A_167 = tpu.memref_slice %arg5[%dma_wait3A_166] : memref<1024xi32, #tpu.memory_space<vmem>> -> memref<128xi32, #tpu.memory_space<vmem>>
      %dma_wait3A_168 = arith.constant 0 : i32
      %dma_wait3A_169 = arith.constant 0 : i32
      %dma_wait3A_170 = tpu.memref_slice %arg2[%dma_wait3A_168, %dma_wait3A_169] : memref<50000x8xf32, #tpu.memory_space<hbm>> -> memref<50000x8xf32, #tpu.memory_space<hbm>>
      tpu.wait_indirect_dma semaphore(%arg7 : memref<!tpu.dma_semaphore, #tpu.memory_space<semaphore_mem>>) src(%dma_wait3A_170 : memref<50000x8xf32, #tpu.memory_space<hbm>>) dst(%dma_wait3A_165 : memref<128x8xf32, #tpu.memory_space<vmem>>)
      %dma_wait3A_171 = arith.constant 896 : i32
      %dma_wait3A_172 = arith.constant 0 : i32
      %dma_wait3A_173 = tpu.memref_slice %arg6[%dma_wait3A_171, %dma_wait3A_172] : memref<1024x8xf32, #tpu.memory_space<vmem>> -> memref<128x8xf32, #tpu.memory_space<vmem>>
      %dma_wait3A_174 = arith.constant 896 : i32
      %dma_wait3A_175 = tpu.memref_slice %arg5[%dma_wait3A_174] : memref<1024xi32, #tpu.memory_space<vmem>> -> memref<128xi32, #tpu.memory_space<vmem>>
      %dma_wait3A_176 = arith.constant 0 : i32
      %dma_wait3A_177 = arith.constant 0 : i32
      %dma_wait3A_178 = tpu.memref_slice %arg2[%dma_wait3A_176, %dma_wait3A_177] : memref<50000x8xf32, #tpu.memory_space<hbm>> -> memref<50000x8xf32, #tpu.memory_space<hbm>>
      tpu.wait_indirect_dma semaphore(%arg7 : memref<!tpu.dma_semaphore, #tpu.memory_space<semaphore_mem>>) src(%dma_wait3A_178 : memref<50000x8xf32, #tpu.memory_space<hbm>>) dst(%dma_wait3A_173 : memref<128x8xf32, #tpu.memory_space<vmem>>)
      "tpu.region"() ({
        %run_scoped3A = tpu.sem_alloc : memref<!tpu.dma_semaphore, #tpu.memory_space<semaphore_mem>>
        %dma_start3A_179 = arith.constant 0 : i32
        %dma_start3A_180 = tpu.memref_slice %arg4[%mul3A_52, %dma_start3A_179] : memref<800000x8xf32, #tpu.memory_space<hbm>> -> memref<1024x8xf32, #tpu.memory_space<hbm>>
        %dma_start3A_181 = arith.constant 0 : i32
        %dma_start3A_182 = tpu.memref_slice %arg4[%mul3A_52, %dma_start3A_181] : memref<800000x8xf32, #tpu.memory_space<hbm>> -> memref<1024x8xf32, #tpu.memory_space<hbm>>
        tpu.enqueue_dma source(%arg6 : memref<1024x8xf32, #tpu.memory_space<vmem>>) target(%dma_start3A_182 : memref<1024x8xf32, #tpu.memory_space<hbm>>) target_semaphore(%run_scoped3A : memref<!tpu.dma_semaphore, #tpu.memory_space<semaphore_mem>>)
        %dma_wait3A_183 = arith.constant 0 : i32
        %dma_wait3A_184 = tpu.memref_slice %arg4[%mul3A_52, %dma_wait3A_183] : memref<800000x8xf32, #tpu.memory_space<hbm>> -> memref<1024x8xf32, #tpu.memory_space<hbm>>
        %dma_wait3A_185 = arith.constant 0 : i32
        %dma_wait3A_186 = tpu.memref_slice %arg4[%mul3A_52, %dma_wait3A_185] : memref<800000x8xf32, #tpu.memory_space<hbm>> -> memref<1024x8xf32, #tpu.memory_space<hbm>>
        tpu.wait_dma2 semaphore(%run_scoped3A : memref<!tpu.dma_semaphore, #tpu.memory_space<semaphore_mem>>) src(%arg6 : memref<1024x8xf32, #tpu.memory_space<vmem>>) dst(%dma_wait3A_186 : memref<1024x8xf32, #tpu.memory_space<hbm>>)
        tpu.yield
      }) : () -> ()
    }
    %while3A_35 = arith.constant 1 : i32
    scf.for %while3A_47 = %while3A_33 to %while3A_29 step %while3A_35  : i32 {
      %mul3A_48 = arith.constant 8 : i32
      %mul3A_49 = arith.muli %while3A_47, %mul3A_48 : i32
      %add3A_50 = arith.addi %add3A_8, %mul3A_49 : i32
      %mul3A_51 = arith.constant 128 : i32
      %mul3A_52 = arith.muli %add3A_50, %mul3A_51 : i32
      "tpu.region"() ({
        %run_scoped3A = tpu.sem_alloc : memref<!tpu.dma_semaphore, #tpu.memory_space<semaphore_mem>>
        %dma_start3A_179 = tpu.memref_slice %arg3[%mul3A_52] : memref<800000xi32, #tpu.memory_space<hbm>> -> memref<1024xi32, #tpu.memory_space<hbm>>
        %dma_start3A_180 = tpu.memref_slice %arg3[%mul3A_52] : memref<800000xi32, #tpu.memory_space<hbm>> -> memref<1024xi32, #tpu.memory_space<hbm>>
        tpu.enqueue_dma source(%dma_start3A_180 : memref<1024xi32, #tpu.memory_space<hbm>>) target(%arg5 : memref<1024xi32, #tpu.memory_space<vmem>>) target_semaphore(%run_scoped3A : memref<!tpu.dma_semaphore, #tpu.memory_space<semaphore_mem>>)
        %dma_wait3A_181 = tpu.memref_slice %arg3[%mul3A_52] : memref<800000xi32, #tpu.memory_space<hbm>> -> memref<1024xi32, #tpu.memory_space<hbm>>
        %dma_wait3A_182 = tpu.memref_slice %arg3[%mul3A_52] : memref<800000xi32, #tpu.memory_space<hbm>> -> memref<1024xi32, #tpu.memory_space<hbm>>
        tpu.wait_dma2 semaphore(%run_scoped3A : memref<!tpu.dma_semaphore, #tpu.memory_space<semaphore_mem>>) src(%dma_wait3A_182 : memref<1024xi32, #tpu.memory_space<hbm>>) dst(%arg5 : memref<1024xi32, #tpu.memory_space<vmem>>)
        tpu.yield
      }) : () -> ()
      %dma_start3A = arith.constant 0 : i32
      %dma_start3A_53 = arith.constant 0 : i32
      %dma_start3A_54 = tpu.memref_slice %arg6[%dma_start3A, %dma_start3A_53] : memref<1024x8xf32, #tpu.memory_space<vmem>> -> memref<128x8xf32, #tpu.memory_space<vmem>>
      %dma_start3A_55 = arith.constant 0 : i32
      %dma_start3A_56 = tpu.memref_slice %arg5[%dma_start3A_55] : memref<1024xi32, #tpu.memory_space<vmem>> -> memref<128xi32, #tpu.memory_space<vmem>>
      %dma_start3A_57 = arith.constant 0 : i32
      %dma_start3A_58 = arith.constant 0 : i32
      %dma_start3A_59 = tpu.memref_slice %arg2[%dma_start3A_57, %dma_start3A_58] : memref<50000x8xf32, #tpu.memory_space<hbm>> -> memref<50000x8xf32, #tpu.memory_space<hbm>>
      tpu.enqueue_indirect_dma source(%dma_start3A_59 : memref<50000x8xf32, #tpu.memory_space<hbm>>) target(%dma_start3A_54 : memref<128x8xf32, #tpu.memory_space<vmem>>) offsets(%dma_start3A_56 : memref<128xi32, #tpu.memory_space<vmem>>) semaphore(%arg7 : memref<!tpu.dma_semaphore, #tpu.memory_space<semaphore_mem>>)
      %dma_start3A_60 = arith.constant 128 : i32
      %dma_start3A_61 = arith.constant 0 : i32
      %dma_start3A_62 = tpu.memref_slice %arg6[%dma_start3A_60, %dma_start3A_61] : memref<1024x8xf32, #tpu.memory_space<vmem>> -> memref<128x8xf32, #tpu.memory_space<vmem>>
      %dma_start3A_63 = arith.constant 128 : i32
      %dma_start3A_64 = tpu.memref_slice %arg5[%dma_start3A_63] : memref<1024xi32, #tpu.memory_space<vmem>> -> memref<128xi32, #tpu.memory_space<vmem>>
      %dma_start3A_65 = arith.constant 0 : i32
      %dma_start3A_66 = arith.constant 0 : i32
      %dma_start3A_67 = tpu.memref_slice %arg2[%dma_start3A_65, %dma_start3A_66] : memref<50000x8xf32, #tpu.memory_space<hbm>> -> memref<50000x8xf32, #tpu.memory_space<hbm>>
      tpu.enqueue_indirect_dma source(%dma_start3A_67 : memref<50000x8xf32, #tpu.memory_space<hbm>>) target(%dma_start3A_62 : memref<128x8xf32, #tpu.memory_space<vmem>>) offsets(%dma_start3A_64 : memref<128xi32, #tpu.memory_space<vmem>>) semaphore(%arg7 : memref<!tpu.dma_semaphore, #tpu.memory_space<semaphore_mem>>)
      %dma_start3A_68 = arith.constant 256 : i32
      %dma_start3A_69 = arith.constant 0 : i32
      %dma_start3A_70 = tpu.memref_slice %arg6[%dma_start3A_68, %dma_start3A_69] : memref<1024x8xf32, #tpu.memory_space<vmem>> -> memref<128x8xf32, #tpu.memory_space<vmem>>
      %dma_start3A_71 = arith.constant 256 : i32
      %dma_start3A_72 = tpu.memref_slice %arg5[%dma_start3A_71] : memref<1024xi32, #tpu.memory_space<vmem>> -> memref<128xi32, #tpu.memory_space<vmem>>
      %dma_start3A_73 = arith.constant 0 : i32
      %dma_start3A_74 = arith.constant 0 : i32
      %dma_start3A_75 = tpu.memref_slice %arg2[%dma_start3A_73, %dma_start3A_74] : memref<50000x8xf32, #tpu.memory_space<hbm>> -> memref<50000x8xf32, #tpu.memory_space<hbm>>
      tpu.enqueue_indirect_dma source(%dma_start3A_75 : memref<50000x8xf32, #tpu.memory_space<hbm>>) target(%dma_start3A_70 : memref<128x8xf32, #tpu.memory_space<vmem>>) offsets(%dma_start3A_72 : memref<128xi32, #tpu.memory_space<vmem>>) semaphore(%arg7 : memref<!tpu.dma_semaphore, #tpu.memory_space<semaphore_mem>>)
      %dma_start3A_76 = arith.constant 384 : i32
      %dma_start3A_77 = arith.constant 0 : i32
      %dma_start3A_78 = tpu.memref_slice %arg6[%dma_start3A_76, %dma_start3A_77] : memref<1024x8xf32, #tpu.memory_space<vmem>> -> memref<128x8xf32, #tpu.memory_space<vmem>>
      %dma_start3A_79 = arith.constant 384 : i32
      %dma_start3A_80 = tpu.memref_slice %arg5[%dma_start3A_79] : memref<1024xi32, #tpu.memory_space<vmem>> -> memref<128xi32, #tpu.memory_space<vmem>>
      %dma_start3A_81 = arith.constant 0 : i32
      %dma_start3A_82 = arith.constant 0 : i32
      %dma_start3A_83 = tpu.memref_slice %arg2[%dma_start3A_81, %dma_start3A_82] : memref<50000x8xf32, #tpu.memory_space<hbm>> -> memref<50000x8xf32, #tpu.memory_space<hbm>>
      tpu.enqueue_indirect_dma source(%dma_start3A_83 : memref<50000x8xf32, #tpu.memory_space<hbm>>) target(%dma_start3A_78 : memref<128x8xf32, #tpu.memory_space<vmem>>) offsets(%dma_start3A_80 : memref<128xi32, #tpu.memory_space<vmem>>) semaphore(%arg7 : memref<!tpu.dma_semaphore, #tpu.memory_space<semaphore_mem>>)
      %dma_start3A_84 = arith.constant 512 : i32
      %dma_start3A_85 = arith.constant 0 : i32
      %dma_start3A_86 = tpu.memref_slice %arg6[%dma_start3A_84, %dma_start3A_85] : memref<1024x8xf32, #tpu.memory_space<vmem>> -> memref<128x8xf32, #tpu.memory_space<vmem>>
      %dma_start3A_87 = arith.constant 512 : i32
      %dma_start3A_88 = tpu.memref_slice %arg5[%dma_start3A_87] : memref<1024xi32, #tpu.memory_space<vmem>> -> memref<128xi32, #tpu.memory_space<vmem>>
      %dma_start3A_89 = arith.constant 0 : i32
      %dma_start3A_90 = arith.constant 0 : i32
      %dma_start3A_91 = tpu.memref_slice %arg2[%dma_start3A_89, %dma_start3A_90] : memref<50000x8xf32, #tpu.memory_space<hbm>> -> memref<50000x8xf32, #tpu.memory_space<hbm>>
      tpu.enqueue_indirect_dma source(%dma_start3A_91 : memref<50000x8xf32, #tpu.memory_space<hbm>>) target(%dma_start3A_86 : memref<128x8xf32, #tpu.memory_space<vmem>>) offsets(%dma_start3A_88 : memref<128xi32, #tpu.memory_space<vmem>>) semaphore(%arg7 : memref<!tpu.dma_semaphore, #tpu.memory_space<semaphore_mem>>)
      %dma_start3A_92 = arith.constant 640 : i32
      %dma_start3A_93 = arith.constant 0 : i32
      %dma_start3A_94 = tpu.memref_slice %arg6[%dma_start3A_92, %dma_start3A_93] : memref<1024x8xf32, #tpu.memory_space<vmem>> -> memref<128x8xf32, #tpu.memory_space<vmem>>
      %dma_start3A_95 = arith.constant 640 : i32
      %dma_start3A_96 = tpu.memref_slice %arg5[%dma_start3A_95] : memref<1024xi32, #tpu.memory_space<vmem>> -> memref<128xi32, #tpu.memory_space<vmem>>
      %dma_start3A_97 = arith.constant 0 : i32
      %dma_start3A_98 = arith.constant 0 : i32
      %dma_start3A_99 = tpu.memref_slice %arg2[%dma_start3A_97, %dma_start3A_98] : memref<50000x8xf32, #tpu.memory_space<hbm>> -> memref<50000x8xf32, #tpu.memory_space<hbm>>
      tpu.enqueue_indirect_dma source(%dma_start3A_99 : memref<50000x8xf32, #tpu.memory_space<hbm>>) target(%dma_start3A_94 : memref<128x8xf32, #tpu.memory_space<vmem>>) offsets(%dma_start3A_96 : memref<128xi32, #tpu.memory_space<vmem>>) semaphore(%arg7 : memref<!tpu.dma_semaphore, #tpu.memory_space<semaphore_mem>>)
      %dma_start3A_100 = arith.constant 768 : i32
      %dma_start3A_101 = arith.constant 0 : i32
      %dma_start3A_102 = tpu.memref_slice %arg6[%dma_start3A_100, %dma_start3A_101] : memref<1024x8xf32, #tpu.memory_space<vmem>> -> memref<128x8xf32, #tpu.memory_space<vmem>>
      %dma_start3A_103 = arith.constant 768 : i32
      %dma_start3A_104 = tpu.memref_slice %arg5[%dma_start3A_103] : memref<1024xi32, #tpu.memory_space<vmem>> -> memref<128xi32, #tpu.memory_space<vmem>>
      %dma_start3A_105 = arith.constant 0 : i32
      %dma_start3A_106 = arith.constant 0 : i32
      %dma_start3A_107 = tpu.memref_slice %arg2[%dma_start3A_105, %dma_start3A_106] : memref<50000x8xf32, #tpu.memory_space<hbm>> -> memref<50000x8xf32, #tpu.memory_space<hbm>>
      tpu.enqueue_indirect_dma source(%dma_start3A_107 : memref<50000x8xf32, #tpu.memory_space<hbm>>) target(%dma_start3A_102 : memref<128x8xf32, #tpu.memory_space<vmem>>) offsets(%dma_start3A_104 : memref<128xi32, #tpu.memory_space<vmem>>) semaphore(%arg7 : memref<!tpu.dma_semaphore, #tpu.memory_space<semaphore_mem>>)
      %dma_start3A_108 = arith.constant 896 : i32
      %dma_start3A_109 = arith.constant 0 : i32
      %dma_start3A_110 = tpu.memref_slice %arg6[%dma_start3A_108, %dma_start3A_109] : memref<1024x8xf32, #tpu.memory_space<vmem>> -> memref<128x8xf32, #tpu.memory_space<vmem>>
      %dma_start3A_111 = arith.constant 896 : i32
      %dma_start3A_112 = tpu.memref_slice %arg5[%dma_start3A_111] : memref<1024xi32, #tpu.memory_space<vmem>> -> memref<128xi32, #tpu.memory_space<vmem>>
      %dma_start3A_113 = arith.constant 0 : i32
      %dma_start3A_114 = arith.constant 0 : i32
      %dma_start3A_115 = tpu.memref_slice %arg2[%dma_start3A_113, %dma_start3A_114] : memref<50000x8xf32, #tpu.memory_space<hbm>> -> memref<50000x8xf32, #tpu.memory_space<hbm>>
      tpu.enqueue_indirect_dma source(%dma_start3A_115 : memref<50000x8xf32, #tpu.memory_space<hbm>>) target(%dma_start3A_110 : memref<128x8xf32, #tpu.memory_space<vmem>>) offsets(%dma_start3A_112 : memref<128xi32, #tpu.memory_space<vmem>>) semaphore(%arg7 : memref<!tpu.dma_semaphore, #tpu.memory_space<semaphore_mem>>)
      %dma_wait3A = arith.constant 0 : i32
      %dma_wait3A_116 = arith.constant 0 : i32
      %dma_wait3A_117 = tpu.memref_slice %arg6[%dma_wait3A, %dma_wait3A_116] : memref<1024x8xf32, #tpu.memory_space<vmem>> -> memref<128x8xf32, #tpu.memory_space<vmem>>
      %dma_wait3A_118 = arith.constant 0 : i32
      %dma_wait3A_119 = tpu.memref_slice %arg5[%dma_wait3A_118] : memref<1024xi32, #tpu.memory_space<vmem>> -> memref<128xi32, #tpu.memory_space<vmem>>
      %dma_wait3A_120 = arith.constant 0 : i32
      %dma_wait3A_121 = arith.constant 0 : i32
      %dma_wait3A_122 = tpu.memref_slice %arg2[%dma_wait3A_120, %dma_wait3A_121] : memref<50000x8xf32, #tpu.memory_space<hbm>> -> memref<50000x8xf32, #tpu.memory_space<hbm>>
      tpu.wait_indirect_dma semaphore(%arg7 : memref<!tpu.dma_semaphore, #tpu.memory_space<semaphore_mem>>) src(%dma_wait3A_122 : memref<50000x8xf32, #tpu.memory_space<hbm>>) dst(%dma_wait3A_117 : memref<128x8xf32, #tpu.memory_space<vmem>>)
      %dma_wait3A_123 = arith.constant 128 : i32
      %dma_wait3A_124 = arith.constant 0 : i32
      %dma_wait3A_125 = tpu.memref_slice %arg6[%dma_wait3A_123, %dma_wait3A_124] : memref<1024x8xf32, #tpu.memory_space<vmem>> -> memref<128x8xf32, #tpu.memory_space<vmem>>
      %dma_wait3A_126 = arith.constant 128 : i32
      %dma_wait3A_127 = tpu.memref_slice %arg5[%dma_wait3A_126] : memref<1024xi32, #tpu.memory_space<vmem>> -> memref<128xi32, #tpu.memory_space<vmem>>
      %dma_wait3A_128 = arith.constant 0 : i32
      %dma_wait3A_129 = arith.constant 0 : i32
      %dma_wait3A_130 = tpu.memref_slice %arg2[%dma_wait3A_128, %dma_wait3A_129] : memref<50000x8xf32, #tpu.memory_space<hbm>> -> memref<50000x8xf32, #tpu.memory_space<hbm>>
      tpu.wait_indirect_dma semaphore(%arg7 : memref<!tpu.dma_semaphore, #tpu.memory_space<semaphore_mem>>) src(%dma_wait3A_130 : memref<50000x8xf32, #tpu.memory_space<hbm>>) dst(%dma_wait3A_125 : memref<128x8xf32, #tpu.memory_space<vmem>>)
      %dma_wait3A_131 = arith.constant 256 : i32
      %dma_wait3A_132 = arith.constant 0 : i32
      %dma_wait3A_133 = tpu.memref_slice %arg6[%dma_wait3A_131, %dma_wait3A_132] : memref<1024x8xf32, #tpu.memory_space<vmem>> -> memref<128x8xf32, #tpu.memory_space<vmem>>
      %dma_wait3A_134 = arith.constant 256 : i32
      %dma_wait3A_135 = tpu.memref_slice %arg5[%dma_wait3A_134] : memref<1024xi32, #tpu.memory_space<vmem>> -> memref<128xi32, #tpu.memory_space<vmem>>
      %dma_wait3A_136 = arith.constant 0 : i32
      %dma_wait3A_137 = arith.constant 0 : i32
      %dma_wait3A_138 = tpu.memref_slice %arg2[%dma_wait3A_136, %dma_wait3A_137] : memref<50000x8xf32, #tpu.memory_space<hbm>> -> memref<50000x8xf32, #tpu.memory_space<hbm>>
      tpu.wait_indirect_dma semaphore(%arg7 : memref<!tpu.dma_semaphore, #tpu.memory_space<semaphore_mem>>) src(%dma_wait3A_138 : memref<50000x8xf32, #tpu.memory_space<hbm>>) dst(%dma_wait3A_133 : memref<128x8xf32, #tpu.memory_space<vmem>>)
      %dma_wait3A_139 = arith.constant 384 : i32
      %dma_wait3A_140 = arith.constant 0 : i32
      %dma_wait3A_141 = tpu.memref_slice %arg6[%dma_wait3A_139, %dma_wait3A_140] : memref<1024x8xf32, #tpu.memory_space<vmem>> -> memref<128x8xf32, #tpu.memory_space<vmem>>
      %dma_wait3A_142 = arith.constant 384 : i32
      %dma_wait3A_143 = tpu.memref_slice %arg5[%dma_wait3A_142] : memref<1024xi32, #tpu.memory_space<vmem>> -> memref<128xi32, #tpu.memory_space<vmem>>
      %dma_wait3A_144 = arith.constant 0 : i32
      %dma_wait3A_145 = arith.constant 0 : i32
      %dma_wait3A_146 = tpu.memref_slice %arg2[%dma_wait3A_144, %dma_wait3A_145] : memref<50000x8xf32, #tpu.memory_space<hbm>> -> memref<50000x8xf32, #tpu.memory_space<hbm>>
      tpu.wait_indirect_dma semaphore(%arg7 : memref<!tpu.dma_semaphore, #tpu.memory_space<semaphore_mem>>) src(%dma_wait3A_146 : memref<50000x8xf32, #tpu.memory_space<hbm>>) dst(%dma_wait3A_141 : memref<128x8xf32, #tpu.memory_space<vmem>>)
      %dma_wait3A_147 = arith.constant 512 : i32
      %dma_wait3A_148 = arith.constant 0 : i32
      %dma_wait3A_149 = tpu.memref_slice %arg6[%dma_wait3A_147, %dma_wait3A_148] : memref<1024x8xf32, #tpu.memory_space<vmem>> -> memref<128x8xf32, #tpu.memory_space<vmem>>
      %dma_wait3A_150 = arith.constant 512 : i32
      %dma_wait3A_151 = tpu.memref_slice %arg5[%dma_wait3A_150] : memref<1024xi32, #tpu.memory_space<vmem>> -> memref<128xi32, #tpu.memory_space<vmem>>
      %dma_wait3A_152 = arith.constant 0 : i32
      %dma_wait3A_153 = arith.constant 0 : i32
      %dma_wait3A_154 = tpu.memref_slice %arg2[%dma_wait3A_152, %dma_wait3A_153] : memref<50000x8xf32, #tpu.memory_space<hbm>> -> memref<50000x8xf32, #tpu.memory_space<hbm>>
      tpu.wait_indirect_dma semaphore(%arg7 : memref<!tpu.dma_semaphore, #tpu.memory_space<semaphore_mem>>) src(%dma_wait3A_154 : memref<50000x8xf32, #tpu.memory_space<hbm>>) dst(%dma_wait3A_149 : memref<128x8xf32, #tpu.memory_space<vmem>>)
      %dma_wait3A_155 = arith.constant 640 : i32
      %dma_wait3A_156 = arith.constant 0 : i32
      %dma_wait3A_157 = tpu.memref_slice %arg6[%dma_wait3A_155, %dma_wait3A_156] : memref<1024x8xf32, #tpu.memory_space<vmem>> -> memref<128x8xf32, #tpu.memory_space<vmem>>
      %dma_wait3A_158 = arith.constant 640 : i32
      %dma_wait3A_159 = tpu.memref_slice %arg5[%dma_wait3A_158] : memref<1024xi32, #tpu.memory_space<vmem>> -> memref<128xi32, #tpu.memory_space<vmem>>
      %dma_wait3A_160 = arith.constant 0 : i32
      %dma_wait3A_161 = arith.constant 0 : i32
      %dma_wait3A_162 = tpu.memref_slice %arg2[%dma_wait3A_160, %dma_wait3A_161] : memref<50000x8xf32, #tpu.memory_space<hbm>> -> memref<50000x8xf32, #tpu.memory_space<hbm>>
      tpu.wait_indirect_dma semaphore(%arg7 : memref<!tpu.dma_semaphore, #tpu.memory_space<semaphore_mem>>) src(%dma_wait3A_162 : memref<50000x8xf32, #tpu.memory_space<hbm>>) dst(%dma_wait3A_157 : memref<128x8xf32, #tpu.memory_space<vmem>>)
      %dma_wait3A_163 = arith.constant 768 : i32
      %dma_wait3A_164 = arith.constant 0 : i32
      %dma_wait3A_165 = tpu.memref_slice %arg6[%dma_wait3A_163, %dma_wait3A_164] : memref<1024x8xf32, #tpu.memory_space<vmem>> -> memref<128x8xf32, #tpu.memory_space<vmem>>
      %dma_wait3A_166 = arith.constant 768 : i32
      %dma_wait3A_167 = tpu.memref_slice %arg5[%dma_wait3A_166] : memref<1024xi32, #tpu.memory_space<vmem>> -> memref<128xi32, #tpu.memory_space<vmem>>
      %dma_wait3A_168 = arith.constant 0 : i32
      %dma_wait3A_169 = arith.constant 0 : i32
      %dma_wait3A_170 = tpu.memref_slice %arg2[%dma_wait3A_168, %dma_wait3A_169] : memref<50000x8xf32, #tpu.memory_space<hbm>> -> memref<50000x8xf32, #tpu.memory_space<hbm>>
      tpu.wait_indirect_dma semaphore(%arg7 : memref<!tpu.dma_semaphore, #tpu.memory_space<semaphore_mem>>) src(%dma_wait3A_170 : memref<50000x8xf32, #tpu.memory_space<hbm>>) dst(%dma_wait3A_165 : memref<128x8xf32, #tpu.memory_space<vmem>>)
      %dma_wait3A_171 = arith.constant 896 : i32
      %dma_wait3A_172 = arith.constant 0 : i32
      %dma_wait3A_173 = tpu.memref_slice %arg6[%dma_wait3A_171, %dma_wait3A_172] : memref<1024x8xf32, #tpu.memory_space<vmem>> -> memref<128x8xf32, #tpu.memory_space<vmem>>
      %dma_wait3A_174 = arith.constant 896 : i32
      %dma_wait3A_175 = tpu.memref_slice %arg5[%dma_wait3A_174] : memref<1024xi32, #tpu.memory_space<vmem>> -> memref<128xi32, #tpu.memory_space<vmem>>
      %dma_wait3A_176 = arith.constant 0 : i32
      %dma_wait3A_177 = arith.constant 0 : i32
      %dma_wait3A_178 = tpu.memref_slice %arg2[%dma_wait3A_176, %dma_wait3A_177] : memref<50000x8xf32, #tpu.memory_space<hbm>> -> memref<50000x8xf32, #tpu.memory_space<hbm>>
      tpu.wait_indirect_dma semaphore(%arg7 : memref<!tpu.dma_semaphore, #tpu.memory_space<semaphore_mem>>) src(%dma_wait3A_178 : memref<50000x8xf32, #tpu.memory_space<hbm>>) dst(%dma_wait3A_173 : memref<128x8xf32, #tpu.memory_space<vmem>>)
      "tpu.region"() ({
        %run_scoped3A = tpu.sem_alloc : memref<!tpu.dma_semaphore, #tpu.memory_space<semaphore_mem>>
        %dma_start3A_179 = arith.constant 0 : i32
        %dma_start3A_180 = tpu.memref_slice %arg4[%mul3A_52, %dma_start3A_179] : memref<800000x8xf32, #tpu.memory_space<hbm>> -> memref<1024x8xf32, #tpu.memory_space<hbm>>
        %dma_start3A_181 = arith.constant 0 : i32
        %dma_start3A_182 = tpu.memref_slice %arg4[%mul3A_52, %dma_start3A_181] : memref<800000x8xf32, #tpu.memory_space<hbm>> -> memref<1024x8xf32, #tpu.memory_space<hbm>>
        tpu.enqueue_dma source(%arg6 : memref<1024x8xf32, #tpu.memory_space<vmem>>) target(%dma_start3A_182 : memref<1024x8xf32, #tpu.memory_space<hbm>>) target_semaphore(%run_scoped3A : memref<!tpu.dma_semaphore, #tpu.memory_space<semaphore_mem>>)
        %dma_wait3A_183 = arith.constant 0 : i32
        %dma_wait3A_184 = tpu.memref_slice %arg4[%mul3A_52, %dma_wait3A_183] : memref<800000x8xf32, #tpu.memory_space<hbm>> -> memref<1024x8xf32, #tpu.memory_space<hbm>>
        %dma_wait3A_185 = arith.constant 0 : i32
        %dma_wait3A_186 = tpu.memref_slice %arg4[%mul3A_52, %dma_wait3A_185] : memref<800000x8xf32, #tpu.memory_space<hbm>> -> memref<1024x8xf32, #tpu.memory_space<hbm>>
        tpu.wait_dma2 semaphore(%run_scoped3A : memref<!tpu.dma_semaphore, #tpu.memory_space<semaphore_mem>>) src(%arg6 : memref<1024x8xf32, #tpu.memory_space<vmem>>) dst(%dma_wait3A_186 : memref<1024x8xf32, #tpu.memory_space<hbm>>)
        tpu.yield
      }) : () -> ()
    }
    %mul3A_36 = arith.constant 8 : i32
    %mul3A_37 = arith.muli %select_n3A_26, %mul3A_36 : i32
    %while3A_38 = arith.constant 0 : i32
    %while3A_39 = arith.subi %add3A_4, %mul3A_37 : i32
    %while3A_40 = arith.addi %mul3A_37, %while3A_39 : i32
    %while3A_41 = arith.constant 1 : i32
    %while3A_42 = arith.divsi %while3A_39, %while3A_41 : i32
    %while3A_43 = arith.muli %while3A_42, %while3A_41 : i32
    %while3A_44 = arith.addi %mul3A_37, %while3A_43 : i32
    %while3A_45 = arith.constant 1 : i32
    scf.for %while3A_47 = %mul3A_37 to %while3A_44 step %while3A_45  : i32 {
      %add3A_48 = arith.addi %add3A_8, %while3A_47 : i32
      %mul3A_49 = arith.constant 128 : i32
      %mul3A_50 = arith.muli %add3A_48, %mul3A_49 : i32
      "tpu.region"() ({
        %run_scoped3A = tpu.sem_alloc : memref<!tpu.dma_semaphore, #tpu.memory_space<semaphore_mem>>
        %dma_start3A_65 = arith.constant 0 : i32
        %dma_start3A_66 = tpu.memref_slice %arg5[%dma_start3A_65] : memref<1024xi32, #tpu.memory_space<vmem>> -> memref<128xi32, #tpu.memory_space<vmem>>
        %dma_start3A_67 = tpu.memref_slice %arg3[%mul3A_50] : memref<800000xi32, #tpu.memory_space<hbm>> -> memref<128xi32, #tpu.memory_space<hbm>>
        %dma_start3A_68 = arith.constant 0 : i32
        %dma_start3A_69 = tpu.memref_slice %arg5[%dma_start3A_68] : memref<1024xi32, #tpu.memory_space<vmem>> -> memref<128xi32, #tpu.memory_space<vmem>>
        %dma_start3A_70 = tpu.memref_slice %arg3[%mul3A_50] : memref<800000xi32, #tpu.memory_space<hbm>> -> memref<128xi32, #tpu.memory_space<hbm>>
        tpu.enqueue_dma source(%dma_start3A_70 : memref<128xi32, #tpu.memory_space<hbm>>) target(%dma_start3A_69 : memref<128xi32, #tpu.memory_space<vmem>>) target_semaphore(%run_scoped3A : memref<!tpu.dma_semaphore, #tpu.memory_space<semaphore_mem>>)
        %dma_wait3A_71 = arith.constant 0 : i32
        %dma_wait3A_72 = tpu.memref_slice %arg5[%dma_wait3A_71] : memref<1024xi32, #tpu.memory_space<vmem>> -> memref<128xi32, #tpu.memory_space<vmem>>
        %dma_wait3A_73 = tpu.memref_slice %arg3[%mul3A_50] : memref<800000xi32, #tpu.memory_space<hbm>> -> memref<128xi32, #tpu.memory_space<hbm>>
        %dma_wait3A_74 = arith.constant 0 : i32
        %dma_wait3A_75 = tpu.memref_slice %arg5[%dma_wait3A_74] : memref<1024xi32, #tpu.memory_space<vmem>> -> memref<128xi32, #tpu.memory_space<vmem>>
        %dma_wait3A_76 = tpu.memref_slice %arg3[%mul3A_50] : memref<800000xi32, #tpu.memory_space<hbm>> -> memref<128xi32, #tpu.memory_space<hbm>>
        tpu.wait_dma2 semaphore(%run_scoped3A : memref<!tpu.dma_semaphore, #tpu.memory_space<semaphore_mem>>) src(%dma_wait3A_76 : memref<128xi32, #tpu.memory_space<hbm>>) dst(%dma_wait3A_75 : memref<128xi32, #tpu.memory_space<vmem>>)
        tpu.yield
      }) : () -> ()
      %dma_start3A = arith.constant 0 : i32
      %dma_start3A_51 = arith.constant 0 : i32
      %dma_start3A_52 = tpu.memref_slice %arg6[%dma_start3A, %dma_start3A_51] : memref<1024x8xf32, #tpu.memory_space<vmem>> -> memref<128x8xf32, #tpu.memory_space<vmem>>
      %dma_start3A_53 = arith.constant 0 : i32
      %dma_start3A_54 = tpu.memref_slice %arg5[%dma_start3A_53] : memref<1024xi32, #tpu.memory_space<vmem>> -> memref<128xi32, #tpu.memory_space<vmem>>
      %dma_start3A_55 = arith.constant 0 : i32
      %dma_start3A_56 = arith.constant 0 : i32
      %dma_start3A_57 = tpu.memref_slice %arg2[%dma_start3A_55, %dma_start3A_56] : memref<50000x8xf32, #tpu.memory_space<hbm>> -> memref<50000x8xf32, #tpu.memory_space<hbm>>
      tpu.enqueue_indirect_dma source(%dma_start3A_57 : memref<50000x8xf32, #tpu.memory_space<hbm>>) target(%dma_start3A_52 : memref<128x8xf32, #tpu.memory_space<vmem>>) offsets(%dma_start3A_54 : memref<128xi32, #tpu.memory_space<vmem>>) semaphore(%arg7 : memref<!tpu.dma_semaphore, #tpu.memory_space<semaphore_mem>>)
      %dma_wait3A = arith.constant 0 : i32
      %dma_wait3A_58 = arith.constant 0 : i32
      %dma_wait3A_59 = tpu.memref_slice %arg6[%dma_wait3A, %dma_wait3A_58] : memref<1024x8xf32, #tpu.memory_space<vmem>> -> memref<128x8xf32, #tpu.memory_space<vmem>>
      %dma_wait3A_60 = arith.constant 0 : i32
      %dma_wait3A_61 = tpu.memref_slice %arg5[%dma_wait3A_60] : memref<1024xi32, #tpu.memory_space<vmem>> -> memref<128xi32, #tpu.memory_space<vmem>>
      %dma_wait3A_62 = arith.constant 0 : i32
      %dma_wait3A_63 = arith.constant 0 : i32
      %dma_wait3A_64 = tpu.memref_slice %arg2[%dma_wait3A_62, %dma_wait3A_63] : memref<50000x8xf32, #tpu.memory_space<hbm>> -> memref<50000x8xf32, #tpu.memory_space<hbm>>
      tpu.wait_indirect_dma semaphore(%arg7 : memref<!tpu.dma_semaphore, #tpu.memory_space<semaphore_mem>>) src(%dma_wait3A_64 : memref<50000x8xf32, #tpu.memory_space<hbm>>) dst(%dma_wait3A_59 : memref<128x8xf32, #tpu.memory_space<vmem>>)
      "tpu.region"() ({
        %run_scoped3A = tpu.sem_alloc : memref<!tpu.dma_semaphore, #tpu.memory_space<semaphore_mem>>
        %dma_start3A_65 = arith.constant 0 : i32
        %dma_start3A_66 = arith.constant 0 : i32
        %dma_start3A_67 = tpu.memref_slice %arg6[%dma_start3A_65, %dma_start3A_66] : memref<1024x8xf32, #tpu.memory_space<vmem>> -> memref<128x8xf32, #tpu.memory_space<vmem>>
        %dma_start3A_68 = arith.constant 0 : i32
        %dma_start3A_69 = tpu.memref_slice %arg4[%mul3A_50, %dma_start3A_68] : memref<800000x8xf32, #tpu.memory_space<hbm>> -> memref<128x8xf32, #tpu.memory_space<hbm>>
        %dma_start3A_70 = arith.constant 0 : i32
        %dma_start3A_71 = tpu.memref_slice %arg4[%mul3A_50, %dma_start3A_70] : memref<800000x8xf32, #tpu.memory_space<hbm>> -> memref<128x8xf32, #tpu.memory_space<hbm>>
        %dma_start3A_72 = arith.constant 0 : i32
        %dma_start3A_73 = arith.constant 0 : i32
        %dma_start3A_74 = tpu.memref_slice %arg6[%dma_start3A_72, %dma_start3A_73] : memref<1024x8xf32, #tpu.memory_space<vmem>> -> memref<128x8xf32, #tpu.memory_space<vmem>>
        tpu.enqueue_dma source(%dma_start3A_74 : memref<128x8xf32, #tpu.memory_space<vmem>>) target(%dma_start3A_71 : memref<128x8xf32, #tpu.memory_space<hbm>>) target_semaphore(%run_scoped3A : memref<!tpu.dma_semaphore, #tpu.memory_space<semaphore_mem>>)
        %dma_wait3A_75 = arith.constant 0 : i32
        %dma_wait3A_76 = arith.constant 0 : i32
        %dma_wait3A_77 = tpu.memref_slice %arg6[%dma_wait3A_75, %dma_wait3A_76] : memref<1024x8xf32, #tpu.memory_space<vmem>> -> memref<128x8xf32, #tpu.memory_space<vmem>>
        %dma_wait3A_78 = arith.constant 0 : i32
        %dma_wait3A_79 = tpu.memref_slice %arg4[%mul3A_50, %dma_wait3A_78] : memref<800000x8xf32, #tpu.memory_space<hbm>> -> memref<128x8xf32, #tpu.memory_space<hbm>>
        %dma_wait3A_80 = arith.constant 0 : i32
        %dma_wait3A_81 = tpu.memref_slice %arg4[%mul3A_50, %dma_wait3A_80] : memref<800000x8xf32, #tpu.memory_space<hbm>> -> memref<128x8xf32, #tpu.memory_space<hbm>>
        %dma_wait3A_82 = arith.constant 0 : i32
        %dma_wait3A_83 = arith.constant 0 : i32
        %dma_wait3A_84 = tpu.memref_slice %arg6[%dma_wait3A_82, %dma_wait3A_83] : memref<1024x8xf32, #tpu.memory_space<vmem>> -> memref<128x8xf32, #tpu.memory_space<vmem>>
        tpu.wait_dma2 semaphore(%run_scoped3A : memref<!tpu.dma_semaphore, #tpu.memory_space<semaphore_mem>>) src(%dma_wait3A_84 : memref<128x8xf32, #tpu.memory_space<vmem>>) dst(%dma_wait3A_81 : memref<128x8xf32, #tpu.memory_space<hbm>>)
        tpu.yield
      }) : () -> ()
    }
    %while3A_46 = arith.constant 1 : i32
    scf.for %while3A_47 = %while3A_44 to %while3A_40 step %while3A_46  : i32 {
      %add3A_48 = arith.addi %add3A_8, %while3A_47 : i32
      %mul3A_49 = arith.constant 128 : i32
      %mul3A_50 = arith.muli %add3A_48, %mul3A_49 : i32
      "tpu.region"() ({
        %run_scoped3A = tpu.sem_alloc : memref<!tpu.dma_semaphore, #tpu.memory_space<semaphore_mem>>
        %dma_start3A_65 = arith.constant 0 : i32
        %dma_start3A_66 = tpu.memref_slice %arg5[%dma_start3A_65] : memref<1024xi32, #tpu.memory_space<vmem>> -> memref<128xi32, #tpu.memory_space<vmem>>
        %dma_start3A_67 = tpu.memref_slice %arg3[%mul3A_50] : memref<800000xi32, #tpu.memory_space<hbm>> -> memref<128xi32, #tpu.memory_space<hbm>>
        %dma_start3A_68 = arith.constant 0 : i32
        %dma_start3A_69 = tpu.memref_slice %arg5[%dma_start3A_68] : memref<1024xi32, #tpu.memory_space<vmem>> -> memref<128xi32, #tpu.memory_space<vmem>>
        %dma_start3A_70 = tpu.memref_slice %arg3[%mul3A_50] : memref<800000xi32, #tpu.memory_space<hbm>> -> memref<128xi32, #tpu.memory_space<hbm>>
        tpu.enqueue_dma source(%dma_start3A_70 : memref<128xi32, #tpu.memory_space<hbm>>) target(%dma_start3A_69 : memref<128xi32, #tpu.memory_space<vmem>>) target_semaphore(%run_scoped3A : memref<!tpu.dma_semaphore, #tpu.memory_space<semaphore_mem>>)
        %dma_wait3A_71 = arith.constant 0 : i32
        %dma_wait3A_72 = tpu.memref_slice %arg5[%dma_wait3A_71] : memref<1024xi32, #tpu.memory_space<vmem>> -> memref<128xi32, #tpu.memory_space<vmem>>
        %dma_wait3A_73 = tpu.memref_slice %arg3[%mul3A_50] : memref<800000xi32, #tpu.memory_space<hbm>> -> memref<128xi32, #tpu.memory_space<hbm>>
        %dma_wait3A_74 = arith.constant 0 : i32
        %dma_wait3A_75 = tpu.memref_slice %arg5[%dma_wait3A_74] : memref<1024xi32, #tpu.memory_space<vmem>> -> memref<128xi32, #tpu.memory_space<vmem>>
        %dma_wait3A_76 = tpu.memref_slice %arg3[%mul3A_50] : memref<800000xi32, #tpu.memory_space<hbm>> -> memref<128xi32, #tpu.memory_space<hbm>>
        tpu.wait_dma2 semaphore(%run_scoped3A : memref<!tpu.dma_semaphore, #tpu.memory_space<semaphore_mem>>) src(%dma_wait3A_76 : memref<128xi32, #tpu.memory_space<hbm>>) dst(%dma_wait3A_75 : memref<128xi32, #tpu.memory_space<vmem>>)
        tpu.yield
      }) : () -> ()
      %dma_start3A = arith.constant 0 : i32
      %dma_start3A_51 = arith.constant 0 : i32
      %dma_start3A_52 = tpu.memref_slice %arg6[%dma_start3A, %dma_start3A_51] : memref<1024x8xf32, #tpu.memory_space<vmem>> -> memref<128x8xf32, #tpu.memory_space<vmem>>
      %dma_start3A_53 = arith.constant 0 : i32
      %dma_start3A_54 = tpu.memref_slice %arg5[%dma_start3A_53] : memref<1024xi32, #tpu.memory_space<vmem>> -> memref<128xi32, #tpu.memory_space<vmem>>
      %dma_start3A_55 = arith.constant 0 : i32
      %dma_start3A_56 = arith.constant 0 : i32
      %dma_start3A_57 = tpu.memref_slice %arg2[%dma_start3A_55, %dma_start3A_56] : memref<50000x8xf32, #tpu.memory_space<hbm>> -> memref<50000x8xf32, #tpu.memory_space<hbm>>
      tpu.enqueue_indirect_dma source(%dma_start3A_57 : memref<50000x8xf32, #tpu.memory_space<hbm>>) target(%dma_start3A_52 : memref<128x8xf32, #tpu.memory_space<vmem>>) offsets(%dma_start3A_54 : memref<128xi32, #tpu.memory_space<vmem>>) semaphore(%arg7 : memref<!tpu.dma_semaphore, #tpu.memory_space<semaphore_mem>>)
      %dma_wait3A = arith.constant 0 : i32
      %dma_wait3A_58 = arith.constant 0 : i32
      %dma_wait3A_59 = tpu.memref_slice %arg6[%dma_wait3A, %dma_wait3A_58] : memref<1024x8xf32, #tpu.memory_space<vmem>> -> memref<128x8xf32, #tpu.memory_space<vmem>>
      %dma_wait3A_60 = arith.constant 0 : i32
      %dma_wait3A_61 = tpu.memref_slice %arg5[%dma_wait3A_60] : memref<1024xi32, #tpu.memory_space<vmem>> -> memref<128xi32, #tpu.memory_space<vmem>>
      %dma_wait3A_62 = arith.constant 0 : i32
      %dma_wait3A_63 = arith.constant 0 : i32
      %dma_wait3A_64 = tpu.memref_slice %arg2[%dma_wait3A_62, %dma_wait3A_63] : memref<50000x8xf32, #tpu.memory_space<hbm>> -> memref<50000x8xf32, #tpu.memory_space<hbm>>
      tpu.wait_indirect_dma semaphore(%arg7 : memref<!tpu.dma_semaphore, #tpu.memory_space<semaphore_mem>>) src(%dma_wait3A_64 : memref<50000x8xf32, #tpu.memory_space<hbm>>) dst(%dma_wait3A_59 : memref<128x8xf32, #tpu.memory_space<vmem>>)
      "tpu.region"() ({
        %run_scoped3A = tpu.sem_alloc : memref<!tpu.dma_semaphore, #tpu.memory_space<semaphore_mem>>
        %dma_start3A_65 = arith.constant 0 : i32
        %dma_start3A_66 = arith.constant 0 : i32
        %dma_start3A_67 = tpu.memref_slice %arg6[%dma_start3A_65, %dma_start3A_66] : memref<1024x8xf32, #tpu.memory_space<vmem>> -> memref<128x8xf32, #tpu.memory_space<vmem>>
        %dma_start3A_68 = arith.constant 0 : i32
        %dma_start3A_69 = tpu.memref_slice %arg4[%mul3A_50, %dma_start3A_68] : memref<800000x8xf32, #tpu.memory_space<hbm>> -> memref<128x8xf32, #tpu.memory_space<hbm>>
        %dma_start3A_70 = arith.constant 0 : i32
        %dma_start3A_71 = tpu.memref_slice %arg4[%mul3A_50, %dma_start3A_70] : memref<800000x8xf32, #tpu.memory_space<hbm>> -> memref<128x8xf32, #tpu.memory_space<hbm>>
        %dma_start3A_72 = arith.constant 0 : i32
        %dma_start3A_73 = arith.constant 0 : i32
        %dma_start3A_74 = tpu.memref_slice %arg6[%dma_start3A_72, %dma_start3A_73] : memref<1024x8xf32, #tpu.memory_space<vmem>> -> memref<128x8xf32, #tpu.memory_space<vmem>>
        tpu.enqueue_dma source(%dma_start3A_74 : memref<128x8xf32, #tpu.memory_space<vmem>>) target(%dma_start3A_71 : memref<128x8xf32, #tpu.memory_space<hbm>>) target_semaphore(%run_scoped3A : memref<!tpu.dma_semaphore, #tpu.memory_space<semaphore_mem>>)
        %dma_wait3A_75 = arith.constant 0 : i32
        %dma_wait3A_76 = arith.constant 0 : i32
        %dma_wait3A_77 = tpu.memref_slice %arg6[%dma_wait3A_75, %dma_wait3A_76] : memref<1024x8xf32, #tpu.memory_space<vmem>> -> memref<128x8xf32, #tpu.memory_space<vmem>>
        %dma_wait3A_78 = arith.constant 0 : i32
        %dma_wait3A_79 = tpu.memref_slice %arg4[%mul3A_50, %dma_wait3A_78] : memref<800000x8xf32, #tpu.memory_space<hbm>> -> memref<128x8xf32, #tpu.memory_space<hbm>>
        %dma_wait3A_80 = arith.constant 0 : i32
        %dma_wait3A_81 = tpu.memref_slice %arg4[%mul3A_50, %dma_wait3A_80] : memref<800000x8xf32, #tpu.memory_space<hbm>> -> memref<128x8xf32, #tpu.memory_space<hbm>>
        %dma_wait3A_82 = arith.constant 0 : i32
        %dma_wait3A_83 = arith.constant 0 : i32
        %dma_wait3A_84 = tpu.memref_slice %arg6[%dma_wait3A_82, %dma_wait3A_83] : memref<1024x8xf32, #tpu.memory_space<vmem>> -> memref<128x8xf32, #tpu.memory_space<vmem>>
        tpu.wait_dma2 semaphore(%run_scoped3A : memref<!tpu.dma_semaphore, #tpu.memory_space<semaphore_mem>>) src(%dma_wait3A_84 : memref<128x8xf32, #tpu.memory_space<vmem>>) dst(%dma_wait3A_81 : memref<128x8xf32, #tpu.memory_space<hbm>>)
        tpu.yield
      }) : () -> ()
    }
    return
  }
}

module attributes {stable_mosaic.version = 14 : i64} {
  func.func @_moments_body(%arg0: i32, %arg1: memref<8000x16xf32, #tpu.memory_space<vmem>>, %arg2: memref<16x16xf32, #tpu.memory_space<vmem>>, %arg3: memref<1x16xf32, #tpu.memory_space<vmem>>, %arg4: memref<1000x128xf32, #tpu.memory_space<vmem>>, %arg5: memref<16x16xf32, #tpu.memory_space<vmem>>, %arg6: memref<1x16xf32, #tpu.memory_space<vmem>>) attributes {dimension_semantics = [#tpu.dimension_semantics<arbitrary>], iteration_bounds = array<i64: 100>, scalar_prefetch = 0 : i64, scratch_operands = 2 : i64, tpu.core_type = #tpu.core_type<tc>, window_params = [{transform_indices = @transform_0, window_bounds = array<i64: 8000, 16>}, {pipeline_mode = #tpu.pipeline_mode<synchronous>, transform_indices = @transform_1, window_bounds = array<i64: 16, 16>}, {pipeline_mode = #tpu.pipeline_mode<synchronous>, transform_indices = @transform_2, window_bounds = array<i64: 1, 16>}, {transform_indices = @transform_3, window_bounds = array<i64: 1000, 128>}]} {
    %eq3A = arith.constant 0 : i32
    %eq3A_0 = arith.cmpi eq, %arg0, %eq3A : i32
    %convert_element_type3A = arith.extui %eq3A_0 : i1 to i32
    %cond3A = arith.constant 0 : i32
    %cond3A_1 = arith.cmpi ne, %convert_element_type3A, %cond3A : i32
    scf.if %cond3A_1 {
      %broadcast_in_dim3A_40 = arith.constant 0.000000e+00 : f32
      %broadcast_in_dim3A_41 = vector.broadcast %broadcast_in_dim3A_40 : f32 to vector<16x16xf32>
      %swap3A_42 = arith.constant 0 : index
      %swap3A_43 = arith.constant 0 : index
      %swap3A_44 = vector.load %arg5[%swap3A_42, %swap3A_43] : memref<16x16xf32, #tpu.memory_space<vmem>>, vector<16x16xf32>
      tpu.vector_store %arg5[%swap3A_42, %swap3A_43], %broadcast_in_dim3A_41 {strides = array<i32>} : memref<16x16xf32, #tpu.memory_space<vmem>>, vector<16x16xf32>,
      %broadcast_in_dim3A_45 = arith.constant 0.000000e+00 : f32
      %broadcast_in_dim3A_46 = vector.broadcast %broadcast_in_dim3A_45 : f32 to vector<1x16xf32>
      %swap3A_47 = arith.constant 0 : index
      %swap3A_48 = arith.constant 0 : index
      %swap3A_49 = vector.load %arg6[%swap3A_47, %swap3A_48] : memref<1x16xf32, #tpu.memory_space<vmem>>, vector<1x16xf32>
      tpu.vector_store %arg6[%swap3A_47, %swap3A_48], %broadcast_in_dim3A_46 {strides = array<i32>} : memref<1x16xf32, #tpu.memory_space<vmem>>, vector<1x16xf32>,
    } else {
    }
    %get3A = arith.constant 0 : index
    %get3A_2 = arith.constant 0 : index
    %get3A_3 = vector.load %arg1[%get3A, %get3A_2] : memref<8000x16xf32, #tpu.memory_space<vmem>>, vector<8000x16xf32>
    %get3A_4 = arith.constant 0 : index
    %get3A_5 = arith.constant 0 : index
    %get3A_6 = vector.load %arg5[%get3A_4, %get3A_5] : memref<16x16xf32, #tpu.memory_space<vmem>>, vector<16x16xf32>
    %dot_general3A = arith.constant dense<0.000000e+00> : vector<16x16xf32>
    %dot_general3A_7 = tpu.matmul %get3A_3, %get3A_3, %dot_general3A {dimension_numbers = #tpu.dot_dimension_numbers<[0], [0], [1], [1], [0, 1, 1, 1], [], []>, transpose_lhs_hint = false} : vector<8000x16xf32>, vector<8000x16xf32>, vector<16x16xf32> -> vector<16x16xf32>
    %add3A = arith.addf %get3A_6, %dot_general3A_7 : vector<16x16xf32>
    %swap3A = arith.constant 0 : index
    %swap3A_8 = arith.constant 0 : index
    %swap3A_9 = vector.load %arg5[%swap3A, %swap3A_8] : memref<16x16xf32, #tpu.memory_space<vmem>>, vector<16x16xf32>
    tpu.vector_store %arg5[%swap3A, %swap3A_8], %add3A {strides = array<i32>} : memref<16x16xf32, #tpu.memory_space<vmem>>, vector<16x16xf32>,
    %get3A_10 = arith.constant 0 : index
    %get3A_11 = arith.constant 0 : index
    %get3A_12 = vector.load %arg6[%get3A_10, %get3A_11] : memref<1x16xf32, #tpu.memory_space<vmem>>, vector<1x16xf32>
    %reduce_sum3A = arith.constant dense<0.000000e+00> : vector<16xf32>
    %reduce_sum3A_13 = vector.multi_reduction <add>, %get3A_3, %reduce_sum3A [0] : vector<8000x16xf32> to vector<16xf32>
    %broadcast_in_dim3A = vector.shape_cast %reduce_sum3A_13 : vector<16xf32> to vector<1x16xf32>
    %add3A_14 = arith.addf %get3A_12, %broadcast_in_dim3A : vector<1x16xf32>
    %swap3A_15 = arith.constant 0 : index
    %swap3A_16 = arith.constant 0 : index
    %swap3A_17 = vector.load %arg6[%swap3A_15, %swap3A_16] : memref<1x16xf32, #tpu.memory_space<vmem>>, vector<1x16xf32>
    tpu.vector_store %arg6[%swap3A_15, %swap3A_16], %add3A_14 {strides = array<i32>} : memref<1x16xf32, #tpu.memory_space<vmem>>, vector<1x16xf32>,
    %reshape3A = vector.shape_cast %get3A_3 : vector<8000x16xf32> to vector<1000x8x16xf32>
    %slice3A = vector.extract_strided_slice %reshape3A {offsets = [0, 0, 0], sizes = [1000, 1, 16], strides = [1, 1, 1]} : vector<1000x8x16xf32> to vector<1000x1x16xf32>
    %squeeze3A = vector.shape_cast %slice3A : vector<1000x1x16xf32> to vector<1000x16xf32>
    %slice3A_18 = vector.extract_strided_slice %reshape3A {offsets = [0, 1, 0], sizes = [1000, 1, 16], strides = [1, 1, 1]} : vector<1000x8x16xf32> to vector<1000x1x16xf32>
    %squeeze3A_19 = vector.shape_cast %slice3A_18 : vector<1000x1x16xf32> to vector<1000x16xf32>
    %slice3A_20 = vector.extract_strided_slice %reshape3A {offsets = [0, 2, 0], sizes = [1000, 1, 16], strides = [1, 1, 1]} : vector<1000x8x16xf32> to vector<1000x1x16xf32>
    %squeeze3A_21 = vector.shape_cast %slice3A_20 : vector<1000x1x16xf32> to vector<1000x16xf32>
    %slice3A_22 = vector.extract_strided_slice %reshape3A {offsets = [0, 3, 0], sizes = [1000, 1, 16], strides = [1, 1, 1]} : vector<1000x8x16xf32> to vector<1000x1x16xf32>
    %squeeze3A_23 = vector.shape_cast %slice3A_22 : vector<1000x1x16xf32> to vector<1000x16xf32>
    %slice3A_24 = vector.extract_strided_slice %reshape3A {offsets = [0, 4, 0], sizes = [1000, 1, 16], strides = [1, 1, 1]} : vector<1000x8x16xf32> to vector<1000x1x16xf32>
    %squeeze3A_25 = vector.shape_cast %slice3A_24 : vector<1000x1x16xf32> to vector<1000x16xf32>
    %slice3A_26 = vector.extract_strided_slice %reshape3A {offsets = [0, 5, 0], sizes = [1000, 1, 16], strides = [1, 1, 1]} : vector<1000x8x16xf32> to vector<1000x1x16xf32>
    %squeeze3A_27 = vector.shape_cast %slice3A_26 : vector<1000x1x16xf32> to vector<1000x16xf32>
    %slice3A_28 = vector.extract_strided_slice %reshape3A {offsets = [0, 6, 0], sizes = [1000, 1, 16], strides = [1, 1, 1]} : vector<1000x8x16xf32> to vector<1000x1x16xf32>
    %squeeze3A_29 = vector.shape_cast %slice3A_28 : vector<1000x1x16xf32> to vector<1000x16xf32>
    %slice3A_30 = vector.extract_strided_slice %reshape3A {offsets = [0, 7, 0], sizes = [1000, 1, 16], strides = [1, 1, 1]} : vector<1000x8x16xf32> to vector<1000x1x16xf32>
    %squeeze3A_31 = vector.shape_cast %slice3A_30 : vector<1000x1x16xf32> to vector<1000x16xf32>
    %concatenate3A = tpu.concatenate %squeeze3A, %squeeze3A_19, %squeeze3A_21, %squeeze3A_23, %squeeze3A_25, %squeeze3A_27, %squeeze3A_29, %squeeze3A_31 in 1 : vector<1000x16xf32>, vector<1000x16xf32>, vector<1000x16xf32>, vector<1000x16xf32>, vector<1000x16xf32>, vector<1000x16xf32>, vector<1000x16xf32>, vector<1000x16xf32> -> vector<1000x128xf32>
    %swap3A_32 = arith.constant 0 : index
    %swap3A_33 = arith.constant 0 : index
    %swap3A_34 = vector.load %arg4[%swap3A_32, %swap3A_33] : memref<1000x128xf32, #tpu.memory_space<vmem>>, vector<1000x128xf32>
    tpu.vector_store %arg4[%swap3A_32, %swap3A_33], %concatenate3A {strides = array<i32>} : memref<1000x128xf32, #tpu.memory_space<vmem>>, vector<1000x128xf32>,
    %eq3A_35 = arith.constant 99 : i32
    %eq3A_36 = arith.cmpi eq, %arg0, %eq3A_35 : i32
    %convert_element_type3A_37 = arith.extui %eq3A_36 : i1 to i32
    %cond3A_38 = arith.constant 0 : i32
    %cond3A_39 = arith.cmpi ne, %convert_element_type3A_37, %cond3A_38 : i32
    scf.if %cond3A_39 {
      %get3A_40 = arith.constant 0 : index
      %get3A_41 = arith.constant 0 : index
      %get3A_42 = vector.load %arg5[%get3A_40, %get3A_41] : memref<16x16xf32, #tpu.memory_space<vmem>>, vector<16x16xf32>
      %swap3A_43 = arith.constant 0 : index
      %swap3A_44 = arith.constant 0 : index
      %swap3A_45 = vector.load %arg2[%swap3A_43, %swap3A_44] : memref<16x16xf32, #tpu.memory_space<vmem>>, vector<16x16xf32>
      tpu.vector_store %arg2[%swap3A_43, %swap3A_44], %get3A_42 {strides = array<i32>} : memref<16x16xf32, #tpu.memory_space<vmem>>, vector<16x16xf32>,
      %get3A_46 = arith.constant 0 : index
      %get3A_47 = arith.constant 0 : index
      %get3A_48 = vector.load %arg6[%get3A_46, %get3A_47] : memref<1x16xf32, #tpu.memory_space<vmem>>, vector<1x16xf32>
      %swap3A_49 = arith.constant 0 : index
      %swap3A_50 = arith.constant 0 : index
      %swap3A_51 = vector.load %arg3[%swap3A_49, %swap3A_50] : memref<1x16xf32, #tpu.memory_space<vmem>>, vector<1x16xf32>
      tpu.vector_store %arg3[%swap3A_49, %swap3A_50], %get3A_48 {strides = array<i32>} : memref<1x16xf32, #tpu.memory_space<vmem>>, vector<1x16xf32>,
    } else {
    }
    return
  }
  func.func @transform_0(%arg0: i32) -> (i32, i32) {
    %c0_i32 = arith.constant 0 : i32
    %c0_i32_0 = arith.constant 0 : i32
    return %arg0, %c0_i32 : i32, i32
  }
  func.func @transform_1(%arg0: i32) -> (i32, i32) {
    %c0_i32 = arith.constant 0 : i32
    %c0_i32_0 = arith.constant 0 : i32
    %c0_i32_1 = arith.constant 0 : i32
    return %c0_i32, %c0_i32_0 : i32, i32
  }
  func.func @transform_2(%arg0: i32) -> (i32, i32) {
    %c0_i32 = arith.constant 0 : i32
    %c0_i32_0 = arith.constant 0 : i32
    %c0_i32_1 = arith.constant 0 : i32
    return %c0_i32, %c0_i32_0 : i32, i32
  }
  func.func @transform_3(%arg0: i32) -> (i32, i32) {
    %c0_i32 = arith.constant 0 : i32
    %c0_i32_0 = arith.constant 0 : i32
    return %arg0, %c0_i32 : i32, i32
  }
}

module attributes {stable_mosaic.version = 14 : i64} {
  func.func @_edge_body(%arg0: i32, %arg1: memref<800x128xf32, #tpu.memory_space<vmem>>, %arg2: memref<400x128xf32, #tpu.memory_space<vmem>>, %arg3: memref<128x1024xf32, #tpu.memory_space<vmem>>, %arg4: memref<1x1024xf32, #tpu.memory_space<vmem>>, %arg5: memref<128x128xf32, #tpu.memory_space<vmem>>, %arg6: memref<1x128xf32, #tpu.memory_space<vmem>>, %arg7: memref<128x2048xf32, #tpu.memory_space<vmem>>, %arg8: memref<4x128x128xf32, #tpu.memory_space<vmem>>, %arg9: memref<1600x128xf32, #tpu.memory_space<vmem>>) attributes {dimension_semantics = [#tpu.dimension_semantics<arbitrary>], iteration_bounds = array<i64: 125>, scalar_prefetch = 0 : i64, scratch_operands = 0 : i64, tpu.core_type = #tpu.core_type<tc>, window_params = [{transform_indices = @transform_0, window_bounds = array<i64: 800, 128>}, {transform_indices = @transform_1, window_bounds = array<i64: 400, 128>}, {pipeline_mode = #tpu.pipeline_mode<synchronous>, transform_indices = @transform_2, window_bounds = array<i64: 128, 1024>}, {pipeline_mode = #tpu.pipeline_mode<synchronous>, transform_indices = @transform_3, window_bounds = array<i64: 1, 1024>}, {pipeline_mode = #tpu.pipeline_mode<synchronous>, transform_indices = @transform_4, window_bounds = array<i64: 128, 128>}, {pipeline_mode = #tpu.pipeline_mode<synchronous>, transform_indices = @transform_5, window_bounds = array<i64: 1, 128>}, {pipeline_mode = #tpu.pipeline_mode<synchronous>, transform_indices = @transform_6, window_bounds = array<i64: 128, 2048>}, {pipeline_mode = #tpu.pipeline_mode<synchronous>, transform_indices = @transform_7, window_bounds = array<i64: 4, 128, 128>}, {transform_indices = @transform_8, window_bounds = array<i64: 1600, 128>}]} {
    %get3A = arith.constant 0 : index
    %get3A_0 = arith.constant 0 : index
    %get3A_1 = vector.load %arg1[%get3A, %get3A_0] : memref<800x128xf32, #tpu.memory_space<vmem>>, vector<800x128xf32>
    %get3A_2 = arith.constant 0 : index
    %get3A_3 = arith.constant 0 : index
    %get3A_4 = vector.load %arg3[%get3A_2, %get3A_3] : memref<128x1024xf32, #tpu.memory_space<vmem>>, vector<128x1024xf32>
    %dot_general3A = arith.constant dense<0.000000e+00> : vector<800x1024xf32>
    %dot_general3A_5 = tpu.matmul %get3A_1, %get3A_4, %dot_general3A {dimension_numbers = #tpu.dot_dimension_numbers<[1], [0], [0], [1], [0, 0, 1, 1], [], []>, transpose_lhs_hint = false} : vector<800x128xf32>, vector<128x1024xf32>, vector<800x1024xf32> -> vector<800x1024xf32>
    %get3A_6 = arith.constant 0 : index
    %get3A_7 = arith.constant 0 : index
    %get3A_8 = vector.load %arg4[%get3A_6, %get3A_7] : memref<1x1024xf32, #tpu.memory_space<vmem>>, vector<1x1024xf32>
    %add3A = vector.broadcast %get3A_8 : vector<1x1024xf32> to vector<800x1024xf32>
    %add3A_9 = arith.addf %dot_general3A_5, %add3A : vector<800x1024xf32>
    %max3A = arith.constant 0.000000e+00 : f32
    %max3A_10 = vector.broadcast %max3A : f32 to vector<800x1024xf32>
    %max3A_11 = arith.maximumf %add3A_9, %max3A_10 : vector<800x1024xf32>
    %reshape3A = vector.shape_cast %max3A_11 : vector<800x1024xf32> to vector<6400x128xf32>
    %get3A_12 = arith.constant 0 : index
    %get3A_13 = arith.constant 0 : index
    %get3A_14 = vector.load %arg5[%get3A_12, %get3A_13] : memref<128x128xf32, #tpu.memory_space<vmem>>, vector<128x128xf32>
    %dot_general3A_15 = arith.constant dense<0.000000e+00> : vector<6400x128xf32>
    %dot_general3A_16 = tpu.matmul %reshape3A, %get3A_14, %dot_general3A_15 {dimension_numbers = #tpu.dot_dimension_numbers<[1], [0], [0], [1], [0, 0, 1, 1], [], []>, transpose_lhs_hint = false} : vector<6400x128xf32>, vector<128x128xf32>, vector<6400x128xf32> -> vector<6400x128xf32>
    %get3A_17 = arith.constant 0 : index
    %get3A_18 = arith.constant 0 : index
    %get3A_19 = vector.load %arg6[%get3A_17, %get3A_18] : memref<1x128xf32, #tpu.memory_space<vmem>>, vector<1x128xf32>
    %add3A_20 = vector.broadcast %get3A_19 : vector<1x128xf32> to vector<6400x128xf32>
    %add3A_21 = arith.addf %dot_general3A_16, %add3A_20 : vector<6400x128xf32>
    %max3A_22 = arith.constant 0.000000e+00 : f32
    %max3A_23 = vector.broadcast %max3A_22 : f32 to vector<6400x128xf32>
    %max3A_24 = arith.maximumf %add3A_21, %max3A_23 : vector<6400x128xf32>
    %get3A_25 = arith.constant 0 : index
    %get3A_26 = arith.constant 0 : index
    %get3A_27 = vector.load %arg2[%get3A_25, %get3A_26] : memref<400x128xf32, #tpu.memory_space<vmem>>, vector<400x128xf32>
    %get3A_28 = arith.constant 0 : index
    %get3A_29 = arith.constant 0 : index
    %get3A_30 = vector.load %arg7[%get3A_28, %get3A_29] : memref<128x2048xf32, #tpu.memory_space<vmem>>, vector<128x2048xf32>
    %dot_general3A_31 = arith.constant dense<0.000000e+00> : vector<400x2048xf32>
    %dot_general3A_32 = tpu.matmul %get3A_27, %get3A_30, %dot_general3A_31 {dimension_numbers = #tpu.dot_dimension_numbers<[1], [0], [0], [1], [0, 0, 1, 1], [], []>, transpose_lhs_hint = false} : vector<400x128xf32>, vector<128x2048xf32>, vector<400x2048xf32> -> vector<400x2048xf32>
    %reshape3A_33 = vector.shape_cast %dot_general3A_32 : vector<400x2048xf32> to vector<6400x128xf32>
    %mul3A = arith.mulf %reshape3A_33, %max3A_24 : vector<6400x128xf32>
    %reshape3A_34 = vector.shape_cast %mul3A : vector<6400x128xf32> to vector<1600x4x128xf32>
    %slice3A = vector.extract_strided_slice %reshape3A_34 {offsets = [0, 0, 0], sizes = [1600, 1, 128], strides = [1, 1, 1]} : vector<1600x4x128xf32> to vector<1600x1x128xf32>
    %squeeze3A = vector.shape_cast %slice3A : vector<1600x1x128xf32> to vector<1600x128xf32>
    %get3A_35 = arith.constant 0 : index
    %get3A_36 = arith.constant 0 : index
    %get3A_37 = arith.constant 0 : index
    %get3A_38 = vector.load %arg8[%get3A_35, %get3A_36, %get3A_37] : memref<4x128x128xf32, #tpu.memory_space<vmem>>, vector<1x128x128xf32>
    %get3A_39 = vector.shape_cast %get3A_38 : vector<1x128x128xf32> to vector<128x128xf32>
    %dot_general3A_40 = arith.constant dense<0.000000e+00> : vector<1600x128xf32>
    %dot_general3A_41 = tpu.matmul %squeeze3A, %get3A_39, %dot_general3A_40 {dimension_numbers = #tpu.dot_dimension_numbers<[1], [0], [0], [1], [0, 0, 1, 1], [], []>, transpose_lhs_hint = false} : vector<1600x128xf32>, vector<128x128xf32>, vector<1600x128xf32> -> vector<1600x128xf32>
    %add3A_42 = arith.constant 0.000000e+00 : f32
    %add3A_43 = vector.broadcast %add3A_42 : f32 to vector<1600x128xf32>
    %add3A_44 = arith.addf %add3A_43, %dot_general3A_41 : vector<1600x128xf32>
    %slice3A_45 = vector.extract_strided_slice %reshape3A_34 {offsets = [0, 1, 0], sizes = [1600, 1, 128], strides = [1, 1, 1]} : vector<1600x4x128xf32> to vector<1600x1x128xf32>
    %squeeze3A_46 = vector.shape_cast %slice3A_45 : vector<1600x1x128xf32> to vector<1600x128xf32>
    %get3A_47 = arith.constant 1 : index
    %get3A_48 = arith.constant 0 : index
    %get3A_49 = arith.constant 0 : index
    %get3A_50 = vector.load %arg8[%get3A_47, %get3A_48, %get3A_49] : memref<4x128x128xf32, #tpu.memory_space<vmem>>, vector<1x128x128xf32>
    %get3A_51 = vector.shape_cast %get3A_50 : vector<1x128x128xf32> to vector<128x128xf32>
    %dot_general3A_52 = arith.constant dense<0.000000e+00> : vector<1600x128xf32>
    %dot_general3A_53 = tpu.matmul %squeeze3A_46, %get3A_51, %dot_general3A_52 {dimension_numbers = #tpu.dot_dimension_numbers<[1], [0], [0], [1], [0, 0, 1, 1], [], []>, transpose_lhs_hint = false} : vector<1600x128xf32>, vector<128x128xf32>, vector<1600x128xf32> -> vector<1600x128xf32>
    %add3A_54 = arith.addf %add3A_44, %dot_general3A_53 : vector<1600x128xf32>
    %slice3A_55 = vector.extract_strided_slice %reshape3A_34 {offsets = [0, 2, 0], sizes = [1600, 1, 128], strides = [1, 1, 1]} : vector<1600x4x128xf32> to vector<1600x1x128xf32>
    %squeeze3A_56 = vector.shape_cast %slice3A_55 : vector<1600x1x128xf32> to vector<1600x128xf32>
    %get3A_57 = arith.constant 2 : index
    %get3A_58 = arith.constant 0 : index
    %get3A_59 = arith.constant 0 : index
    %get3A_60 = vector.load %arg8[%get3A_57, %get3A_58, %get3A_59] : memref<4x128x128xf32, #tpu.memory_space<vmem>>, vector<1x128x128xf32>
    %get3A_61 = vector.shape_cast %get3A_60 : vector<1x128x128xf32> to vector<128x128xf32>
    %dot_general3A_62 = arith.constant dense<0.000000e+00> : vector<1600x128xf32>
    %dot_general3A_63 = tpu.matmul %squeeze3A_56, %get3A_61, %dot_general3A_62 {dimension_numbers = #tpu.dot_dimension_numbers<[1], [0], [0], [1], [0, 0, 1, 1], [], []>, transpose_lhs_hint = false} : vector<1600x128xf32>, vector<128x128xf32>, vector<1600x128xf32> -> vector<1600x128xf32>
    %add3A_64 = arith.addf %add3A_54, %dot_general3A_63 : vector<1600x128xf32>
    %slice3A_65 = vector.extract_strided_slice %reshape3A_34 {offsets = [0, 3, 0], sizes = [1600, 1, 128], strides = [1, 1, 1]} : vector<1600x4x128xf32> to vector<1600x1x128xf32>
    %squeeze3A_66 = vector.shape_cast %slice3A_65 : vector<1600x1x128xf32> to vector<1600x128xf32>
    %get3A_67 = arith.constant 3 : index
    %get3A_68 = arith.constant 0 : index
    %get3A_69 = arith.constant 0 : index
    %get3A_70 = vector.load %arg8[%get3A_67, %get3A_68, %get3A_69] : memref<4x128x128xf32, #tpu.memory_space<vmem>>, vector<1x128x128xf32>
    %get3A_71 = vector.shape_cast %get3A_70 : vector<1x128x128xf32> to vector<128x128xf32>
    %dot_general3A_72 = arith.constant dense<0.000000e+00> : vector<1600x128xf32>
    %dot_general3A_73 = tpu.matmul %squeeze3A_66, %get3A_71, %dot_general3A_72 {dimension_numbers = #tpu.dot_dimension_numbers<[1], [0], [0], [1], [0, 0, 1, 1], [], []>, transpose_lhs_hint = false} : vector<1600x128xf32>, vector<128x128xf32>, vector<1600x128xf32> -> vector<1600x128xf32>
    %add3A_74 = arith.addf %add3A_64, %dot_general3A_73 : vector<1600x128xf32>
    %swap3A = arith.constant 0 : index
    %swap3A_75 = arith.constant 0 : index
    %swap3A_76 = vector.load %arg9[%swap3A, %swap3A_75] : memref<1600x128xf32, #tpu.memory_space<vmem>>, vector<1600x128xf32>
    tpu.vector_store %arg9[%swap3A, %swap3A_75], %add3A_74 {strides = array<i32>} : memref<1600x128xf32, #tpu.memory_space<vmem>>, vector<1600x128xf32>,
    return
  }
  func.func @transform_0(%arg0: i32) -> (i32, i32) {
    %c0_i32 = arith.constant 0 : i32
    %c0_i32_0 = arith.constant 0 : i32
    return %arg0, %c0_i32 : i32, i32
  }
  func.func @transform_1(%arg0: i32) -> (i32, i32) {
    %c0_i32 = arith.constant 0 : i32
    %c0_i32_0 = arith.constant 0 : i32
    return %arg0, %c0_i32 : i32, i32
  }
  func.func @transform_2(%arg0: i32) -> (i32, i32) {
    %c0_i32 = arith.constant 0 : i32
    %c0_i32_0 = arith.constant 0 : i32
    %c0_i32_1 = arith.constant 0 : i32
    return %c0_i32, %c0_i32_0 : i32, i32
  }
  func.func @transform_3(%arg0: i32) -> (i32, i32) {
    %c0_i32 = arith.constant 0 : i32
    %c0_i32_0 = arith.constant 0 : i32
    %c0_i32_1 = arith.constant 0 : i32
    return %c0_i32, %c0_i32_0 : i32, i32
  }
  func.func @transform_4(%arg0: i32) -> (i32, i32) {
    %c0_i32 = arith.constant 0 : i32
    %c0_i32_0 = arith.constant 0 : i32
    %c0_i32_1 = arith.constant 0 : i32
    return %c0_i32, %c0_i32_0 : i32, i32
  }
  func.func @transform_5(%arg0: i32) -> (i32, i32) {
    %c0_i32 = arith.constant 0 : i32
    %c0_i32_0 = arith.constant 0 : i32
    %c0_i32_1 = arith.constant 0 : i32
    return %c0_i32, %c0_i32_0 : i32, i32
  }
  func.func @transform_6(%arg0: i32) -> (i32, i32) {
    %c0_i32 = arith.constant 0 : i32
    %c0_i32_0 = arith.constant 0 : i32
    %c0_i32_1 = arith.constant 0 : i32
    return %c0_i32, %c0_i32_0 : i32, i32
  }
  func.func @transform_7(%arg0: i32) -> (i32, i32, i32) {
    %c0_i32 = arith.constant 0 : i32
    %c0_i32_0 = arith.constant 0 : i32
    %c0_i32_1 = arith.constant 0 : i32
    %c0_i32_2 = arith.constant 0 : i32
    return %c0_i32, %c0_i32_0, %c0_i32_1 : i32, i32, i32
  }
  func.func @transform_8(%arg0: i32) -> (i32, i32) {
    %c0_i32 = arith.constant 0 : i32
    %c0_i32_0 = arith.constant 0 : i32
    return %arg0, %c0_i32 : i32, i32
  }
}

module attributes {stable_mosaic.version = 14 : i64} {
  func.func @_c1_body(%arg0: i32, %arg1: memref<5000x32xf32, #tpu.memory_space<vmem>>, %arg2: memref<5000x4xf32, #tpu.memory_space<vmem>>, %arg3: memref<4x32xf32, #tpu.memory_space<vmem>>, %arg4: memref<1x32xf32, #tpu.memory_space<vmem>>, %arg5: memref<5000x32xf32, #tpu.memory_space<vmem>>, %arg6: memref<2x32xf32, #tpu.memory_space<vmem>>, %arg7: memref<2x32xf32, #tpu.memory_space<vmem>>) attributes {dimension_semantics = [#tpu.dimension_semantics<arbitrary>], iteration_bounds = array<i64: 10>, scalar_prefetch = 0 : i64, scratch_operands = 1 : i64, tpu.core_type = #tpu.core_type<tc>, window_params = [{transform_indices = @transform_0, window_bounds = array<i64: 5000, 32>}, {transform_indices = @transform_1, window_bounds = array<i64: 5000, 4>}, {pipeline_mode = #tpu.pipeline_mode<synchronous>, transform_indices = @transform_2, window_bounds = array<i64: 4, 32>}, {pipeline_mode = #tpu.pipeline_mode<synchronous>, transform_indices = @transform_3, window_bounds = array<i64: 1, 32>}, {transform_indices = @transform_4, window_bounds = array<i64: 5000, 32>}, {pipeline_mode = #tpu.pipeline_mode<synchronous>, transform_indices = @transform_5, window_bounds = array<i64: 2, 32>}]} {
    %eq3A = arith.constant 0 : i32
    %eq3A_0 = arith.cmpi eq, %arg0, %eq3A : i32
    %convert_element_type3A = arith.extui %eq3A_0 : i1 to i32
    %cond3A = arith.constant 0 : i32
    %cond3A_1 = arith.cmpi ne, %convert_element_type3A, %cond3A : i32
    scf.if %cond3A_1 {
      %broadcast_in_dim3A_41 = arith.constant 0.000000e+00 : f32
      %broadcast_in_dim3A_42 = vector.broadcast %broadcast_in_dim3A_41 : f32 to vector<2x32xf32>
      %swap3A_43 = arith.constant 0 : index
      %swap3A_44 = arith.constant 0 : index
      %swap3A_45 = vector.load %arg7[%swap3A_43, %swap3A_44] : memref<2x32xf32, #tpu.memory_space<vmem>>, vector<2x32xf32>
      tpu.vector_store %arg7[%swap3A_43, %swap3A_44], %broadcast_in_dim3A_42 {strides = array<i32>} : memref<2x32xf32, #tpu.memory_space<vmem>>, vector<2x32xf32>,
    } else {
    }
    %get3A = arith.constant 0 : index
    %get3A_2 = arith.constant 0 : index
    %get3A_3 = vector.load %arg1[%get3A, %get3A_2] : memref<5000x32xf32, #tpu.memory_space<vmem>>, vector<5000x32xf32>
    %get3A_4 = arith.constant 0 : index
    %get3A_5 = arith.constant 0 : index
    %get3A_6 = vector.load %arg2[%get3A_4, %get3A_5] : memref<5000x4xf32, #tpu.memory_space<vmem>>, vector<5000x4xf32>
    %get3A_7 = arith.constant 0 : index
    %get3A_8 = arith.constant 0 : index
    %get3A_9 = vector.load %arg3[%get3A_7, %get3A_8] : memref<4x32xf32, #tpu.memory_space<vmem>>, vector<4x32xf32>
    %dot_general3A = arith.constant dense<0.000000e+00> : vector<5000x32xf32>
    %dot_general3A_10 = tpu.matmul %get3A_6, %get3A_9, %dot_general3A {dimension_numbers = #tpu.dot_dimension_numbers<[1], [0], [0], [1], [0, 0, 1, 1], [], []>, transpose_lhs_hint = false} : vector<5000x4xf32>, vector<4x32xf32>, vector<5000x32xf32> -> vector<5000x32xf32>
    %add3A = arith.addf %get3A_3, %dot_general3A_10 : vector<5000x32xf32>
    %get3A_11 = arith.constant 0 : index
    %get3A_12 = arith.constant 0 : index
    %get3A_13 = vector.load %arg4[%get3A_11, %get3A_12] : memref<1x32xf32, #tpu.memory_space<vmem>>, vector<1x32xf32>
    %add3A_14 = vector.broadcast %get3A_13 : vector<1x32xf32> to vector<5000x32xf32>
    %add3A_15 = arith.addf %add3A, %add3A_14 : vector<5000x32xf32>
    %swap3A = arith.constant 0 : index
    %swap3A_16 = arith.constant 0 : index
    %swap3A_17 = vector.load %arg5[%swap3A, %swap3A_16] : memref<5000x32xf32, #tpu.memory_space<vmem>>, vector<5000x32xf32>
    tpu.vector_store %arg5[%swap3A, %swap3A_16], %add3A_15 {strides = array<i32>} : memref<5000x32xf32, #tpu.memory_space<vmem>>, vector<5000x32xf32>,
    %get3A_18 = arith.constant 0 : index
    %get3A_19 = arith.constant 0 : index
    %get3A_20 = vector.load %arg7[%get3A_18, %get3A_19] : memref<2x32xf32, #tpu.memory_space<vmem>>, vector<1x32xf32>
    %reduce_sum3A = arith.constant dense<0.000000e+00> : vector<32xf32>
    %reduce_sum3A_21 = vector.multi_reduction <add>, %add3A_15, %reduce_sum3A [0] : vector<5000x32xf32> to vector<32xf32>
    %broadcast_in_dim3A = vector.shape_cast %reduce_sum3A_21 : vector<32xf32> to vector<1x32xf32>
    %add3A_22 = arith.addf %get3A_20, %broadcast_in_dim3A : vector<1x32xf32>
    %swap3A_23 = arith.constant 0 : index
    %swap3A_24 = arith.constant 0 : index
    %swap3A_25 = vector.load %arg7[%swap3A_23, %swap3A_24] : memref<2x32xf32, #tpu.memory_space<vmem>>, vector<1x32xf32>
    tpu.vector_store %arg7[%swap3A_23, %swap3A_24], %add3A_22 {strides = array<i32>} : memref<2x32xf32, #tpu.memory_space<vmem>>, vector<1x32xf32>,
    %get3A_26 = arith.constant 1 : index
    %get3A_27 = arith.constant 0 : index
    %get3A_28 = vector.load %arg7[%get3A_26, %get3A_27] : memref<2x32xf32, #tpu.memory_space<vmem>>, vector<1x32xf32>
    %mul3A = arith.mulf %add3A_15, %add3A_15 : vector<5000x32xf32>
    %reduce_sum3A_29 = arith.constant dense<0.000000e+00> : vector<32xf32>
    %reduce_sum3A_30 = vector.multi_reduction <add>, %mul3A, %reduce_sum3A_29 [0] : vector<5000x32xf32> to vector<32xf32>
    %broadcast_in_dim3A_31 = vector.shape_cast %reduce_sum3A_30 : vector<32xf32> to vector<1x32xf32>
    %add3A_32 = arith.addf %get3A_28, %broadcast_in_dim3A_31 : vector<1x32xf32>
    %swap3A_33 = arith.constant 1 : index
    %swap3A_34 = arith.constant 0 : index
    %swap3A_35 = vector.load %arg7[%swap3A_33, %swap3A_34] : memref<2x32xf32, #tpu.memory_space<vmem>>, vector<1x32xf32>
    tpu.vector_store %arg7[%swap3A_33, %swap3A_34], %add3A_32 {strides = array<i32>} : memref<2x32xf32, #tpu.memory_space<vmem>>, vector<1x32xf32>,
    %eq3A_36 = arith.constant 9 : i32
    %eq3A_37 = arith.cmpi eq, %arg0, %eq3A_36 : i32
    %convert_element_type3A_38 = arith.extui %eq3A_37 : i1 to i32
    %cond3A_39 = arith.constant 0 : i32
    %cond3A_40 = arith.cmpi ne, %convert_element_type3A_38, %cond3A_39 : i32
    scf.if %cond3A_40 {
      %get3A_41 = arith.constant 0 : index
      %get3A_42 = arith.constant 0 : index
      %get3A_43 = vector.load %arg7[%get3A_41, %get3A_42] : memref<2x32xf32, #tpu.memory_space<vmem>>, vector<2x32xf32>
      %swap3A_44 = arith.constant 0 : index
      %swap3A_45 = arith.constant 0 : index
      %swap3A_46 = vector.load %arg6[%swap3A_44, %swap3A_45] : memref<2x32xf32, #tpu.memory_space<vmem>>, vector<2x32xf32>
      tpu.vector_store %arg6[%swap3A_44, %swap3A_45], %get3A_43 {strides = array<i32>} : memref<2x32xf32, #tpu.memory_space<vmem>>, vector<2x32xf32>,
    } else {
    }
    return
  }
  func.func @transform_0(%arg0: i32) -> (i32, i32) {
    %c0_i32 = arith.constant 0 : i32
    %c0_i32_0 = arith.constant 0 : i32
    return %arg0, %c0_i32 : i32, i32
  }
  func.func @transform_1(%arg0: i32) -> (i32, i32) {
    %c0_i32 = arith.constant 0 : i32
    %c0_i32_0 = arith.constant 0 : i32
    return %arg0, %c0_i32 : i32, i32
  }
  func.func @transform_2(%arg0: i32) -> (i32, i32) {
    %c0_i32 = arith.constant 0 : i32
    %c0_i32_0 = arith.constant 0 : i32
    %c0_i32_1 = arith.constant 0 : i32
    return %c0_i32, %c0_i32_0 : i32, i32
  }
  func.func @transform_3(%arg0: i32) -> (i32, i32) {
    %c0_i32 = arith.constant 0 : i32
    %c0_i32_0 = arith.constant 0 : i32
    %c0_i32_1 = arith.constant 0 : i32
    return %c0_i32, %c0_i32_0 : i32, i32
  }
  func.func @transform_4(%arg0: i32) -> (i32, i32) {
    %c0_i32 = arith.constant 0 : i32
    %c0_i32_0 = arith.constant 0 : i32
    return %arg0, %c0_i32 : i32, i32
  }
  func.func @transform_5(%arg0: i32) -> (i32, i32) {
    %c0_i32 = arith.constant 0 : i32
    %c0_i32_0 = arith.constant 0 : i32
    %c0_i32_1 = arith.constant 0 : i32
    return %c0_i32, %c0_i32_0 : i32, i32
  }
}

module attributes {stable_mosaic.version = 14 : i64} {
  func.func @_c2_body(%arg0: i32, %arg1: memref<5000x32xf32, #tpu.memory_space<vmem>>, %arg2: memref<1x32xf32, #tpu.memory_space<vmem>>, %arg3: memref<1x32xf32, #tpu.memory_space<vmem>>, %arg4: memref<5000x32xf32, #tpu.memory_space<vmem>>) attributes {dimension_semantics = [#tpu.dimension_semantics<arbitrary>], iteration_bounds = array<i64: 10>, scalar_prefetch = 0 : i64, scratch_operands = 0 : i64, tpu.core_type = #tpu.core_type<tc>, window_params = [{transform_indices = @transform_0, window_bounds = array<i64: 5000, 32>}, {pipeline_mode = #tpu.pipeline_mode<synchronous>, transform_indices = @transform_1, window_bounds = array<i64: 1, 32>}, {pipeline_mode = #tpu.pipeline_mode<synchronous>, transform_indices = @transform_2, window_bounds = array<i64: 1, 32>}, {transform_indices = @transform_3, window_bounds = array<i64: 5000, 32>}]} {
    %get3A = arith.constant 0 : index
    %get3A_0 = arith.constant 0 : index
    %get3A_1 = vector.load %arg1[%get3A, %get3A_0] : memref<5000x32xf32, #tpu.memory_space<vmem>>, vector<5000x32xf32>
    %get3A_2 = arith.constant 0 : index
    %get3A_3 = arith.constant 0 : index
    %get3A_4 = vector.load %arg2[%get3A_2, %get3A_3] : memref<1x32xf32, #tpu.memory_space<vmem>>, vector<1x32xf32>
    %mul3A = vector.broadcast %get3A_4 : vector<1x32xf32> to vector<5000x32xf32>
    %mul3A_5 = arith.mulf %get3A_1, %mul3A : vector<5000x32xf32>
    %get3A_6 = arith.constant 0 : index
    %get3A_7 = arith.constant 0 : index
    %get3A_8 = vector.load %arg3[%get3A_6, %get3A_7] : memref<1x32xf32, #tpu.memory_space<vmem>>, vector<1x32xf32>
    %add3A = vector.broadcast %get3A_8 : vector<1x32xf32> to vector<5000x32xf32>
    %add3A_9 = arith.addf %mul3A_5, %add3A : vector<5000x32xf32>
    %max3A = arith.constant 0.000000e+00 : f32
    %max3A_10 = vector.broadcast %max3A : f32 to vector<5000x32xf32>
    %max3A_11 = arith.maximumf %add3A_9, %max3A_10 : vector<5000x32xf32>
    %swap3A = arith.constant 0 : index
    %swap3A_12 = arith.constant 0 : index
    %swap3A_13 = vector.load %arg4[%swap3A, %swap3A_12] : memref<5000x32xf32, #tpu.memory_space<vmem>>, vector<5000x32xf32>
    tpu.vector_store %arg4[%swap3A, %swap3A_12], %max3A_11 {strides = array<i32>} : memref<5000x32xf32, #tpu.memory_space<vmem>>, vector<5000x32xf32>,
    return
  }
  func.func @transform_0(%arg0: i32) -> (i32, i32) {
    %c0_i32 = arith.constant 0 : i32
    %c0_i32_0 = arith.constant 0 : i32
    return %arg0, %c0_i32 : i32, i32
  }
  func.func @transform_1(%arg0: i32) -> (i32, i32) {
    %c0_i32 = arith.constant 0 : i32
    %c0_i32_0 = arith.constant 0 : i32
    %c0_i32_1 = arith.constant 0 : i32
    return %c0_i32, %c0_i32_0 : i32, i32
  }
  func.func @transform_2(%arg0: i32) -> (i32, i32) {
    %c0_i32 = arith.constant 0 : i32
    %c0_i32_0 = arith.constant 0 : i32
    %c0_i32_1 = arith.constant 0 : i32
    return %c0_i32, %c0_i32_0 : i32, i32
  }
  func.func @transform_3(%arg0: i32) -> (i32, i32) {
    %c0_i32 = arith.constant 0 : i32
    %c0_i32_0 = arith.constant 0 : i32
    return %arg0, %c0_i32 : i32, i32
  }
}

</mosaic_0001>

<sc_bundles>
// kernel: kernel.11.cloned.1.call-start
scs
__scs_entry_jumppad:
0x0: {  	(pc) =	sbr.rel $0x88, $3  }
0x1: {  	(tag) =	ssettag $0x0;
	lr =	simm.s32 $0x1  }
0x2: {  	[smem:$0x3F94] =	sst lr;
	_ =	strace $0xD0000000  }
0x3: {  	_ = 	snop  }
0x4: {  	_ = 	snop  }
0x5: {  	_ = 	snop  }
0x6: {  	_ = 	snop  }
0x7: {  	_ = 	snop  }
__scs_overlays_trampoline_lowered:
0x8: {  	[smem:$0x3FA3] =	sst s0  }
0x9: {  	[smem:$0x3FA4] =	sst s1  }
0xa: {  	[smem:$0x3FA5] =	sst s2  }
0xb: {  	[smem:$0x3FA6] =	sst s3  }
0xc: {  	[smem:$0x3FA7] =	sst s4  }
0xd: {  	[smem:$0x3FA8] =	sst s5  }
0xe: {  	[smem:$0x3FA9] =	sst s6  }
0xf: {  	[smem:$0x3FAA] =	sst s7  }
0x10: {  	[smem:$0x3FAB] =	sst s8  }
0x11: {  	[smem:$0x3FAC] =	sst s9;
	s0 =	simm.s32 @!p0 $0x0  }
0x12: {  	s1 =	sld [smem:$0x3F92];
	s0 =	simm.s32 @p0 $0x1  }
0x13: {  	[smem:$0x3FAD] =	sst s0;
	s0 =	simm.s32 @!p1 $0x0  }
0x14: {  	s2 =	sld [smem:$0x3F91];
	s0 =	simm.s32 @p1 $0x1  }
0x15: {  	[smem:$0x3FAE] =	sst s0;
	s0 =	simm.s32 @!p2 $0x0  }
0x16: {  	s3 =	sld [smem:$0x3FDB];
	s0 =	simm.s32 @p2 $0x1  }
0x17: {  	s4 =	simm.s32 $0x1BF5;
	[smem:$0x3FB0] =	sst s0  }
0x18: {  	s0 =	sld [smem:$0x3F93];
	_ =	swait.ge [sflag:s4], $0x0  }
0x19: {  	s7 =	sld [smem:$0x3F94]  }
0x1a: {  	s8 =	sadd.s32 $0xFFFFE003, lr  }
0x1b: {  	s9 =	sadd.s32 $0xFFFFFEF7, lr;
	s5 =	simm.s32 $0xFFFFFFFF;
	p2 =	slt.u32 s8, $0xFFFFF086  }
0x1c: {  	p1 =	slt.u32 s9, $0xF7A;
	s5 =	simm.s32 @!p2 $0x0  }
0x1d: {  	s5 =	simm.s32 @p1 $0x1;
	p0 =	seq.s32 s7, s2  }
0x1e: {  	s7 =	smul.u32 @!p0 $0xF7A, s2;
	p2 =	seq.s32 @!p0 s5, $0x0  }
0x1f: {  	s9 =	smul.u32 $0xF7A, s1;
	s8 =	simm.s32 @!p0 $0x1BF5;
	p2 =	por !p2, p0  }
0x20: {  	[sflag:s8] =	ssyncset.s32 @!p0 $0xFFFFF086;
	s6 =	sadd.s32 @!p0 s3, s7;
	s7 =	simm.s32 @!p0 $0x108  }
0x21: {  	s3 =	sadd.s32 s3, s9;
	s6 =	sadd.s32 @!p0 $0x88, s6;
	s7 =	simm.s32 @p2 $0x1082  }
0x22: {  	[simem:s7], [sflag:s8] =	dma.local @!p0 [hbm:s6], $0xF7A  }
0x23: {  	s9 =	sor.u32 $0xD0000000, s2;
	s6 =	simm.s32 $0x108;
	_ =	swait.ge @!p0 [sflag:s8], $0x0  }
0x24: {  	s3 =	sadd.s32 $0x88, s3;
	s6 =	simm.s32 @!p1 $0x1082;
	[sflag:s4] =	ssyncset.s32 $0xFFFFF086  }
0x25: {  	[simem:s6], [sflag:s4] =	dma.local [hbm:s3], $0xF7A  }
0x26: {  	[smem:$0x3F94] =	sst s1;
	(tag) =	ssettag s2;
	_ =	strace s9  }
0x27: {  	s1 =	sld [smem:$0x3FA4]  }
0x28: {  	s2 =	sld [smem:$0x3FA5]  }
0x29: {  	s4 =	sld [smem:$0x3FA7]  }
0x2a: {  	p0 =	seq.s32 s5, $0x0;
	s5 =	sld [smem:$0x3FA8]  }
0x2b: {  	s6 =	sld [smem:$0x3FA9]  }
0x2c: {  	s7 =	sld [smem:$0x3FAA]  }
0x2d: {  	s3 =	simm.s32 $0x108;
	s8 =	sld [smem:$0x3FAB]  }
0x2e: {  	s3 =	simm.s32 @!p0 $0x1082;
	s9 =	sld [smem:$0x3FAC]  }
0x2f: {  	lr =	sadd.s32 s0, s3;
	s0 =	sld [smem:$0x3FA3]  }
0x30: {  	s3 =	sld [smem:$0x3FA6]  }
0x31: {  	[smem:$0x3FAF] =	sst s10  }
0x32: {  	s10 =	sld [smem:$0x3FAD];
	_ =	sdelay $0x3  }
0x33: {  	p0 =	seq.s32 s10, $0x1;
	s10 =	sld [smem:$0x3FAF];
	_ =	sdelay $0x3  }
0x34: {  	[smem:$0x3FAF] =	sst s10  }
0x35: {  	s10 =	sld [smem:$0x3FAE];
	_ =	sdelay $0x3  }
0x36: {  	p1 =	seq.s32 s10, $0x1;
	s10 =	sld [smem:$0x3FAF];
	_ =	sdelay $0x3  }
0x37: {  	[smem:$0x3FAF] =	sst s10  }
0x38: {  	s10 =	sld [smem:$0x3FB0]  }
0x39: {  	_ = 	snop;
	(pc) =	sbr.ind lr, $3  }
0x3a: {  	_ = 	snop  }
0x3b: {  	_ = 	snop  }
0x3c: {  	p2 =	seq.s32 s10, $0x1;
	s10 =	sld [smem:$0x3FAF]  }
0x3d: {  	_ =	shalt  }
0x3e: {  	_ =	shalt  }
0x3f: {  	_ =	shalt  }
0x40: {  	_ =	shalt  }
0x41: {  	_ =	shalt  }
0x42: {  	_ =	shalt  }
0x43: {  	_ =	shalt  }
0x44: {  	_ =	shalt  }
0x45: {  	_ =	shalt  }
0x46: {  	_ =	shalt  }
0x47: {  	_ =	shalt  }
0x48: {  	_ =	shalt  }
0x49: {  	_ =	shalt  }
0x4a: {  	_ =	shalt  }
0x4b: {  	_ =	shalt  }
0x4c: {  	_ =	shalt  }
0x4d: {  	_ =	shalt  }
0x4e: {  	_ =	shalt  }
0x4f: {  	_ =	shalt  }
0x50: {  	_ =	shalt  }
0x51: {  	_ =	shalt  }
0x52: {  	_ =	shalt  }
0x53: {  	_ =	shalt  }
0x54: {  	_ =	shalt  }
0x55: {  	_ =	shalt  }
0x56: {  	_ =	shalt  }
0x57: {  	_ =	shalt  }
0x58: {  	_ =	shalt  }
0x59: {  	_ =	shalt  }
0x5a: {  	_ =	shalt  }
0x5b: {  	_ =	shalt  }
0x5c: {  	_ =	shalt  }
0x5d: {  	_ =	shalt  }
0x5e: {  	_ =	shalt  }
0x5f: {  	_ =	shalt  }
0x60: {  	_ =	shalt  }
0x61: {  	_ =	shalt  }
0x62: {  	_ =	shalt  }
0x63: {  	_ =	shalt  }
0x64: {  	_ =	shalt  }
0x65: {  	_ =	shalt  }
0x66: {  	_ =	shalt  }
0x67: {  	_ =	shalt  }
0x68: {  	_ =	shalt  }
0x69: {  	_ =	shalt  }
0x6a: {  	_ =	shalt  }
0x6b: {  	_ =	shalt  }
0x6c: {  	_ =	shalt  }
0x6d: {  	_ =	shalt  }
0x6e: {  	_ =	shalt  }
0x6f: {  	_ =	shalt  }
0x70: {  	_ =	shalt  }
0x71: {  	_ =	shalt  }
0x72: {  	_ =	shalt  }
0x73: {  	_ =	shalt  }
0x74: {  	_ =	shalt  }
0x75: {  	_ =	shalt  }
0x76: {  	_ =	shalt  }
0x77: {  	_ =	shalt  }
0x78: {  	_ =	shalt  }
0x79: {  	_ =	shalt  }
0x7a: {  	_ =	shalt  }
0x7b: {  	_ =	shalt  }
0x7c: {  	_ =	shalt  }
0x7d: {  	_ =	shalt  }
0x7e: {  	_ =	shalt  }
0x7f: {  	_ =	shalt  }
0x80: {  	_ =	shalt  }
0x81: {  	_ =	shalt  }
0x82: {  	_ =	shalt  }
0x83: {  	_ =	shalt  }
0x84: {  	_ =	shalt  }
0x85: {  	_ =	shalt  }
0x86: {  	_ =	shalt  }
0x87: {  	_ =	shalt  }
.Lfunc_end0:
.L_simem_size_0:
called_computation.1_lowered:
.L_overlay_start_0:
0x88: {  	s2 =	sld [smem:$0x3FD9]  }
0x89: {  	s3 =	sld [smem:$0x3FFE];
	_ =	sdelay $0x1  }
0x8a: {  	s1 =	srdreg.scid  }
0x8b: {  	s0 =	sand.u32 $0x1, s1  }
0x8c: {  	s17 =	sshll.u32 s0, $0xA;
	s2 =	sadd.s32 s3, s2  }
0x8d: {  	s2 =	sadd.s32 s2, s17  }
0x8e: {  	[smem:$0x3FBB] =	sst s2  }
0x8f: {  	_ = 	snop  }
0x90: {  	s2 =	sld [smem:$0x3FD0];
	(tm) =	ssettm $0x1  }
0x91: {  	s18 =	sld [smem:$0x3FFB];
	_ =	sdelay $0x3  }
0x92: {  	_ =	strace s18  }
0x93: {  	s3 =	sld [smem:$0x3FFC];
	_ =	sdelay $0x3  }
0x94: {  	_ =	strace s3  }
0x95: {  	s3 =	sld [smem:$0x3FFD];
	_ =	sdelay $0x3  }
0x96: {  	_ =	strace s3  }
0x97: {  	_ =	strace $0x8FFFFFFF  }
0x98: {  	s19 =	sld [smem:$0x3FDB];
	_ =	sdelay $0x1  }
0x99: {  	s4 =	simm.s32 $_scs_section_size  }
0x9a: {  	s5 =	simm.s32 $_size__tile_overlayer_lowered;
	s6 =	simm.s32 $_tile_overlayer_lowered  }
0x9b: {  	s22 =	simm.s32 $0x1BFF;
	s21 =	sshll.u32 s6, $0x1;
	s3 =	sadd.s32 s4, s19  }
0x9c: {  	s7 =	simm.s32 $0x0;
	s20 =	sshll.u32 s5, $0x1;
	s5 =	sadd.s32 s21, s3  }
0x9d: {  	[timem:s7], [sflag:s22] =	dma.local [hbm:s5], s20  }
0x9e: {  	_ =	swait.ge [sflag:s22], s20  }
0x9f: {  	s4 =	ssub.s32 $0x0, s20;
	[sflag:s22] =	ssyncset.done $0x0  }
0xa0: {  	[sflag:s22] =	ssyncadd.s32 s4;
	_ =	sdelay $0x1  }
0xa1: {  	s23 =	simm.s32 $0x1B8B  }
0xa2: {  	_ =	swait.ge [sflag:s23], $0x1  }
0xa3: {  	[sflag:s23] =	ssyncset.done $0x0  }
0xa4: {  	s25 =	simm.s32 $0x1B8E;
	s24 =	sld [smem:$0x3FFE];
	[sflag:s23] =	ssyncadd.s32 $0xFFFFFFFF  }
0xa5: {  	s26 =	simm.s32 $execute0_lowered;
	[smem:$0x3FD2] =	sst s25  }
0xa6: {  	s5 =	sshll.u32 s26, $0x1;
	_ =	strace $0x80000049;
	[dreg:$0x1] =	wrdreg $0xFFFFFFFF  }
0xa7: {  	s28 =	simm.s32 $_size_execute0_lowered;
	s3 =	sadd.s32 s3, s5;
	[dreg:$0x0] =	wrdreg $0x0  }
0xa8: {  	s5 =	sshll.u32 s28, $0x1;
	[dreg:$0x2] =	wrdreg s3  }
0xa9: {  	[dreg:$0x3] =	wrdreg s5  }
0xaa: {  	[dreg:$0x4] =	wrdreg $0xC0  }
0xab: {  	_ =	task [dreg:s7], $0x5FFFF  }
0xac: {  	[dreg:$0x1] =	wrdreg $0xFFFFFFFF  }
0xad: {  	[dreg:$0x0] =	wrdreg $0x60  }
0xae: {  	[dreg:$0x2] =	wrdreg s24  }
0xaf: {  	[dreg:$0x3] =	wrdreg s2  }
0xb0: {  	[dreg:$0x4] =	wrdreg $0x88000  }
0xb1: {  	[dreg:$0x5] =	wrdreg $0x9  }
0xb2: {  	_ =	task.clear_ibuf [dreg:s7], $0x6FFFF;
	_ =	strace $0x90000049  }
0xb3: {  	s29 =	simm.s32 $0x9;
	_ =	strace $0x8000004B  }
0xb4: {  	_ =	swait.ge [sflag:s29], $0x1  }
0xb5: {  	[sflag:s29] =	ssyncadd.s32 $0xFFFFFFFF  }
0xb6: {  	_ =	strace $0x9000004B  }
0xb7: {  	_ =	sfence  }
0xb8: {  	s30 =	sld [smem:$0x0];
	_ =	sdelay $0x2  }
0xb9: {  	s31 =	sshll.u32 s1, $0xD;
	s1 =	sshrl.u32 s1, $0x2  }
0xba: {  	s3 =	sand.u32 $0x4000, s31;
	s1 =	sadd.s32 s1, s30  }
0xbb: {  	s0 =	sor.u32 s3, s0;
	s1 =	sshll.u32 s1, $0x11  }
0xbc: {  	s0 =	sor.u32 s1, s0  }
0xbd: {  	s0 =	sadd.s32 $0x8F2B, s0  }
0xbe: {  	[sflag:s0] =	ssyncadd.remote.s32 $0x1  }
0xbf: {  	_ =	sfence.sel $0xFFFF  }
0xc0: {  	[dreg:$0x0] =	wrdreg $0xFFFFFFFF;
	(pc) =	sbr.abs _section_cstart, $3  }
0xc1: {  	[dreg:$0x1] =	wrdreg $0xFFFFFFFF  }
0xc2: {  	_ =	task.clear_ibuf [dreg:s7], $0x2FFFF;
	_ =	strace $0x9FFFFFFF  }
0xc3: {  	(tm) =	ssettm $0x7FFFFFFF  }
tec
execute0_lowered:
.L_overlay_start_1:
0x0: {  	(tag) =	ssettag $0x1  }
0x1: {  	s0 =	rddreg [dreg:$0x0]  }
0x2: {  	s1 =	rddreg [dreg:$0x1];
	s3 =	srdreg.scid  }
0x3: {  	s2 =	rddreg [dreg:$0x2];
	s11 =	stileid.u32;
	s14 =	simm.s32 $0x2  }
0x4: {  	s15 =	simm.s32 $0x800;
	s16 =	simm.s32 $0x80;
	s17 =	simm.s32 $0x400  }
0x5: {  	s28 =	simm.s32 $0x5800;
	s29 =	simm.s32 $0x700;
	s30 =	simm.s32 $0x6800  }
0x6: {  	s31 =	simm.s32 $0x780;
	s4 =	sand.u32 $0x1, s3;
	s5 =	smul.u32 $0x620, s11  }
0x7: {  	s3 =	simm.s32 $0x0;
	s8 =	sadd.s32 $0x258600, s0;
	s6 =	smul.u32 $0x31000, s11  }
0x8: {  	s9 =	sadd.s32 $0xC5600, s0;
	s19 =	sshll.u32 s11, $0x6;
	s20 =	smul.u32 $0x186, s11  }
0x9: {  	p0 =	slt.u32 s11, $0xA;
	s21 =	smin.u32 s11, $0xA;
	s11 =	smul.u32 $0x30C00, s11  }
0xa: {  	s7 =	smul.u32 $0x6200, s4;
	[smem:$0x7FF] =	sst s3;
	s4 =	ssub.s32 $0x2, s4  }
0xb: {  	s12 =	sor.u32 $0x1C02, s19;
	s25 =	sshll.u32 s21, $0x9;
	s19 =	simm.s32 $0x1800  }
0xc: {  	_ =	strace $0x8000004A;
	[dreg:$0x4] =	wrdreg s9;
	s18 =	sshrl.u32 s4, $0x1  }
0xd: {  	s6 =	sshrl.u32 s6, $0x2;
	s23 =	sadd.s32 s11, s8;
	s5 =	sadd.s32 s5, s7  }
0xe: {  	s4 =	ssub.s32 s4, s18;
	s10 =	sadd.s32 s6, s2;
	s6 =	simm.s32 $0x7  }
0xf: {  	s18 =	simm.s32 $0x480;
	s5 =	sshll.u32 s5, $0x2;
	s6 =	simm.s32 @!p0 $0x6  }
0x10: {  	s22 =	smax.u32 s4, $0x1;
	s4 =	simm.s32 $0x0;
	[dreg:$0x5] =	wrdreg s6  }
0x11: {  	s0 =	sadd.s32 s5, s0;
	s5 =	sadd.s32 s21, s20;
	[dreg:$0x7] =	wrdreg s22  }
0x12: {  	s20 =	simm.s32 $0x500;
	s21 =	simm.s32 $0x2800;
	s22 =	simm.s32 $0x580  }
0x13: {  	s0 =	sadd.s32 $0xC7000, s0;
	s24 =	sshll.u32 s5, $0x4;
	s5 =	sshll.u32 s5, $0x9  }
0x14: {  	[dreg:$0x6] =	wrdreg s0;
	s9 =	sadd.s32 s24, s1;
	s26 =	sadd.s32 s8, s5  }
0x15: {  	s0 =	sadd.s32 s25, s23;
	s8 =	sshrl.u32 s10, $0x3;
	s23 =	simm.s32 $0x3800  }
0x16: {  	s24 =	simm.s32 $0x600;
	s25 =	simm.s32 $0x4800;
	s1 =	simm.s32 $0x1  }
0x17: {  	[dreg:$0x8] =	wrdreg s0;
	s5 =	sadd.s32 $0x30000, s26;
	s13 =	sadd.s32 $0x1800, s9  }
0x18: {  	v0 =	vmov s7;
	s26 =	simm.s32 $0x680;
	s0 =	simm.s32 $0x7800;
	[dreg:$0x9] =	wrdreg s8  }
.LBB2_1:
0x19: {  	s7 =	rddreg [dreg:$0x4]  }
0x1a: {  	[spmem:s8], [sflag:s12] =	dma.local [hbm:s7], $0x1880  }
0x1b: {  	_ =	swait.ge [sflag:s14], $0x1880  }
0x1c: {  	[sflag:s14] =	ssyncset.done $0x0  }
0x1d: {  	[sflag:s14] =	ssyncadd.s32 $0xFFFFE780  }
0x1e: {  	[bflag:$0x0] =	sbarrier.arrive $0xFFFF  }
0x1f: {  	s6 =	smov.u32 s12;
	s8 =	simm.s32 $0x0;
	s10 =	rddreg [dreg:$0x8]  }
.LBB2_2:
0x20: {  	s7 =	sadd.s32 s8, s9  }
0x21: {  	[tilespmem:s3], [sflag:$0x2] =	stream.linear.gather [hbm4b:s7+s3], $0x400, $0x38;
	[tilespmem:$0x14C20] =	vst v63  }
0x22: {  	_ =	swait.ge [sflag:s14], $0x400  }
0x23: {  	[sflag:s14] =	ssyncset.done $0x0  }
0x24: {  	[sflag:s14] =	ssyncadd.s32 $0xFFFFFC00  }
0x25: {  	[tilespmem:s15], [sflag:$0x2] =	stream.linear.gather [hbm4b:s10+s3], $0x8000, $0x38;
	[tilespmem:$0x14C20] =	vst v63  }
0x26: {  	_ =	swait.ge [sflag:s14], $0x8000  }
0x27: {  	[sflag:s14] =	ssyncset.done $0x0  }
0x28: {  	[sflag:s14] =	ssyncadd.s32 $0xFFFF8000  }
0x29: {  	v1 =	vld [tilespmem:$0x0]  }
0x2a: {  	v2 =	vld [tilespmem:$0x10]  }
0x2b: {  	v3 =	vld [tilespmem:$0x20]  }
0x2c: {  	v4 =	vld [tilespmem:$0x30]  }
0x2d: {  	v5 =	vld [tilespmem:$0x40]  }
0x2e: {  	v6 =	vld [tilespmem:$0x50];
	v1 =	vsub.s32 v1, v0  }
0x2f: {  	v7 =	vld [tilespmem:$0x60];
	v2 =	vsub.s32 v2, v0;
	v1 =	vmin.u32 v1, $0x6200  }
0x30: {  	[tilespmem:$0x400] =	vst v1;
	v1 =	vmin.u32 v2, $0x6200;
	v2 =	vsub.s32 v3, v0;
	v3 =	vld [tilespmem:$0x70]  }
0x31: {  	[tilespmem:$0x410] =	vst v1;
	v1 =	vmin.u32 v2, $0x6200;
	v2 =	vsub.s32 v4, v0  }
0x32: {  	[tilespmem:$0x420] =	vst v1;
	v1 =	vmin.u32 v2, $0x6200;
	v2 =	vsub.s32 v5, v0  }
0x33: {  	[tilespmem:$0x430] =	vst v1;
	v1 =	vmin.u32 v2, $0x6200;
	v2 =	vsub.s32 v6, v0  }
0x34: {  	[tilespmem:$0x440] =	vst v1;
	v1 =	vmin.u32 v2, $0x6200;
	v2 =	vsub.s32 v7, v0  }
0x35: {  	[tilespmem:$0x450] =	vst v1;
	v1 =	vmin.u32 v2, $0x6200;
	v2 =	vsub.s32 v3, v0  }
0x36: {  	[tilespmem:$0x460] =	vst v1;
	v1 =	vmin.u32 v2, $0x6200  }
0x37: {  	[tilespmem:$0x470] =	vst v1  }
0x38: {  	[spmem:s2] =	stream.indirect.scatter.add.f32 [tilespmem:s15], [sflag:$0x1], $0x20, s17, s16, $0xb8;
	[tilespmem:$0x14C20] =	vst v63  }
0x39: {  	v1 =	vld [tilespmem:$0x80]  }
0x3a: {  	v2 =	vld [tilespmem:$0x90]  }
0x3b: {  	v3 =	vld [tilespmem:$0xA0]  }
0x3c: {  	v36 =	vld [tilespmem:$0xB0]  }
0x3d: {  	v37 =	vld [tilespmem:$0xC0]  }
0x3e: {  	v38 =	vld [tilespmem:$0xD0];
	v1 =	vsub.s32 v1, v0  }
0x3f: {  	v39 =	vld [tilespmem:$0xE0];
	v2 =	vsub.s32 v2, v0;
	v1 =	vmin.u32 v1, $0x6200  }
0x40: {  	[tilespmem:$0x480] =	vst v1;
	v1 =	vmin.u32 v2, $0x6200;
	v2 =	vsub.s32 v3, v0;
	v3 =	vld [tilespmem:$0xF0]  }
0x41: {  	[tilespmem:$0x490] =	vst v1;
	v1 =	vmin.u32 v2, $0x6200;
	v2 =	vsub.s32 v36, v0  }
0x42: {  	[tilespmem:$0x4A0] =	vst v1;
	v1 =	vmin.u32 v2, $0x6200;
	v2 =	vsub.s32 v37, v0  }
0x43: {  	[tilespmem:$0x4B0] =	vst v1;
	v1 =	vmin.u32 v2, $0x6200;
	v2 =	vsub.s32 v38, v0  }
0x44: {  	[tilespmem:$0x4C0] =	vst v1;
	v1 =	vmin.u32 v2, $0x6200;
	v2 =	vsub.s32 v39, v0  }
0x45: {  	[tilespmem:$0x4D0] =	vst v1;
	v1 =	vmin.u32 v2, $0x6200;
	v2 =	vsub.s32 v3, v0  }
0x46: {  	[tilespmem:$0x4E0] =	vst v1;
	v1 =	vmin.u32 v2, $0x6200  }
0x47: {  	[tilespmem:$0x4F0] =	vst v1  }
0x48: {  	[spmem:s2] =	stream.indirect.scatter.add.f32 [tilespmem:s19], [sflag:$0x1], $0x20, s18, s16, $0xb8;
	[tilespmem:$0x14C20] =	vst v63  }
0x49: {  	v1 =	vld [tilespmem:$0x100]  }
0x4a: {  	v2 =	vld [tilespmem:$0x110]  }
0x4b: {  	v3 =	vld [tilespmem:$0x120]  }
0x4c: {  	v40 =	vld [tilespmem:$0x130]  }
0x4d: {  	v41 =	vld [tilespmem:$0x140]  }
0x4e: {  	v42 =	vld [tilespmem:$0x150];
	v1 =	vsub.s32 v1, v0  }
0x4f: {  	v43 =	vld [tilespmem:$0x160];
	v2 =	vsub.s32 v2, v0;
	v1 =	vmin.u32 v1, $0x6200  }
0x50: {  	[tilespmem:$0x500] =	vst v1;
	v1 =	vmin.u32 v2, $0x6200;
	v2 =	vsub.s32 v3, v0;
	v3 =	vld [tilespmem:$0x170]  }
0x51: {  	[tilespmem:$0x510] =	vst v1;
	v1 =	vmin.u32 v2, $0x6200;
	v2 =	vsub.s32 v40, v0  }
0x52: {  	[tilespmem:$0x520] =	vst v1;
	v1 =	vmin.u32 v2, $0x6200;
	v2 =	vsub.s32 v41, v0  }
0x53: {  	[tilespmem:$0x530] =	vst v1;
	v1 =	vmin.u32 v2, $0x6200;
	v2 =	vsub.s32 v42, v0  }
0x54: {  	[tilespmem:$0x540] =	vst v1;
	v1 =	vmin.u32 v2, $0x6200;
	v2 =	vsub.s32 v43, v0  }
0x55: {  	[tilespmem:$0x550] =	vst v1;
	v1 =	vmin.u32 v2, $0x6200;
	v2 =	vsub.s32 v3, v0  }
0x56: {  	[tilespmem:$0x560] =	vst v1;
	v1 =	vmin.u32 v2, $0x6200  }
0x57: {  	[tilespmem:$0x570] =	vst v1  }
0x58: {  	[spmem:s2] =	stream.indirect.scatter.add.f32 [tilespmem:s21], [sflag:$0x1], $0x20, s20, s16, $0xb8;
	[tilespmem:$0x14C20] =	vst v63  }
0x59: {  	v1 =	vld [tilespmem:$0x180]  }
0x5a: {  	v2 =	vld [tilespmem:$0x190]  }
0x5b: {  	v3 =	vld [tilespmem:$0x1A0]  }
0x5c: {  	v44 =	vld [tilespmem:$0x1B0]  }
0x5d: {  	v45 =	vld [tilespmem:$0x1C0]  }
0x5e: {  	v46 =	vld [tilespmem:$0x1D0];
	v1 =	vsub.s32 v1, v0  }
0x5f: {  	v47 =	vld [tilespmem:$0x1E0];
	v2 =	vsub.s32 v2, v0;
	v1 =	vmin.u32 v1, $0x6200  }
0x60: {  	[tilespmem:$0x580] =	vst v1;
	v1 =	vmin.u32 v2, $0x6200;
	v2 =	vsub.s32 v3, v0;
	v3 =	vld [tilespmem:$0x1F0]  }
0x61: {  	[tilespmem:$0x590] =	vst v1;
	v1 =	vmin.u32 v2, $0x6200;
	v2 =	vsub.s32 v44, v0  }
0x62: {  	[tilespmem:$0x5A0] =	vst v1;
	v1 =	vmin.u32 v2, $0x6200;
	v2 =	vsub.s32 v45, v0  }
0x63: {  	[tilespmem:$0x5B0] =	vst v1;
	v1 =	vmin.u32 v2, $0x6200;
	v2 =	vsub.s32 v46, v0  }
0x64: {  	[tilespmem:$0x5C0] =	vst v1;
	v1 =	vmin.u32 v2, $0x6200;
	v2 =	vsub.s32 v47, v0  }
0x65: {  	[tilespmem:$0x5D0] =	vst v1;
	v1 =	vmin.u32 v2, $0x6200;
	v2 =	vsub.s32 v3, v0  }
0x66: {  	[tilespmem:$0x5E0] =	vst v1;
	v1 =	vmin.u32 v2, $0x6200  }
0x67: {  	[tilespmem:$0x5F0] =	vst v1  }
0x68: {  	[spmem:s2] =	stream.indirect.scatter.add.f32 [tilespmem:s23], [sflag:$0x1], $0x20, s22, s16, $0xb8;
	[tilespmem:$0x14C20] =	vst v63  }
0x69: {  	v1 =	vld [tilespmem:$0x200]  }
0x6a: {  	v2 =	vld [tilespmem:$0x210]  }
0x6b: {  	v3 =	vld [tilespmem:$0x220]  }
0x6c: {  	v48 =	vld [tilespmem:$0x230]  }
0x6d: {  	v49 =	vld [tilespmem:$0x240]  }
0x6e: {  	v50 =	vld [tilespmem:$0x250];
	v1 =	vsub.s32 v1, v0  }
0x6f: {  	v51 =	vld [tilespmem:$0x260];
	v2 =	vsub.s32 v2, v0;
	v1 =	vmin.u32 v1, $0x6200  }
0x70: {  	[tilespmem:$0x600] =	vst v1;
	v1 =	vmin.u32 v2, $0x6200;
	v2 =	vsub.s32 v3, v0;
	v3 =	vld [tilespmem:$0x270]  }
0x71: {  	[tilespmem:$0x610] =	vst v1;
	v1 =	vmin.u32 v2, $0x6200;
	v2 =	vsub.s32 v48, v0  }
0x72: {  	[tilespmem:$0x620] =	vst v1;
	v1 =	vmin.u32 v2, $0x6200;
	v2 =	vsub.s32 v49, v0  }
0x73: {  	[tilespmem:$0x630] =	vst v1;
	v1 =	vmin.u32 v2, $0x6200;
	v2 =	vsub.s32 v50, v0  }
0x74: {  	[tilespmem:$0x640] =	vst v1;
	v1 =	vmin.u32 v2, $0x6200;
	v2 =	vsub.s32 v51, v0  }
0x75: {  	[tilespmem:$0x650] =	vst v1;
	v1 =	vmin.u32 v2, $0x6200;
	v2 =	vsub.s32 v3, v0  }
0x76: {  	[tilespmem:$0x660] =	vst v1;
	v1 =	vmin.u32 v2, $0x6200  }
0x77: {  	[tilespmem:$0x670] =	vst v1  }
0x78: {  	[spmem:s2] =	stream.indirect.scatter.add.f32 [tilespmem:s25], [sflag:$0x1], $0x20, s24, s16, $0xb8;
	[tilespmem:$0x14C20] =	vst v63  }
0x79: {  	v1 =	vld [tilespmem:$0x280]  }
0x7a: {  	v2 =	vld [tilespmem:$0x290]  }
0x7b: {  	v3 =	vld [tilespmem:$0x2A0]  }
0x7c: {  	v52 =	vld [tilespmem:$0x2B0]  }
0x7d: {  	v53 =	vld [tilespmem:$0x2C0]  }
0x7e: {  	v54 =	vld [tilespmem:$0x2D0];
	v1 =	vsub.s32 v1, v0  }
0x7f: {  	v55 =	vld [tilespmem:$0x2E0];
	v2 =	vsub.s32 v2, v0;
	v1 =	vmin.u32 v1, $0x6200  }
0x80: {  	[tilespmem:$0x680] =	vst v1;
	v1 =	vmin.u32 v2, $0x6200;
	v2 =	vsub.s32 v3, v0;
	v3 =	vld [tilespmem:$0x2F0]  }
0x81: {  	[tilespmem:$0x690] =	vst v1;
	v1 =	vmin.u32 v2, $0x6200;
	v2 =	vsub.s32 v52, v0  }
0x82: {  	[tilespmem:$0x6A0] =	vst v1;
	v1 =	vmin.u32 v2, $0x6200;
	v2 =	vsub.s32 v53, v0  }
0x83: {  	[tilespmem:$0x6B0] =	vst v1;
	v1 =	vmin.u32 v2, $0x6200;
	v2 =	vsub.s32 v54, v0  }
0x84: {  	[tilespmem:$0x6C0] =	vst v1;
	v1 =	vmin.u32 v2, $0x6200;
	v2 =	vsub.s32 v55, v0  }
0x85: {  	[tilespmem:$0x6D0] =	vst v1;
	v1 =	vmin.u32 v2, $0x6200;
	v2 =	vsub.s32 v3, v0  }
0x86: {  	[tilespmem:$0x6E0] =	vst v1;
	v1 =	vmin.u32 v2, $0x6200  }
0x87: {  	[tilespmem:$0x6F0] =	vst v1  }
0x88: {  	[spmem:s2] =	stream.indirect.scatter.add.f32 [tilespmem:s28], [sflag:$0x1], $0x20, s26, s16, $0xb8;
	[tilespmem:$0x14C20] =	vst v63  }
0x89: {  	v1 =	vld [tilespmem:$0x300]  }
0x8a: {  	v2 =	vld [tilespmem:$0x310]  }
0x8b: {  	v3 =	vld [tilespmem:$0x320]  }
0x8c: {  	v56 =	vld [tilespmem:$0x330]  }
0x8d: {  	v57 =	vld [tilespmem:$0x340]  }
0x8e: {  	v58 =	vld [tilespmem:$0x350];
	v1 =	vsub.s32 v1, v0  }
0x8f: {  	v59 =	vld [tilespmem:$0x360];
	v2 =	vsub.s32 v2, v0;
	v1 =	vmin.u32 v1, $0x6200  }
0x90: {  	[tilespmem:$0x700] =	vst v1;
	v1 =	vmin.u32 v2, $0x6200;
	v2 =	vsub.s32 v3, v0;
	v3 =	vld [tilespmem:$0x370]  }
0x91: {  	[tilespmem:$0x710] =	vst v1;
	v1 =	vmin.u32 v2, $0x6200;
	v2 =	vsub.s32 v56, v0  }
0x92: {  	[tilespmem:$0x720] =	vst v1;
	v1 =	vmin.u32 v2, $0x6200;
	v2 =	vsub.s32 v57, v0  }
0x93: {  	[tilespmem:$0x730] =	vst v1;
	v1 =	vmin.u32 v2, $0x6200;
	v2 =	vsub.s32 v58, v0  }
0x94: {  	[tilespmem:$0x740] =	vst v1;
	v1 =	vmin.u32 v2, $0x6200;
	v2 =	vsub.s32 v59, v0  }
0x95: {  	[tilespmem:$0x750] =	vst v1;
	v1 =	vmin.u32 v2, $0x6200;
	v2 =	vsub.s32 v3, v0  }
0x96: {  	[tilespmem:$0x760] =	vst v1;
	v1 =	vmin.u32 v2, $0x6200  }
0x97: {  	[tilespmem:$0x770] =	vst v1  }
0x98: {  	[spmem:s2] =	stream.indirect.scatter.add.f32 [tilespmem:s30], [sflag:$0x1], $0x20, s29, s16, $0xb8;
	[tilespmem:$0x14C20] =	vst v63  }
0x99: {  	v1 =	vld [tilespmem:$0x380]  }
0x9a: {  	v2 =	vld [tilespmem:$0x390]  }
0x9b: {  	v3 =	vld [tilespmem:$0x3A0]  }
0x9c: {  	v60 =	vld [tilespmem:$0x3B0]  }
0x9d: {  	v61 =	vld [tilespmem:$0x3C0]  }
0x9e: {  	v62 =	vld [tilespmem:$0x3D0];
	v1 =	vsub.s32 v1, v0  }
0x9f: {  	v63 =	vld [tilespmem:$0x3E0];
	v2 =	vsub.s32 v2, v0;
	v1 =	vmin.u32 v1, $0x6200  }
0xa0: {  	[tilespmem:$0x780] =	vst v1;
	v1 =	vmin.u32 v2, $0x6200;
	v2 =	vsub.s32 v3, v0;
	v3 =	vld [tilespmem:$0x3F0]  }
0xa1: {  	[tilespmem:$0x790] =	vst v1;
	v1 =	vmin.u32 v2, $0x6200;
	v2 =	vsub.s32 v60, v0  }
0xa2: {  	[tilespmem:$0x7A0] =	vst v1;
	v1 =	vmin.u32 v2, $0x6200;
	v2 =	vsub.s32 v61, v0  }
0xa3: {  	[tilespmem:$0x7B0] =	vst v1;
	v1 =	vmin.u32 v2, $0x6200;
	v2 =	vsub.s32 v62, v0  }
0xa4: {  	[tilespmem:$0x7C0] =	vst v1;
	v1 =	vmin.u32 v2, $0x6200;
	v2 =	vsub.s32 v63, v0  }
0xa5: {  	[tilespmem:$0x7D0] =	vst v1;
	v1 =	vmin.u32 v2, $0x6200;
	v2 =	vsub.s32 v3, v0  }
0xa6: {  	[tilespmem:$0x7E0] =	vst v1;
	v1 =	vmin.u32 v2, $0x6200  }
0xa7: {  	[tilespmem:$0x7F0] =	vst v1  }
0xa8: {  	[spmem:s2] =	stream.indirect.scatter.add.f32 [tilespmem:s0], [sflag:$0x1], $0x20, s31, s16, $0xb8;
	[tilespmem:$0x14C20] =	vst v63  }
0xa9: {  	_ =	swait.ge [sflag:s1], $0x1000  }
0xaa: {  	[sflag:s1] =	ssyncset.done $0x0  }
0xab: {  	[sflag:s1] =	ssyncadd.s32 $0xFFFFF000  }
0xac: {  	_ =	swait.ge [sflag:s1], $0x1000  }
0xad: {  	[sflag:s1] =	ssyncset.done $0x0  }
0xae: {  	[sflag:s1] =	ssyncadd.s32 $0xFFFFF000  }
0xaf: {  	_ =	swait.ge [sflag:s1], $0x1000  }
0xb0: {  	[sflag:s1] =	ssyncset.done $0x0  }
0xb1: {  	[sflag:s1] =	ssyncadd.s32 $0xFFFFF000  }
0xb2: {  	_ =	swait.ge [sflag:s1], $0x1000  }
0xb3: {  	[sflag:s1] =	ssyncset.done $0x0  }
0xb4: {  	[sflag:s1] =	ssyncadd.s32 $0xFFFFF000  }
0xb5: {  	_ =	swait.ge [sflag:s1], $0x1000  }
0xb6: {  	[sflag:s1] =	ssyncset.done $0x0  }
0xb7: {  	[sflag:s1] =	ssyncadd.s32 $0xFFFFF000  }
0xb8: {  	_ =	swait.ge [sflag:s1], $0x1000  }
0xb9: {  	[sflag:s1] =	ssyncset.done $0x0  }
0xba: {  	[sflag:s1] =	ssyncadd.s32 $0xFFFFF000  }
0xbb: {  	p0 =	sne.s32 s8, $0x1780;
	_ =	swait.ge [sflag:s1], $0x1000  }
.Ltmp0:
0xbc: {  	[sflag:s1] =	ssyncset.done $0x0;
	(pc) =	sbr.rel @p0 .LBB2_2-.Ltmp0, $4  }
0xbd: {  	[sflag:s1] =	ssyncadd.s32 $0xFFFFF000  }
0xbe: {  	_ =	swait.ge [sflag:s1], $0x1000  }
0xbf: {  	[sflag:s1] =	ssyncset.done $0x0  }
0xc0: {  	s8 =	sadd.s32 $0x80, s8;
	s10 =	sadd.s32 $0x1000, s10;
	[sflag:s1] =	ssyncadd.s32 $0xFFFFF000  }
0xc1: {  	s7 =	rddreg [dreg:$0x5]  }
0xc2: {  	p1 =	sne.s32 s7, $0x1  }
.Ltmp1:
0xc3: {  	_ = 	snop;
	(pc) =	sbr.rel @!p1 .LBB2_6-.Ltmp1, $3  }
0xc4: {  	_ =	sdelay $0x1  }
0xc5: {  	p0 =	por $0x0, $0x0  }
0xc6: {  	s12 =	smov.u32 s13;
	s11 =	smov.u32 s5;
	s7 =	sadd.s32 $0xFFFFFFFF, s7  }
0xc7: {  	[tilespmem:s3], [sflag:$0x2] =	stream.linear.gather [hbm4b:s13+s3], $0x80, $0x38;
	[tilespmem:$0x14C20] =	vst v63  }
0xc8: {  	_ =	swait.ge [sflag:s14], $0x80  }
0xc9: {  	[sflag:s14] =	ssyncset.done $0x0  }
0xca: {  	[sflag:s14] =	ssyncadd.s32 $0xFFFFFF80  }
0xcb: {  	[tilespmem:s15], [sflag:$0x2] =	stream.linear.gather [hbm4b:s5+s3], $0x1000, $0x38;
	[tilespmem:$0x14C20] =	vst v63  }
0xcc: {  	_ =	swait.ge [sflag:s14], $0x1000  }
0xcd: {  	[sflag:s14] =	ssyncset.done $0x0  }
0xce: {  	[sflag:s14] =	ssyncadd.s32 $0xFFFFF000  }
0xcf: {  	v1 =	vld [tilespmem:$0x20]  }
0xd0: {  	v2 =	vld [tilespmem:$0x30]  }
0xd1: {  	v3 =	vld [tilespmem:$0x50]  }
0xd2: {  	v4 =	vld [tilespmem:$0x10]  }
0xd3: {  	v5 =	vld [tilespmem:$0x40]  }
0xd4: {  	v6 =	vld [tilespmem:$0x0];
	v1 =	vsub.s32 v1, v0  }
0xd5: {  	v7 =	vld [tilespmem:$0x60];
	v2 =	vsub.s32 v2, v0;
	v1 =	vmin.u32 v1, $0x6200  }
0xd6: {  	p1 =	sne.s32 s7, $0x1;
	[tilespmem:$0x420] =	vst v1;
	v1 =	vmin.u32 v2, $0x6200;
	v2 =	vsub.s32 v3, v0;
	v3 =	vld [tilespmem:$0x70]  }
.Ltmp2:
0xd7: {  	v4 =	vsub.s32 v4, v0;
	[tilespmem:$0x430] =	vst v1;
	v1 =	vmin.u32 v2, $0x6200;
	(pc) =	sbr.rel @!p1 .LBB2_6-.Ltmp2, $4  }
0xd8: {  	v63 =	vsub.s32 v5, v0;
	v2 =	vmin.u32 v4, $0x6200;
	[tilespmem:$0x450] =	vst v1  }
0xd9: {  	v1 =	vsub.s32 v6, v0;
	[tilespmem:$0x410] =	vst v2;
	v2 =	vmin.u32 v63, $0x6200  }
0xda: {  	s11 =	sadd.s32 $0x200, s5;
	s12 =	sadd.s32 $0x10, s13;
	s7 =	sadd.s32 $0xFFFFFFFF, s7;
	v1 =	vmin.u32 v1, $0x6200;
	[tilespmem:$0x440] =	vst v2;
	v2 =	vsub.s32 v7, v0  }
0xdb: {  	p0 =	por $0x1, $0x1;
	s8 =	smov.u32 s11;
	s10 =	smov.u32 s12;
	[tilespmem:$0x400] =	vst v1;
	v1 =	vmin.u32 v2, $0x6200;
	v2 =	vsub.s32 v3, v0  }
.LBB2_5:
0xdc: {  	p1 =	sne.s32 s7, $0x1;
	s8 =	sadd.s32 $0x200, s8;
	s10 =	sadd.s32 $0x10, s10;
	[tilespmem:$0x460] =	vst v1;
	v1 =	vmin.u32 v2, $0x6200  }
0xdd: {  	s7 =	sadd.s32 $0xFFFFFFFF, s7;
	[tilespmem:$0x470] =	vst v1  }
0xde: {  	[spmem:s2] =	stream.indirect.scatter.add.f32 [tilespmem:s15], [sflag:$0x2], $0x20, s17, s16, $0xb8;
	[tilespmem:$0x14C20] =	vst v63  }
0xdf: {  	_ =	swait.ge [sflag:s14], $0x1000  }
0xe0: {  	[sflag:s14] =	ssyncset.done $0x0  }
0xe1: {  	[sflag:s14] =	ssyncadd.s32 $0xFFFFF000  }
0xe2: {  	[tilespmem:s3], [sflag:$0x2] =	stream.linear.gather [hbm4b:s12+s3], $0x80, $0x38;
	[tilespmem:$0x14C20] =	vst v63  }
0xe3: {  	s12 =	smov.u32 s10;
	_ =	swait.ge [sflag:s14], $0x80  }
0xe4: {  	[sflag:s14] =	ssyncset.done $0x0  }
0xe5: {  	[sflag:s14] =	ssyncadd.s32 $0xFFFFFF80  }
0xe6: {  	[tilespmem:s15], [sflag:$0x2] =	stream.linear.gather [hbm4b:s11+s3], $0x1000, $0x38;
	[tilespmem:$0x14C20] =	vst v63  }
0xe7: {  	s11 =	smov.u32 s8;
	_ =	swait.ge [sflag:s14], $0x1000  }
0xe8: {  	[sflag:s14] =	ssyncset.done $0x0  }
0xe9: {  	[sflag:s14] =	ssyncadd.s32 $0xFFFFF000  }
0xea: {  	v1 =	vld [tilespmem:$0x20]  }
0xeb: {  	v2 =	vld [tilespmem:$0x30]  }
0xec: {  	v3 =	vld [tilespmem:$0x50]  }
0xed: {  	v4 =	vld [tilespmem:$0x10]  }
0xee: {  	v5 =	vld [tilespmem:$0x40]  }
0xef: {  	v6 =	vld [tilespmem:$0x0];
	v1 =	vsub.s32 v1, v0  }
0xf0: {  	v1 =	vmin.u32 v1, $0x6200;
	v2 =	vsub.s32 v2, v0;
	v7 =	vld [tilespmem:$0x60]  }
0xf1: {  	[tilespmem:$0x420] =	vst v1;
	v1 =	vmin.u32 v2, $0x6200;
	v2 =	vsub.s32 v3, v0;
	v3 =	vld [tilespmem:$0x70]  }
.Ltmp3:
0xf2: {  	v4 =	vsub.s32 v4, v0;
	[tilespmem:$0x430] =	vst v1;
	v1 =	vmin.u32 v2, $0x6200;
	(pc) =	sbr.rel @p1 .LBB2_5-.Ltmp3, $4  }
0xf3: {  	v2 =	vmin.u32 v4, $0x6200;
	v4 =	vsub.s32 v5, v0;
	[tilespmem:$0x450] =	vst v1  }
0xf4: {  	v1 =	vsub.s32 v6, v0;
	[tilespmem:$0x410] =	vst v2;
	v2 =	vmin.u32 v4, $0x6200  }
0xf5: {  	v1 =	vmin.u32 v1, $0x6200;
	[tilespmem:$0x440] =	vst v2;
	v2 =	vsub.s32 v7, v0  }
0xf6: {  	[tilespmem:$0x400] =	vst v1;
	v1 =	vmin.u32 v2, $0x6200;
	v2 =	vsub.s32 v3, v0  }
.LBB2_6:
0xf7: {  	[tilespmem:$0x460] =	vst @p0 v1;
	v1 =	vmin.u32 @p0 v2, $0x6200  }
0xf8: {  	[tilespmem:$0x470] =	vst @p0 v1  }
0xf9: {  	[spmem:s2] =	stream.indirect.scatter.add.f32 @p0 [tilespmem:s15], [sflag:$0x2], $0x20, s17, s16, $0xb8;
	[tilespmem:$0x14C20] =	vst v63  }
0xfa: {  	_ =	swait.ge @p0 [sflag:s14], $0x1000  }
0xfb: {  	[sflag:s14] =	ssyncset.done @p0 $0x0  }
0xfc: {  	[sflag:s14] =	ssyncadd.s32 @p0 $0xFFFFF000  }
0xfd: {  	[tilespmem:s3], [sflag:$0x2] =	stream.linear.gather [hbm4b:s12+s3], $0x80, $0x38;
	[tilespmem:$0x14C20] =	vst v63  }
0xfe: {  	_ =	swait.ge [sflag:s14], $0x80  }
0xff: {  	[sflag:s14] =	ssyncset.done $0x0  }
0x100: {  	[sflag:s14] =	ssyncadd.s32 $0xFFFFFF80  }
0x101: {  	[tilespmem:s15], [sflag:$0x2] =	stream.linear.gather [hbm4b:s11+s3], $0x1000, $0x38;
	[tilespmem:$0x14C20] =	vst v63  }
0x102: {  	_ =	swait.ge [sflag:s14], $0x1000  }
0x103: {  	[sflag:s14] =	ssyncset.done $0x0  }
0x104: {  	[sflag:s14] =	ssyncadd.s32 $0xFFFFF000  }
0x105: {  	v1 =	vld [tilespmem:$0x20]  }
0x106: {  	v2 =	vld [tilespmem:$0x30]  }
0x107: {  	v3 =	vld [tilespmem:$0x50]  }
0x108: {  	v4 =	vld [tilespmem:$0x10]  }
0x109: {  	v5 =	vld [tilespmem:$0x40]  }
0x10a: {  	v6 =	vld [tilespmem:$0x0];
	v1 =	vsub.s32 v1, v0  }
0x10b: {  	v7 =	vld [tilespmem:$0x60];
	v2 =	vsub.s32 v2, v0;
	v1 =	vmin.u32 v1, $0x6200  }
0x10c: {  	[tilespmem:$0x420] =	vst v1;
	v1 =	vmin.u32 v2, $0x6200;
	v2 =	vsub.s32 v3, v0;
	v3 =	vld [tilespmem:$0x70]  }
0x10d: {  	v4 =	vsub.s32 v4, v0;
	[tilespmem:$0x430] =	vst v1;
	v1 =	vmin.u32 v2, $0x6200  }
0x10e: {  	v63 =	vsub.s32 v5, v0;
	v2 =	vmin.u32 v4, $0x6200;
	[tilespmem:$0x450] =	vst v1  }
0x10f: {  	v1 =	vsub.s32 v6, v0;
	[tilespmem:$0x410] =	vst v2;
	v2 =	vmin.u32 v63, $0x6200  }
0x110: {  	v1 =	vmin.u32 v1, $0x6200;
	[tilespmem:$0x440] =	vst v2;
	v2 =	vsub.s32 v7, v0  }
0x111: {  	[tilespmem:$0x400] =	vst v1;
	v1 =	vmin.u32 v2, $0x6200;
	v2 =	vsub.s32 v3, v0  }
0x112: {  	[tilespmem:$0x460] =	vst v1;
	v1 =	vmin.u32 v2, $0x6200  }
0x113: {  	[tilespmem:$0x470] =	vst v1  }
0x114: {  	[spmem:s2] =	stream.indirect.scatter.add.f32 [tilespmem:s15], [sflag:$0x2], $0x20, s17, s16, $0xb8;
	[tilespmem:$0x14C20] =	vst v63  }
0x115: {  	_ =	swait.ge [sflag:s14], $0x1000  }
0x116: {  	[sflag:s14] =	ssyncset.done $0x0  }
0x117: {  	[sflag:s14] =	ssyncadd.s32 $0xFFFFF000  }
0x118: {  	[bflag:$0x0] =	sbarrier.arrive $0xFFFF  }
0x119: {  	s10 =	rddreg [dreg:$0x6]  }
0x11a: {  	s12 =	smov.u32 s6;
	s8 =	rddreg [dreg:$0x9]  }
0x11b: {  	[hbm:s10], [sflag:s12] =	dma.local [spmem:s8], $0x1880  }
0x11c: {  	_ =	swait.ge [sflag:s14], $0x1880  }
0x11d: {  	s4 =	sadd.s32 $0x1, s4;
	s11 =	rddreg [dreg:$0x7]  }
0x11e: {  	p0 =	sne.s32 s4, s11  }
.Ltmp4:
0x11f: {  	_ = 	snop;
	(pc) =	sbr.rel @p0 .LBB2_1-.Ltmp4, $3  }
0x120: {  	_ =	sdelay $0x1  }
0x121: {  	[sflag:s14] =	ssyncset.done $0x0  }
0x122: {  	[sflag:s14] =	ssyncadd.s32 $0xFFFFE780  }
0x123: {  	_ =	sfence.sel $0x180000  }
0x124: {  	[bflag:$0x0] =	sbarrier.arrive $0xFFFF  }
0x125: {  	_ =	strace $0x9000004A  }
0x126: {  	s0 =	stileid.u32;
	[bflag:$0x2] =	sbarrier.arrive $0xFFFF  }
0x127: {  	p0 =	sne.s32 s0, $0x0;
	s0 =	rddreg [dreg:$0x3]  }
0x128: {  	s0 =	sadd.s32 @!p0 $0x100000, s0  }
0x129: {  	[sflag:s0] =	ssyncadd.tile.s32 @!p0 $0x1;
	_ =	shalt  }
.Lfunc_end2:
_tile_overlayer_lowered:
.L_overlay_start_2:
0x12a: {  	(tag) =	ssettag $0x2  }
0x12b: {  	s0 =	rddreg [dreg:$0x0];
	s2 =	stileid.u32  }
0x12c: {  	s1 =	rddreg [dreg:$0x1];
	p0 =	sne.s32 s2, $0x0  }
0x12d: {  	s3 =	rddreg [dreg:$0x2];
	[bflag:$0x3] =	sbarrier.arrive $0xFFFF;
	s2 =	simm.s32 @!p0 $0x1C02  }
0x12e: {  	[timem:s3], [sflag:s2] =	dma.local @!p0 [hbm:s0], s1  }
0x12f: {  	s0 =	simm.s32 @!p0 $0x2  }
0x130: {  	_ =	swait.ge @!p0 [sflag:s0], s1  }
0x131: {  	s1 =	ssub.s32 @!p0 $0x0, s1;
	[sflag:s0] =	ssyncset.done @!p0 $0x0  }
0x132: {  	[sflag:s0] =	ssyncadd.s32 @!p0 s1  }
0x133: {  	[bflag:$0x3] =	sbarrier.arrive $0xFFFF  }
0x134: {  	_ =	shalt  }

// kernel: kernel.8.cloned.1.call-start
scs
__scs_entry_jumppad:
0x0: {  	(pc) =	sbr.rel $0x88, $3  }
0x1: {  	(tag) =	ssettag $0x0;
	lr =	simm.s32 $0x1  }
0x2: {  	[smem:$0x3F94] =	sst lr;
	_ =	strace $0xD0000000  }
0x3: {  	_ = 	snop  }
0x4: {  	_ = 	snop  }
0x5: {  	_ = 	snop  }
0x6: {  	_ = 	snop  }
0x7: {  	_ = 	snop  }
__scs_overlays_trampoline_lowered:
0x8: {  	[smem:$0x3FA3] =	sst s0  }
0x9: {  	[smem:$0x3FA4] =	sst s1  }
0xa: {  	[smem:$0x3FA5] =	sst s2  }
0xb: {  	[smem:$0x3FA6] =	sst s3  }
0xc: {  	[smem:$0x3FA7] =	sst s4  }
0xd: {  	[smem:$0x3FA8] =	sst s5  }
0xe: {  	[smem:$0x3FA9] =	sst s6  }
0xf: {  	[smem:$0x3FAA] =	sst s7  }
0x10: {  	[smem:$0x3FAB] =	sst s8  }
0x11: {  	[smem:$0x3FAC] =	sst s9;
	s0 =	simm.s32 @!p0 $0x0  }
0x12: {  	s1 =	sld [smem:$0x3F92];
	s0 =	simm.s32 @p0 $0x1  }
0x13: {  	[smem:$0x3FAD] =	sst s0;
	s0 =	simm.s32 @!p1 $0x0  }
0x14: {  	s2 =	sld [smem:$0x3F91];
	s0 =	simm.s32 @p1 $0x1  }
0x15: {  	[smem:$0x3FAE] =	sst s0;
	s0 =	simm.s32 @!p2 $0x0  }
0x16: {  	s3 =	sld [smem:$0x3FDB];
	s0 =	simm.s32 @p2 $0x1  }
0x17: {  	s4 =	simm.s32 $0x1BF5;
	[smem:$0x3FB0] =	sst s0  }
0x18: {  	s0 =	sld [smem:$0x3F93];
	_ =	swait.ge [sflag:s4], $0x0  }
0x19: {  	s7 =	sld [smem:$0x3F94]  }
0x1a: {  	s8 =	sadd.s32 $0xFFFFE003, lr  }
0x1b: {  	s9 =	sadd.s32 $0xFFFFFEF7, lr;
	s5 =	simm.s32 $0xFFFFFFFF;
	p2 =	slt.u32 s8, $0xFFFFF086  }
0x1c: {  	p1 =	slt.u32 s9, $0xF7A;
	s5 =	simm.s32 @!p2 $0x0  }
0x1d: {  	s5 =	simm.s32 @p1 $0x1;
	p0 =	seq.s32 s7, s2  }
0x1e: {  	s7 =	smul.u32 @!p0 $0xF7A, s2;
	p2 =	seq.s32 @!p0 s5, $0x0  }
0x1f: {  	s9 =	smul.u32 $0xF7A, s1;
	s8 =	simm.s32 @!p0 $0x1BF5;
	p2 =	por !p2, p0  }
0x20: {  	[sflag:s8] =	ssyncset.s32 @!p0 $0xFFFFF086;
	s6 =	sadd.s32 @!p0 s3, s7;
	s7 =	simm.s32 @!p0 $0x108  }
0x21: {  	s3 =	sadd.s32 s3, s9;
	s6 =	sadd.s32 @!p0 $0x88, s6;
	s7 =	simm.s32 @p2 $0x1082  }
0x22: {  	[simem:s7], [sflag:s8] =	dma.local @!p0 [hbm:s6], $0xF7A  }
0x23: {  	s9 =	sor.u32 $0xD0000000, s2;
	s6 =	simm.s32 $0x108;
	_ =	swait.ge @!p0 [sflag:s8], $0x0  }
0x24: {  	s3 =	sadd.s32 $0x88, s3;
	s6 =	simm.s32 @!p1 $0x1082;
	[sflag:s4] =	ssyncset.s32 $0xFFFFF086  }
0x25: {  	[simem:s6], [sflag:s4] =	dma.local [hbm:s3], $0xF7A  }
0x26: {  	[smem:$0x3F94] =	sst s1;
	(tag) =	ssettag s2;
	_ =	strace s9  }
0x27: {  	s1 =	sld [smem:$0x3FA4]  }
0x28: {  	s2 =	sld [smem:$0x3FA5]  }
0x29: {  	s4 =	sld [smem:$0x3FA7]  }
0x2a: {  	p0 =	seq.s32 s5, $0x0;
	s5 =	sld [smem:$0x3FA8]  }
0x2b: {  	s6 =	sld [smem:$0x3FA9]  }
0x2c: {  	s7 =	sld [smem:$0x3FAA]  }
0x2d: {  	s3 =	simm.s32 $0x108;
	s8 =	sld [smem:$0x3FAB]  }
0x2e: {  	s3 =	simm.s32 @!p0 $0x1082;
	s9 =	sld [smem:$0x3FAC]  }
0x2f: {  	lr =	sadd.s32 s0, s3;
	s0 =	sld [smem:$0x3FA3]  }
0x30: {  	s3 =	sld [smem:$0x3FA6]  }
0x31: {  	[smem:$0x3FAF] =	sst s10  }
0x32: {  	s10 =	sld [smem:$0x3FAD];
	_ =	sdelay $0x3  }
0x33: {  	p0 =	seq.s32 s10, $0x1;
	s10 =	sld [smem:$0x3FAF];
	_ =	sdelay $0x3  }
0x34: {  	[smem:$0x3FAF] =	sst s10  }
0x35: {  	s10 =	sld [smem:$0x3FAE];
	_ =	sdelay $0x3  }
0x36: {  	p1 =	seq.s32 s10, $0x1;
	s10 =	sld [smem:$0x3FAF];
	_ =	sdelay $0x3  }
0x37: {  	[smem:$0x3FAF] =	sst s10  }
0x38: {  	s10 =	sld [smem:$0x3FB0]  }
0x39: {  	_ = 	snop;
	(pc) =	sbr.ind lr, $3  }
0x3a: {  	_ = 	snop  }
0x3b: {  	_ = 	snop  }
0x3c: {  	p2 =	seq.s32 s10, $0x1;
	s10 =	sld [smem:$0x3FAF]  }
0x3d: {  	_ =	shalt  }
0x3e: {  	_ =	shalt  }
0x3f: {  	_ =	shalt  }
0x40: {  	_ =	shalt  }
0x41: {  	_ =	shalt  }
0x42: {  	_ =	shalt  }
0x43: {  	_ =	shalt  }
0x44: {  	_ =	shalt  }
0x45: {  	_ =	shalt  }
0x46: {  	_ =	shalt  }
0x47: {  	_ =	shalt  }
0x48: {  	_ =	shalt  }
0x49: {  	_ =	shalt  }
0x4a: {  	_ =	shalt  }
0x4b: {  	_ =	shalt  }
0x4c: {  	_ =	shalt  }
0x4d: {  	_ =	shalt  }
0x4e: {  	_ =	shalt  }
0x4f: {  	_ =	shalt  }
0x50: {  	_ =	shalt  }
0x51: {  	_ =	shalt  }
0x52: {  	_ =	shalt  }
0x53: {  	_ =	shalt  }
0x54: {  	_ =	shalt  }
0x55: {  	_ =	shalt  }
0x56: {  	_ =	shalt  }
0x57: {  	_ =	shalt  }
0x58: {  	_ =	shalt  }
0x59: {  	_ =	shalt  }
0x5a: {  	_ =	shalt  }
0x5b: {  	_ =	shalt  }
0x5c: {  	_ =	shalt  }
0x5d: {  	_ =	shalt  }
0x5e: {  	_ =	shalt  }
0x5f: {  	_ =	shalt  }
0x60: {  	_ =	shalt  }
0x61: {  	_ =	shalt  }
0x62: {  	_ =	shalt  }
0x63: {  	_ =	shalt  }
0x64: {  	_ =	shalt  }
0x65: {  	_ =	shalt  }
0x66: {  	_ =	shalt  }
0x67: {  	_ =	shalt  }
0x68: {  	_ =	shalt  }
0x69: {  	_ =	shalt  }
0x6a: {  	_ =	shalt  }
0x6b: {  	_ =	shalt  }
0x6c: {  	_ =	shalt  }
0x6d: {  	_ =	shalt  }
0x6e: {  	_ =	shalt  }
0x6f: {  	_ =	shalt  }
0x70: {  	_ =	shalt  }
0x71: {  	_ =	shalt  }
0x72: {  	_ =	shalt  }
0x73: {  	_ =	shalt  }
0x74: {  	_ =	shalt  }
0x75: {  	_ =	shalt  }
0x76: {  	_ =	shalt  }
0x77: {  	_ =	shalt  }
0x78: {  	_ =	shalt  }
0x79: {  	_ =	shalt  }
0x7a: {  	_ =	shalt  }
0x7b: {  	_ =	shalt  }
0x7c: {  	_ =	shalt  }
0x7d: {  	_ =	shalt  }
0x7e: {  	_ =	shalt  }
0x7f: {  	_ =	shalt  }
0x80: {  	_ =	shalt  }
0x81: {  	_ =	shalt  }
0x82: {  	_ =	shalt  }
0x83: {  	_ =	shalt  }
0x84: {  	_ =	shalt  }
0x85: {  	_ =	shalt  }
0x86: {  	_ =	shalt  }
0x87: {  	_ =	shalt  }
.Lfunc_end0:
.L_simem_size_0:
called_computation_lowered:
.L_overlay_start_0:
0x88: {  	s2 =	sld [smem:$0x3FD9]  }
0x89: {  	s3 =	sld [smem:$0x3FFE];
	_ =	sdelay $0x1  }
0x8a: {  	s1 =	srdreg.scid  }
0x8b: {  	s0 =	sand.u32 $0x1, s1  }
0x8c: {  	s16 =	sshll.u32 s0, $0xA;
	s2 =	sadd.s32 s3, s2  }
0x8d: {  	s2 =	sadd.s32 s2, s16  }
0x8e: {  	[smem:$0x3FBB] =	sst s2  }
0x8f: {  	_ = 	snop  }
0x90: {  	(tm) =	ssettm $0x1  }
0x91: {  	s17 =	sld [smem:$0x3FFB];
	_ =	sdelay $0x3  }
0x92: {  	_ =	strace s17  }
0x93: {  	s2 =	sld [smem:$0x3FFC];
	_ =	sdelay $0x3  }
0x94: {  	_ =	strace s2  }
0x95: {  	s2 =	sld [smem:$0x3FFD];
	_ =	sdelay $0x3  }
0x96: {  	_ =	strace s2  }
0x97: {  	_ =	strace $0x8FFFFFFF  }
0x98: {  	s18 =	sld [smem:$0x3FDB];
	_ =	sdelay $0x1  }
0x99: {  	s19 =	simm.s32 $_scs_section_size  }
0x9a: {  	s4 =	simm.s32 $_size__tile_overlayer_lowered;
	s5 =	simm.s32 $_tile_overlayer_lowered  }
0x9b: {  	s22 =	simm.s32 $0x1BFF;
	s21 =	sshll.u32 s5, $0x1;
	s2 =	sadd.s32 s19, s18  }
0x9c: {  	s6 =	simm.s32 $0x0;
	s20 =	sshll.u32 s4, $0x1;
	s4 =	sadd.s32 s21, s2  }
0x9d: {  	[timem:s6], [sflag:s22] =	dma.local [hbm:s4], s20  }
0x9e: {  	_ =	swait.ge [sflag:s22], s20  }
0x9f: {  	s3 =	ssub.s32 $0x0, s20;
	[sflag:s22] =	ssyncset.done $0x0  }
0xa0: {  	[sflag:s22] =	ssyncadd.s32 s3;
	_ =	sdelay $0x1  }
0xa1: {  	s23 =	simm.s32 $0x1B8B  }
0xa2: {  	_ =	swait.ge [sflag:s23], $0x1  }
0xa3: {  	[sflag:s23] =	ssyncset.done $0x0  }
0xa4: {  	s25 =	simm.s32 $0x1B8E;
	s24 =	sld [smem:$0x3FFE];
	[sflag:s23] =	ssyncadd.s32 $0xFFFFFFFF  }
0xa5: {  	s26 =	simm.s32 $execute0_lowered;
	[smem:$0x3FD2] =	sst s25  }
0xa6: {  	s4 =	sshll.u32 s26, $0x1;
	_ =	strace $0x80000046;
	[dreg:$0x1] =	wrdreg $0xFFFFFFFF  }
0xa7: {  	s28 =	simm.s32 $_size_execute0_lowered;
	s2 =	sadd.s32 s2, s4;
	[dreg:$0x0] =	wrdreg $0x0  }
0xa8: {  	s4 =	sshll.u32 s28, $0x1;
	[dreg:$0x2] =	wrdreg s2  }
0xa9: {  	[dreg:$0x3] =	wrdreg s4  }
0xaa: {  	[dreg:$0x4] =	wrdreg $0xC0  }
0xab: {  	_ =	task [dreg:s6], $0x5FFFF  }
0xac: {  	[dreg:$0x1] =	wrdreg $0xFFFFFFFF  }
0xad: {  	[dreg:$0x0] =	wrdreg $0x60  }
0xae: {  	[dreg:$0x2] =	wrdreg s24  }
0xaf: {  	[dreg:$0x3] =	wrdreg $0x9  }
0xb0: {  	_ =	task.clear_ibuf [dreg:s6], $0x4FFFF;
	_ =	strace $0x90000046  }
0xb1: {  	s29 =	simm.s32 $0x9;
	_ =	strace $0x80000048  }
0xb2: {  	_ =	swait.ge [sflag:s29], $0x1  }
0xb3: {  	[sflag:s29] =	ssyncadd.s32 $0xFFFFFFFF  }
0xb4: {  	_ =	strace $0x90000048  }
0xb5: {  	_ =	sfence  }
0xb6: {  	s30 =	sld [smem:$0x0];
	_ =	sdelay $0x2  }
0xb7: {  	s31 =	sshll.u32 s1, $0xD;
	s1 =	sshrl.u32 s1, $0x2  }
0xb8: {  	s3 =	sand.u32 $0x4000, s31;
	s1 =	sadd.s32 s1, s30  }
0xb9: {  	s0 =	sor.u32 s3, s0;
	s1 =	sshll.u32 s1, $0x11  }
0xba: {  	s0 =	sor.u32 s1, s0  }
0xbb: {  	s0 =	sadd.s32 $0x8F2B, s0  }
0xbc: {  	[sflag:s0] =	ssyncadd.remote.s32 $0x1  }
0xbd: {  	_ =	sfence.sel $0xFFFF  }
0xbe: {  	[dreg:$0x0] =	wrdreg $0xFFFFFFFF;
	(pc) =	sbr.abs _section_cstart, $3  }
0xbf: {  	[dreg:$0x1] =	wrdreg $0xFFFFFFFF  }
0xc0: {  	_ =	task.clear_ibuf [dreg:s6], $0x2FFFF;
	_ =	strace $0x9FFFFFFF  }
0xc1: {  	(tm) =	ssettm $0x7FFFFFFF  }
tec
execute0_lowered:
.L_overlay_start_1:
0x0: {  	(tag) =	ssettag $0x1  }
0x1: {  	s0 =	rddreg [dreg:$0x0];
	s1 =	simm.s32 $0x0;
	s2 =	srdreg.scid  }
0x2: {  	s12 =	stileid.u32;
	s13 =	simm.s32 $0x80;
	s14 =	simm.s32 $0x400  }
0x3: {  	s15 =	simm.s32 $0x800;
	s16 =	simm.s32 $0x100;
	s17 =	simm.s32 $0xC00  }
0x4: {  	s18 =	simm.s32 $0x180;
	s19 =	simm.s32 $0x1000;
	s20 =	simm.s32 $0x200  }
0x5: {  	s21 =	simm.s32 $0x1400;
	s22 =	simm.s32 $0x280;
	s28 =	simm.s32 $0x2000  }
0x6: {  	s29 =	simm.s32 $0x1;
	s30 =	simm.s32 $0x0;
	[smem:$0x7FF] =	sst s1  }
0x7: {  	s3 =	sadd.s32 $0x188C00, s0;
	s2 =	sand.u32 $0x1, s2;
	s4 =	sadd.s32 $0xC5600, s0  }
0x8: {  	s5 =	sadd.s32 $0x195000, s0;
	s7 =	smul.u32 $0x186, s12;
	s8 =	sshll.u32 s12, $0x1  }
0x9: {  	p0 =	slt.u32 s12, $0x5;
	s25 =	smul.u32 $0x1860, s12;
	s12 =	simm.s32 $0x2  }
0xa: {  	_ =	strace $0x80000047;
	s6 =	ssub.s32 $0x2, s2;
	s9 =	smul.u32 $0xC3, s2  }
0xb: {  	s8 =	sor.u32 s2, s8;
	s2 =	smul.u32 $0xC30, s2;
	s23 =	sshrl.u32 s6, $0x1  }
0xc: {  	s11 =	smin.u32 s8, $0xA;
	s26 =	sadd.s32 s25, s4;
	s25 =	simm.s32 $0x1C00  }
0xd: {  	s0 =	ssub.s32 s6, s23;
	s6 =	simm.s32 $0x4;
	s10 =	sadd.s32 s9, s7  }
0xe: {  	s7 =	sadd.s32 s7, s11;
	s31 =	sshll.u32 s11, $0x4;
	s6 =	simm.s32 @!p0 $0x3  }
0xf: {  	s23 =	simm.s32 $0x1800;
	s0 =	smax.u32 s0, $0x1;
	[dreg:$0x2] =	wrdreg s6  }
0x10: {  	s24 =	sadd.s32 s11, s10;
	s7 =	sadd.s32 s9, s7;
	[dreg:$0x3] =	wrdreg s0  }
0x11: {  	s0 =	sshll.u32 s24, $0x7;
	s7 =	sadd.s32 $0xC0, s7;
	s24 =	simm.s32 $0x300  }
0x12: {  	s8 =	sadd.s32 s0, s5;
	s0 =	sadd.s32 s2, s26;
	s10 =	sshll.u32 s7, $0x7  }
0x13: {  	s11 =	sshll.u32 s7, $0x4;
	s26 =	simm.s32 $0x380;
	s9 =	sadd.s32 s31, s0  }
.LBB2_1:
0x14: {  	s0 =	sadd.s32 $0x0, s9  }
0x15: {  	[tilespmem:s1], [sflag:$0x2] =	stream.linear.gather [hbm4b:s0+s1], $0x400, $0x38;
	[tilespmem:$0x2400] =	vst v63  }
0x16: {  	_ =	swait.ge [sflag:s12], $0x400  }
0x17: {  	[sflag:s12] =	ssyncset.done $0x0  }
0x18: {  	[sflag:s12] =	ssyncadd.s32 $0xFFFFFC00  }
0x19: {  	[tilespmem:s14], [sflag:$0x1] =	stream.indirect.gather [hbm4b:s3+s13], $0x8, s1, s13, $0xb8;
	[tilespmem:$0x2400] =	vst v63  }
0x1a: {  	_ = 	snop  }
0x1b: {  	[tilespmem:s15], [sflag:$0x1] =	stream.indirect.gather [hbm4b:s3+s13], $0x8, s13, s13, $0xb8;
	[tilespmem:$0x2400] =	vst v63  }
0x1c: {  	_ = 	snop  }
0x1d: {  	[tilespmem:s17], [sflag:$0x1] =	stream.indirect.gather [hbm4b:s3+s13], $0x8, s16, s13, $0xb8;
	[tilespmem:$0x2400] =	vst v63  }
0x1e: {  	_ = 	snop  }
0x1f: {  	[tilespmem:s19], [sflag:$0x1] =	stream.indirect.gather [hbm4b:s3+s13], $0x8, s18, s13, $0xb8;
	[tilespmem:$0x2400] =	vst v63  }
0x20: {  	_ = 	snop  }
0x21: {  	[tilespmem:s21], [sflag:$0x1] =	stream.indirect.gather [hbm4b:s3+s13], $0x8, s20, s13, $0xb8;
	[tilespmem:$0x2400] =	vst v63  }
0x22: {  	_ = 	snop  }
0x23: {  	[tilespmem:s23], [sflag:$0x1] =	stream.indirect.gather [hbm4b:s3+s13], $0x8, s22, s13, $0xb8;
	[tilespmem:$0x2400] =	vst v63  }
0x24: {  	_ = 	snop  }
0x25: {  	[tilespmem:s25], [sflag:$0x1] =	stream.indirect.gather [hbm4b:s3+s13], $0x8, s24, s13, $0xb8;
	[tilespmem:$0x2400] =	vst v63  }
0x26: {  	_ = 	snop  }
0x27: {  	[tilespmem:s28], [sflag:$0x1] =	stream.indirect.gather [hbm4b:s3+s13], $0x8, s26, s13, $0xb8;
	[tilespmem:$0x2400] =	vst v63  }
0x28: {  	_ =	swait.ge [sflag:s29], $0x400  }
0x29: {  	[sflag:s29] =	ssyncset.done $0x0  }
0x2a: {  	[sflag:s29] =	ssyncadd.s32 $0xFFFFFC00  }
0x2b: {  	_ =	swait.ge [sflag:s29], $0x400  }
0x2c: {  	[sflag:s29] =	ssyncset.done $0x0  }
0x2d: {  	[sflag:s29] =	ssyncadd.s32 $0xFFFFFC00  }
0x2e: {  	_ =	swait.ge [sflag:s29], $0x400  }
0x2f: {  	[sflag:s29] =	ssyncset.done $0x0  }
0x30: {  	[sflag:s29] =	ssyncadd.s32 $0xFFFFFC00  }
0x31: {  	_ =	swait.ge [sflag:s29], $0x400  }
0x32: {  	[sflag:s29] =	ssyncset.done $0x0  }
0x33: {  	[sflag:s29] =	ssyncadd.s32 $0xFFFFFC00  }
0x34: {  	_ =	swait.ge [sflag:s29], $0x400  }
0x35: {  	[sflag:s29] =	ssyncset.done $0x0  }
0x36: {  	[sflag:s29] =	ssyncadd.s32 $0xFFFFFC00  }
0x37: {  	_ =	swait.ge [sflag:s29], $0x400  }
0x38: {  	[sflag:s29] =	ssyncset.done $0x0  }
0x39: {  	[sflag:s29] =	ssyncadd.s32 $0xFFFFFC00  }
0x3a: {  	_ =	swait.ge [sflag:s29], $0x400  }
0x3b: {  	[sflag:s29] =	ssyncset.done $0x0  }
0x3c: {  	[sflag:s29] =	ssyncadd.s32 $0xFFFFFC00  }
0x3d: {  	_ =	swait.ge [sflag:s29], $0x400  }
0x3e: {  	[sflag:s29] =	ssyncset.done $0x0  }
0x3f: {  	[sflag:s29] =	ssyncadd.s32 $0xFFFFFC00  }
0x40: {  	[hbm4b:s8+s1] =	stream.linear.scatter [tilespmem:s14], [sflag:$0x2], $0x2000, $0x38;
	[tilespmem:$0x2400] =	vst v63  }
0x41: {  	s7 =	simm.s32 $0x100;
	_ =	swait.ge [sflag:s12], $0x2000  }
0x42: {  	s31 =	sadd.s32 $0x400, s8;
	s0 =	simm.s32 $0x80;
	[sflag:s12] =	ssyncset.done $0x0  }
.LBB2_2:
0x43: {  	s6 =	sadd.s32 s0, s9  }
0x44: {  	[sflag:s12] =	ssyncadd.s32 $0xFFFFE000;
	s0 =	smov.u32 s7;
	s2 =	sadd.s32 $0x80, s7  }
0x45: {  	[tilespmem:s1], [sflag:$0x2] =	stream.linear.gather [hbm4b:s6+s1], $0x400, $0x38;
	[tilespmem:$0x2400] =	vst v63  }
0x46: {  	p0 =	sne.s32 s7, $0xB80;
	_ =	swait.ge [sflag:s12], $0x400  }
0x47: {  	[sflag:s12] =	ssyncset.done $0x0  }
0x48: {  	[sflag:s12] =	ssyncadd.s32 $0xFFFFFC00  }
0x49: {  	[tilespmem:s14], [sflag:$0x1] =	stream.indirect.gather [hbm4b:s3+s13], $0x8, s1, s13, $0xb8;
	[tilespmem:$0x2400] =	vst v63  }
0x4a: {  	_ = 	snop  }
0x4b: {  	[tilespmem:s15], [sflag:$0x1] =	stream.indirect.gather [hbm4b:s3+s13], $0x8, s13, s13, $0xb8;
	[tilespmem:$0x2400] =	vst v63  }
0x4c: {  	_ = 	snop  }
0x4d: {  	[tilespmem:s17], [sflag:$0x1] =	stream.indirect.gather [hbm4b:s3+s13], $0x8, s16, s13, $0xb8;
	[tilespmem:$0x2400] =	vst v63  }
0x4e: {  	_ = 	snop  }
0x4f: {  	[tilespmem:s19], [sflag:$0x1] =	stream.indirect.gather [hbm4b:s3+s13], $0x8, s18, s13, $0xb8;
	[tilespmem:$0x2400] =	vst v63  }
0x50: {  	_ = 	snop  }
0x51: {  	[tilespmem:s21], [sflag:$0x1] =	stream.indirect.gather [hbm4b:s3+s13], $0x8, s20, s13, $0xb8;
	[tilespmem:$0x2400] =	vst v63  }
0x52: {  	_ = 	snop  }
0x53: {  	[tilespmem:s23], [sflag:$0x1] =	stream.indirect.gather [hbm4b:s3+s13], $0x8, s22, s13, $0xb8;
	[tilespmem:$0x2400] =	vst v63  }
0x54: {  	_ = 	snop  }
0x55: {  	[tilespmem:s25], [sflag:$0x1] =	stream.indirect.gather [hbm4b:s3+s13], $0x8, s24, s13, $0xb8;
	[tilespmem:$0x2400] =	vst v63  }
0x56: {  	_ = 	snop  }
0x57: {  	[tilespmem:s28], [sflag:$0x1] =	stream.indirect.gather [hbm4b:s3+s13], $0x8, s26, s13, $0xb8;
	[tilespmem:$0x2400] =	vst v63  }
0x58: {  	_ =	swait.ge [sflag:s29], $0x400  }
0x59: {  	[sflag:s29] =	ssyncset.done $0x0  }
0x5a: {  	[sflag:s29] =	ssyncadd.s32 $0xFFFFFC00  }
0x5b: {  	_ =	swait.ge [sflag:s29], $0x400  }
0x5c: {  	[sflag:s29] =	ssyncset.done $0x0  }
0x5d: {  	[sflag:s29] =	ssyncadd.s32 $0xFFFFFC00  }
0x5e: {  	_ =	swait.ge [sflag:s29], $0x400  }
0x5f: {  	[sflag:s29] =	ssyncset.done $0x0  }
0x60: {  	[sflag:s29] =	ssyncadd.s32 $0xFFFFFC00  }
0x61: {  	_ =	swait.ge [sflag:s29], $0x400  }
0x62: {  	[sflag:s29] =	ssyncset.done $0x0  }
0x63: {  	[sflag:s29] =	ssyncadd.s32 $0xFFFFFC00  }
0x64: {  	_ =	swait.ge [sflag:s29], $0x400  }
0x65: {  	[sflag:s29] =	ssyncset.done $0x0  }
0x66: {  	[sflag:s29] =	ssyncadd.s32 $0xFFFFFC00  }
0x67: {  	_ =	swait.ge [sflag:s29], $0x400  }
0x68: {  	[sflag:s29] =	ssyncset.done $0x0  }
0x69: {  	[sflag:s29] =	ssyncadd.s32 $0xFFFFFC00  }
0x6a: {  	_ =	swait.ge [sflag:s29], $0x400  }
0x6b: {  	[sflag:s29] =	ssyncset.done $0x0  }
0x6c: {  	[sflag:s29] =	ssyncadd.s32 $0xFFFFFC00  }
0x6d: {  	_ =	swait.ge [sflag:s29], $0x400  }
.Ltmp0:
0x6e: {  	[sflag:s29] =	ssyncset.done $0x0;
	(pc) =	sbr.rel @p0 .LBB2_2-.Ltmp0, $4  }
0x6f: {  	[sflag:s29] =	ssyncadd.s32 $0xFFFFFC00  }
0x70: {  	[hbm4b:s31+s1] =	stream.linear.scatter [tilespmem:s14], [sflag:$0x2], $0x2000, $0x38;
	[tilespmem:$0x2400] =	vst v63  }
0x71: {  	_ =	swait.ge [sflag:s12], $0x2000  }
0x72: {  	s7 =	smov.u32 s2;
	s31 =	sadd.s32 $0x400, s31;
	[sflag:s12] =	ssyncset.done $0x0  }
0x73: {  	s0 =	sadd.s32 s0, s9;
	[sflag:s12] =	ssyncadd.s32 $0xFFFFE000  }
0x74: {  	[tilespmem:s1], [sflag:$0x2] =	stream.linear.gather [hbm4b:s0+s1], $0x400, $0x38;
	[tilespmem:$0x2400] =	vst v63  }
0x75: {  	_ =	swait.ge [sflag:s12], $0x400  }
0x76: {  	[sflag:s12] =	ssyncset.done $0x0  }
0x77: {  	[sflag:s12] =	ssyncadd.s32 $0xFFFFFC00  }
0x78: {  	[tilespmem:s14], [sflag:$0x1] =	stream.indirect.gather [hbm4b:s3+s13], $0x8, s1, s13, $0xb8;
	[tilespmem:$0x2400] =	vst v63  }
0x79: {  	_ = 	snop  }
0x7a: {  	[tilespmem:s15], [sflag:$0x1] =	stream.indirect.gather [hbm4b:s3+s13], $0x8, s13, s13, $0xb8;
	[tilespmem:$0x2400] =	vst v63  }
0x7b: {  	_ = 	snop  }
0x7c: {  	[tilespmem:s17], [sflag:$0x1] =	stream.indirect.gather [hbm4b:s3+s13], $0x8, s16, s13, $0xb8;
	[tilespmem:$0x2400] =	vst v63  }
0x7d: {  	_ = 	snop  }
0x7e: {  	[tilespmem:s19], [sflag:$0x1] =	stream.indirect.gather [hbm4b:s3+s13], $0x8, s18, s13, $0xb8;
	[tilespmem:$0x2400] =	vst v63  }
0x7f: {  	_ = 	snop  }
0x80: {  	[tilespmem:s21], [sflag:$0x1] =	stream.indirect.gather [hbm4b:s3+s13], $0x8, s20, s13, $0xb8;
	[tilespmem:$0x2400] =	vst v63  }
0x81: {  	_ = 	snop  }
0x82: {  	[tilespmem:s23], [sflag:$0x1] =	stream.indirect.gather [hbm4b:s3+s13], $0x8, s22, s13, $0xb8;
	[tilespmem:$0x2400] =	vst v63  }
0x83: {  	_ = 	snop  }
0x84: {  	[tilespmem:s25], [sflag:$0x1] =	stream.indirect.gather [hbm4b:s3+s13], $0x8, s24, s13, $0xb8;
	[tilespmem:$0x2400] =	vst v63  }
0x85: {  	_ = 	snop  }
0x86: {  	[tilespmem:s28], [sflag:$0x1] =	stream.indirect.gather [hbm4b:s3+s13], $0x8, s26, s13, $0xb8;
	[tilespmem:$0x2400] =	vst v63  }
0x87: {  	_ =	swait.ge [sflag:s29], $0x400  }
0x88: {  	[sflag:s29] =	ssyncset.done $0x0  }
0x89: {  	[sflag:s29] =	ssyncadd.s32 $0xFFFFFC00  }
0x8a: {  	_ =	swait.ge [sflag:s29], $0x400  }
0x8b: {  	[sflag:s29] =	ssyncset.done $0x0  }
0x8c: {  	[sflag:s29] =	ssyncadd.s32 $0xFFFFFC00  }
0x8d: {  	_ =	swait.ge [sflag:s29], $0x400  }
0x8e: {  	[sflag:s29] =	ssyncset.done $0x0  }
0x8f: {  	[sflag:s29] =	ssyncadd.s32 $0xFFFFFC00  }
0x90: {  	_ =	swait.ge [sflag:s29], $0x400  }
0x91: {  	[sflag:s29] =	ssyncset.done $0x0  }
0x92: {  	[sflag:s29] =	ssyncadd.s32 $0xFFFFFC00  }
0x93: {  	_ =	swait.ge [sflag:s29], $0x400  }
0x94: {  	[sflag:s29] =	ssyncset.done $0x0  }
0x95: {  	[sflag:s29] =	ssyncadd.s32 $0xFFFFFC00  }
0x96: {  	_ =	swait.ge [sflag:s29], $0x400  }
0x97: {  	[sflag:s29] =	ssyncset.done $0x0  }
0x98: {  	[sflag:s29] =	ssyncadd.s32 $0xFFFFFC00  }
0x99: {  	_ =	swait.ge [sflag:s29], $0x400  }
0x9a: {  	[sflag:s29] =	ssyncset.done $0x0  }
0x9b: {  	[sflag:s29] =	ssyncadd.s32 $0xFFFFFC00  }
0x9c: {  	_ =	swait.ge [sflag:s29], $0x400  }
0x9d: {  	[sflag:s29] =	ssyncset.done $0x0  }
0x9e: {  	[sflag:s29] =	ssyncadd.s32 $0xFFFFFC00  }
0x9f: {  	[hbm4b:s31+s1] =	stream.linear.scatter [tilespmem:s14], [sflag:$0x2], $0x2000, $0x38;
	[tilespmem:$0x2400] =	vst v63  }
0xa0: {  	_ =	swait.ge [sflag:s12], $0x2000  }
0xa1: {  	s31 =	rddreg [dreg:$0x2]  }
0xa2: {  	p1 =	sne.s32 s31, $0x1  }
.Ltmp1:
0xa3: {  	_ = 	snop;
	(pc) =	sbr.rel @!p1 .LBB2_4-.Ltmp1, $3  }
0xa4: {  	_ =	sdelay $0x1  }
0xa5: {  	s7 =	sand.u32 $0x1FFFFFF0, s11;
	[sflag:s12] =	ssyncset.done $0x0  }
0xa6: {  	p0 =	por $0x0, $0x0;
	[sflag:s12] =	ssyncadd.s32 $0xFFFFE000;
	s0 =	sadd.s32 $0xFFFFFFFF, s31  }
0xa7: {  	s2 =	sadd.s32 s4, s7  }
0xa8: {  	[tilespmem:s1], [sflag:$0x2] =	stream.linear.gather [hbm4b:s2+s1], $0x80, $0x38;
	[tilespmem:$0x2400] =	vst v63  }
0xa9: {  	_ =	swait.ge [sflag:s12], $0x80  }
0xaa: {  	[sflag:s12] =	ssyncset.done $0x0  }
0xab: {  	[sflag:s12] =	ssyncadd.s32 $0xFFFFFF80  }
0xac: {  	[tilespmem:s14], [sflag:$0x1] =	stream.indirect.gather [hbm4b:s3+s13], $0x8, s1, s13, $0xb8;
	[tilespmem:$0x2400] =	vst v63  }
0xad: {  	p1 =	sne.s32 s0, $0x1;
	_ =	swait.ge [sflag:s29], $0x400  }
.Ltmp2:
0xae: {  	s7 =	sand.u32 $0x1FFFFF80, s10;
	[sflag:s29] =	ssyncset.done $0x0;
	(pc) =	sbr.rel @!p1 .LBB2_6-.Ltmp2, $4  }
0xaf: {  	s31 =	sadd.s32 $0x10, s11;
	s2 =	sadd.s32 s5, s7;
	[sflag:s29] =	ssyncadd.s32 $0xFFFFFC00  }
0xb0: {  	[hbm4b:s2+s1] =	stream.linear.scatter [tilespmem:s14], [sflag:$0x2], $0x400, $0x38;
	[tilespmem:$0x2400] =	vst v63  }
0xb1: {  	p0 =	por $0x1, $0x1;
	s7 =	sand.u32 $0x1FFFFFF0, s31;
	_ =	swait.ge [sflag:s12], $0x400  }
0xb2: {  	s2 =	sadd.s32 $0xFFFFFFFF, s0;
	s0 =	smov.u32 s10;
	[sflag:s12] =	ssyncset.done $0x0  }
.LBB2_7:
0xb3: {  	s6 =	sadd.s32 s4, s7;
	[sflag:s12] =	ssyncadd.s32 $0xFFFFFC00;
	s0 =	sadd.s32 $0x80, s0  }
0xb4: {  	[tilespmem:s1], [sflag:$0x2] =	stream.linear.gather [hbm4b:s6+s1], $0x80, $0x38;
	[tilespmem:$0x2400] =	vst v63  }
0xb5: {  	p1 =	sne.s32 s2, $0x1;
	s2 =	sadd.s32 $0xFFFFFFFF, s2;
	_ =	swait.ge [sflag:s12], $0x80  }
0xb6: {  	[sflag:s12] =	ssyncset.done $0x0  }
0xb7: {  	[sflag:s12] =	ssyncadd.s32 $0xFFFFFF80  }
0xb8: {  	[tilespmem:s14], [sflag:$0x1] =	stream.indirect.gather [hbm4b:s3+s13], $0x8, s1, s13, $0xb8;
	[tilespmem:$0x2400] =	vst v63  }
0xb9: {  	_ =	swait.ge [sflag:s29], $0x400  }
.Ltmp3:
0xba: {  	s6 =	sand.u32 $0x1FFFFF80, s0;
	[sflag:s29] =	ssyncset.done $0x0;
	(pc) =	sbr.rel @p1 .LBB2_7-.Ltmp3, $4  }
0xbb: {  	s6 =	sadd.s32 s5, s6;
	[sflag:s29] =	ssyncadd.s32 $0xFFFFFC00  }
0xbc: {  	[hbm4b:s6+s1] =	stream.linear.scatter [tilespmem:s14], [sflag:$0x2], $0x400, $0x38;
	[tilespmem:$0x2400] =	vst v63  }
0xbd: {  	s31 =	sadd.s32 $0x10, s31;
	_ =	swait.ge [sflag:s12], $0x400  }
0xbe: {  	s7 =	sand.u32 $0x1FFFFFF0, s31;
	[sflag:s12] =	ssyncset.done $0x0  }
.LBB2_8:
0xbf: {  	s2 =	sadd.s32 s4, s7;
	[sflag:s12] =	ssyncadd.s32 @p0 $0xFFFFFC00  }
0xc0: {  	[tilespmem:s1], [sflag:$0x2] =	stream.linear.gather [hbm4b:s2+s1], $0x80, $0x38;
	[tilespmem:$0x2400] =	vst v63  }
0xc1: {  	_ =	swait.ge [sflag:s12], $0x80  }
0xc2: {  	[sflag:s12] =	ssyncset.done $0x0  }
0xc3: {  	s0 =	sadd.s32 @p0 $0x80, s0;
	s2 =	smov.u32 s10;
	[sflag:s12] =	ssyncadd.s32 $0xFFFFFF80  }
0xc4: {  	[tilespmem:s14], [sflag:$0x1] =	stream.indirect.gather [hbm4b:s3+s13], $0x8, s1, s13, $0xb8;
	[tilespmem:$0x2400] =	vst v63  }
0xc5: {  	s2 =	smov.u32 @p0 s0;
	_ =	swait.ge [sflag:s29], $0x400  }
0xc6: {  	s0 =	sand.u32 $0x1FFFFF80, s2;
	[sflag:s29] =	ssyncset.done $0x0  }
0xc7: {  	s0 =	sadd.s32 s5, s0;
	[sflag:s29] =	ssyncadd.s32 $0xFFFFFC00  }
0xc8: {  	[hbm4b:s0+s1] =	stream.linear.scatter [tilespmem:s14], [sflag:$0x2], $0x400, $0x38;
	[tilespmem:$0x2400] =	vst v63  }
0xc9: {  	_ =	swait.ge [sflag:s12], $0x400  }
0xca: {  	s30 =	sadd.s32 $0x1, s30;
	s31 =	rddreg [dreg:$0x3]  }
0xcb: {  	p0 =	sne.s32 s30, s31  }
.Ltmp4:
0xcc: {  	_ = 	snop;
	(pc) =	sbr.rel @p0 .LBB2_1-.Ltmp4, $4  }
.Ltmp5:
0xcd: {  	_ = 	snop;
	(pc) =	sbr.rel @!p0 .LBB2_9-.Ltmp5, $4  }
0xce: {  	_ = 	snop  }
0xcf: {  	[sflag:s12] =	ssyncset.done $0x0  }
0xd0: {  	[sflag:s12] =	ssyncadd.s32 $0xFFFFFC00  }
0xd1: {  	_ = 	snop  }
.LBB2_4:
.Ltmp6:
0xd2: {  	(pc) =	sbr.rel .LBB2_8-.Ltmp6, $2  }
0xd3: {  	_ =	sdelay $0x2  }
0xd4: {  	s0 =	smov.u32 s10  }
.LBB2_6:
.Ltmp7:
0xd5: {  	(pc) =	sbr.rel .LBB2_8-.Ltmp7, $2  }
0xd6: {  	_ =	sdelay $0x2  }
0xd7: {  	s0 =	smov.u32 s10  }
.LBB2_9:
0xd8: {  	_ =	sfence.sel $0x180000  }
0xd9: {  	[bflag:$0x0] =	sbarrier.arrive $0xFFFF  }
0xda: {  	_ =	strace $0x90000047  }
0xdb: {  	s0 =	stileid.u32;
	[bflag:$0x2] =	sbarrier.arrive $0xFFFF  }
0xdc: {  	p0 =	sne.s32 s0, $0x0;
	s0 =	rddreg [dreg:$0x1]  }
0xdd: {  	s0 =	sadd.s32 @!p0 $0x100000, s0  }
0xde: {  	[sflag:s0] =	ssyncadd.tile.s32 @!p0 $0x1;
	_ =	shalt  }
.Lfunc_end2:
_tile_overlayer_lowered:
.L_overlay_start_2:
0xdf: {  	(tag) =	ssettag $0x2  }
0xe0: {  	s0 =	rddreg [dreg:$0x0];
	s2 =	stileid.u32  }
0xe1: {  	s1 =	rddreg [dreg:$0x1];
	p0 =	sne.s32 s2, $0x0  }
0xe2: {  	s3 =	rddreg [dreg:$0x2];
	[bflag:$0x3] =	sbarrier.arrive $0xFFFF;
	s2 =	simm.s32 @!p0 $0x1C02  }
0xe3: {  	[timem:s3], [sflag:s2] =	dma.local @!p0 [hbm:s0], s1  }
0xe4: {  	s0 =	simm.s32 @!p0 $0x2  }
0xe5: {  	_ =	swait.ge @!p0 [sflag:s0], s1  }
0xe6: {  	s1 =	ssub.s32 @!p0 $0x0, s1;
	[sflag:s0] =	ssyncset.done @!p0 $0x0  }
0xe7: {  	[sflag:s0] =	ssyncadd.s32 @!p0 s1  }
0xe8: {  	[bflag:$0x3] =	sbarrier.arrive $0xFFFF  }
0xe9: {  	_ =	shalt  }

</sc_bundles>
